<compile_context>
chip_gen: v7x
topology: tpu7x:2x2x1
jax: 0.10.2.dev20260603
libtpu: 0.0.44.dev20260713+nightly
codegen_flags: <defaults>
</compile_context>

<pallas_src>
import functools

import jax
import jax.numpy as jnp
from jax import lax
from jax.experimental import pallas as pl
from jax.experimental.pallas import tpu as pltpu
from jax.experimental.pallas import tpu_sc as plsc

N = 10000
E = 320000
D = 128
H = 128
A = 10
G = 8

NC = 2
NS = 16
NW = NC * NS
EPW = E // NW
CH = 125
NCHUNK = EPW // CH
NP = 10240
RPT = NP // NS

_mesh = plsc.VectorSubcoreMesh(
    core_axis_name="c", subcore_axis_name="s", num_cores=NC, num_subcores=NS)


def _seg_body(h_hbm, src_hbm, dst_hbm, z_hbm, p0_hbm, p1_hbm,
              acc, srcI0, srcI1, dstI0, dstI1, rows0, rows1,
              semIS0, semIS1, semID0, semID1, semG0, semG1):
    c = lax.axis_index("c")
    s = lax.axis_index("s")
    wid = s * NC + c

    srcI = (srcI0, srcI1)
    dstI = (dstI0, dstI1)
    rows = (rows0, rows1)
    semIS = (semIS0, semIS1)
    semID = (semID0, semID1)
    semG = (semG0, semG1)

    def load_src(j, p):
        pltpu.async_copy(src_hbm.at[wid, j], srcI[p], semIS[p])

    def load_dst(j, p):
        pltpu.async_copy(dst_hbm.at[wid, j], dstI[p], semID[p])

    def wait_src(p):
        pltpu.make_async_copy(src_hbm.at[wid, 0], srcI[p], semIS[p]).wait()

    def wait_dst(p):
        pltpu.make_async_copy(dst_hbm.at[wid, 0], dstI[p], semID[p]).wait()

    def gather(p):
        pltpu.async_copy(h_hbm.at[srcI[p]], rows[p], semG[p])

    def wait_gather(p):
        pltpu.make_async_copy(h_hbm.at[srcI[p]], rows[p], semG[p]).wait()

    def scatter(p):
        pltpu.sync_copy(rows[p], acc.at[dstI[p]], add=True)

    for p in range(2):
        load_src(p, p)
        load_dst(p, p)
    for p in range(2):
        wait_src(p)
        gather(p)
    pltpu.sync_copy(z_hbm, acc.at[pl.ds(s * RPT, RPT)])
    plsc.subcore_barrier()

    def slot_step(j, nxt, p):
        wait_gather(p)
        load_src(nxt, p)
        wait_dst(p)
        scatter(p)
        load_dst(nxt, p)
        wait_src(p)
        gather(p)

    def step(k, carry):
        slot_step(2 * k, 2 * k + 2, 0)
        slot_step(2 * k + 1, 2 * k + 3, 1)
        return carry

    lax.fori_loop(0, NCHUNK // 2 - 1, step, 0)
    for p in range(2):
        wait_gather(p)
        wait_dst(p)
        scatter(p)
    plsc.subcore_barrier()

    rows = pl.ds(s * RPT, RPT)

    @pl.when(c == 0)
    def _():
        pltpu.sync_copy(acc.at[rows], p0_hbm.at[rows])

    @pl.when(c == 1)
    def _():
        pltpu.sync_copy(acc.at[rows], p1_hbm.at[rows])


_seg = pl.kernel(
    _seg_body,
    out_type=[jax.ShapeDtypeStruct((NP, H), jnp.float32),
              jax.ShapeDtypeStruct((NP, H), jnp.float32)],
    mesh=_mesh,
    scratch_types=[
        pltpu.VMEM_SHARED((NP, H), jnp.float32),
        pltpu.VMEM((CH,), jnp.int32),
        pltpu.VMEM((CH,), jnp.int32),
        pltpu.VMEM((CH,), jnp.int32),
        pltpu.VMEM((CH,), jnp.int32),
        pltpu.VMEM((CH, H), jnp.float32),
        pltpu.VMEM((CH, H), jnp.float32),
        pltpu.SemaphoreType.DMA,
        pltpu.SemaphoreType.DMA,
        pltpu.SemaphoreType.DMA,
        pltpu.SemaphoreType.DMA,
        pltpu.SemaphoreType.DMA,
        pltpu.SemaphoreType.DMA,
    ],
)

def _cnt_body(dst_hbm, z_hbm, one_hbm, c0_hbm, c1_hbm,
              acc, dstI0, dstI1, ones_v, semID0, semID1):
    c = lax.axis_index("c")
    s = lax.axis_index("s")
    wid = s * NC + c
    dstI = (dstI0, dstI1)
    semID = (semID0, semID1)

    def load_dst(j, p):
        pltpu.async_copy(dst_hbm.at[wid, j], dstI[p], semID[p])

    def wait_dst(p):
        pltpu.make_async_copy(dst_hbm.at[wid, 0], dstI[p], semID[p]).wait()

    load_dst(0, 0)
    load_dst(1, 1)
    pltpu.sync_copy(z_hbm, acc.at[pl.ds(s * RPT, RPT)])
    pltpu.sync_copy(one_hbm, ones_v)
    plsc.subcore_barrier()

    def slot_step(nxt, p):
        wait_dst(p)
        pltpu.sync_copy(ones_v, acc.at[dstI[p]], add=True)
        load_dst(nxt, p)

    def step(k, carry):
        slot_step(2 * k + 2, 0)
        slot_step(2 * k + 3, 1)
        return carry

    lax.fori_loop(0, NCHUNK // 2 - 1, step, 0)
    for p in range(2):
        wait_dst(p)
        pltpu.sync_copy(ones_v, acc.at[dstI[p]], add=True)
    plsc.subcore_barrier()

    rows = pl.ds(s * RPT, RPT)

    @pl.when(c == 0)
    def _():
        pltpu.sync_copy(acc.at[rows], c0_hbm.at[rows])

    @pl.when(c == 1)
    def _():
        pltpu.sync_copy(acc.at[rows], c1_hbm.at[rows])


_cnt = pl.kernel(
    _cnt_body,
    out_type=[jax.ShapeDtypeStruct((NP, H), jnp.float32),
              jax.ShapeDtypeStruct((NP, H), jnp.float32)],
    mesh=_mesh,
    scratch_types=[
        pltpu.VMEM_SHARED((NP, H), jnp.float32),
        pltpu.VMEM((CH,), jnp.int32),
        pltpu.VMEM((CH,), jnp.int32),
        pltpu.VMEM((CH, H), jnp.float32),
        pltpu.SemaphoreType.DMA,
        pltpu.SemaphoreType.DMA,
    ],
)

BLK = 2000


def _inv_body(c0, c1, o):
    o[...] = 1.0 / jnp.maximum(c0[:, :16] + c1[:, :16], 1.0)


def _inv_counts(c0, c1):
    row = pl.BlockSpec((BLK, H), lambda i: (i, 0))
    return pl.pallas_call(
        _inv_body,
        grid=(N // BLK,),
        in_specs=[row, row],
        out_specs=pl.BlockSpec((BLK, 16), lambda i: (i, 0)),
        out_shape=jax.ShapeDtypeStruct((NP, 16), jnp.float32),
    )(c0, c1)


def _dense_body(relu, p0, p1, h, inv, wl, bl, wr, o):
    mean = (p0[...] + p1[...]) * inv[:, 0:1]
    out = (jnp.dot(mean, wl[...], preferred_element_type=jnp.float32)
           + jnp.dot(h[...], wr[...], preferred_element_type=jnp.float32)
           + bl[...])
    o[...] = jnp.maximum(out, 0.0) if relu else out


def _dense_layer(p0, p1, h, inv, Wl, bl, Wr, relu):
    row = pl.BlockSpec((BLK, H), lambda i: (i, 0))
    w = pl.BlockSpec((H, H), lambda i: (0, 0))
    return pl.pallas_call(
        functools.partial(_dense_body, relu),
        grid=(N // BLK,),
        in_specs=[row, row, row, pl.BlockSpec((BLK, 16), lambda i: (i, 0)),
                  w, pl.BlockSpec((1, H), lambda i: (0, 0)), w],
        out_specs=row,
        out_shape=jax.ShapeDtypeStruct((N, H), jnp.float32),
    )(p0, p1, h, inv, Wl, bl.reshape(1, H), Wr)


def _head_body(h, b, wh, bh, o, accp, accc):
    i = pl.program_id(0)

    @pl.when(i == 0)
    def _():
        accp[...] = jnp.zeros((G, H), jnp.float32)
        accc[...] = jnp.zeros((G, H), jnp.float32)

    bb = b[...].reshape(1, BLK)
    gid = lax.broadcasted_iota(jnp.int32, (G, BLK), 0)
    m = (bb == gid).astype(jnp.float32)
    accp[...] += jnp.dot(m, h[...], preferred_element_type=jnp.float32)
    accc[...] += jnp.sum(m, axis=1, keepdims=True)

    @pl.when(i == pl.num_programs(0) - 1)
    def _():
        pooled = accp[...] / jnp.maximum(accc[...], 1.0)
        o[...] = (jnp.dot(pooled, wh[...], preferred_element_type=jnp.float32)
                  + bh[...])


def _head(h, batch, Wh, bh):
    return pl.pallas_call(
        _head_body,
        grid=(N // BLK,),
        in_specs=[
            pl.BlockSpec((BLK, H), lambda i: (i, 0)),
            pl.BlockSpec((1, 1, BLK), lambda i: (i, 0, 0)),
            pl.BlockSpec((H, A), lambda i: (0, 0)),
            pl.BlockSpec((G, A), lambda i: (0, 0)),
        ],
        out_specs=pl.BlockSpec((G, A), lambda i: (0, 0)),
        out_shape=jax.ShapeDtypeStruct((G, A), jnp.float32),
        scratch_shapes=[pltpu.VMEM((G, H), jnp.float32),
                        pltpu.VMEM((G, H), jnp.float32)],
    )(h, batch.reshape(N // BLK, 1, BLK),
      Wh, jnp.broadcast_to(bh.reshape(1, A), (G, A)))


def kernel(x, edge_index, batch, Wl1, bl1, Wr1, Wl2, bl2, Wr2, Wl3, bl3,
           Wr3, Wl4, bl4, Wr4, Wh, bh):
    src = edge_index[0].astype(jnp.int32).reshape(NW, NCHUNK, CH)
    dst = edge_index[1].astype(jnp.int32).reshape(NW, NCHUNK, CH)
    z = jnp.zeros((RPT, H), jnp.float32)

    c0, c1 = _cnt(dst, z, jnp.ones((CH, H), jnp.float32))
    inv = _inv_counts(c0, c1)

    h = x
    params = [(Wl1, bl1, Wr1), (Wl2, bl2, Wr2), (Wl3, bl3, Wr3),
              (Wl4, bl4, Wr4)]
    for i, (Wl, bl, Wr) in enumerate(params):
        p0, p1 = _seg(h, src, dst, z)
        h = _dense_layer(p0, p1, h, inv, Wl, bl, Wr, relu=(i < 3))
    return _head(h, batch, Wh, bh)

# --- scband reference (transcript-rebuilt; emitter-appended) ---
"""Pipeline reference for scband-sagepolicy-network-17214228923075 (READ-ONLY COPY).

The authoritative reference and input builder live on the scoring server;
editing this copy changes nothing except your own understanding.
"""

import jax, jax.numpy as jnp
import numpy as np

N = 10000
E = 320000
D = 128
H = 128
A = 10
G = 8


def setup_inputs(seed: int = 0) -> dict:
    key = jax.random.key(seed)
    ks = jax.random.split(key, 24)
    inp = {}
    inp['x'] = jax.random.normal(ks[0], (N, D), dtype=jnp.float32)
    inp['edge_index'] = jax.random.randint(ks[1], (2, E), 0, N)
    inp['batch'] = jnp.sort(jax.random.randint(ks[2], (N,), 0, G))
    dims = [D, H, H, H]
    for i in range(4):
        din = dims[i]
        inp[f'Wl{i+1}'] = jax.random.normal(ks[3 + 3 * i], (din, H), dtype=jnp.float32) * (1.0 / np.sqrt(din))
        inp[f'bl{i+1}'] = jnp.zeros((H,), dtype=jnp.float32)
        inp[f'Wr{i+1}'] = jax.random.normal(ks[4 + 3 * i], (din, H), dtype=jnp.float32) * (1.0 / np.sqrt(din))
    inp['Wh'] = jax.random.normal(ks[20], (H, A), dtype=jnp.float32) * 0.01
    inp['bh'] = jnp.zeros((A,), dtype=jnp.float32)
    return inp


def _sage_conv(h, src, dst, Wl, bl, Wr):
    # PyG SAGEConv (aggr='mean', root_weight=True):
    # out = lin_l(mean_{j in N(i)} x_j) + lin_r(x_i)
    agg = jax.ops.segment_sum(h[src], dst, num_segments=N)
    cnt = jax.ops.segment_sum(jnp.ones((src.shape[0],), h.dtype), dst, num_segments=N)
    mean = agg / jnp.maximum(cnt, 1.0)[:, None]
    return mean @ Wl + bl + h @ Wr


def reference(x, edge_index, batch, Wl1, bl1, Wr1, Wl2, bl2, Wr2, Wl3, bl3, Wr3, Wl4, bl4, Wr4, Wh, bh):
    src = edge_index[0]
    dst = edge_index[1]
    params = [(Wl1, bl1, Wr1), (Wl2, bl2, Wr2), (Wl3, bl3, Wr3), (Wl4, bl4, Wr4)]
    h = x
    for i, (Wl, bl, Wr) in enumerate(params):
        h = _sage_conv(h, src, dst, Wl, bl, Wr)
        if i < 3:  # BasicGNN: no activation after last layer when out_channels set
            h = jax.nn.relu(h)
    gsum = jax.ops.segment_sum(h, batch, num_segments=G)
    gcnt = jax.ops.segment_sum(jnp.ones((N,), h.dtype), batch, num_segments=G)
    pooled = gsum / jnp.maximum(gcnt, 1.0)[:, None]
    return pooled @ Wh + bh

if __name__ == "__main__":
    import jax
    _d = setup_inputs()
    print(jax.jit(kernel)(*tuple(_d.values())))

</pallas_src>

<mosaic_0001>
#map = affine_map<(d0, d1) -> (0, 0, 0)>
#map1 = affine_map<(d0, d1) -> (0, 0)>
module attributes {stable_mosaic.version = 14 : i64} {
  func.func @_cnt_body(%arg0: i32, %arg1: i32, %arg2: memref<32x80x125xi32, #tpu.memory_space<hbm>>, %arg3: memref<640x128xf32, #tpu.memory_space<hbm>>, %arg4: memref<125x128xf32, #tpu.memory_space<hbm>>, %arg5: memref<10240x128xf32, #tpu.memory_space<hbm>>, %arg6: memref<10240x128xf32, #tpu.memory_space<hbm>>, %arg7: memref<10240x128xf32, #tpu.memory_space<vmem_shared>>, %arg8: memref<125xi32, #tpu.memory_space<vmem>>, %arg9: memref<125xi32, #tpu.memory_space<vmem>>, %arg10: memref<125x128xf32, #tpu.memory_space<vmem>>, %arg11: memref<!tpu.dma_semaphore, #tpu.memory_space<semaphore_mem>>, %arg12: memref<!tpu.dma_semaphore, #tpu.memory_space<semaphore_mem>>) attributes {dimension_semantics = [#tpu.dimension_semantics<core_parallel>, #tpu.dimension_semantics<subcore_parallel>], iteration_bounds = array<i64: 2, 16>, scalar_prefetch = 0 : i64, scratch_operands = 6 : i64, tpu.core_type = #tpu.core_type<sc_vector_subcore>, window_params = [{transform_indices = #map}, {transform_indices = #map1}, {transform_indices = #map1}, {transform_indices = #map1}, {transform_indices = #map1}]} {
    %mul3A = arith.constant 2 : i32
    %mul3A_0 = arith.muli %arg1, %mul3A : i32
    %add3A = arith.addi %mul3A_0, %arg0 : i32
    %dma_start3A = arith.constant 0 : i32
    %dma_start3A_1 = arith.constant 0 : i32
    %dma_start3A_2 = tpu.memref_slice %arg2[%add3A, %dma_start3A, %dma_start3A_1] : memref<32x80x125xi32, #tpu.memory_space<hbm>> -> memref<1x1x125xi32, #tpu.memory_space<hbm>>
    %dma_start3A_3 = tpu.memref_squeeze %dma_start3A_2 : memref<1x1x125xi32, #tpu.memory_space<hbm>> -> memref<125xi32, #tpu.memory_space<hbm>>
    %dma_start3A_4 = arith.constant 0 : i32
    %dma_start3A_5 = tpu.memref_slice %arg2[%add3A, %dma_start3A, %dma_start3A_4] : memref<32x80x125xi32, #tpu.memory_space<hbm>> -> memref<1x1x125xi32, #tpu.memory_space<hbm>>
    %dma_start3A_6 = tpu.memref_squeeze %dma_start3A_5 : memref<1x1x125xi32, #tpu.memory_space<hbm>> -> memref<125xi32, #tpu.memory_space<hbm>>
    tpu.enqueue_dma source(%dma_start3A_6 : memref<125xi32, #tpu.memory_space<hbm>>) target(%arg8 : memref<125xi32, #tpu.memory_space<vmem>>) target_semaphore(%arg11 : memref<!tpu.dma_semaphore, #tpu.memory_space<semaphore_mem>>)
    %dma_start3A_7 = arith.constant 1 : i32
    %dma_start3A_8 = arith.constant 0 : i32
    %dma_start3A_9 = tpu.memref_slice %arg2[%add3A, %dma_start3A_7, %dma_start3A_8] : memref<32x80x125xi32, #tpu.memory_space<hbm>> -> memref<1x1x125xi32, #tpu.memory_space<hbm>>
    %dma_start3A_10 = tpu.memref_squeeze %dma_start3A_9 : memref<1x1x125xi32, #tpu.memory_space<hbm>> -> memref<125xi32, #tpu.memory_space<hbm>>
    %dma_start3A_11 = arith.constant 0 : i32
    %dma_start3A_12 = tpu.memref_slice %arg2[%add3A, %dma_start3A_7, %dma_start3A_11] : memref<32x80x125xi32, #tpu.memory_space<hbm>> -> memref<1x1x125xi32, #tpu.memory_space<hbm>>
    %dma_start3A_13 = tpu.memref_squeeze %dma_start3A_12 : memref<1x1x125xi32, #tpu.memory_space<hbm>> -> memref<125xi32, #tpu.memory_space<hbm>>
    tpu.enqueue_dma source(%dma_start3A_13 : memref<125xi32, #tpu.memory_space<hbm>>) target(%arg9 : memref<125xi32, #tpu.memory_space<vmem>>) target_semaphore(%arg12 : memref<!tpu.dma_semaphore, #tpu.memory_space<semaphore_mem>>)
    %mul3A_14 = arith.constant 640 : i32
    %mul3A_15 = arith.muli %arg1, %mul3A_14 : i32
    "tpu.region"() ({
      %run_scoped3A = tpu.sem_alloc : memref<!tpu.dma_semaphore, #tpu.memory_space<semaphore_mem>>
      %dma_start3A_44 = arith.constant 0 : i32
      %dma_start3A_45 = tpu.memref_slice %arg7[%mul3A_15, %dma_start3A_44] : memref<10240x128xf32, #tpu.memory_space<vmem_shared>> -> memref<640x128xf32, #tpu.memory_space<vmem_shared>>
      tpu.enqueue_dma source(%arg3 : memref<640x128xf32, #tpu.memory_space<hbm>>) target(%dma_start3A_45 : memref<640x128xf32, #tpu.memory_space<vmem_shared>>) target_semaphore(%run_scoped3A : memref<!tpu.dma_semaphore, #tpu.memory_space<semaphore_mem>>)
      %dma_wait3A_46 = arith.constant 0 : i32
      %dma_wait3A_47 = tpu.memref_slice %arg7[%mul3A_15, %dma_wait3A_46] : memref<10240x128xf32, #tpu.memory_space<vmem_shared>> -> memref<640x128xf32, #tpu.memory_space<vmem_shared>>
      tpu.wait_dma2 semaphore(%run_scoped3A : memref<!tpu.dma_semaphore, #tpu.memory_space<semaphore_mem>>) src(%arg3 : memref<640x128xf32, #tpu.memory_space<hbm>>) dst(%dma_wait3A_47 : memref<640x128xf32, #tpu.memory_space<vmem_shared>>)
      tpu.yield
    }) : () -> ()
    "tpu.region"() ({
      %run_scoped3A = tpu.sem_alloc : memref<!tpu.dma_semaphore, #tpu.memory_space<semaphore_mem>>
      tpu.enqueue_dma source(%arg4 : memref<125x128xf32, #tpu.memory_space<hbm>>) target(%arg10 : memref<125x128xf32, #tpu.memory_space<vmem>>) target_semaphore(%run_scoped3A : memref<!tpu.dma_semaphore, #tpu.memory_space<semaphore_mem>>)
      tpu.wait_dma2 semaphore(%run_scoped3A : memref<!tpu.dma_semaphore, #tpu.memory_space<semaphore_mem>>) src(%arg4 : memref<125x128xf32, #tpu.memory_space<hbm>>) dst(%arg10 : memref<125x128xf32, #tpu.memory_space<vmem>>)
      tpu.yield
    }) : () -> ()
    %barrier3A = arith.constant 0 : index
    tpu.barrier barrier_id(%barrier3A)
    %scan3A = arith.constant 0 : i32
    %scan3A_16 = arith.constant 0 : i32
    %scan3A_17 = arith.constant 39 : i32
    %scan3A_18 = arith.addi %scan3A_16, %scan3A_17 : i32
    %scan3A_19 = arith.constant 1 : i32
    scf.for %scan3A_44 = %scan3A_16 to %scan3A_18 step %scan3A_19  : i32 {
      %mul3A_45 = arith.constant 2 : i32
      %mul3A_46 = arith.muli %mul3A_45, %scan3A_44 : i32
      %add3A_47 = arith.constant 2 : i32
      %add3A_48 = arith.addi %mul3A_46, %add3A_47 : i32
      %dma_wait3A_49 = arith.constant 0 : i32
      %dma_wait3A_50 = arith.constant 0 : i32
      %dma_wait3A_51 = tpu.memref_slice %arg2[%add3A, %dma_wait3A_49, %dma_wait3A_50] : memref<32x80x125xi32, #tpu.memory_space<hbm>> -> memref<1x1x125xi32, #tpu.memory_space<hbm>>
      %dma_wait3A_52 = tpu.memref_squeeze %dma_wait3A_51 : memref<1x1x125xi32, #tpu.memory_space<hbm>> -> memref<125xi32, #tpu.memory_space<hbm>>
      %dma_wait3A_53 = arith.constant 0 : i32
      %dma_wait3A_54 = tpu.memref_slice %arg2[%add3A, %dma_wait3A_49, %dma_wait3A_53] : memref<32x80x125xi32, #tpu.memory_space<hbm>> -> memref<1x1x125xi32, #tpu.memory_space<hbm>>
      %dma_wait3A_55 = tpu.memref_squeeze %dma_wait3A_54 : memref<1x1x125xi32, #tpu.memory_space<hbm>> -> memref<125xi32, #tpu.memory_space<hbm>>
      tpu.wait_dma2 semaphore(%arg11 : memref<!tpu.dma_semaphore, #tpu.memory_space<semaphore_mem>>) src(%dma_wait3A_55 : memref<125xi32, #tpu.memory_space<hbm>>) dst(%arg8 : memref<125xi32, #tpu.memory_space<vmem>>)
      "tpu.region"() ({
        %run_scoped3A = tpu.sem_alloc : memref<!tpu.dma_semaphore, #tpu.memory_space<semaphore_mem>>
        %dma_start3A_79 = arith.constant 0 : i32
        %dma_start3A_80 = arith.constant 0 : i32
        %dma_start3A_81 = tpu.memref_slice %arg7[%dma_start3A_79, %dma_start3A_80] : memref<10240x128xf32, #tpu.memory_space<vmem_shared>> -> memref<10240x128xf32, #tpu.memory_space<vmem_shared>>
        tpu.enqueue_indirect_dma source(%arg10 : memref<125x128xf32, #tpu.memory_space<vmem>>) target(%dma_start3A_81 : memref<10240x128xf32, #tpu.memory_space<vmem_shared>>) offsets(%arg8 : memref<125xi32, #tpu.memory_space<vmem>>) semaphore(%run_scoped3A : memref<!tpu.dma_semaphore, #tpu.memory_space<semaphore_mem>>) {add = true}
        %dma_wait3A_82 = arith.constant 0 : i32
        %dma_wait3A_83 = arith.constant 0 : i32
        %dma_wait3A_84 = tpu.memref_slice %arg7[%dma_wait3A_82, %dma_wait3A_83] : memref<10240x128xf32, #tpu.memory_space<vmem_shared>> -> memref<10240x128xf32, #tpu.memory_space<vmem_shared>>
        tpu.wait_indirect_dma semaphore(%run_scoped3A : memref<!tpu.dma_semaphore, #tpu.memory_space<semaphore_mem>>) src(%arg10 : memref<125x128xf32, #tpu.memory_space<vmem>>) dst(%dma_wait3A_84 : memref<10240x128xf32, #tpu.memory_space<vmem_shared>>)
        tpu.yield
      }) : () -> ()
      %dma_start3A_56 = arith.constant 0 : i32
      %dma_start3A_57 = tpu.memref_slice %arg2[%add3A, %add3A_48, %dma_start3A_56] : memref<32x80x125xi32, #tpu.memory_space<hbm>> -> memref<1x1x125xi32, #tpu.memory_space<hbm>>
      %dma_start3A_58 = tpu.memref_squeeze %dma_start3A_57 : memref<1x1x125xi32, #tpu.memory_space<hbm>> -> memref<125xi32, #tpu.memory_space<hbm>>
      %dma_start3A_59 = arith.constant 0 : i32
      %dma_start3A_60 = tpu.memref_slice %arg2[%add3A, %add3A_48, %dma_start3A_59] : memref<32x80x125xi32, #tpu.memory_space<hbm>> -> memref<1x1x125xi32, #tpu.memory_space<hbm>>
      %dma_start3A_61 = tpu.memref_squeeze %dma_start3A_60 : memref<1x1x125xi32, #tpu.memory_space<hbm>> -> memref<125xi32, #tpu.memory_space<hbm>>
      tpu.enqueue_dma source(%dma_start3A_61 : memref<125xi32, #tpu.memory_space<hbm>>) target(%arg8 : memref<125xi32, #tpu.memory_space<vmem>>) target_semaphore(%arg11 : memref<!tpu.dma_semaphore, #tpu.memory_space<semaphore_mem>>)
      %mul3A_62 = arith.constant 2 : i32
      %mul3A_63 = arith.muli %mul3A_62, %scan3A_44 : i32
      %add3A_64 = arith.constant 3 : i32
      %add3A_65 = arith.addi %mul3A_63, %add3A_64 : i32
      %dma_wait3A_66 = arith.constant 0 : i32
      %dma_wait3A_67 = arith.constant 0 : i32
      %dma_wait3A_68 = tpu.memref_slice %arg2[%add3A, %dma_wait3A_66, %dma_wait3A_67] : memref<32x80x125xi32, #tpu.memory_space<hbm>> -> memref<1x1x125xi32, #tpu.memory_space<hbm>>
      %dma_wait3A_69 = tpu.memref_squeeze %dma_wait3A_68 : memref<1x1x125xi32, #tpu.memory_space<hbm>> -> memref<125xi32, #tpu.memory_space<hbm>>
      %dma_wait3A_70 = arith.constant 0 : i32
      %dma_wait3A_71 = tpu.memref_slice %arg2[%add3A, %dma_wait3A_66, %dma_wait3A_70] : memref<32x80x125xi32, #tpu.memory_space<hbm>> -> memref<1x1x125xi32, #tpu.memory_space<hbm>>
      %dma_wait3A_72 = tpu.memref_squeeze %dma_wait3A_71 : memref<1x1x125xi32, #tpu.memory_space<hbm>> -> memref<125xi32, #tpu.memory_space<hbm>>
      tpu.wait_dma2 semaphore(%arg12 : memref<!tpu.dma_semaphore, #tpu.memory_space<semaphore_mem>>) src(%dma_wait3A_72 : memref<125xi32, #tpu.memory_space<hbm>>) dst(%arg9 : memref<125xi32, #tpu.memory_space<vmem>>)
      "tpu.region"() ({
        %run_scoped3A = tpu.sem_alloc : memref<!tpu.dma_semaphore, #tpu.memory_space<semaphore_mem>>
        %dma_start3A_79 = arith.constant 0 : i32
        %dma_start3A_80 = arith.constant 0 : i32
        %dma_start3A_81 = tpu.memref_slice %arg7[%dma_start3A_79, %dma_start3A_80] : memref<10240x128xf32, #tpu.memory_space<vmem_shared>> -> memref<10240x128xf32, #tpu.memory_space<vmem_shared>>
        tpu.enqueue_indirect_dma source(%arg10 : memref<125x128xf32, #tpu.memory_space<vmem>>) target(%dma_start3A_81 : memref<10240x128xf32, #tpu.memory_space<vmem_shared>>) offsets(%arg9 : memref<125xi32, #tpu.memory_space<vmem>>) semaphore(%run_scoped3A : memref<!tpu.dma_semaphore, #tpu.memory_space<semaphore_mem>>) {add = true}
        %dma_wait3A_82 = arith.constant 0 : i32
        %dma_wait3A_83 = arith.constant 0 : i32
        %dma_wait3A_84 = tpu.memref_slice %arg7[%dma_wait3A_82, %dma_wait3A_83] : memref<10240x128xf32, #tpu.memory_space<vmem_shared>> -> memref<10240x128xf32, #tpu.memory_space<vmem_shared>>
        tpu.wait_indirect_dma semaphore(%run_scoped3A : memref<!tpu.dma_semaphore, #tpu.memory_space<semaphore_mem>>) src(%arg10 : memref<125x128xf32, #tpu.memory_space<vmem>>) dst(%dma_wait3A_84 : memref<10240x128xf32, #tpu.memory_space<vmem_shared>>)
        tpu.yield
      }) : () -> ()
      %dma_start3A_73 = arith.constant 0 : i32
      %dma_start3A_74 = tpu.memref_slice %arg2[%add3A, %add3A_65, %dma_start3A_73] : memref<32x80x125xi32, #tpu.memory_space<hbm>> -> memref<1x1x125xi32, #tpu.memory_space<hbm>>
      %dma_start3A_75 = tpu.memref_squeeze %dma_start3A_74 : memref<1x1x125xi32, #tpu.memory_space<hbm>> -> memref<125xi32, #tpu.memory_space<hbm>>
      %dma_start3A_76 = arith.constant 0 : i32
      %dma_start3A_77 = tpu.memref_slice %arg2[%add3A, %add3A_65, %dma_start3A_76] : memref<32x80x125xi32, #tpu.memory_space<hbm>> -> memref<1x1x125xi32, #tpu.memory_space<hbm>>
      %dma_start3A_78 = tpu.memref_squeeze %dma_start3A_77 : memref<1x1x125xi32, #tpu.memory_space<hbm>> -> memref<125xi32, #tpu.memory_space<hbm>>
      tpu.enqueue_dma source(%dma_start3A_78 : memref<125xi32, #tpu.memory_space<hbm>>) target(%arg9 : memref<125xi32, #tpu.memory_space<vmem>>) target_semaphore(%arg12 : memref<!tpu.dma_semaphore, #tpu.memory_space<semaphore_mem>>)
    }
    %scan3A_20 = arith.constant 39 : i32
    %dma_wait3A = arith.constant 0 : i32
    %dma_wait3A_21 = arith.constant 0 : i32
    %dma_wait3A_22 = tpu.memref_slice %arg2[%add3A, %dma_wait3A, %dma_wait3A_21] : memref<32x80x125xi32, #tpu.memory_space<hbm>> -> memref<1x1x125xi32, #tpu.memory_space<hbm>>
    %dma_wait3A_23 = tpu.memref_squeeze %dma_wait3A_22 : memref<1x1x125xi32, #tpu.memory_space<hbm>> -> memref<125xi32, #tpu.memory_space<hbm>>
    %dma_wait3A_24 = arith.constant 0 : i32
    %dma_wait3A_25 = tpu.memref_slice %arg2[%add3A, %dma_wait3A, %dma_wait3A_24] : memref<32x80x125xi32, #tpu.memory_space<hbm>> -> memref<1x1x125xi32, #tpu.memory_space<hbm>>
    %dma_wait3A_26 = tpu.memref_squeeze %dma_wait3A_25 : memref<1x1x125xi32, #tpu.memory_space<hbm>> -> memref<125xi32, #tpu.memory_space<hbm>>
    tpu.wait_dma2 semaphore(%arg11 : memref<!tpu.dma_semaphore, #tpu.memory_space<semaphore_mem>>) src(%dma_wait3A_26 : memref<125xi32, #tpu.memory_space<hbm>>) dst(%arg8 : memref<125xi32, #tpu.memory_space<vmem>>)
    "tpu.region"() ({
      %run_scoped3A = tpu.sem_alloc : memref<!tpu.dma_semaphore, #tpu.memory_space<semaphore_mem>>
      %dma_start3A_44 = arith.constant 0 : i32
      %dma_start3A_45 = arith.constant 0 : i32
      %dma_start3A_46 = tpu.memref_slice %arg7[%dma_start3A_44, %dma_start3A_45] : memref<10240x128xf32, #tpu.memory_space<vmem_shared>> -> memref<10240x128xf32, #tpu.memory_space<vmem_shared>>
      tpu.enqueue_indirect_dma source(%arg10 : memref<125x128xf32, #tpu.memory_space<vmem>>) target(%dma_start3A_46 : memref<10240x128xf32, #tpu.memory_space<vmem_shared>>) offsets(%arg8 : memref<125xi32, #tpu.memory_space<vmem>>) semaphore(%run_scoped3A : memref<!tpu.dma_semaphore, #tpu.memory_space<semaphore_mem>>) {add = true}
      %dma_wait3A_47 = arith.constant 0 : i32
      %dma_wait3A_48 = arith.constant 0 : i32
      %dma_wait3A_49 = tpu.memref_slice %arg7[%dma_wait3A_47, %dma_wait3A_48] : memref<10240x128xf32, #tpu.memory_space<vmem_shared>> -> memref<10240x128xf32, #tpu.memory_space<vmem_shared>>
      tpu.wait_indirect_dma semaphore(%run_scoped3A : memref<!tpu.dma_semaphore, #tpu.memory_space<semaphore_mem>>) src(%arg10 : memref<125x128xf32, #tpu.memory_space<vmem>>) dst(%dma_wait3A_49 : memref<10240x128xf32, #tpu.memory_space<vmem_shared>>)
      tpu.yield
    }) : () -> ()
    %dma_wait3A_27 = arith.constant 0 : i32
    %dma_wait3A_28 = arith.constant 0 : i32
    %dma_wait3A_29 = tpu.memref_slice %arg2[%add3A, %dma_wait3A_27, %dma_wait3A_28] : memref<32x80x125xi32, #tpu.memory_space<hbm>> -> memref<1x1x125xi32, #tpu.memory_space<hbm>>
    %dma_wait3A_30 = tpu.memref_squeeze %dma_wait3A_29 : memref<1x1x125xi32, #tpu.memory_space<hbm>> -> memref<125xi32, #tpu.memory_space<hbm>>
    %dma_wait3A_31 = arith.constant 0 : i32
    %dma_wait3A_32 = tpu.memref_slice %arg2[%add3A, %dma_wait3A_27, %dma_wait3A_31] : memref<32x80x125xi32, #tpu.memory_space<hbm>> -> memref<1x1x125xi32, #tpu.memory_space<hbm>>
    %dma_wait3A_33 = tpu.memref_squeeze %dma_wait3A_32 : memref<1x1x125xi32, #tpu.memory_space<hbm>> -> memref<125xi32, #tpu.memory_space<hbm>>
    tpu.wait_dma2 semaphore(%arg12 : memref<!tpu.dma_semaphore, #tpu.memory_space<semaphore_mem>>) src(%dma_wait3A_33 : memref<125xi32, #tpu.memory_space<hbm>>) dst(%arg9 : memref<125xi32, #tpu.memory_space<vmem>>)
    "tpu.region"() ({
      %run_scoped3A = tpu.sem_alloc : memref<!tpu.dma_semaphore, #tpu.memory_space<semaphore_mem>>
      %dma_start3A_44 = arith.constant 0 : i32
      %dma_start3A_45 = arith.constant 0 : i32
      %dma_start3A_46 = tpu.memref_slice %arg7[%dma_start3A_44, %dma_start3A_45] : memref<10240x128xf32, #tpu.memory_space<vmem_shared>> -> memref<10240x128xf32, #tpu.memory_space<vmem_shared>>
      tpu.enqueue_indirect_dma source(%arg10 : memref<125x128xf32, #tpu.memory_space<vmem>>) target(%dma_start3A_46 : memref<10240x128xf32, #tpu.memory_space<vmem_shared>>) offsets(%arg9 : memref<125xi32, #tpu.memory_space<vmem>>) semaphore(%run_scoped3A : memref<!tpu.dma_semaphore, #tpu.memory_space<semaphore_mem>>) {add = true}
      %dma_wait3A_47 = arith.constant 0 : i32
      %dma_wait3A_48 = arith.constant 0 : i32
      %dma_wait3A_49 = tpu.memref_slice %arg7[%dma_wait3A_47, %dma_wait3A_48] : memref<10240x128xf32, #tpu.memory_space<vmem_shared>> -> memref<10240x128xf32, #tpu.memory_space<vmem_shared>>
      tpu.wait_indirect_dma semaphore(%run_scoped3A : memref<!tpu.dma_semaphore, #tpu.memory_space<semaphore_mem>>) src(%arg10 : memref<125x128xf32, #tpu.memory_space<vmem>>) dst(%dma_wait3A_49 : memref<10240x128xf32, #tpu.memory_space<vmem_shared>>)
      tpu.yield
    }) : () -> ()
    %barrier3A_34 = arith.constant 0 : index
    tpu.barrier barrier_id(%barrier3A_34)
    %mul3A_35 = arith.constant 640 : i32
    %mul3A_36 = arith.muli %arg1, %mul3A_35 : i32
    %eq3A = arith.constant 0 : i32
    %eq3A_37 = arith.cmpi eq, %arg0, %eq3A : i32
    %convert_element_type3A = arith.extui %eq3A_37 : i1 to i32
    %cond3A = arith.constant 0 : i32
    %cond3A_38 = arith.cmpi ne, %convert_element_type3A, %cond3A : i32
    scf.if %cond3A_38 {
      "tpu.region"() ({
        %run_scoped3A = tpu.sem_alloc : memref<!tpu.dma_semaphore, #tpu.memory_space<semaphore_mem>>
        %dma_start3A_44 = arith.constant 0 : i32
        %dma_start3A_45 = tpu.memref_slice %arg5[%mul3A_36, %dma_start3A_44] : memref<10240x128xf32, #tpu.memory_space<hbm>> -> memref<640x128xf32, #tpu.memory_space<hbm>>
        %dma_start3A_46 = arith.constant 0 : i32
        %dma_start3A_47 = tpu.memref_slice %arg7[%mul3A_36, %dma_start3A_46] : memref<10240x128xf32, #tpu.memory_space<vmem_shared>> -> memref<640x128xf32, #tpu.memory_space<vmem_shared>>
        tpu.enqueue_dma source(%dma_start3A_47 : memref<640x128xf32, #tpu.memory_space<vmem_shared>>) target(%dma_start3A_45 : memref<640x128xf32, #tpu.memory_space<hbm>>) target_semaphore(%run_scoped3A : memref<!tpu.dma_semaphore, #tpu.memory_space<semaphore_mem>>)
        %dma_wait3A_48 = arith.constant 0 : i32
        %dma_wait3A_49 = tpu.memref_slice %arg5[%mul3A_36, %dma_wait3A_48] : memref<10240x128xf32, #tpu.memory_space<hbm>> -> memref<640x128xf32, #tpu.memory_space<hbm>>
        %dma_wait3A_50 = arith.constant 0 : i32
        %dma_wait3A_51 = tpu.memref_slice %arg7[%mul3A_36, %dma_wait3A_50] : memref<10240x128xf32, #tpu.memory_space<vmem_shared>> -> memref<640x128xf32, #tpu.memory_space<vmem_shared>>
        tpu.wait_dma2 semaphore(%run_scoped3A : memref<!tpu.dma_semaphore, #tpu.memory_space<semaphore_mem>>) src(%dma_wait3A_51 : memref<640x128xf32, #tpu.memory_space<vmem_shared>>) dst(%dma_wait3A_49 : memref<640x128xf32, #tpu.memory_space<hbm>>)
        tpu.yield
      }) : () -> ()
    } else {
    }
    %eq3A_39 = arith.constant 1 : i32
    %eq3A_40 = arith.cmpi eq, %arg0, %eq3A_39 : i32
    %convert_element_type3A_41 = arith.extui %eq3A_40 : i1 to i32
    %cond3A_42 = arith.constant 0 : i32
    %cond3A_43 = arith.cmpi ne, %convert_element_type3A_41, %cond3A_42 : i32
    scf.if %cond3A_43 {
      "tpu.region"() ({
        %run_scoped3A = tpu.sem_alloc : memref<!tpu.dma_semaphore, #tpu.memory_space<semaphore_mem>>
        %dma_start3A_44 = arith.constant 0 : i32
        %dma_start3A_45 = tpu.memref_slice %arg6[%mul3A_36, %dma_start3A_44] : memref<10240x128xf32, #tpu.memory_space<hbm>> -> memref<640x128xf32, #tpu.memory_space<hbm>>
        %dma_start3A_46 = arith.constant 0 : i32
        %dma_start3A_47 = tpu.memref_slice %arg7[%mul3A_36, %dma_start3A_46] : memref<10240x128xf32, #tpu.memory_space<vmem_shared>> -> memref<640x128xf32, #tpu.memory_space<vmem_shared>>
        tpu.enqueue_dma source(%dma_start3A_47 : memref<640x128xf32, #tpu.memory_space<vmem_shared>>) target(%dma_start3A_45 : memref<640x128xf32, #tpu.memory_space<hbm>>) target_semaphore(%run_scoped3A : memref<!tpu.dma_semaphore, #tpu.memory_space<semaphore_mem>>)
        %dma_wait3A_48 = arith.constant 0 : i32
        %dma_wait3A_49 = tpu.memref_slice %arg6[%mul3A_36, %dma_wait3A_48] : memref<10240x128xf32, #tpu.memory_space<hbm>> -> memref<640x128xf32, #tpu.memory_space<hbm>>
        %dma_wait3A_50 = arith.constant 0 : i32
        %dma_wait3A_51 = tpu.memref_slice %arg7[%mul3A_36, %dma_wait3A_50] : memref<10240x128xf32, #tpu.memory_space<vmem_shared>> -> memref<640x128xf32, #tpu.memory_space<vmem_shared>>
        tpu.wait_dma2 semaphore(%run_scoped3A : memref<!tpu.dma_semaphore, #tpu.memory_space<semaphore_mem>>) src(%dma_wait3A_51 : memref<640x128xf32, #tpu.memory_space<vmem_shared>>) dst(%dma_wait3A_49 : memref<640x128xf32, #tpu.memory_space<hbm>>)
        tpu.yield
      }) : () -> ()
    } else {
    }
    return
  }
}

#map = affine_map<(d0, d1) -> (0, 0)>
#map1 = affine_map<(d0, d1) -> (0, 0, 0)>
module attributes {stable_mosaic.version = 14 : i64} {
  func.func @_seg_body(%arg0: i32, %arg1: i32, %arg2: memref<10000x128xf32, #tpu.memory_space<hbm>>, %arg3: memref<32x80x125xi32, #tpu.memory_space<hbm>>, %arg4: memref<32x80x125xi32, #tpu.memory_space<hbm>>, %arg5: memref<640x128xf32, #tpu.memory_space<hbm>>, %arg6: memref<10240x128xf32, #tpu.memory_space<hbm>>, %arg7: memref<10240x128xf32, #tpu.memory_space<hbm>>, %arg8: memref<10240x128xf32, #tpu.memory_space<vmem_shared>>, %arg9: memref<125xi32, #tpu.memory_space<vmem>>, %arg10: memref<125xi32, #tpu.memory_space<vmem>>, %arg11: memref<125xi32, #tpu.memory_space<vmem>>, %arg12: memref<125xi32, #tpu.memory_space<vmem>>, %arg13: memref<125x128xf32, #tpu.memory_space<vmem>>, %arg14: memref<125x128xf32, #tpu.memory_space<vmem>>, %arg15: memref<!tpu.dma_semaphore, #tpu.memory_space<semaphore_mem>>, %arg16: memref<!tpu.dma_semaphore, #tpu.memory_space<semaphore_mem>>, %arg17: memref<!tpu.dma_semaphore, #tpu.memory_space<semaphore_mem>>, %arg18: memref<!tpu.dma_semaphore, #tpu.memory_space<semaphore_mem>>, %arg19: memref<!tpu.dma_semaphore, #tpu.memory_space<semaphore_mem>>, %arg20: memref<!tpu.dma_semaphore, #tpu.memory_space<semaphore_mem>>) attributes {dimension_semantics = [#tpu.dimension_semantics<core_parallel>, #tpu.dimension_semantics<subcore_parallel>], iteration_bounds = array<i64: 2, 16>, scalar_prefetch = 0 : i64, scratch_operands = 13 : i64, tpu.core_type = #tpu.core_type<sc_vector_subcore>, window_params = [{transform_indices = #map}, {transform_indices = #map1}, {transform_indices = #map1}, {transform_indices = #map}, {transform_indices = #map}, {transform_indices = #map}]} {
    %mul3A = arith.constant 2 : i32
    %mul3A_0 = arith.muli %arg1, %mul3A : i32
    %add3A = arith.addi %mul3A_0, %arg0 : i32
    %dma_start3A = arith.constant 0 : i32
    %dma_start3A_1 = arith.constant 0 : i32
    %dma_start3A_2 = tpu.memref_slice %arg3[%add3A, %dma_start3A, %dma_start3A_1] : memref<32x80x125xi32, #tpu.memory_space<hbm>> -> memref<1x1x125xi32, #tpu.memory_space<hbm>>
    %dma_start3A_3 = tpu.memref_squeeze %dma_start3A_2 : memref<1x1x125xi32, #tpu.memory_space<hbm>> -> memref<125xi32, #tpu.memory_space<hbm>>
    %dma_start3A_4 = arith.constant 0 : i32
    %dma_start3A_5 = tpu.memref_slice %arg3[%add3A, %dma_start3A, %dma_start3A_4] : memref<32x80x125xi32, #tpu.memory_space<hbm>> -> memref<1x1x125xi32, #tpu.memory_space<hbm>>
    %dma_start3A_6 = tpu.memref_squeeze %dma_start3A_5 : memref<1x1x125xi32, #tpu.memory_space<hbm>> -> memref<125xi32, #tpu.memory_space<hbm>>
    tpu.enqueue_dma source(%dma_start3A_6 : memref<125xi32, #tpu.memory_space<hbm>>) target(%arg9 : memref<125xi32, #tpu.memory_space<vmem>>) target_semaphore(%arg15 : memref<!tpu.dma_semaphore, #tpu.memory_space<semaphore_mem>>)
    %dma_start3A_7 = arith.constant 0 : i32
    %dma_start3A_8 = arith.constant 0 : i32
    %dma_start3A_9 = tpu.memref_slice %arg4[%add3A, %dma_start3A_7, %dma_start3A_8] : memref<32x80x125xi32, #tpu.memory_space<hbm>> -> memref<1x1x125xi32, #tpu.memory_space<hbm>>
    %dma_start3A_10 = tpu.memref_squeeze %dma_start3A_9 : memref<1x1x125xi32, #tpu.memory_space<hbm>> -> memref<125xi32, #tpu.memory_space<hbm>>
    %dma_start3A_11 = arith.constant 0 : i32
    %dma_start3A_12 = tpu.memref_slice %arg4[%add3A, %dma_start3A_7, %dma_start3A_11] : memref<32x80x125xi32, #tpu.memory_space<hbm>> -> memref<1x1x125xi32, #tpu.memory_space<hbm>>
    %dma_start3A_13 = tpu.memref_squeeze %dma_start3A_12 : memref<1x1x125xi32, #tpu.memory_space<hbm>> -> memref<125xi32, #tpu.memory_space<hbm>>
    tpu.enqueue_dma source(%dma_start3A_13 : memref<125xi32, #tpu.memory_space<hbm>>) target(%arg11 : memref<125xi32, #tpu.memory_space<vmem>>) target_semaphore(%arg17 : memref<!tpu.dma_semaphore, #tpu.memory_space<semaphore_mem>>)
    %dma_start3A_14 = arith.constant 1 : i32
    %dma_start3A_15 = arith.constant 0 : i32
    %dma_start3A_16 = tpu.memref_slice %arg3[%add3A, %dma_start3A_14, %dma_start3A_15] : memref<32x80x125xi32, #tpu.memory_space<hbm>> -> memref<1x1x125xi32, #tpu.memory_space<hbm>>
    %dma_start3A_17 = tpu.memref_squeeze %dma_start3A_16 : memref<1x1x125xi32, #tpu.memory_space<hbm>> -> memref<125xi32, #tpu.memory_space<hbm>>
    %dma_start3A_18 = arith.constant 0 : i32
    %dma_start3A_19 = tpu.memref_slice %arg3[%add3A, %dma_start3A_14, %dma_start3A_18] : memref<32x80x125xi32, #tpu.memory_space<hbm>> -> memref<1x1x125xi32, #tpu.memory_space<hbm>>
    %dma_start3A_20 = tpu.memref_squeeze %dma_start3A_19 : memref<1x1x125xi32, #tpu.memory_space<hbm>> -> memref<125xi32, #tpu.memory_space<hbm>>
    tpu.enqueue_dma source(%dma_start3A_20 : memref<125xi32, #tpu.memory_space<hbm>>) target(%arg10 : memref<125xi32, #tpu.memory_space<vmem>>) target_semaphore(%arg16 : memref<!tpu.dma_semaphore, #tpu.memory_space<semaphore_mem>>)
    %dma_start3A_21 = arith.constant 1 : i32
    %dma_start3A_22 = arith.constant 0 : i32
    %dma_start3A_23 = tpu.memref_slice %arg4[%add3A, %dma_start3A_21, %dma_start3A_22] : memref<32x80x125xi32, #tpu.memory_space<hbm>> -> memref<1x1x125xi32, #tpu.memory_space<hbm>>
    %dma_start3A_24 = tpu.memref_squeeze %dma_start3A_23 : memref<1x1x125xi32, #tpu.memory_space<hbm>> -> memref<125xi32, #tpu.memory_space<hbm>>
    %dma_start3A_25 = arith.constant 0 : i32
    %dma_start3A_26 = tpu.memref_slice %arg4[%add3A, %dma_start3A_21, %dma_start3A_25] : memref<32x80x125xi32, #tpu.memory_space<hbm>> -> memref<1x1x125xi32, #tpu.memory_space<hbm>>
    %dma_start3A_27 = tpu.memref_squeeze %dma_start3A_26 : memref<1x1x125xi32, #tpu.memory_space<hbm>> -> memref<125xi32, #tpu.memory_space<hbm>>
    tpu.enqueue_dma source(%dma_start3A_27 : memref<125xi32, #tpu.memory_space<hbm>>) target(%arg12 : memref<125xi32, #tpu.memory_space<vmem>>) target_semaphore(%arg18 : memref<!tpu.dma_semaphore, #tpu.memory_space<semaphore_mem>>)
    %dma_wait3A = arith.constant 0 : i32
    %dma_wait3A_28 = arith.constant 0 : i32
    %dma_wait3A_29 = tpu.memref_slice %arg3[%add3A, %dma_wait3A, %dma_wait3A_28] : memref<32x80x125xi32, #tpu.memory_space<hbm>> -> memref<1x1x125xi32, #tpu.memory_space<hbm>>
    %dma_wait3A_30 = tpu.memref_squeeze %dma_wait3A_29 : memref<1x1x125xi32, #tpu.memory_space<hbm>> -> memref<125xi32, #tpu.memory_space<hbm>>
    %dma_wait3A_31 = arith.constant 0 : i32
    %dma_wait3A_32 = tpu.memref_slice %arg3[%add3A, %dma_wait3A, %dma_wait3A_31] : memref<32x80x125xi32, #tpu.memory_space<hbm>> -> memref<1x1x125xi32, #tpu.memory_space<hbm>>
    %dma_wait3A_33 = tpu.memref_squeeze %dma_wait3A_32 : memref<1x1x125xi32, #tpu.memory_space<hbm>> -> memref<125xi32, #tpu.memory_space<hbm>>
    tpu.wait_dma2 semaphore(%arg15 : memref<!tpu.dma_semaphore, #tpu.memory_space<semaphore_mem>>) src(%dma_wait3A_33 : memref<125xi32, #tpu.memory_space<hbm>>) dst(%arg9 : memref<125xi32, #tpu.memory_space<vmem>>)
    %dma_start3A_34 = arith.constant 0 : i32
    %dma_start3A_35 = arith.constant 0 : i32
    %dma_start3A_36 = tpu.memref_slice %arg2[%dma_start3A_34, %dma_start3A_35] : memref<10000x128xf32, #tpu.memory_space<hbm>> -> memref<10000x128xf32, #tpu.memory_space<hbm>>
    tpu.enqueue_indirect_dma source(%dma_start3A_36 : memref<10000x128xf32, #tpu.memory_space<hbm>>) target(%arg13 : memref<125x128xf32, #tpu.memory_space<vmem>>) offsets(%arg9 : memref<125xi32, #tpu.memory_space<vmem>>) semaphore(%arg19 : memref<!tpu.dma_semaphore, #tpu.memory_space<semaphore_mem>>)
    %dma_wait3A_37 = arith.constant 0 : i32
    %dma_wait3A_38 = arith.constant 0 : i32
    %dma_wait3A_39 = tpu.memref_slice %arg3[%add3A, %dma_wait3A_37, %dma_wait3A_38] : memref<32x80x125xi32, #tpu.memory_space<hbm>> -> memref<1x1x125xi32, #tpu.memory_space<hbm>>
    %dma_wait3A_40 = tpu.memref_squeeze %dma_wait3A_39 : memref<1x1x125xi32, #tpu.memory_space<hbm>> -> memref<125xi32, #tpu.memory_space<hbm>>
    %dma_wait3A_41 = arith.constant 0 : i32
    %dma_wait3A_42 = tpu.memref_slice %arg3[%add3A, %dma_wait3A_37, %dma_wait3A_41] : memref<32x80x125xi32, #tpu.memory_space<hbm>> -> memref<1x1x125xi32, #tpu.memory_space<hbm>>
    %dma_wait3A_43 = tpu.memref_squeeze %dma_wait3A_42 : memref<1x1x125xi32, #tpu.memory_space<hbm>> -> memref<125xi32, #tpu.memory_space<hbm>>
    tpu.wait_dma2 semaphore(%arg16 : memref<!tpu.dma_semaphore, #tpu.memory_space<semaphore_mem>>) src(%dma_wait3A_43 : memref<125xi32, #tpu.memory_space<hbm>>) dst(%arg10 : memref<125xi32, #tpu.memory_space<vmem>>)
    %dma_start3A_44 = arith.constant 0 : i32
    %dma_start3A_45 = arith.constant 0 : i32
    %dma_start3A_46 = tpu.memref_slice %arg2[%dma_start3A_44, %dma_start3A_45] : memref<10000x128xf32, #tpu.memory_space<hbm>> -> memref<10000x128xf32, #tpu.memory_space<hbm>>
    tpu.enqueue_indirect_dma source(%dma_start3A_46 : memref<10000x128xf32, #tpu.memory_space<hbm>>) target(%arg14 : memref<125x128xf32, #tpu.memory_space<vmem>>) offsets(%arg10 : memref<125xi32, #tpu.memory_space<vmem>>) semaphore(%arg20 : memref<!tpu.dma_semaphore, #tpu.memory_space<semaphore_mem>>)
    %mul3A_47 = arith.constant 640 : i32
    %mul3A_48 = arith.muli %arg1, %mul3A_47 : i32
    "tpu.region"() ({
      %run_scoped3A = tpu.sem_alloc : memref<!tpu.dma_semaphore, #tpu.memory_space<semaphore_mem>>
      %dma_start3A_84 = arith.constant 0 : i32
      %dma_start3A_85 = tpu.memref_slice %arg8[%mul3A_48, %dma_start3A_84] : memref<10240x128xf32, #tpu.memory_space<vmem_shared>> -> memref<640x128xf32, #tpu.memory_space<vmem_shared>>
      tpu.enqueue_dma source(%arg5 : memref<640x128xf32, #tpu.memory_space<hbm>>) target(%dma_start3A_85 : memref<640x128xf32, #tpu.memory_space<vmem_shared>>) target_semaphore(%run_scoped3A : memref<!tpu.dma_semaphore, #tpu.memory_space<semaphore_mem>>)
      %dma_wait3A_86 = arith.constant 0 : i32
      %dma_wait3A_87 = tpu.memref_slice %arg8[%mul3A_48, %dma_wait3A_86] : memref<10240x128xf32, #tpu.memory_space<vmem_shared>> -> memref<640x128xf32, #tpu.memory_space<vmem_shared>>
      tpu.wait_dma2 semaphore(%run_scoped3A : memref<!tpu.dma_semaphore, #tpu.memory_space<semaphore_mem>>) src(%arg5 : memref<640x128xf32, #tpu.memory_space<hbm>>) dst(%dma_wait3A_87 : memref<640x128xf32, #tpu.memory_space<vmem_shared>>)
      tpu.yield
    }) : () -> ()
    %barrier3A = arith.constant 0 : index
    tpu.barrier barrier_id(%barrier3A)
    %scan3A = arith.constant 0 : i32
    %scan3A_49 = arith.constant 0 : i32
    %scan3A_50 = arith.constant 39 : i32
    %scan3A_51 = arith.addi %scan3A_49, %scan3A_50 : i32
    %scan3A_52 = arith.constant 1 : i32
    scf.for %scan3A_84 = %scan3A_49 to %scan3A_51 step %scan3A_52  : i32 {
      %mul3A_85 = arith.constant 2 : i32
      %mul3A_86 = arith.muli %mul3A_85, %scan3A_84 : i32
      %mul3A_87 = arith.constant 2 : i32
      %mul3A_88 = arith.muli %mul3A_87, %scan3A_84 : i32
      %add3A_89 = arith.constant 2 : i32
      %add3A_90 = arith.addi %mul3A_88, %add3A_89 : i32
      %dma_wait3A_91 = arith.constant 0 : i32
      %dma_wait3A_92 = arith.constant 0 : i32
      %dma_wait3A_93 = tpu.memref_slice %arg2[%dma_wait3A_91, %dma_wait3A_92] : memref<10000x128xf32, #tpu.memory_space<hbm>> -> memref<10000x128xf32, #tpu.memory_space<hbm>>
      tpu.wait_indirect_dma semaphore(%arg19 : memref<!tpu.dma_semaphore, #tpu.memory_space<semaphore_mem>>) src(%dma_wait3A_93 : memref<10000x128xf32, #tpu.memory_space<hbm>>) dst(%arg13 : memref<125x128xf32, #tpu.memory_space<vmem>>)
      %dma_start3A_94 = arith.constant 0 : i32
      %dma_start3A_95 = tpu.memref_slice %arg3[%add3A, %add3A_90, %dma_start3A_94] : memref<32x80x125xi32, #tpu.memory_space<hbm>> -> memref<1x1x125xi32, #tpu.memory_space<hbm>>
      %dma_start3A_96 = tpu.memref_squeeze %dma_start3A_95 : memref<1x1x125xi32, #tpu.memory_space<hbm>> -> memref<125xi32, #tpu.memory_space<hbm>>
      %dma_start3A_97 = arith.constant 0 : i32
      %dma_start3A_98 = tpu.memref_slice %arg3[%add3A, %add3A_90, %dma_start3A_97] : memref<32x80x125xi32, #tpu.memory_space<hbm>> -> memref<1x1x125xi32, #tpu.memory_space<hbm>>
      %dma_start3A_99 = tpu.memref_squeeze %dma_start3A_98 : memref<1x1x125xi32, #tpu.memory_space<hbm>> -> memref<125xi32, #tpu.memory_space<hbm>>
      tpu.enqueue_dma source(%dma_start3A_99 : memref<125xi32, #tpu.memory_space<hbm>>) target(%arg9 : memref<125xi32, #tpu.memory_space<vmem>>) target_semaphore(%arg15 : memref<!tpu.dma_semaphore, #tpu.memory_space<semaphore_mem>>)
      %dma_wait3A_100 = arith.constant 0 : i32
      %dma_wait3A_101 = arith.constant 0 : i32
      %dma_wait3A_102 = tpu.memref_slice %arg4[%add3A, %dma_wait3A_100, %dma_wait3A_101] : memref<32x80x125xi32, #tpu.memory_space<hbm>> -> memref<1x1x125xi32, #tpu.memory_space<hbm>>
      %dma_wait3A_103 = tpu.memref_squeeze %dma_wait3A_102 : memref<1x1x125xi32, #tpu.memory_space<hbm>> -> memref<125xi32, #tpu.memory_space<hbm>>
      %dma_wait3A_104 = arith.constant 0 : i32
      %dma_wait3A_105 = tpu.memref_slice %arg4[%add3A, %dma_wait3A_100, %dma_wait3A_104] : memref<32x80x125xi32, #tpu.memory_space<hbm>> -> memref<1x1x125xi32, #tpu.memory_space<hbm>>
      %dma_wait3A_106 = tpu.memref_squeeze %dma_wait3A_105 : memref<1x1x125xi32, #tpu.memory_space<hbm>> -> memref<125xi32, #tpu.memory_space<hbm>>
      tpu.wait_dma2 semaphore(%arg17 : memref<!tpu.dma_semaphore, #tpu.memory_space<semaphore_mem>>) src(%dma_wait3A_106 : memref<125xi32, #tpu.memory_space<hbm>>) dst(%arg11 : memref<125xi32, #tpu.memory_space<vmem>>)
      "tpu.region"() ({
        %run_scoped3A = tpu.sem_alloc : memref<!tpu.dma_semaphore, #tpu.memory_space<semaphore_mem>>
        %dma_start3A_163 = arith.constant 0 : i32
        %dma_start3A_164 = arith.constant 0 : i32
        %dma_start3A_165 = tpu.memref_slice %arg8[%dma_start3A_163, %dma_start3A_164] : memref<10240x128xf32, #tpu.memory_space<vmem_shared>> -> memref<10240x128xf32, #tpu.memory_space<vmem_shared>>
        tpu.enqueue_indirect_dma source(%arg13 : memref<125x128xf32, #tpu.memory_space<vmem>>) target(%dma_start3A_165 : memref<10240x128xf32, #tpu.memory_space<vmem_shared>>) offsets(%arg11 : memref<125xi32, #tpu.memory_space<vmem>>) semaphore(%run_scoped3A : memref<!tpu.dma_semaphore, #tpu.memory_space<semaphore_mem>>) {add = true}
        %dma_wait3A_166 = arith.constant 0 : i32
        %dma_wait3A_167 = arith.constant 0 : i32
        %dma_wait3A_168 = tpu.memref_slice %arg8[%dma_wait3A_166, %dma_wait3A_167] : memref<10240x128xf32, #tpu.memory_space<vmem_shared>> -> memref<10240x128xf32, #tpu.memory_space<vmem_shared>>
        tpu.wait_indirect_dma semaphore(%run_scoped3A : memref<!tpu.dma_semaphore, #tpu.memory_space<semaphore_mem>>) src(%arg13 : memref<125x128xf32, #tpu.memory_space<vmem>>) dst(%dma_wait3A_168 : memref<10240x128xf32, #tpu.memory_space<vmem_shared>>)
        tpu.yield
      }) : () -> ()
      %dma_start3A_107 = arith.constant 0 : i32
      %dma_start3A_108 = tpu.memref_slice %arg4[%add3A, %add3A_90, %dma_start3A_107] : memref<32x80x125xi32, #tpu.memory_space<hbm>> -> memref<1x1x125xi32, #tpu.memory_space<hbm>>
      %dma_start3A_109 = tpu.memref_squeeze %dma_start3A_108 : memref<1x1x125xi32, #tpu.memory_space<hbm>> -> memref<125xi32, #tpu.memory_space<hbm>>
      %dma_start3A_110 = arith.constant 0 : i32
      %dma_start3A_111 = tpu.memref_slice %arg4[%add3A, %add3A_90, %dma_start3A_110] : memref<32x80x125xi32, #tpu.memory_space<hbm>> -> memref<1x1x125xi32, #tpu.memory_space<hbm>>
      %dma_start3A_112 = tpu.memref_squeeze %dma_start3A_111 : memref<1x1x125xi32, #tpu.memory_space<hbm>> -> memref<125xi32, #tpu.memory_space<hbm>>
      tpu.enqueue_dma source(%dma_start3A_112 : memref<125xi32, #tpu.memory_space<hbm>>) target(%arg11 : memref<125xi32, #tpu.memory_space<vmem>>) target_semaphore(%arg17 : memref<!tpu.dma_semaphore, #tpu.memory_space<semaphore_mem>>)
      %dma_wait3A_113 = arith.constant 0 : i32
      %dma_wait3A_114 = arith.constant 0 : i32
      %dma_wait3A_115 = tpu.memref_slice %arg3[%add3A, %dma_wait3A_113, %dma_wait3A_114] : memref<32x80x125xi32, #tpu.memory_space<hbm>> -> memref<1x1x125xi32, #tpu.memory_space<hbm>>
      %dma_wait3A_116 = tpu.memref_squeeze %dma_wait3A_115 : memref<1x1x125xi32, #tpu.memory_space<hbm>> -> memref<125xi32, #tpu.memory_space<hbm>>
      %dma_wait3A_117 = arith.constant 0 : i32
      %dma_wait3A_118 = tpu.memref_slice %arg3[%add3A, %dma_wait3A_113, %dma_wait3A_117] : memref<32x80x125xi32, #tpu.memory_space<hbm>> -> memref<1x1x125xi32, #tpu.memory_space<hbm>>
      %dma_wait3A_119 = tpu.memref_squeeze %dma_wait3A_118 : memref<1x1x125xi32, #tpu.memory_space<hbm>> -> memref<125xi32, #tpu.memory_space<hbm>>
      tpu.wait_dma2 semaphore(%arg15 : memref<!tpu.dma_semaphore, #tpu.memory_space<semaphore_mem>>) src(%dma_wait3A_119 : memref<125xi32, #tpu.memory_space<hbm>>) dst(%arg9 : memref<125xi32, #tpu.memory_space<vmem>>)
      %dma_start3A_120 = arith.constant 0 : i32
      %dma_start3A_121 = arith.constant 0 : i32
      %dma_start3A_122 = tpu.memref_slice %arg2[%dma_start3A_120, %dma_start3A_121] : memref<10000x128xf32, #tpu.memory_space<hbm>> -> memref<10000x128xf32, #tpu.memory_space<hbm>>
      tpu.enqueue_indirect_dma source(%dma_start3A_122 : memref<10000x128xf32, #tpu.memory_space<hbm>>) target(%arg13 : memref<125x128xf32, #tpu.memory_space<vmem>>) offsets(%arg9 : memref<125xi32, #tpu.memory_space<vmem>>) semaphore(%arg19 : memref<!tpu.dma_semaphore, #tpu.memory_space<semaphore_mem>>)
      %mul3A_123 = arith.constant 2 : i32
      %mul3A_124 = arith.muli %mul3A_123, %scan3A_84 : i32
      %add3A_125 = arith.constant 1 : i32
      %add3A_126 = arith.addi %mul3A_124, %add3A_125 : i32
      %mul3A_127 = arith.constant 2 : i32
      %mul3A_128 = arith.muli %mul3A_127, %scan3A_84 : i32
      %add3A_129 = arith.constant 3 : i32
      %add3A_130 = arith.addi %mul3A_128, %add3A_129 : i32
      %dma_wait3A_131 = arith.constant 0 : i32
      %dma_wait3A_132 = arith.constant 0 : i32
      %dma_wait3A_133 = tpu.memref_slice %arg2[%dma_wait3A_131, %dma_wait3A_132] : memref<10000x128xf32, #tpu.memory_space<hbm>> -> memref<10000x128xf32, #tpu.memory_space<hbm>>
      tpu.wait_indirect_dma semaphore(%arg20 : memref<!tpu.dma_semaphore, #tpu.memory_space<semaphore_mem>>) src(%dma_wait3A_133 : memref<10000x128xf32, #tpu.memory_space<hbm>>) dst(%arg14 : memref<125x128xf32, #tpu.memory_space<vmem>>)
      %dma_start3A_134 = arith.constant 0 : i32
      %dma_start3A_135 = tpu.memref_slice %arg3[%add3A, %add3A_130, %dma_start3A_134] : memref<32x80x125xi32, #tpu.memory_space<hbm>> -> memref<1x1x125xi32, #tpu.memory_space<hbm>>
      %dma_start3A_136 = tpu.memref_squeeze %dma_start3A_135 : memref<1x1x125xi32, #tpu.memory_space<hbm>> -> memref<125xi32, #tpu.memory_space<hbm>>
      %dma_start3A_137 = arith.constant 0 : i32
      %dma_start3A_138 = tpu.memref_slice %arg3[%add3A, %add3A_130, %dma_start3A_137] : memref<32x80x125xi32, #tpu.memory_space<hbm>> -> memref<1x1x125xi32, #tpu.memory_space<hbm>>
      %dma_start3A_139 = tpu.memref_squeeze %dma_start3A_138 : memref<1x1x125xi32, #tpu.memory_space<hbm>> -> memref<125xi32, #tpu.memory_space<hbm>>
      tpu.enqueue_dma source(%dma_start3A_139 : memref<125xi32, #tpu.memory_space<hbm>>) target(%arg10 : memref<125xi32, #tpu.memory_space<vmem>>) target_semaphore(%arg16 : memref<!tpu.dma_semaphore, #tpu.memory_space<semaphore_mem>>)
      %dma_wait3A_140 = arith.constant 0 : i32
      %dma_wait3A_141 = arith.constant 0 : i32
      %dma_wait3A_142 = tpu.memref_slice %arg4[%add3A, %dma_wait3A_140, %dma_wait3A_141] : memref<32x80x125xi32, #tpu.memory_space<hbm>> -> memref<1x1x125xi32, #tpu.memory_space<hbm>>
      %dma_wait3A_143 = tpu.memref_squeeze %dma_wait3A_142 : memref<1x1x125xi32, #tpu.memory_space<hbm>> -> memref<125xi32, #tpu.memory_space<hbm>>
      %dma_wait3A_144 = arith.constant 0 : i32
      %dma_wait3A_145 = tpu.memref_slice %arg4[%add3A, %dma_wait3A_140, %dma_wait3A_144] : memref<32x80x125xi32, #tpu.memory_space<hbm>> -> memref<1x1x125xi32, #tpu.memory_space<hbm>>
      %dma_wait3A_146 = tpu.memref_squeeze %dma_wait3A_145 : memref<1x1x125xi32, #tpu.memory_space<hbm>> -> memref<125xi32, #tpu.memory_space<hbm>>
      tpu.wait_dma2 semaphore(%arg18 : memref<!tpu.dma_semaphore, #tpu.memory_space<semaphore_mem>>) src(%dma_wait3A_146 : memref<125xi32, #tpu.memory_space<hbm>>) dst(%arg12 : memref<125xi32, #tpu.memory_space<vmem>>)
      "tpu.region"() ({
        %run_scoped3A = tpu.sem_alloc : memref<!tpu.dma_semaphore, #tpu.memory_space<semaphore_mem>>
        %dma_start3A_163 = arith.constant 0 : i32
        %dma_start3A_164 = arith.constant 0 : i32
        %dma_start3A_165 = tpu.memref_slice %arg8[%dma_start3A_163, %dma_start3A_164] : memref<10240x128xf32, #tpu.memory_space<vmem_shared>> -> memref<10240x128xf32, #tpu.memory_space<vmem_shared>>
        tpu.enqueue_indirect_dma source(%arg14 : memref<125x128xf32, #tpu.memory_space<vmem>>) target(%dma_start3A_165 : memref<10240x128xf32, #tpu.memory_space<vmem_shared>>) offsets(%arg12 : memref<125xi32, #tpu.memory_space<vmem>>) semaphore(%run_scoped3A : memref<!tpu.dma_semaphore, #tpu.memory_space<semaphore_mem>>) {add = true}
        %dma_wait3A_166 = arith.constant 0 : i32
        %dma_wait3A_167 = arith.constant 0 : i32
        %dma_wait3A_168 = tpu.memref_slice %arg8[%dma_wait3A_166, %dma_wait3A_167] : memref<10240x128xf32, #tpu.memory_space<vmem_shared>> -> memref<10240x128xf32, #tpu.memory_space<vmem_shared>>
        tpu.wait_indirect_dma semaphore(%run_scoped3A : memref<!tpu.dma_semaphore, #tpu.memory_space<semaphore_mem>>) src(%arg14 : memref<125x128xf32, #tpu.memory_space<vmem>>) dst(%dma_wait3A_168 : memref<10240x128xf32, #tpu.memory_space<vmem_shared>>)
        tpu.yield
      }) : () -> ()
      %dma_start3A_147 = arith.constant 0 : i32
      %dma_start3A_148 = tpu.memref_slice %arg4[%add3A, %add3A_130, %dma_start3A_147] : memref<32x80x125xi32, #tpu.memory_space<hbm>> -> memref<1x1x125xi32, #tpu.memory_space<hbm>>
      %dma_start3A_149 = tpu.memref_squeeze %dma_start3A_148 : memref<1x1x125xi32, #tpu.memory_space<hbm>> -> memref<125xi32, #tpu.memory_space<hbm>>
      %dma_start3A_150 = arith.constant 0 : i32
      %dma_start3A_151 = tpu.memref_slice %arg4[%add3A, %add3A_130, %dma_start3A_150] : memref<32x80x125xi32, #tpu.memory_space<hbm>> -> memref<1x1x125xi32, #tpu.memory_space<hbm>>
      %dma_start3A_152 = tpu.memref_squeeze %dma_start3A_151 : memref<1x1x125xi32, #tpu.memory_space<hbm>> -> memref<125xi32, #tpu.memory_space<hbm>>
      tpu.enqueue_dma source(%dma_start3A_152 : memref<125xi32, #tpu.memory_space<hbm>>) target(%arg12 : memref<125xi32, #tpu.memory_space<vmem>>) target_semaphore(%arg18 : memref<!tpu.dma_semaphore, #tpu.memory_space<semaphore_mem>>)
      %dma_wait3A_153 = arith.constant 0 : i32
      %dma_wait3A_154 = arith.constant 0 : i32
      %dma_wait3A_155 = tpu.memref_slice %arg3[%add3A, %dma_wait3A_153, %dma_wait3A_154] : memref<32x80x125xi32, #tpu.memory_space<hbm>> -> memref<1x1x125xi32, #tpu.memory_space<hbm>>
      %dma_wait3A_156 = tpu.memref_squeeze %dma_wait3A_155 : memref<1x1x125xi32, #tpu.memory_space<hbm>> -> memref<125xi32, #tpu.memory_space<hbm>>
      %dma_wait3A_157 = arith.constant 0 : i32
      %dma_wait3A_158 = tpu.memref_slice %arg3[%add3A, %dma_wait3A_153, %dma_wait3A_157] : memref<32x80x125xi32, #tpu.memory_space<hbm>> -> memref<1x1x125xi32, #tpu.memory_space<hbm>>
      %dma_wait3A_159 = tpu.memref_squeeze %dma_wait3A_158 : memref<1x1x125xi32, #tpu.memory_space<hbm>> -> memref<125xi32, #tpu.memory_space<hbm>>
      tpu.wait_dma2 semaphore(%arg16 : memref<!tpu.dma_semaphore, #tpu.memory_space<semaphore_mem>>) src(%dma_wait3A_159 : memref<125xi32, #tpu.memory_space<hbm>>) dst(%arg10 : memref<125xi32, #tpu.memory_space<vmem>>)
      %dma_start3A_160 = arith.constant 0 : i32
      %dma_start3A_161 = arith.constant 0 : i32
      %dma_start3A_162 = tpu.memref_slice %arg2[%dma_start3A_160, %dma_start3A_161] : memref<10000x128xf32, #tpu.memory_space<hbm>> -> memref<10000x128xf32, #tpu.memory_space<hbm>>
      tpu.enqueue_indirect_dma source(%dma_start3A_162 : memref<10000x128xf32, #tpu.memory_space<hbm>>) target(%arg14 : memref<125x128xf32, #tpu.memory_space<vmem>>) offsets(%arg10 : memref<125xi32, #tpu.memory_space<vmem>>) semaphore(%arg20 : memref<!tpu.dma_semaphore, #tpu.memory_space<semaphore_mem>>)
    }
    %scan3A_53 = arith.constant 39 : i32
    %dma_wait3A_54 = arith.constant 0 : i32
    %dma_wait3A_55 = arith.constant 0 : i32
    %dma_wait3A_56 = tpu.memref_slice %arg2[%dma_wait3A_54, %dma_wait3A_55] : memref<10000x128xf32, #tpu.memory_space<hbm>> -> memref<10000x128xf32, #tpu.memory_space<hbm>>
    tpu.wait_indirect_dma semaphore(%arg19 : memref<!tpu.dma_semaphore, #tpu.memory_space<semaphore_mem>>) src(%dma_wait3A_56 : memref<10000x128xf32, #tpu.memory_space<hbm>>) dst(%arg13 : memref<125x128xf32, #tpu.memory_space<vmem>>)
    %dma_wait3A_57 = arith.constant 0 : i32
    %dma_wait3A_58 = arith.constant 0 : i32
    %dma_wait3A_59 = tpu.memref_slice %arg4[%add3A, %dma_wait3A_57, %dma_wait3A_58] : memref<32x80x125xi32, #tpu.memory_space<hbm>> -> memref<1x1x125xi32, #tpu.memory_space<hbm>>
    %dma_wait3A_60 = tpu.memref_squeeze %dma_wait3A_59 : memref<1x1x125xi32, #tpu.memory_space<hbm>> -> memref<125xi32, #tpu.memory_space<hbm>>
    %dma_wait3A_61 = arith.constant 0 : i32
    %dma_wait3A_62 = tpu.memref_slice %arg4[%add3A, %dma_wait3A_57, %dma_wait3A_61] : memref<32x80x125xi32, #tpu.memory_space<hbm>> -> memref<1x1x125xi32, #tpu.memory_space<hbm>>
    %dma_wait3A_63 = tpu.memref_squeeze %dma_wait3A_62 : memref<1x1x125xi32, #tpu.memory_space<hbm>> -> memref<125xi32, #tpu.memory_space<hbm>>
    tpu.wait_dma2 semaphore(%arg17 : memref<!tpu.dma_semaphore, #tpu.memory_space<semaphore_mem>>) src(%dma_wait3A_63 : memref<125xi32, #tpu.memory_space<hbm>>) dst(%arg11 : memref<125xi32, #tpu.memory_space<vmem>>)
    "tpu.region"() ({
      %run_scoped3A = tpu.sem_alloc : memref<!tpu.dma_semaphore, #tpu.memory_space<semaphore_mem>>
      %dma_start3A_84 = arith.constant 0 : i32
      %dma_start3A_85 = arith.constant 0 : i32
      %dma_start3A_86 = tpu.memref_slice %arg8[%dma_start3A_84, %dma_start3A_85] : memref<10240x128xf32, #tpu.memory_space<vmem_shared>> -> memref<10240x128xf32, #tpu.memory_space<vmem_shared>>
      tpu.enqueue_indirect_dma source(%arg13 : memref<125x128xf32, #tpu.memory_space<vmem>>) target(%dma_start3A_86 : memref<10240x128xf32, #tpu.memory_space<vmem_shared>>) offsets(%arg11 : memref<125xi32, #tpu.memory_space<vmem>>) semaphore(%run_scoped3A : memref<!tpu.dma_semaphore, #tpu.memory_space<semaphore_mem>>) {add = true}
      %dma_wait3A_87 = arith.constant 0 : i32
      %dma_wait3A_88 = arith.constant 0 : i32
      %dma_wait3A_89 = tpu.memref_slice %arg8[%dma_wait3A_87, %dma_wait3A_88] : memref<10240x128xf32, #tpu.memory_space<vmem_shared>> -> memref<10240x128xf32, #tpu.memory_space<vmem_shared>>
      tpu.wait_indirect_dma semaphore(%run_scoped3A : memref<!tpu.dma_semaphore, #tpu.memory_space<semaphore_mem>>) src(%arg13 : memref<125x128xf32, #tpu.memory_space<vmem>>) dst(%dma_wait3A_89 : memref<10240x128xf32, #tpu.memory_space<vmem_shared>>)
      tpu.yield
    }) : () -> ()
    %dma_wait3A_64 = arith.constant 0 : i32
    %dma_wait3A_65 = arith.constant 0 : i32
    %dma_wait3A_66 = tpu.memref_slice %arg2[%dma_wait3A_64, %dma_wait3A_65] : memref<10000x128xf32, #tpu.memory_space<hbm>> -> memref<10000x128xf32, #tpu.memory_space<hbm>>
    tpu.wait_indirect_dma semaphore(%arg20 : memref<!tpu.dma_semaphore, #tpu.memory_space<semaphore_mem>>) src(%dma_wait3A_66 : memref<10000x128xf32, #tpu.memory_space<hbm>>) dst(%arg14 : memref<125x128xf32, #tpu.memory_space<vmem>>)
    %dma_wait3A_67 = arith.constant 0 : i32
    %dma_wait3A_68 = arith.constant 0 : i32
    %dma_wait3A_69 = tpu.memref_slice %arg4[%add3A, %dma_wait3A_67, %dma_wait3A_68] : memref<32x80x125xi32, #tpu.memory_space<hbm>> -> memref<1x1x125xi32, #tpu.memory_space<hbm>>
    %dma_wait3A_70 = tpu.memref_squeeze %dma_wait3A_69 : memref<1x1x125xi32, #tpu.memory_space<hbm>> -> memref<125xi32, #tpu.memory_space<hbm>>
    %dma_wait3A_71 = arith.constant 0 : i32
    %dma_wait3A_72 = tpu.memref_slice %arg4[%add3A, %dma_wait3A_67, %dma_wait3A_71] : memref<32x80x125xi32, #tpu.memory_space<hbm>> -> memref<1x1x125xi32, #tpu.memory_space<hbm>>
    %dma_wait3A_73 = tpu.memref_squeeze %dma_wait3A_72 : memref<1x1x125xi32, #tpu.memory_space<hbm>> -> memref<125xi32, #tpu.memory_space<hbm>>
    tpu.wait_dma2 semaphore(%arg18 : memref<!tpu.dma_semaphore, #tpu.memory_space<semaphore_mem>>) src(%dma_wait3A_73 : memref<125xi32, #tpu.memory_space<hbm>>) dst(%arg12 : memref<125xi32, #tpu.memory_space<vmem>>)
    "tpu.region"() ({
      %run_scoped3A = tpu.sem_alloc : memref<!tpu.dma_semaphore, #tpu.memory_space<semaphore_mem>>
      %dma_start3A_84 = arith.constant 0 : i32
      %dma_start3A_85 = arith.constant 0 : i32
      %dma_start3A_86 = tpu.memref_slice %arg8[%dma_start3A_84, %dma_start3A_85] : memref<10240x128xf32, #tpu.memory_space<vmem_shared>> -> memref<10240x128xf32, #tpu.memory_space<vmem_shared>>
      tpu.enqueue_indirect_dma source(%arg14 : memref<125x128xf32, #tpu.memory_space<vmem>>) target(%dma_start3A_86 : memref<10240x128xf32, #tpu.memory_space<vmem_shared>>) offsets(%arg12 : memref<125xi32, #tpu.memory_space<vmem>>) semaphore(%run_scoped3A : memref<!tpu.dma_semaphore, #tpu.memory_space<semaphore_mem>>) {add = true}
      %dma_wait3A_87 = arith.constant 0 : i32
      %dma_wait3A_88 = arith.constant 0 : i32
      %dma_wait3A_89 = tpu.memref_slice %arg8[%dma_wait3A_87, %dma_wait3A_88] : memref<10240x128xf32, #tpu.memory_space<vmem_shared>> -> memref<10240x128xf32, #tpu.memory_space<vmem_shared>>
      tpu.wait_indirect_dma semaphore(%run_scoped3A : memref<!tpu.dma_semaphore, #tpu.memory_space<semaphore_mem>>) src(%arg14 : memref<125x128xf32, #tpu.memory_space<vmem>>) dst(%dma_wait3A_89 : memref<10240x128xf32, #tpu.memory_space<vmem_shared>>)
      tpu.yield
    }) : () -> ()
    %barrier3A_74 = arith.constant 0 : index
    tpu.barrier barrier_id(%barrier3A_74)
    %mul3A_75 = arith.constant 640 : i32
    %mul3A_76 = arith.muli %arg1, %mul3A_75 : i32
    %eq3A = arith.constant 0 : i32
    %eq3A_77 = arith.cmpi eq, %arg0, %eq3A : i32
    %convert_element_type3A = arith.extui %eq3A_77 : i1 to i32
    %cond3A = arith.constant 0 : i32
    %cond3A_78 = arith.cmpi ne, %convert_element_type3A, %cond3A : i32
    scf.if %cond3A_78 {
      "tpu.region"() ({
        %run_scoped3A = tpu.sem_alloc : memref<!tpu.dma_semaphore, #tpu.memory_space<semaphore_mem>>
        %dma_start3A_84 = arith.constant 0 : i32
        %dma_start3A_85 = tpu.memref_slice %arg6[%mul3A_76, %dma_start3A_84] : memref<10240x128xf32, #tpu.memory_space<hbm>> -> memref<640x128xf32, #tpu.memory_space<hbm>>
        %dma_start3A_86 = arith.constant 0 : i32
        %dma_start3A_87 = tpu.memref_slice %arg8[%mul3A_76, %dma_start3A_86] : memref<10240x128xf32, #tpu.memory_space<vmem_shared>> -> memref<640x128xf32, #tpu.memory_space<vmem_shared>>
        tpu.enqueue_dma source(%dma_start3A_87 : memref<640x128xf32, #tpu.memory_space<vmem_shared>>) target(%dma_start3A_85 : memref<640x128xf32, #tpu.memory_space<hbm>>) target_semaphore(%run_scoped3A : memref<!tpu.dma_semaphore, #tpu.memory_space<semaphore_mem>>)
        %dma_wait3A_88 = arith.constant 0 : i32
        %dma_wait3A_89 = tpu.memref_slice %arg6[%mul3A_76, %dma_wait3A_88] : memref<10240x128xf32, #tpu.memory_space<hbm>> -> memref<640x128xf32, #tpu.memory_space<hbm>>
        %dma_wait3A_90 = arith.constant 0 : i32
        %dma_wait3A_91 = tpu.memref_slice %arg8[%mul3A_76, %dma_wait3A_90] : memref<10240x128xf32, #tpu.memory_space<vmem_shared>> -> memref<640x128xf32, #tpu.memory_space<vmem_shared>>
        tpu.wait_dma2 semaphore(%run_scoped3A : memref<!tpu.dma_semaphore, #tpu.memory_space<semaphore_mem>>) src(%dma_wait3A_91 : memref<640x128xf32, #tpu.memory_space<vmem_shared>>) dst(%dma_wait3A_89 : memref<640x128xf32, #tpu.memory_space<hbm>>)
        tpu.yield
      }) : () -> ()
    } else {
    }
    %eq3A_79 = arith.constant 1 : i32
    %eq3A_80 = arith.cmpi eq, %arg0, %eq3A_79 : i32
    %convert_element_type3A_81 = arith.extui %eq3A_80 : i1 to i32
    %cond3A_82 = arith.constant 0 : i32
    %cond3A_83 = arith.cmpi ne, %convert_element_type3A_81, %cond3A_82 : i32
    scf.if %cond3A_83 {
      "tpu.region"() ({
        %run_scoped3A = tpu.sem_alloc : memref<!tpu.dma_semaphore, #tpu.memory_space<semaphore_mem>>
        %dma_start3A_84 = arith.constant 0 : i32
        %dma_start3A_85 = tpu.memref_slice %arg7[%mul3A_76, %dma_start3A_84] : memref<10240x128xf32, #tpu.memory_space<hbm>> -> memref<640x128xf32, #tpu.memory_space<hbm>>
        %dma_start3A_86 = arith.constant 0 : i32
        %dma_start3A_87 = tpu.memref_slice %arg8[%mul3A_76, %dma_start3A_86] : memref<10240x128xf32, #tpu.memory_space<vmem_shared>> -> memref<640x128xf32, #tpu.memory_space<vmem_shared>>
        tpu.enqueue_dma source(%dma_start3A_87 : memref<640x128xf32, #tpu.memory_space<vmem_shared>>) target(%dma_start3A_85 : memref<640x128xf32, #tpu.memory_space<hbm>>) target_semaphore(%run_scoped3A : memref<!tpu.dma_semaphore, #tpu.memory_space<semaphore_mem>>)
        %dma_wait3A_88 = arith.constant 0 : i32
        %dma_wait3A_89 = tpu.memref_slice %arg7[%mul3A_76, %dma_wait3A_88] : memref<10240x128xf32, #tpu.memory_space<hbm>> -> memref<640x128xf32, #tpu.memory_space<hbm>>
        %dma_wait3A_90 = arith.constant 0 : i32
        %dma_wait3A_91 = tpu.memref_slice %arg8[%mul3A_76, %dma_wait3A_90] : memref<10240x128xf32, #tpu.memory_space<vmem_shared>> -> memref<640x128xf32, #tpu.memory_space<vmem_shared>>
        tpu.wait_dma2 semaphore(%run_scoped3A : memref<!tpu.dma_semaphore, #tpu.memory_space<semaphore_mem>>) src(%dma_wait3A_91 : memref<640x128xf32, #tpu.memory_space<vmem_shared>>) dst(%dma_wait3A_89 : memref<640x128xf32, #tpu.memory_space<hbm>>)
        tpu.yield
      }) : () -> ()
    } else {
    }
    return
  }
}

#map = affine_map<(d0, d1) -> (0, 0)>
#map1 = affine_map<(d0, d1) -> (0, 0, 0)>
module attributes {stable_mosaic.version = 14 : i64} {
  func.func @_seg_body(%arg0: i32, %arg1: i32, %arg2: memref<10000x128xf32, #tpu.memory_space<hbm>>, %arg3: memref<32x80x125xi32, #tpu.memory_space<hbm>>, %arg4: memref<32x80x125xi32, #tpu.memory_space<hbm>>, %arg5: memref<640x128xf32, #tpu.memory_space<hbm>>, %arg6: memref<10240x128xf32, #tpu.memory_space<hbm>>, %arg7: memref<10240x128xf32, #tpu.memory_space<hbm>>, %arg8: memref<10240x128xf32, #tpu.memory_space<vmem_shared>>, %arg9: memref<125xi32, #tpu.memory_space<vmem>>, %arg10: memref<125xi32, #tpu.memory_space<vmem>>, %arg11: memref<125xi32, #tpu.memory_space<vmem>>, %arg12: memref<125xi32, #tpu.memory_space<vmem>>, %arg13: memref<125x128xf32, #tpu.memory_space<vmem>>, %arg14: memref<125x128xf32, #tpu.memory_space<vmem>>, %arg15: memref<!tpu.dma_semaphore, #tpu.memory_space<semaphore_mem>>, %arg16: memref<!tpu.dma_semaphore, #tpu.memory_space<semaphore_mem>>, %arg17: memref<!tpu.dma_semaphore, #tpu.memory_space<semaphore_mem>>, %arg18: memref<!tpu.dma_semaphore, #tpu.memory_space<semaphore_mem>>, %arg19: memref<!tpu.dma_semaphore, #tpu.memory_space<semaphore_mem>>, %arg20: memref<!tpu.dma_semaphore, #tpu.memory_space<semaphore_mem>>) attributes {dimension_semantics = [#tpu.dimension_semantics<core_parallel>, #tpu.dimension_semantics<subcore_parallel>], iteration_bounds = array<i64: 2, 16>, scalar_prefetch = 0 : i64, scratch_operands = 13 : i64, tpu.core_type = #tpu.core_type<sc_vector_subcore>, window_params = [{transform_indices = #map}, {transform_indices = #map1}, {transform_indices = #map1}, {transform_indices = #map}, {transform_indices = #map}, {transform_indices = #map}]} {
    %mul3A = arith.constant 2 : i32
    %mul3A_0 = arith.muli %arg1, %mul3A : i32
    %add3A = arith.addi %mul3A_0, %arg0 : i32
    %dma_start3A = arith.constant 0 : i32
    %dma_start3A_1 = arith.constant 0 : i32
    %dma_start3A_2 = tpu.memref_slice %arg3[%add3A, %dma_start3A, %dma_start3A_1] : memref<32x80x125xi32, #tpu.memory_space<hbm>> -> memref<1x1x125xi32, #tpu.memory_space<hbm>>
    %dma_start3A_3 = tpu.memref_squeeze %dma_start3A_2 : memref<1x1x125xi32, #tpu.memory_space<hbm>> -> memref<125xi32, #tpu.memory_space<hbm>>
    %dma_start3A_4 = arith.constant 0 : i32
    %dma_start3A_5 = tpu.memref_slice %arg3[%add3A, %dma_start3A, %dma_start3A_4] : memref<32x80x125xi32, #tpu.memory_space<hbm>> -> memref<1x1x125xi32, #tpu.memory_space<hbm>>
    %dma_start3A_6 = tpu.memref_squeeze %dma_start3A_5 : memref<1x1x125xi32, #tpu.memory_space<hbm>> -> memref<125xi32, #tpu.memory_space<hbm>>
    tpu.enqueue_dma source(%dma_start3A_6 : memref<125xi32, #tpu.memory_space<hbm>>) target(%arg9 : memref<125xi32, #tpu.memory_space<vmem>>) target_semaphore(%arg15 : memref<!tpu.dma_semaphore, #tpu.memory_space<semaphore_mem>>)
    %dma_start3A_7 = arith.constant 0 : i32
    %dma_start3A_8 = arith.constant 0 : i32
    %dma_start3A_9 = tpu.memref_slice %arg4[%add3A, %dma_start3A_7, %dma_start3A_8] : memref<32x80x125xi32, #tpu.memory_space<hbm>> -> memref<1x1x125xi32, #tpu.memory_space<hbm>>
    %dma_start3A_10 = tpu.memref_squeeze %dma_start3A_9 : memref<1x1x125xi32, #tpu.memory_space<hbm>> -> memref<125xi32, #tpu.memory_space<hbm>>
    %dma_start3A_11 = arith.constant 0 : i32
    %dma_start3A_12 = tpu.memref_slice %arg4[%add3A, %dma_start3A_7, %dma_start3A_11] : memref<32x80x125xi32, #tpu.memory_space<hbm>> -> memref<1x1x125xi32, #tpu.memory_space<hbm>>
    %dma_start3A_13 = tpu.memref_squeeze %dma_start3A_12 : memref<1x1x125xi32, #tpu.memory_space<hbm>> -> memref<125xi32, #tpu.memory_space<hbm>>
    tpu.enqueue_dma source(%dma_start3A_13 : memref<125xi32, #tpu.memory_space<hbm>>) target(%arg11 : memref<125xi32, #tpu.memory_space<vmem>>) target_semaphore(%arg17 : memref<!tpu.dma_semaphore, #tpu.memory_space<semaphore_mem>>)
    %dma_start3A_14 = arith.constant 1 : i32
    %dma_start3A_15 = arith.constant 0 : i32
    %dma_start3A_16 = tpu.memref_slice %arg3[%add3A, %dma_start3A_14, %dma_start3A_15] : memref<32x80x125xi32, #tpu.memory_space<hbm>> -> memref<1x1x125xi32, #tpu.memory_space<hbm>>
    %dma_start3A_17 = tpu.memref_squeeze %dma_start3A_16 : memref<1x1x125xi32, #tpu.memory_space<hbm>> -> memref<125xi32, #tpu.memory_space<hbm>>
    %dma_start3A_18 = arith.constant 0 : i32
    %dma_start3A_19 = tpu.memref_slice %arg3[%add3A, %dma_start3A_14, %dma_start3A_18] : memref<32x80x125xi32, #tpu.memory_space<hbm>> -> memref<1x1x125xi32, #tpu.memory_space<hbm>>
    %dma_start3A_20 = tpu.memref_squeeze %dma_start3A_19 : memref<1x1x125xi32, #tpu.memory_space<hbm>> -> memref<125xi32, #tpu.memory_space<hbm>>
    tpu.enqueue_dma source(%dma_start3A_20 : memref<125xi32, #tpu.memory_space<hbm>>) target(%arg10 : memref<125xi32, #tpu.memory_space<vmem>>) target_semaphore(%arg16 : memref<!tpu.dma_semaphore, #tpu.memory_space<semaphore_mem>>)
    %dma_start3A_21 = arith.constant 1 : i32
    %dma_start3A_22 = arith.constant 0 : i32
    %dma_start3A_23 = tpu.memref_slice %arg4[%add3A, %dma_start3A_21, %dma_start3A_22] : memref<32x80x125xi32, #tpu.memory_space<hbm>> -> memref<1x1x125xi32, #tpu.memory_space<hbm>>
    %dma_start3A_24 = tpu.memref_squeeze %dma_start3A_23 : memref<1x1x125xi32, #tpu.memory_space<hbm>> -> memref<125xi32, #tpu.memory_space<hbm>>
    %dma_start3A_25 = arith.constant 0 : i32
    %dma_start3A_26 = tpu.memref_slice %arg4[%add3A, %dma_start3A_21, %dma_start3A_25] : memref<32x80x125xi32, #tpu.memory_space<hbm>> -> memref<1x1x125xi32, #tpu.memory_space<hbm>>
    %dma_start3A_27 = tpu.memref_squeeze %dma_start3A_26 : memref<1x1x125xi32, #tpu.memory_space<hbm>> -> memref<125xi32, #tpu.memory_space<hbm>>
    tpu.enqueue_dma source(%dma_start3A_27 : memref<125xi32, #tpu.memory_space<hbm>>) target(%arg12 : memref<125xi32, #tpu.memory_space<vmem>>) target_semaphore(%arg18 : memref<!tpu.dma_semaphore, #tpu.memory_space<semaphore_mem>>)
    %dma_wait3A = arith.constant 0 : i32
    %dma_wait3A_28 = arith.constant 0 : i32
    %dma_wait3A_29 = tpu.memref_slice %arg3[%add3A, %dma_wait3A, %dma_wait3A_28] : memref<32x80x125xi32, #tpu.memory_space<hbm>> -> memref<1x1x125xi32, #tpu.memory_space<hbm>>
    %dma_wait3A_30 = tpu.memref_squeeze %dma_wait3A_29 : memref<1x1x125xi32, #tpu.memory_space<hbm>> -> memref<125xi32, #tpu.memory_space<hbm>>
    %dma_wait3A_31 = arith.constant 0 : i32
    %dma_wait3A_32 = tpu.memref_slice %arg3[%add3A, %dma_wait3A, %dma_wait3A_31] : memref<32x80x125xi32, #tpu.memory_space<hbm>> -> memref<1x1x125xi32, #tpu.memory_space<hbm>>
    %dma_wait3A_33 = tpu.memref_squeeze %dma_wait3A_32 : memref<1x1x125xi32, #tpu.memory_space<hbm>> -> memref<125xi32, #tpu.memory_space<hbm>>
    tpu.wait_dma2 semaphore(%arg15 : memref<!tpu.dma_semaphore, #tpu.memory_space<semaphore_mem>>) src(%dma_wait3A_33 : memref<125xi32, #tpu.memory_space<hbm>>) dst(%arg9 : memref<125xi32, #tpu.memory_space<vmem>>)
    %dma_start3A_34 = arith.constant 0 : i32
    %dma_start3A_35 = arith.constant 0 : i32
    %dma_start3A_36 = tpu.memref_slice %arg2[%dma_start3A_34, %dma_start3A_35] : memref<10000x128xf32, #tpu.memory_space<hbm>> -> memref<10000x128xf32, #tpu.memory_space<hbm>>
    tpu.enqueue_indirect_dma source(%dma_start3A_36 : memref<10000x128xf32, #tpu.memory_space<hbm>>) target(%arg13 : memref<125x128xf32, #tpu.memory_space<vmem>>) offsets(%arg9 : memref<125xi32, #tpu.memory_space<vmem>>) semaphore(%arg19 : memref<!tpu.dma_semaphore, #tpu.memory_space<semaphore_mem>>)
    %dma_wait3A_37 = arith.constant 0 : i32
    %dma_wait3A_38 = arith.constant 0 : i32
    %dma_wait3A_39 = tpu.memref_slice %arg3[%add3A, %dma_wait3A_37, %dma_wait3A_38] : memref<32x80x125xi32, #tpu.memory_space<hbm>> -> memref<1x1x125xi32, #tpu.memory_space<hbm>>
    %dma_wait3A_40 = tpu.memref_squeeze %dma_wait3A_39 : memref<1x1x125xi32, #tpu.memory_space<hbm>> -> memref<125xi32, #tpu.memory_space<hbm>>
    %dma_wait3A_41 = arith.constant 0 : i32
    %dma_wait3A_42 = tpu.memref_slice %arg3[%add3A, %dma_wait3A_37, %dma_wait3A_41] : memref<32x80x125xi32, #tpu.memory_space<hbm>> -> memref<1x1x125xi32, #tpu.memory_space<hbm>>
    %dma_wait3A_43 = tpu.memref_squeeze %dma_wait3A_42 : memref<1x1x125xi32, #tpu.memory_space<hbm>> -> memref<125xi32, #tpu.memory_space<hbm>>
    tpu.wait_dma2 semaphore(%arg16 : memref<!tpu.dma_semaphore, #tpu.memory_space<semaphore_mem>>) src(%dma_wait3A_43 : memref<125xi32, #tpu.memory_space<hbm>>) dst(%arg10 : memref<125xi32, #tpu.memory_space<vmem>>)
    %dma_start3A_44 = arith.constant 0 : i32
    %dma_start3A_45 = arith.constant 0 : i32
    %dma_start3A_46 = tpu.memref_slice %arg2[%dma_start3A_44, %dma_start3A_45] : memref<10000x128xf32, #tpu.memory_space<hbm>> -> memref<10000x128xf32, #tpu.memory_space<hbm>>
    tpu.enqueue_indirect_dma source(%dma_start3A_46 : memref<10000x128xf32, #tpu.memory_space<hbm>>) target(%arg14 : memref<125x128xf32, #tpu.memory_space<vmem>>) offsets(%arg10 : memref<125xi32, #tpu.memory_space<vmem>>) semaphore(%arg20 : memref<!tpu.dma_semaphore, #tpu.memory_space<semaphore_mem>>)
    %mul3A_47 = arith.constant 640 : i32
    %mul3A_48 = arith.muli %arg1, %mul3A_47 : i32
    "tpu.region"() ({
      %run_scoped3A = tpu.sem_alloc : memref<!tpu.dma_semaphore, #tpu.memory_space<semaphore_mem>>
      %dma_start3A_84 = arith.constant 0 : i32
      %dma_start3A_85 = tpu.memref_slice %arg8[%mul3A_48, %dma_start3A_84] : memref<10240x128xf32, #tpu.memory_space<vmem_shared>> -> memref<640x128xf32, #tpu.memory_space<vmem_shared>>
      tpu.enqueue_dma source(%arg5 : memref<640x128xf32, #tpu.memory_space<hbm>>) target(%dma_start3A_85 : memref<640x128xf32, #tpu.memory_space<vmem_shared>>) target_semaphore(%run_scoped3A : memref<!tpu.dma_semaphore, #tpu.memory_space<semaphore_mem>>)
      %dma_wait3A_86 = arith.constant 0 : i32
      %dma_wait3A_87 = tpu.memref_slice %arg8[%mul3A_48, %dma_wait3A_86] : memref<10240x128xf32, #tpu.memory_space<vmem_shared>> -> memref<640x128xf32, #tpu.memory_space<vmem_shared>>
      tpu.wait_dma2 semaphore(%run_scoped3A : memref<!tpu.dma_semaphore, #tpu.memory_space<semaphore_mem>>) src(%arg5 : memref<640x128xf32, #tpu.memory_space<hbm>>) dst(%dma_wait3A_87 : memref<640x128xf32, #tpu.memory_space<vmem_shared>>)
      tpu.yield
    }) : () -> ()
    %barrier3A = arith.constant 0 : index
    tpu.barrier barrier_id(%barrier3A)
    %scan3A = arith.constant 0 : i32
    %scan3A_49 = arith.constant 0 : i32
    %scan3A_50 = arith.constant 39 : i32
    %scan3A_51 = arith.addi %scan3A_49, %scan3A_50 : i32
    %scan3A_52 = arith.constant 1 : i32
    scf.for %scan3A_84 = %scan3A_49 to %scan3A_51 step %scan3A_52  : i32 {
      %mul3A_85 = arith.constant 2 : i32
      %mul3A_86 = arith.muli %mul3A_85, %scan3A_84 : i32
      %mul3A_87 = arith.constant 2 : i32
      %mul3A_88 = arith.muli %mul3A_87, %scan3A_84 : i32
      %add3A_89 = arith.constant 2 : i32
      %add3A_90 = arith.addi %mul3A_88, %add3A_89 : i32
      %dma_wait3A_91 = arith.constant 0 : i32
      %dma_wait3A_92 = arith.constant 0 : i32
      %dma_wait3A_93 = tpu.memref_slice %arg2[%dma_wait3A_91, %dma_wait3A_92] : memref<10000x128xf32, #tpu.memory_space<hbm>> -> memref<10000x128xf32, #tpu.memory_space<hbm>>
      tpu.wait_indirect_dma semaphore(%arg19 : memref<!tpu.dma_semaphore, #tpu.memory_space<semaphore_mem>>) src(%dma_wait3A_93 : memref<10000x128xf32, #tpu.memory_space<hbm>>) dst(%arg13 : memref<125x128xf32, #tpu.memory_space<vmem>>)
      %dma_start3A_94 = arith.constant 0 : i32
      %dma_start3A_95 = tpu.memref_slice %arg3[%add3A, %add3A_90, %dma_start3A_94] : memref<32x80x125xi32, #tpu.memory_space<hbm>> -> memref<1x1x125xi32, #tpu.memory_space<hbm>>
      %dma_start3A_96 = tpu.memref_squeeze %dma_start3A_95 : memref<1x1x125xi32, #tpu.memory_space<hbm>> -> memref<125xi32, #tpu.memory_space<hbm>>
      %dma_start3A_97 = arith.constant 0 : i32
      %dma_start3A_98 = tpu.memref_slice %arg3[%add3A, %add3A_90, %dma_start3A_97] : memref<32x80x125xi32, #tpu.memory_space<hbm>> -> memref<1x1x125xi32, #tpu.memory_space<hbm>>
      %dma_start3A_99 = tpu.memref_squeeze %dma_start3A_98 : memref<1x1x125xi32, #tpu.memory_space<hbm>> -> memref<125xi32, #tpu.memory_space<hbm>>
      tpu.enqueue_dma source(%dma_start3A_99 : memref<125xi32, #tpu.memory_space<hbm>>) target(%arg9 : memref<125xi32, #tpu.memory_space<vmem>>) target_semaphore(%arg15 : memref<!tpu.dma_semaphore, #tpu.memory_space<semaphore_mem>>)
      %dma_wait3A_100 = arith.constant 0 : i32
      %dma_wait3A_101 = arith.constant 0 : i32
      %dma_wait3A_102 = tpu.memref_slice %arg4[%add3A, %dma_wait3A_100, %dma_wait3A_101] : memref<32x80x125xi32, #tpu.memory_space<hbm>> -> memref<1x1x125xi32, #tpu.memory_space<hbm>>
      %dma_wait3A_103 = tpu.memref_squeeze %dma_wait3A_102 : memref<1x1x125xi32, #tpu.memory_space<hbm>> -> memref<125xi32, #tpu.memory_space<hbm>>
      %dma_wait3A_104 = arith.constant 0 : i32
      %dma_wait3A_105 = tpu.memref_slice %arg4[%add3A, %dma_wait3A_100, %dma_wait3A_104] : memref<32x80x125xi32, #tpu.memory_space<hbm>> -> memref<1x1x125xi32, #tpu.memory_space<hbm>>
      %dma_wait3A_106 = tpu.memref_squeeze %dma_wait3A_105 : memref<1x1x125xi32, #tpu.memory_space<hbm>> -> memref<125xi32, #tpu.memory_space<hbm>>
      tpu.wait_dma2 semaphore(%arg17 : memref<!tpu.dma_semaphore, #tpu.memory_space<semaphore_mem>>) src(%dma_wait3A_106 : memref<125xi32, #tpu.memory_space<hbm>>) dst(%arg11 : memref<125xi32, #tpu.memory_space<vmem>>)
      "tpu.region"() ({
        %run_scoped3A = tpu.sem_alloc : memref<!tpu.dma_semaphore, #tpu.memory_space<semaphore_mem>>
        %dma_start3A_163 = arith.constant 0 : i32
        %dma_start3A_164 = arith.constant 0 : i32
        %dma_start3A_165 = tpu.memref_slice %arg8[%dma_start3A_163, %dma_start3A_164] : memref<10240x128xf32, #tpu.memory_space<vmem_shared>> -> memref<10240x128xf32, #tpu.memory_space<vmem_shared>>
        tpu.enqueue_indirect_dma source(%arg13 : memref<125x128xf32, #tpu.memory_space<vmem>>) target(%dma_start3A_165 : memref<10240x128xf32, #tpu.memory_space<vmem_shared>>) offsets(%arg11 : memref<125xi32, #tpu.memory_space<vmem>>) semaphore(%run_scoped3A : memref<!tpu.dma_semaphore, #tpu.memory_space<semaphore_mem>>) {add = true}
        %dma_wait3A_166 = arith.constant 0 : i32
        %dma_wait3A_167 = arith.constant 0 : i32
        %dma_wait3A_168 = tpu.memref_slice %arg8[%dma_wait3A_166, %dma_wait3A_167] : memref<10240x128xf32, #tpu.memory_space<vmem_shared>> -> memref<10240x128xf32, #tpu.memory_space<vmem_shared>>
        tpu.wait_indirect_dma semaphore(%run_scoped3A : memref<!tpu.dma_semaphore, #tpu.memory_space<semaphore_mem>>) src(%arg13 : memref<125x128xf32, #tpu.memory_space<vmem>>) dst(%dma_wait3A_168 : memref<10240x128xf32, #tpu.memory_space<vmem_shared>>)
        tpu.yield
      }) : () -> ()
      %dma_start3A_107 = arith.constant 0 : i32
      %dma_start3A_108 = tpu.memref_slice %arg4[%add3A, %add3A_90, %dma_start3A_107] : memref<32x80x125xi32, #tpu.memory_space<hbm>> -> memref<1x1x125xi32, #tpu.memory_space<hbm>>
      %dma_start3A_109 = tpu.memref_squeeze %dma_start3A_108 : memref<1x1x125xi32, #tpu.memory_space<hbm>> -> memref<125xi32, #tpu.memory_space<hbm>>
      %dma_start3A_110 = arith.constant 0 : i32
      %dma_start3A_111 = tpu.memref_slice %arg4[%add3A, %add3A_90, %dma_start3A_110] : memref<32x80x125xi32, #tpu.memory_space<hbm>> -> memref<1x1x125xi32, #tpu.memory_space<hbm>>
      %dma_start3A_112 = tpu.memref_squeeze %dma_start3A_111 : memref<1x1x125xi32, #tpu.memory_space<hbm>> -> memref<125xi32, #tpu.memory_space<hbm>>
      tpu.enqueue_dma source(%dma_start3A_112 : memref<125xi32, #tpu.memory_space<hbm>>) target(%arg11 : memref<125xi32, #tpu.memory_space<vmem>>) target_semaphore(%arg17 : memref<!tpu.dma_semaphore, #tpu.memory_space<semaphore_mem>>)
      %dma_wait3A_113 = arith.constant 0 : i32
      %dma_wait3A_114 = arith.constant 0 : i32
      %dma_wait3A_115 = tpu.memref_slice %arg3[%add3A, %dma_wait3A_113, %dma_wait3A_114] : memref<32x80x125xi32, #tpu.memory_space<hbm>> -> memref<1x1x125xi32, #tpu.memory_space<hbm>>
      %dma_wait3A_116 = tpu.memref_squeeze %dma_wait3A_115 : memref<1x1x125xi32, #tpu.memory_space<hbm>> -> memref<125xi32, #tpu.memory_space<hbm>>
      %dma_wait3A_117 = arith.constant 0 : i32
      %dma_wait3A_118 = tpu.memref_slice %arg3[%add3A, %dma_wait3A_113, %dma_wait3A_117] : memref<32x80x125xi32, #tpu.memory_space<hbm>> -> memref<1x1x125xi32, #tpu.memory_space<hbm>>
      %dma_wait3A_119 = tpu.memref_squeeze %dma_wait3A_118 : memref<1x1x125xi32, #tpu.memory_space<hbm>> -> memref<125xi32, #tpu.memory_space<hbm>>
      tpu.wait_dma2 semaphore(%arg15 : memref<!tpu.dma_semaphore, #tpu.memory_space<semaphore_mem>>) src(%dma_wait3A_119 : memref<125xi32, #tpu.memory_space<hbm>>) dst(%arg9 : memref<125xi32, #tpu.memory_space<vmem>>)
      %dma_start3A_120 = arith.constant 0 : i32
      %dma_start3A_121 = arith.constant 0 : i32
      %dma_start3A_122 = tpu.memref_slice %arg2[%dma_start3A_120, %dma_start3A_121] : memref<10000x128xf32, #tpu.memory_space<hbm>> -> memref<10000x128xf32, #tpu.memory_space<hbm>>
      tpu.enqueue_indirect_dma source(%dma_start3A_122 : memref<10000x128xf32, #tpu.memory_space<hbm>>) target(%arg13 : memref<125x128xf32, #tpu.memory_space<vmem>>) offsets(%arg9 : memref<125xi32, #tpu.memory_space<vmem>>) semaphore(%arg19 : memref<!tpu.dma_semaphore, #tpu.memory_space<semaphore_mem>>)
      %mul3A_123 = arith.constant 2 : i32
      %mul3A_124 = arith.muli %mul3A_123, %scan3A_84 : i32
      %add3A_125 = arith.constant 1 : i32
      %add3A_126 = arith.addi %mul3A_124, %add3A_125 : i32
      %mul3A_127 = arith.constant 2 : i32
      %mul3A_128 = arith.muli %mul3A_127, %scan3A_84 : i32
      %add3A_129 = arith.constant 3 : i32
      %add3A_130 = arith.addi %mul3A_128, %add3A_129 : i32
      %dma_wait3A_131 = arith.constant 0 : i32
      %dma_wait3A_132 = arith.constant 0 : i32
      %dma_wait3A_133 = tpu.memref_slice %arg2[%dma_wait3A_131, %dma_wait3A_132] : memref<10000x128xf32, #tpu.memory_space<hbm>> -> memref<10000x128xf32, #tpu.memory_space<hbm>>
      tpu.wait_indirect_dma semaphore(%arg20 : memref<!tpu.dma_semaphore, #tpu.memory_space<semaphore_mem>>) src(%dma_wait3A_133 : memref<10000x128xf32, #tpu.memory_space<hbm>>) dst(%arg14 : memref<125x128xf32, #tpu.memory_space<vmem>>)
      %dma_start3A_134 = arith.constant 0 : i32
      %dma_start3A_135 = tpu.memref_slice %arg3[%add3A, %add3A_130, %dma_start3A_134] : memref<32x80x125xi32, #tpu.memory_space<hbm>> -> memref<1x1x125xi32, #tpu.memory_space<hbm>>
      %dma_start3A_136 = tpu.memref_squeeze %dma_start3A_135 : memref<1x1x125xi32, #tpu.memory_space<hbm>> -> memref<125xi32, #tpu.memory_space<hbm>>
      %dma_start3A_137 = arith.constant 0 : i32
      %dma_start3A_138 = tpu.memref_slice %arg3[%add3A, %add3A_130, %dma_start3A_137] : memref<32x80x125xi32, #tpu.memory_space<hbm>> -> memref<1x1x125xi32, #tpu.memory_space<hbm>>
      %dma_start3A_139 = tpu.memref_squeeze %dma_start3A_138 : memref<1x1x125xi32, #tpu.memory_space<hbm>> -> memref<125xi32, #tpu.memory_space<hbm>>
      tpu.enqueue_dma source(%dma_start3A_139 : memref<125xi32, #tpu.memory_space<hbm>>) target(%arg10 : memref<125xi32, #tpu.memory_space<vmem>>) target_semaphore(%arg16 : memref<!tpu.dma_semaphore, #tpu.memory_space<semaphore_mem>>)
      %dma_wait3A_140 = arith.constant 0 : i32
      %dma_wait3A_141 = arith.constant 0 : i32
      %dma_wait3A_142 = tpu.memref_slice %arg4[%add3A, %dma_wait3A_140, %dma_wait3A_141] : memref<32x80x125xi32, #tpu.memory_space<hbm>> -> memref<1x1x125xi32, #tpu.memory_space<hbm>>
      %dma_wait3A_143 = tpu.memref_squeeze %dma_wait3A_142 : memref<1x1x125xi32, #tpu.memory_space<hbm>> -> memref<125xi32, #tpu.memory_space<hbm>>
      %dma_wait3A_144 = arith.constant 0 : i32
      %dma_wait3A_145 = tpu.memref_slice %arg4[%add3A, %dma_wait3A_140, %dma_wait3A_144] : memref<32x80x125xi32, #tpu.memory_space<hbm>> -> memref<1x1x125xi32, #tpu.memory_space<hbm>>
      %dma_wait3A_146 = tpu.memref_squeeze %dma_wait3A_145 : memref<1x1x125xi32, #tpu.memory_space<hbm>> -> memref<125xi32, #tpu.memory_space<hbm>>
      tpu.wait_dma2 semaphore(%arg18 : memref<!tpu.dma_semaphore, #tpu.memory_space<semaphore_mem>>) src(%dma_wait3A_146 : memref<125xi32, #tpu.memory_space<hbm>>) dst(%arg12 : memref<125xi32, #tpu.memory_space<vmem>>)
      "tpu.region"() ({
        %run_scoped3A = tpu.sem_alloc : memref<!tpu.dma_semaphore, #tpu.memory_space<semaphore_mem>>
        %dma_start3A_163 = arith.constant 0 : i32
        %dma_start3A_164 = arith.constant 0 : i32
        %dma_start3A_165 = tpu.memref_slice %arg8[%dma_start3A_163, %dma_start3A_164] : memref<10240x128xf32, #tpu.memory_space<vmem_shared>> -> memref<10240x128xf32, #tpu.memory_space<vmem_shared>>
        tpu.enqueue_indirect_dma source(%arg14 : memref<125x128xf32, #tpu.memory_space<vmem>>) target(%dma_start3A_165 : memref<10240x128xf32, #tpu.memory_space<vmem_shared>>) offsets(%arg12 : memref<125xi32, #tpu.memory_space<vmem>>) semaphore(%run_scoped3A : memref<!tpu.dma_semaphore, #tpu.memory_space<semaphore_mem>>) {add = true}
        %dma_wait3A_166 = arith.constant 0 : i32
        %dma_wait3A_167 = arith.constant 0 : i32
        %dma_wait3A_168 = tpu.memref_slice %arg8[%dma_wait3A_166, %dma_wait3A_167] : memref<10240x128xf32, #tpu.memory_space<vmem_shared>> -> memref<10240x128xf32, #tpu.memory_space<vmem_shared>>
        tpu.wait_indirect_dma semaphore(%run_scoped3A : memref<!tpu.dma_semaphore, #tpu.memory_space<semaphore_mem>>) src(%arg14 : memref<125x128xf32, #tpu.memory_space<vmem>>) dst(%dma_wait3A_168 : memref<10240x128xf32, #tpu.memory_space<vmem_shared>>)
        tpu.yield
      }) : () -> ()
      %dma_start3A_147 = arith.constant 0 : i32
      %dma_start3A_148 = tpu.memref_slice %arg4[%add3A, %add3A_130, %dma_start3A_147] : memref<32x80x125xi32, #tpu.memory_space<hbm>> -> memref<1x1x125xi32, #tpu.memory_space<hbm>>
      %dma_start3A_149 = tpu.memref_squeeze %dma_start3A_148 : memref<1x1x125xi32, #tpu.memory_space<hbm>> -> memref<125xi32, #tpu.memory_space<hbm>>
      %dma_start3A_150 = arith.constant 0 : i32
      %dma_start3A_151 = tpu.memref_slice %arg4[%add3A, %add3A_130, %dma_start3A_150] : memref<32x80x125xi32, #tpu.memory_space<hbm>> -> memref<1x1x125xi32, #tpu.memory_space<hbm>>
      %dma_start3A_152 = tpu.memref_squeeze %dma_start3A_151 : memref<1x1x125xi32, #tpu.memory_space<hbm>> -> memref<125xi32, #tpu.memory_space<hbm>>
      tpu.enqueue_dma source(%dma_start3A_152 : memref<125xi32, #tpu.memory_space<hbm>>) target(%arg12 : memref<125xi32, #tpu.memory_space<vmem>>) target_semaphore(%arg18 : memref<!tpu.dma_semaphore, #tpu.memory_space<semaphore_mem>>)
      %dma_wait3A_153 = arith.constant 0 : i32
      %dma_wait3A_154 = arith.constant 0 : i32
      %dma_wait3A_155 = tpu.memref_slice %arg3[%add3A, %dma_wait3A_153, %dma_wait3A_154] : memref<32x80x125xi32, #tpu.memory_space<hbm>> -> memref<1x1x125xi32, #tpu.memory_space<hbm>>
      %dma_wait3A_156 = tpu.memref_squeeze %dma_wait3A_155 : memref<1x1x125xi32, #tpu.memory_space<hbm>> -> memref<125xi32, #tpu.memory_space<hbm>>
      %dma_wait3A_157 = arith.constant 0 : i32
      %dma_wait3A_158 = tpu.memref_slice %arg3[%add3A, %dma_wait3A_153, %dma_wait3A_157] : memref<32x80x125xi32, #tpu.memory_space<hbm>> -> memref<1x1x125xi32, #tpu.memory_space<hbm>>
      %dma_wait3A_159 = tpu.memref_squeeze %dma_wait3A_158 : memref<1x1x125xi32, #tpu.memory_space<hbm>> -> memref<125xi32, #tpu.memory_space<hbm>>
      tpu.wait_dma2 semaphore(%arg16 : memref<!tpu.dma_semaphore, #tpu.memory_space<semaphore_mem>>) src(%dma_wait3A_159 : memref<125xi32, #tpu.memory_space<hbm>>) dst(%arg10 : memref<125xi32, #tpu.memory_space<vmem>>)
      %dma_start3A_160 = arith.constant 0 : i32
      %dma_start3A_161 = arith.constant 0 : i32
      %dma_start3A_162 = tpu.memref_slice %arg2[%dma_start3A_160, %dma_start3A_161] : memref<10000x128xf32, #tpu.memory_space<hbm>> -> memref<10000x128xf32, #tpu.memory_space<hbm>>
      tpu.enqueue_indirect_dma source(%dma_start3A_162 : memref<10000x128xf32, #tpu.memory_space<hbm>>) target(%arg14 : memref<125x128xf32, #tpu.memory_space<vmem>>) offsets(%arg10 : memref<125xi32, #tpu.memory_space<vmem>>) semaphore(%arg20 : memref<!tpu.dma_semaphore, #tpu.memory_space<semaphore_mem>>)
    }
    %scan3A_53 = arith.constant 39 : i32
    %dma_wait3A_54 = arith.constant 0 : i32
    %dma_wait3A_55 = arith.constant 0 : i32
    %dma_wait3A_56 = tpu.memref_slice %arg2[%dma_wait3A_54, %dma_wait3A_55] : memref<10000x128xf32, #tpu.memory_space<hbm>> -> memref<10000x128xf32, #tpu.memory_space<hbm>>
    tpu.wait_indirect_dma semaphore(%arg19 : memref<!tpu.dma_semaphore, #tpu.memory_space<semaphore_mem>>) src(%dma_wait3A_56 : memref<10000x128xf32, #tpu.memory_space<hbm>>) dst(%arg13 : memref<125x128xf32, #tpu.memory_space<vmem>>)
    %dma_wait3A_57 = arith.constant 0 : i32
    %dma_wait3A_58 = arith.constant 0 : i32
    %dma_wait3A_59 = tpu.memref_slice %arg4[%add3A, %dma_wait3A_57, %dma_wait3A_58] : memref<32x80x125xi32, #tpu.memory_space<hbm>> -> memref<1x1x125xi32, #tpu.memory_space<hbm>>
    %dma_wait3A_60 = tpu.memref_squeeze %dma_wait3A_59 : memref<1x1x125xi32, #tpu.memory_space<hbm>> -> memref<125xi32, #tpu.memory_space<hbm>>
    %dma_wait3A_61 = arith.constant 0 : i32
    %dma_wait3A_62 = tpu.memref_slice %arg4[%add3A, %dma_wait3A_57, %dma_wait3A_61] : memref<32x80x125xi32, #tpu.memory_space<hbm>> -> memref<1x1x125xi32, #tpu.memory_space<hbm>>
    %dma_wait3A_63 = tpu.memref_squeeze %dma_wait3A_62 : memref<1x1x125xi32, #tpu.memory_space<hbm>> -> memref<125xi32, #tpu.memory_space<hbm>>
    tpu.wait_dma2 semaphore(%arg17 : memref<!tpu.dma_semaphore, #tpu.memory_space<semaphore_mem>>) src(%dma_wait3A_63 : memref<125xi32, #tpu.memory_space<hbm>>) dst(%arg11 : memref<125xi32, #tpu.memory_space<vmem>>)
    "tpu.region"() ({
      %run_scoped3A = tpu.sem_alloc : memref<!tpu.dma_semaphore, #tpu.memory_space<semaphore_mem>>
      %dma_start3A_84 = arith.constant 0 : i32
      %dma_start3A_85 = arith.constant 0 : i32
      %dma_start3A_86 = tpu.memref_slice %arg8[%dma_start3A_84, %dma_start3A_85] : memref<10240x128xf32, #tpu.memory_space<vmem_shared>> -> memref<10240x128xf32, #tpu.memory_space<vmem_shared>>
      tpu.enqueue_indirect_dma source(%arg13 : memref<125x128xf32, #tpu.memory_space<vmem>>) target(%dma_start3A_86 : memref<10240x128xf32, #tpu.memory_space<vmem_shared>>) offsets(%arg11 : memref<125xi32, #tpu.memory_space<vmem>>) semaphore(%run_scoped3A : memref<!tpu.dma_semaphore, #tpu.memory_space<semaphore_mem>>) {add = true}
      %dma_wait3A_87 = arith.constant 0 : i32
      %dma_wait3A_88 = arith.constant 0 : i32
      %dma_wait3A_89 = tpu.memref_slice %arg8[%dma_wait3A_87, %dma_wait3A_88] : memref<10240x128xf32, #tpu.memory_space<vmem_shared>> -> memref<10240x128xf32, #tpu.memory_space<vmem_shared>>
      tpu.wait_indirect_dma semaphore(%run_scoped3A : memref<!tpu.dma_semaphore, #tpu.memory_space<semaphore_mem>>) src(%arg13 : memref<125x128xf32, #tpu.memory_space<vmem>>) dst(%dma_wait3A_89 : memref<10240x128xf32, #tpu.memory_space<vmem_shared>>)
      tpu.yield
    }) : () -> ()
    %dma_wait3A_64 = arith.constant 0 : i32
    %dma_wait3A_65 = arith.constant 0 : i32
    %dma_wait3A_66 = tpu.memref_slice %arg2[%dma_wait3A_64, %dma_wait3A_65] : memref<10000x128xf32, #tpu.memory_space<hbm>> -> memref<10000x128xf32, #tpu.memory_space<hbm>>
    tpu.wait_indirect_dma semaphore(%arg20 : memref<!tpu.dma_semaphore, #tpu.memory_space<semaphore_mem>>) src(%dma_wait3A_66 : memref<10000x128xf32, #tpu.memory_space<hbm>>) dst(%arg14 : memref<125x128xf32, #tpu.memory_space<vmem>>)
    %dma_wait3A_67 = arith.constant 0 : i32
    %dma_wait3A_68 = arith.constant 0 : i32
    %dma_wait3A_69 = tpu.memref_slice %arg4[%add3A, %dma_wait3A_67, %dma_wait3A_68] : memref<32x80x125xi32, #tpu.memory_space<hbm>> -> memref<1x1x125xi32, #tpu.memory_space<hbm>>
    %dma_wait3A_70 = tpu.memref_squeeze %dma_wait3A_69 : memref<1x1x125xi32, #tpu.memory_space<hbm>> -> memref<125xi32, #tpu.memory_space<hbm>>
    %dma_wait3A_71 = arith.constant 0 : i32
    %dma_wait3A_72 = tpu.memref_slice %arg4[%add3A, %dma_wait3A_67, %dma_wait3A_71] : memref<32x80x125xi32, #tpu.memory_space<hbm>> -> memref<1x1x125xi32, #tpu.memory_space<hbm>>
    %dma_wait3A_73 = tpu.memref_squeeze %dma_wait3A_72 : memref<1x1x125xi32, #tpu.memory_space<hbm>> -> memref<125xi32, #tpu.memory_space<hbm>>
    tpu.wait_dma2 semaphore(%arg18 : memref<!tpu.dma_semaphore, #tpu.memory_space<semaphore_mem>>) src(%dma_wait3A_73 : memref<125xi32, #tpu.memory_space<hbm>>) dst(%arg12 : memref<125xi32, #tpu.memory_space<vmem>>)
    "tpu.region"() ({
      %run_scoped3A = tpu.sem_alloc : memref<!tpu.dma_semaphore, #tpu.memory_space<semaphore_mem>>
      %dma_start3A_84 = arith.constant 0 : i32
      %dma_start3A_85 = arith.constant 0 : i32
      %dma_start3A_86 = tpu.memref_slice %arg8[%dma_start3A_84, %dma_start3A_85] : memref<10240x128xf32, #tpu.memory_space<vmem_shared>> -> memref<10240x128xf32, #tpu.memory_space<vmem_shared>>
      tpu.enqueue_indirect_dma source(%arg14 : memref<125x128xf32, #tpu.memory_space<vmem>>) target(%dma_start3A_86 : memref<10240x128xf32, #tpu.memory_space<vmem_shared>>) offsets(%arg12 : memref<125xi32, #tpu.memory_space<vmem>>) semaphore(%run_scoped3A : memref<!tpu.dma_semaphore, #tpu.memory_space<semaphore_mem>>) {add = true}
      %dma_wait3A_87 = arith.constant 0 : i32
      %dma_wait3A_88 = arith.constant 0 : i32
      %dma_wait3A_89 = tpu.memref_slice %arg8[%dma_wait3A_87, %dma_wait3A_88] : memref<10240x128xf32, #tpu.memory_space<vmem_shared>> -> memref<10240x128xf32, #tpu.memory_space<vmem_shared>>
      tpu.wait_indirect_dma semaphore(%run_scoped3A : memref<!tpu.dma_semaphore, #tpu.memory_space<semaphore_mem>>) src(%arg14 : memref<125x128xf32, #tpu.memory_space<vmem>>) dst(%dma_wait3A_89 : memref<10240x128xf32, #tpu.memory_space<vmem_shared>>)
      tpu.yield
    }) : () -> ()
    %barrier3A_74 = arith.constant 0 : index
    tpu.barrier barrier_id(%barrier3A_74)
    %mul3A_75 = arith.constant 640 : i32
    %mul3A_76 = arith.muli %arg1, %mul3A_75 : i32
    %eq3A = arith.constant 0 : i32
    %eq3A_77 = arith.cmpi eq, %arg0, %eq3A : i32
    %convert_element_type3A = arith.extui %eq3A_77 : i1 to i32
    %cond3A = arith.constant 0 : i32
    %cond3A_78 = arith.cmpi ne, %convert_element_type3A, %cond3A : i32
    scf.if %cond3A_78 {
      "tpu.region"() ({
        %run_scoped3A = tpu.sem_alloc : memref<!tpu.dma_semaphore, #tpu.memory_space<semaphore_mem>>
        %dma_start3A_84 = arith.constant 0 : i32
        %dma_start3A_85 = tpu.memref_slice %arg6[%mul3A_76, %dma_start3A_84] : memref<10240x128xf32, #tpu.memory_space<hbm>> -> memref<640x128xf32, #tpu.memory_space<hbm>>
        %dma_start3A_86 = arith.constant 0 : i32
        %dma_start3A_87 = tpu.memref_slice %arg8[%mul3A_76, %dma_start3A_86] : memref<10240x128xf32, #tpu.memory_space<vmem_shared>> -> memref<640x128xf32, #tpu.memory_space<vmem_shared>>
        tpu.enqueue_dma source(%dma_start3A_87 : memref<640x128xf32, #tpu.memory_space<vmem_shared>>) target(%dma_start3A_85 : memref<640x128xf32, #tpu.memory_space<hbm>>) target_semaphore(%run_scoped3A : memref<!tpu.dma_semaphore, #tpu.memory_space<semaphore_mem>>)
        %dma_wait3A_88 = arith.constant 0 : i32
        %dma_wait3A_89 = tpu.memref_slice %arg6[%mul3A_76, %dma_wait3A_88] : memref<10240x128xf32, #tpu.memory_space<hbm>> -> memref<640x128xf32, #tpu.memory_space<hbm>>
        %dma_wait3A_90 = arith.constant 0 : i32
        %dma_wait3A_91 = tpu.memref_slice %arg8[%mul3A_76, %dma_wait3A_90] : memref<10240x128xf32, #tpu.memory_space<vmem_shared>> -> memref<640x128xf32, #tpu.memory_space<vmem_shared>>
        tpu.wait_dma2 semaphore(%run_scoped3A : memref<!tpu.dma_semaphore, #tpu.memory_space<semaphore_mem>>) src(%dma_wait3A_91 : memref<640x128xf32, #tpu.memory_space<vmem_shared>>) dst(%dma_wait3A_89 : memref<640x128xf32, #tpu.memory_space<hbm>>)
        tpu.yield
      }) : () -> ()
    } else {
    }
    %eq3A_79 = arith.constant 1 : i32
    %eq3A_80 = arith.cmpi eq, %arg0, %eq3A_79 : i32
    %convert_element_type3A_81 = arith.extui %eq3A_80 : i1 to i32
    %cond3A_82 = arith.constant 0 : i32
    %cond3A_83 = arith.cmpi ne, %convert_element_type3A_81, %cond3A_82 : i32
    scf.if %cond3A_83 {
      "tpu.region"() ({
        %run_scoped3A = tpu.sem_alloc : memref<!tpu.dma_semaphore, #tpu.memory_space<semaphore_mem>>
        %dma_start3A_84 = arith.constant 0 : i32
        %dma_start3A_85 = tpu.memref_slice %arg7[%mul3A_76, %dma_start3A_84] : memref<10240x128xf32, #tpu.memory_space<hbm>> -> memref<640x128xf32, #tpu.memory_space<hbm>>
        %dma_start3A_86 = arith.constant 0 : i32
        %dma_start3A_87 = tpu.memref_slice %arg8[%mul3A_76, %dma_start3A_86] : memref<10240x128xf32, #tpu.memory_space<vmem_shared>> -> memref<640x128xf32, #tpu.memory_space<vmem_shared>>
        tpu.enqueue_dma source(%dma_start3A_87 : memref<640x128xf32, #tpu.memory_space<vmem_shared>>) target(%dma_start3A_85 : memref<640x128xf32, #tpu.memory_space<hbm>>) target_semaphore(%run_scoped3A : memref<!tpu.dma_semaphore, #tpu.memory_space<semaphore_mem>>)
        %dma_wait3A_88 = arith.constant 0 : i32
        %dma_wait3A_89 = tpu.memref_slice %arg7[%mul3A_76, %dma_wait3A_88] : memref<10240x128xf32, #tpu.memory_space<hbm>> -> memref<640x128xf32, #tpu.memory_space<hbm>>
        %dma_wait3A_90 = arith.constant 0 : i32
        %dma_wait3A_91 = tpu.memref_slice %arg8[%mul3A_76, %dma_wait3A_90] : memref<10240x128xf32, #tpu.memory_space<vmem_shared>> -> memref<640x128xf32, #tpu.memory_space<vmem_shared>>
        tpu.wait_dma2 semaphore(%run_scoped3A : memref<!tpu.dma_semaphore, #tpu.memory_space<semaphore_mem>>) src(%dma_wait3A_91 : memref<640x128xf32, #tpu.memory_space<vmem_shared>>) dst(%dma_wait3A_89 : memref<640x128xf32, #tpu.memory_space<hbm>>)
        tpu.yield
      }) : () -> ()
    } else {
    }
    return
  }
}

#map = affine_map<(d0, d1) -> (0, 0)>
#map1 = affine_map<(d0, d1) -> (0, 0, 0)>
module attributes {stable_mosaic.version = 14 : i64} {
  func.func @_seg_body(%arg0: i32, %arg1: i32, %arg2: memref<10000x128xf32, #tpu.memory_space<hbm>>, %arg3: memref<32x80x125xi32, #tpu.memory_space<hbm>>, %arg4: memref<32x80x125xi32, #tpu.memory_space<hbm>>, %arg5: memref<640x128xf32, #tpu.memory_space<hbm>>, %arg6: memref<10240x128xf32, #tpu.memory_space<hbm>>, %arg7: memref<10240x128xf32, #tpu.memory_space<hbm>>, %arg8: memref<10240x128xf32, #tpu.memory_space<vmem_shared>>, %arg9: memref<125xi32, #tpu.memory_space<vmem>>, %arg10: memref<125xi32, #tpu.memory_space<vmem>>, %arg11: memref<125xi32, #tpu.memory_space<vmem>>, %arg12: memref<125xi32, #tpu.memory_space<vmem>>, %arg13: memref<125x128xf32, #tpu.memory_space<vmem>>, %arg14: memref<125x128xf32, #tpu.memory_space<vmem>>, %arg15: memref<!tpu.dma_semaphore, #tpu.memory_space<semaphore_mem>>, %arg16: memref<!tpu.dma_semaphore, #tpu.memory_space<semaphore_mem>>, %arg17: memref<!tpu.dma_semaphore, #tpu.memory_space<semaphore_mem>>, %arg18: memref<!tpu.dma_semaphore, #tpu.memory_space<semaphore_mem>>, %arg19: memref<!tpu.dma_semaphore, #tpu.memory_space<semaphore_mem>>, %arg20: memref<!tpu.dma_semaphore, #tpu.memory_space<semaphore_mem>>) attributes {dimension_semantics = [#tpu.dimension_semantics<core_parallel>, #tpu.dimension_semantics<subcore_parallel>], iteration_bounds = array<i64: 2, 16>, scalar_prefetch = 0 : i64, scratch_operands = 13 : i64, tpu.core_type = #tpu.core_type<sc_vector_subcore>, window_params = [{transform_indices = #map}, {transform_indices = #map1}, {transform_indices = #map1}, {transform_indices = #map}, {transform_indices = #map}, {transform_indices = #map}]} {
    %mul3A = arith.constant 2 : i32
    %mul3A_0 = arith.muli %arg1, %mul3A : i32
    %add3A = arith.addi %mul3A_0, %arg0 : i32
    %dma_start3A = arith.constant 0 : i32
    %dma_start3A_1 = arith.constant 0 : i32
    %dma_start3A_2 = tpu.memref_slice %arg3[%add3A, %dma_start3A, %dma_start3A_1] : memref<32x80x125xi32, #tpu.memory_space<hbm>> -> memref<1x1x125xi32, #tpu.memory_space<hbm>>
    %dma_start3A_3 = tpu.memref_squeeze %dma_start3A_2 : memref<1x1x125xi32, #tpu.memory_space<hbm>> -> memref<125xi32, #tpu.memory_space<hbm>>
    %dma_start3A_4 = arith.constant 0 : i32
    %dma_start3A_5 = tpu.memref_slice %arg3[%add3A, %dma_start3A, %dma_start3A_4] : memref<32x80x125xi32, #tpu.memory_space<hbm>> -> memref<1x1x125xi32, #tpu.memory_space<hbm>>
    %dma_start3A_6 = tpu.memref_squeeze %dma_start3A_5 : memref<1x1x125xi32, #tpu.memory_space<hbm>> -> memref<125xi32, #tpu.memory_space<hbm>>
    tpu.enqueue_dma source(%dma_start3A_6 : memref<125xi32, #tpu.memory_space<hbm>>) target(%arg9 : memref<125xi32, #tpu.memory_space<vmem>>) target_semaphore(%arg15 : memref<!tpu.dma_semaphore, #tpu.memory_space<semaphore_mem>>)
    %dma_start3A_7 = arith.constant 0 : i32
    %dma_start3A_8 = arith.constant 0 : i32
    %dma_start3A_9 = tpu.memref_slice %arg4[%add3A, %dma_start3A_7, %dma_start3A_8] : memref<32x80x125xi32, #tpu.memory_space<hbm>> -> memref<1x1x125xi32, #tpu.memory_space<hbm>>
    %dma_start3A_10 = tpu.memref_squeeze %dma_start3A_9 : memref<1x1x125xi32, #tpu.memory_space<hbm>> -> memref<125xi32, #tpu.memory_space<hbm>>
    %dma_start3A_11 = arith.constant 0 : i32
    %dma_start3A_12 = tpu.memref_slice %arg4[%add3A, %dma_start3A_7, %dma_start3A_11] : memref<32x80x125xi32, #tpu.memory_space<hbm>> -> memref<1x1x125xi32, #tpu.memory_space<hbm>>
    %dma_start3A_13 = tpu.memref_squeeze %dma_start3A_12 : memref<1x1x125xi32, #tpu.memory_space<hbm>> -> memref<125xi32, #tpu.memory_space<hbm>>
    tpu.enqueue_dma source(%dma_start3A_13 : memref<125xi32, #tpu.memory_space<hbm>>) target(%arg11 : memref<125xi32, #tpu.memory_space<vmem>>) target_semaphore(%arg17 : memref<!tpu.dma_semaphore, #tpu.memory_space<semaphore_mem>>)
    %dma_start3A_14 = arith.constant 1 : i32
    %dma_start3A_15 = arith.constant 0 : i32
    %dma_start3A_16 = tpu.memref_slice %arg3[%add3A, %dma_start3A_14, %dma_start3A_15] : memref<32x80x125xi32, #tpu.memory_space<hbm>> -> memref<1x1x125xi32, #tpu.memory_space<hbm>>
    %dma_start3A_17 = tpu.memref_squeeze %dma_start3A_16 : memref<1x1x125xi32, #tpu.memory_space<hbm>> -> memref<125xi32, #tpu.memory_space<hbm>>
    %dma_start3A_18 = arith.constant 0 : i32
    %dma_start3A_19 = tpu.memref_slice %arg3[%add3A, %dma_start3A_14, %dma_start3A_18] : memref<32x80x125xi32, #tpu.memory_space<hbm>> -> memref<1x1x125xi32, #tpu.memory_space<hbm>>
    %dma_start3A_20 = tpu.memref_squeeze %dma_start3A_19 : memref<1x1x125xi32, #tpu.memory_space<hbm>> -> memref<125xi32, #tpu.memory_space<hbm>>
    tpu.enqueue_dma source(%dma_start3A_20 : memref<125xi32, #tpu.memory_space<hbm>>) target(%arg10 : memref<125xi32, #tpu.memory_space<vmem>>) target_semaphore(%arg16 : memref<!tpu.dma_semaphore, #tpu.memory_space<semaphore_mem>>)
    %dma_start3A_21 = arith.constant 1 : i32
    %dma_start3A_22 = arith.constant 0 : i32
    %dma_start3A_23 = tpu.memref_slice %arg4[%add3A, %dma_start3A_21, %dma_start3A_22] : memref<32x80x125xi32, #tpu.memory_space<hbm>> -> memref<1x1x125xi32, #tpu.memory_space<hbm>>
    %dma_start3A_24 = tpu.memref_squeeze %dma_start3A_23 : memref<1x1x125xi32, #tpu.memory_space<hbm>> -> memref<125xi32, #tpu.memory_space<hbm>>
    %dma_start3A_25 = arith.constant 0 : i32
    %dma_start3A_26 = tpu.memref_slice %arg4[%add3A, %dma_start3A_21, %dma_start3A_25] : memref<32x80x125xi32, #tpu.memory_space<hbm>> -> memref<1x1x125xi32, #tpu.memory_space<hbm>>
    %dma_start3A_27 = tpu.memref_squeeze %dma_start3A_26 : memref<1x1x125xi32, #tpu.memory_space<hbm>> -> memref<125xi32, #tpu.memory_space<hbm>>
    tpu.enqueue_dma source(%dma_start3A_27 : memref<125xi32, #tpu.memory_space<hbm>>) target(%arg12 : memref<125xi32, #tpu.memory_space<vmem>>) target_semaphore(%arg18 : memref<!tpu.dma_semaphore, #tpu.memory_space<semaphore_mem>>)
    %dma_wait3A = arith.constant 0 : i32
    %dma_wait3A_28 = arith.constant 0 : i32
    %dma_wait3A_29 = tpu.memref_slice %arg3[%add3A, %dma_wait3A, %dma_wait3A_28] : memref<32x80x125xi32, #tpu.memory_space<hbm>> -> memref<1x1x125xi32, #tpu.memory_space<hbm>>
    %dma_wait3A_30 = tpu.memref_squeeze %dma_wait3A_29 : memref<1x1x125xi32, #tpu.memory_space<hbm>> -> memref<125xi32, #tpu.memory_space<hbm>>
    %dma_wait3A_31 = arith.constant 0 : i32
    %dma_wait3A_32 = tpu.memref_slice %arg3[%add3A, %dma_wait3A, %dma_wait3A_31] : memref<32x80x125xi32, #tpu.memory_space<hbm>> -> memref<1x1x125xi32, #tpu.memory_space<hbm>>
    %dma_wait3A_33 = tpu.memref_squeeze %dma_wait3A_32 : memref<1x1x125xi32, #tpu.memory_space<hbm>> -> memref<125xi32, #tpu.memory_space<hbm>>
    tpu.wait_dma2 semaphore(%arg15 : memref<!tpu.dma_semaphore, #tpu.memory_space<semaphore_mem>>) src(%dma_wait3A_33 : memref<125xi32, #tpu.memory_space<hbm>>) dst(%arg9 : memref<125xi32, #tpu.memory_space<vmem>>)
    %dma_start3A_34 = arith.constant 0 : i32
    %dma_start3A_35 = arith.constant 0 : i32
    %dma_start3A_36 = tpu.memref_slice %arg2[%dma_start3A_34, %dma_start3A_35] : memref<10000x128xf32, #tpu.memory_space<hbm>> -> memref<10000x128xf32, #tpu.memory_space<hbm>>
    tpu.enqueue_indirect_dma source(%dma_start3A_36 : memref<10000x128xf32, #tpu.memory_space<hbm>>) target(%arg13 : memref<125x128xf32, #tpu.memory_space<vmem>>) offsets(%arg9 : memref<125xi32, #tpu.memory_space<vmem>>) semaphore(%arg19 : memref<!tpu.dma_semaphore, #tpu.memory_space<semaphore_mem>>)
    %dma_wait3A_37 = arith.constant 0 : i32
    %dma_wait3A_38 = arith.constant 0 : i32
    %dma_wait3A_39 = tpu.memref_slice %arg3[%add3A, %dma_wait3A_37, %dma_wait3A_38] : memref<32x80x125xi32, #tpu.memory_space<hbm>> -> memref<1x1x125xi32, #tpu.memory_space<hbm>>
    %dma_wait3A_40 = tpu.memref_squeeze %dma_wait3A_39 : memref<1x1x125xi32, #tpu.memory_space<hbm>> -> memref<125xi32, #tpu.memory_space<hbm>>
    %dma_wait3A_41 = arith.constant 0 : i32
    %dma_wait3A_42 = tpu.memref_slice %arg3[%add3A, %dma_wait3A_37, %dma_wait3A_41] : memref<32x80x125xi32, #tpu.memory_space<hbm>> -> memref<1x1x125xi32, #tpu.memory_space<hbm>>
    %dma_wait3A_43 = tpu.memref_squeeze %dma_wait3A_42 : memref<1x1x125xi32, #tpu.memory_space<hbm>> -> memref<125xi32, #tpu.memory_space<hbm>>
    tpu.wait_dma2 semaphore(%arg16 : memref<!tpu.dma_semaphore, #tpu.memory_space<semaphore_mem>>) src(%dma_wait3A_43 : memref<125xi32, #tpu.memory_space<hbm>>) dst(%arg10 : memref<125xi32, #tpu.memory_space<vmem>>)
    %dma_start3A_44 = arith.constant 0 : i32
    %dma_start3A_45 = arith.constant 0 : i32
    %dma_start3A_46 = tpu.memref_slice %arg2[%dma_start3A_44, %dma_start3A_45] : memref<10000x128xf32, #tpu.memory_space<hbm>> -> memref<10000x128xf32, #tpu.memory_space<hbm>>
    tpu.enqueue_indirect_dma source(%dma_start3A_46 : memref<10000x128xf32, #tpu.memory_space<hbm>>) target(%arg14 : memref<125x128xf32, #tpu.memory_space<vmem>>) offsets(%arg10 : memref<125xi32, #tpu.memory_space<vmem>>) semaphore(%arg20 : memref<!tpu.dma_semaphore, #tpu.memory_space<semaphore_mem>>)
    %mul3A_47 = arith.constant 640 : i32
    %mul3A_48 = arith.muli %arg1, %mul3A_47 : i32
    "tpu.region"() ({
      %run_scoped3A = tpu.sem_alloc : memref<!tpu.dma_semaphore, #tpu.memory_space<semaphore_mem>>
      %dma_start3A_84 = arith.constant 0 : i32
      %dma_start3A_85 = tpu.memref_slice %arg8[%mul3A_48, %dma_start3A_84] : memref<10240x128xf32, #tpu.memory_space<vmem_shared>> -> memref<640x128xf32, #tpu.memory_space<vmem_shared>>
      tpu.enqueue_dma source(%arg5 : memref<640x128xf32, #tpu.memory_space<hbm>>) target(%dma_start3A_85 : memref<640x128xf32, #tpu.memory_space<vmem_shared>>) target_semaphore(%run_scoped3A : memref<!tpu.dma_semaphore, #tpu.memory_space<semaphore_mem>>)
      %dma_wait3A_86 = arith.constant 0 : i32
      %dma_wait3A_87 = tpu.memref_slice %arg8[%mul3A_48, %dma_wait3A_86] : memref<10240x128xf32, #tpu.memory_space<vmem_shared>> -> memref<640x128xf32, #tpu.memory_space<vmem_shared>>
      tpu.wait_dma2 semaphore(%run_scoped3A : memref<!tpu.dma_semaphore, #tpu.memory_space<semaphore_mem>>) src(%arg5 : memref<640x128xf32, #tpu.memory_space<hbm>>) dst(%dma_wait3A_87 : memref<640x128xf32, #tpu.memory_space<vmem_shared>>)
      tpu.yield
    }) : () -> ()
    %barrier3A = arith.constant 0 : index
    tpu.barrier barrier_id(%barrier3A)
    %scan3A = arith.constant 0 : i32
    %scan3A_49 = arith.constant 0 : i32
    %scan3A_50 = arith.constant 39 : i32
    %scan3A_51 = arith.addi %scan3A_49, %scan3A_50 : i32
    %scan3A_52 = arith.constant 1 : i32
    scf.for %scan3A_84 = %scan3A_49 to %scan3A_51 step %scan3A_52  : i32 {
      %mul3A_85 = arith.constant 2 : i32
      %mul3A_86 = arith.muli %mul3A_85, %scan3A_84 : i32
      %mul3A_87 = arith.constant 2 : i32
      %mul3A_88 = arith.muli %mul3A_87, %scan3A_84 : i32
      %add3A_89 = arith.constant 2 : i32
      %add3A_90 = arith.addi %mul3A_88, %add3A_89 : i32
      %dma_wait3A_91 = arith.constant 0 : i32
      %dma_wait3A_92 = arith.constant 0 : i32
      %dma_wait3A_93 = tpu.memref_slice %arg2[%dma_wait3A_91, %dma_wait3A_92] : memref<10000x128xf32, #tpu.memory_space<hbm>> -> memref<10000x128xf32, #tpu.memory_space<hbm>>
      tpu.wait_indirect_dma semaphore(%arg19 : memref<!tpu.dma_semaphore, #tpu.memory_space<semaphore_mem>>) src(%dma_wait3A_93 : memref<10000x128xf32, #tpu.memory_space<hbm>>) dst(%arg13 : memref<125x128xf32, #tpu.memory_space<vmem>>)
      %dma_start3A_94 = arith.constant 0 : i32
      %dma_start3A_95 = tpu.memref_slice %arg3[%add3A, %add3A_90, %dma_start3A_94] : memref<32x80x125xi32, #tpu.memory_space<hbm>> -> memref<1x1x125xi32, #tpu.memory_space<hbm>>
      %dma_start3A_96 = tpu.memref_squeeze %dma_start3A_95 : memref<1x1x125xi32, #tpu.memory_space<hbm>> -> memref<125xi32, #tpu.memory_space<hbm>>
      %dma_start3A_97 = arith.constant 0 : i32
      %dma_start3A_98 = tpu.memref_slice %arg3[%add3A, %add3A_90, %dma_start3A_97] : memref<32x80x125xi32, #tpu.memory_space<hbm>> -> memref<1x1x125xi32, #tpu.memory_space<hbm>>
      %dma_start3A_99 = tpu.memref_squeeze %dma_start3A_98 : memref<1x1x125xi32, #tpu.memory_space<hbm>> -> memref<125xi32, #tpu.memory_space<hbm>>
      tpu.enqueue_dma source(%dma_start3A_99 : memref<125xi32, #tpu.memory_space<hbm>>) target(%arg9 : memref<125xi32, #tpu.memory_space<vmem>>) target_semaphore(%arg15 : memref<!tpu.dma_semaphore, #tpu.memory_space<semaphore_mem>>)
      %dma_wait3A_100 = arith.constant 0 : i32
      %dma_wait3A_101 = arith.constant 0 : i32
      %dma_wait3A_102 = tpu.memref_slice %arg4[%add3A, %dma_wait3A_100, %dma_wait3A_101] : memref<32x80x125xi32, #tpu.memory_space<hbm>> -> memref<1x1x125xi32, #tpu.memory_space<hbm>>
      %dma_wait3A_103 = tpu.memref_squeeze %dma_wait3A_102 : memref<1x1x125xi32, #tpu.memory_space<hbm>> -> memref<125xi32, #tpu.memory_space<hbm>>
      %dma_wait3A_104 = arith.constant 0 : i32
      %dma_wait3A_105 = tpu.memref_slice %arg4[%add3A, %dma_wait3A_100, %dma_wait3A_104] : memref<32x80x125xi32, #tpu.memory_space<hbm>> -> memref<1x1x125xi32, #tpu.memory_space<hbm>>
      %dma_wait3A_106 = tpu.memref_squeeze %dma_wait3A_105 : memref<1x1x125xi32, #tpu.memory_space<hbm>> -> memref<125xi32, #tpu.memory_space<hbm>>
      tpu.wait_dma2 semaphore(%arg17 : memref<!tpu.dma_semaphore, #tpu.memory_space<semaphore_mem>>) src(%dma_wait3A_106 : memref<125xi32, #tpu.memory_space<hbm>>) dst(%arg11 : memref<125xi32, #tpu.memory_space<vmem>>)
      "tpu.region"() ({
        %run_scoped3A = tpu.sem_alloc : memref<!tpu.dma_semaphore, #tpu.memory_space<semaphore_mem>>
        %dma_start3A_163 = arith.constant 0 : i32
        %dma_start3A_164 = arith.constant 0 : i32
        %dma_start3A_165 = tpu.memref_slice %arg8[%dma_start3A_163, %dma_start3A_164] : memref<10240x128xf32, #tpu.memory_space<vmem_shared>> -> memref<10240x128xf32, #tpu.memory_space<vmem_shared>>
        tpu.enqueue_indirect_dma source(%arg13 : memref<125x128xf32, #tpu.memory_space<vmem>>) target(%dma_start3A_165 : memref<10240x128xf32, #tpu.memory_space<vmem_shared>>) offsets(%arg11 : memref<125xi32, #tpu.memory_space<vmem>>) semaphore(%run_scoped3A : memref<!tpu.dma_semaphore, #tpu.memory_space<semaphore_mem>>) {add = true}
        %dma_wait3A_166 = arith.constant 0 : i32
        %dma_wait3A_167 = arith.constant 0 : i32
        %dma_wait3A_168 = tpu.memref_slice %arg8[%dma_wait3A_166, %dma_wait3A_167] : memref<10240x128xf32, #tpu.memory_space<vmem_shared>> -> memref<10240x128xf32, #tpu.memory_space<vmem_shared>>
        tpu.wait_indirect_dma semaphore(%run_scoped3A : memref<!tpu.dma_semaphore, #tpu.memory_space<semaphore_mem>>) src(%arg13 : memref<125x128xf32, #tpu.memory_space<vmem>>) dst(%dma_wait3A_168 : memref<10240x128xf32, #tpu.memory_space<vmem_shared>>)
        tpu.yield
      }) : () -> ()
      %dma_start3A_107 = arith.constant 0 : i32
      %dma_start3A_108 = tpu.memref_slice %arg4[%add3A, %add3A_90, %dma_start3A_107] : memref<32x80x125xi32, #tpu.memory_space<hbm>> -> memref<1x1x125xi32, #tpu.memory_space<hbm>>
      %dma_start3A_109 = tpu.memref_squeeze %dma_start3A_108 : memref<1x1x125xi32, #tpu.memory_space<hbm>> -> memref<125xi32, #tpu.memory_space<hbm>>
      %dma_start3A_110 = arith.constant 0 : i32
      %dma_start3A_111 = tpu.memref_slice %arg4[%add3A, %add3A_90, %dma_start3A_110] : memref<32x80x125xi32, #tpu.memory_space<hbm>> -> memref<1x1x125xi32, #tpu.memory_space<hbm>>
      %dma_start3A_112 = tpu.memref_squeeze %dma_start3A_111 : memref<1x1x125xi32, #tpu.memory_space<hbm>> -> memref<125xi32, #tpu.memory_space<hbm>>
      tpu.enqueue_dma source(%dma_start3A_112 : memref<125xi32, #tpu.memory_space<hbm>>) target(%arg11 : memref<125xi32, #tpu.memory_space<vmem>>) target_semaphore(%arg17 : memref<!tpu.dma_semaphore, #tpu.memory_space<semaphore_mem>>)
      %dma_wait3A_113 = arith.constant 0 : i32
      %dma_wait3A_114 = arith.constant 0 : i32
      %dma_wait3A_115 = tpu.memref_slice %arg3[%add3A, %dma_wait3A_113, %dma_wait3A_114] : memref<32x80x125xi32, #tpu.memory_space<hbm>> -> memref<1x1x125xi32, #tpu.memory_space<hbm>>
      %dma_wait3A_116 = tpu.memref_squeeze %dma_wait3A_115 : memref<1x1x125xi32, #tpu.memory_space<hbm>> -> memref<125xi32, #tpu.memory_space<hbm>>
      %dma_wait3A_117 = arith.constant 0 : i32
      %dma_wait3A_118 = tpu.memref_slice %arg3[%add3A, %dma_wait3A_113, %dma_wait3A_117] : memref<32x80x125xi32, #tpu.memory_space<hbm>> -> memref<1x1x125xi32, #tpu.memory_space<hbm>>
      %dma_wait3A_119 = tpu.memref_squeeze %dma_wait3A_118 : memref<1x1x125xi32, #tpu.memory_space<hbm>> -> memref<125xi32, #tpu.memory_space<hbm>>
      tpu.wait_dma2 semaphore(%arg15 : memref<!tpu.dma_semaphore, #tpu.memory_space<semaphore_mem>>) src(%dma_wait3A_119 : memref<125xi32, #tpu.memory_space<hbm>>) dst(%arg9 : memref<125xi32, #tpu.memory_space<vmem>>)
      %dma_start3A_120 = arith.constant 0 : i32
      %dma_start3A_121 = arith.constant 0 : i32
      %dma_start3A_122 = tpu.memref_slice %arg2[%dma_start3A_120, %dma_start3A_121] : memref<10000x128xf32, #tpu.memory_space<hbm>> -> memref<10000x128xf32, #tpu.memory_space<hbm>>
      tpu.enqueue_indirect_dma source(%dma_start3A_122 : memref<10000x128xf32, #tpu.memory_space<hbm>>) target(%arg13 : memref<125x128xf32, #tpu.memory_space<vmem>>) offsets(%arg9 : memref<125xi32, #tpu.memory_space<vmem>>) semaphore(%arg19 : memref<!tpu.dma_semaphore, #tpu.memory_space<semaphore_mem>>)
      %mul3A_123 = arith.constant 2 : i32
      %mul3A_124 = arith.muli %mul3A_123, %scan3A_84 : i32
      %add3A_125 = arith.constant 1 : i32
      %add3A_126 = arith.addi %mul3A_124, %add3A_125 : i32
      %mul3A_127 = arith.constant 2 : i32
      %mul3A_128 = arith.muli %mul3A_127, %scan3A_84 : i32
      %add3A_129 = arith.constant 3 : i32
      %add3A_130 = arith.addi %mul3A_128, %add3A_129 : i32
      %dma_wait3A_131 = arith.constant 0 : i32
      %dma_wait3A_132 = arith.constant 0 : i32
      %dma_wait3A_133 = tpu.memref_slice %arg2[%dma_wait3A_131, %dma_wait3A_132] : memref<10000x128xf32, #tpu.memory_space<hbm>> -> memref<10000x128xf32, #tpu.memory_space<hbm>>
      tpu.wait_indirect_dma semaphore(%arg20 : memref<!tpu.dma_semaphore, #tpu.memory_space<semaphore_mem>>) src(%dma_wait3A_133 : memref<10000x128xf32, #tpu.memory_space<hbm>>) dst(%arg14 : memref<125x128xf32, #tpu.memory_space<vmem>>)
      %dma_start3A_134 = arith.constant 0 : i32
      %dma_start3A_135 = tpu.memref_slice %arg3[%add3A, %add3A_130, %dma_start3A_134] : memref<32x80x125xi32, #tpu.memory_space<hbm>> -> memref<1x1x125xi32, #tpu.memory_space<hbm>>
      %dma_start3A_136 = tpu.memref_squeeze %dma_start3A_135 : memref<1x1x125xi32, #tpu.memory_space<hbm>> -> memref<125xi32, #tpu.memory_space<hbm>>
      %dma_start3A_137 = arith.constant 0 : i32
      %dma_start3A_138 = tpu.memref_slice %arg3[%add3A, %add3A_130, %dma_start3A_137] : memref<32x80x125xi32, #tpu.memory_space<hbm>> -> memref<1x1x125xi32, #tpu.memory_space<hbm>>
      %dma_start3A_139 = tpu.memref_squeeze %dma_start3A_138 : memref<1x1x125xi32, #tpu.memory_space<hbm>> -> memref<125xi32, #tpu.memory_space<hbm>>
      tpu.enqueue_dma source(%dma_start3A_139 : memref<125xi32, #tpu.memory_space<hbm>>) target(%arg10 : memref<125xi32, #tpu.memory_space<vmem>>) target_semaphore(%arg16 : memref<!tpu.dma_semaphore, #tpu.memory_space<semaphore_mem>>)
      %dma_wait3A_140 = arith.constant 0 : i32
      %dma_wait3A_141 = arith.constant 0 : i32
      %dma_wait3A_142 = tpu.memref_slice %arg4[%add3A, %dma_wait3A_140, %dma_wait3A_141] : memref<32x80x125xi32, #tpu.memory_space<hbm>> -> memref<1x1x125xi32, #tpu.memory_space<hbm>>
      %dma_wait3A_143 = tpu.memref_squeeze %dma_wait3A_142 : memref<1x1x125xi32, #tpu.memory_space<hbm>> -> memref<125xi32, #tpu.memory_space<hbm>>
      %dma_wait3A_144 = arith.constant 0 : i32
      %dma_wait3A_145 = tpu.memref_slice %arg4[%add3A, %dma_wait3A_140, %dma_wait3A_144] : memref<32x80x125xi32, #tpu.memory_space<hbm>> -> memref<1x1x125xi32, #tpu.memory_space<hbm>>
      %dma_wait3A_146 = tpu.memref_squeeze %dma_wait3A_145 : memref<1x1x125xi32, #tpu.memory_space<hbm>> -> memref<125xi32, #tpu.memory_space<hbm>>
      tpu.wait_dma2 semaphore(%arg18 : memref<!tpu.dma_semaphore, #tpu.memory_space<semaphore_mem>>) src(%dma_wait3A_146 : memref<125xi32, #tpu.memory_space<hbm>>) dst(%arg12 : memref<125xi32, #tpu.memory_space<vmem>>)
      "tpu.region"() ({
        %run_scoped3A = tpu.sem_alloc : memref<!tpu.dma_semaphore, #tpu.memory_space<semaphore_mem>>
        %dma_start3A_163 = arith.constant 0 : i32
        %dma_start3A_164 = arith.constant 0 : i32
        %dma_start3A_165 = tpu.memref_slice %arg8[%dma_start3A_163, %dma_start3A_164] : memref<10240x128xf32, #tpu.memory_space<vmem_shared>> -> memref<10240x128xf32, #tpu.memory_space<vmem_shared>>
        tpu.enqueue_indirect_dma source(%arg14 : memref<125x128xf32, #tpu.memory_space<vmem>>) target(%dma_start3A_165 : memref<10240x128xf32, #tpu.memory_space<vmem_shared>>) offsets(%arg12 : memref<125xi32, #tpu.memory_space<vmem>>) semaphore(%run_scoped3A : memref<!tpu.dma_semaphore, #tpu.memory_space<semaphore_mem>>) {add = true}
        %dma_wait3A_166 = arith.constant 0 : i32
        %dma_wait3A_167 = arith.constant 0 : i32
        %dma_wait3A_168 = tpu.memref_slice %arg8[%dma_wait3A_166, %dma_wait3A_167] : memref<10240x128xf32, #tpu.memory_space<vmem_shared>> -> memref<10240x128xf32, #tpu.memory_space<vmem_shared>>
        tpu.wait_indirect_dma semaphore(%run_scoped3A : memref<!tpu.dma_semaphore, #tpu.memory_space<semaphore_mem>>) src(%arg14 : memref<125x128xf32, #tpu.memory_space<vmem>>) dst(%dma_wait3A_168 : memref<10240x128xf32, #tpu.memory_space<vmem_shared>>)
        tpu.yield
      }) : () -> ()
      %dma_start3A_147 = arith.constant 0 : i32
      %dma_start3A_148 = tpu.memref_slice %arg4[%add3A, %add3A_130, %dma_start3A_147] : memref<32x80x125xi32, #tpu.memory_space<hbm>> -> memref<1x1x125xi32, #tpu.memory_space<hbm>>
      %dma_start3A_149 = tpu.memref_squeeze %dma_start3A_148 : memref<1x1x125xi32, #tpu.memory_space<hbm>> -> memref<125xi32, #tpu.memory_space<hbm>>
      %dma_start3A_150 = arith.constant 0 : i32
      %dma_start3A_151 = tpu.memref_slice %arg4[%add3A, %add3A_130, %dma_start3A_150] : memref<32x80x125xi32, #tpu.memory_space<hbm>> -> memref<1x1x125xi32, #tpu.memory_space<hbm>>
      %dma_start3A_152 = tpu.memref_squeeze %dma_start3A_151 : memref<1x1x125xi32, #tpu.memory_space<hbm>> -> memref<125xi32, #tpu.memory_space<hbm>>
      tpu.enqueue_dma source(%dma_start3A_152 : memref<125xi32, #tpu.memory_space<hbm>>) target(%arg12 : memref<125xi32, #tpu.memory_space<vmem>>) target_semaphore(%arg18 : memref<!tpu.dma_semaphore, #tpu.memory_space<semaphore_mem>>)
      %dma_wait3A_153 = arith.constant 0 : i32
      %dma_wait3A_154 = arith.constant 0 : i32
      %dma_wait3A_155 = tpu.memref_slice %arg3[%add3A, %dma_wait3A_153, %dma_wait3A_154] : memref<32x80x125xi32, #tpu.memory_space<hbm>> -> memref<1x1x125xi32, #tpu.memory_space<hbm>>
      %dma_wait3A_156 = tpu.memref_squeeze %dma_wait3A_155 : memref<1x1x125xi32, #tpu.memory_space<hbm>> -> memref<125xi32, #tpu.memory_space<hbm>>
      %dma_wait3A_157 = arith.constant 0 : i32
      %dma_wait3A_158 = tpu.memref_slice %arg3[%add3A, %dma_wait3A_153, %dma_wait3A_157] : memref<32x80x125xi32, #tpu.memory_space<hbm>> -> memref<1x1x125xi32, #tpu.memory_space<hbm>>
      %dma_wait3A_159 = tpu.memref_squeeze %dma_wait3A_158 : memref<1x1x125xi32, #tpu.memory_space<hbm>> -> memref<125xi32, #tpu.memory_space<hbm>>
      tpu.wait_dma2 semaphore(%arg16 : memref<!tpu.dma_semaphore, #tpu.memory_space<semaphore_mem>>) src(%dma_wait3A_159 : memref<125xi32, #tpu.memory_space<hbm>>) dst(%arg10 : memref<125xi32, #tpu.memory_space<vmem>>)
      %dma_start3A_160 = arith.constant 0 : i32
      %dma_start3A_161 = arith.constant 0 : i32
      %dma_start3A_162 = tpu.memref_slice %arg2[%dma_start3A_160, %dma_start3A_161] : memref<10000x128xf32, #tpu.memory_space<hbm>> -> memref<10000x128xf32, #tpu.memory_space<hbm>>
      tpu.enqueue_indirect_dma source(%dma_start3A_162 : memref<10000x128xf32, #tpu.memory_space<hbm>>) target(%arg14 : memref<125x128xf32, #tpu.memory_space<vmem>>) offsets(%arg10 : memref<125xi32, #tpu.memory_space<vmem>>) semaphore(%arg20 : memref<!tpu.dma_semaphore, #tpu.memory_space<semaphore_mem>>)
    }
    %scan3A_53 = arith.constant 39 : i32
    %dma_wait3A_54 = arith.constant 0 : i32
    %dma_wait3A_55 = arith.constant 0 : i32
    %dma_wait3A_56 = tpu.memref_slice %arg2[%dma_wait3A_54, %dma_wait3A_55] : memref<10000x128xf32, #tpu.memory_space<hbm>> -> memref<10000x128xf32, #tpu.memory_space<hbm>>
    tpu.wait_indirect_dma semaphore(%arg19 : memref<!tpu.dma_semaphore, #tpu.memory_space<semaphore_mem>>) src(%dma_wait3A_56 : memref<10000x128xf32, #tpu.memory_space<hbm>>) dst(%arg13 : memref<125x128xf32, #tpu.memory_space<vmem>>)
    %dma_wait3A_57 = arith.constant 0 : i32
    %dma_wait3A_58 = arith.constant 0 : i32
    %dma_wait3A_59 = tpu.memref_slice %arg4[%add3A, %dma_wait3A_57, %dma_wait3A_58] : memref<32x80x125xi32, #tpu.memory_space<hbm>> -> memref<1x1x125xi32, #tpu.memory_space<hbm>>
    %dma_wait3A_60 = tpu.memref_squeeze %dma_wait3A_59 : memref<1x1x125xi32, #tpu.memory_space<hbm>> -> memref<125xi32, #tpu.memory_space<hbm>>
    %dma_wait3A_61 = arith.constant 0 : i32
    %dma_wait3A_62 = tpu.memref_slice %arg4[%add3A, %dma_wait3A_57, %dma_wait3A_61] : memref<32x80x125xi32, #tpu.memory_space<hbm>> -> memref<1x1x125xi32, #tpu.memory_space<hbm>>
    %dma_wait3A_63 = tpu.memref_squeeze %dma_wait3A_62 : memref<1x1x125xi32, #tpu.memory_space<hbm>> -> memref<125xi32, #tpu.memory_space<hbm>>
    tpu.wait_dma2 semaphore(%arg17 : memref<!tpu.dma_semaphore, #tpu.memory_space<semaphore_mem>>) src(%dma_wait3A_63 : memref<125xi32, #tpu.memory_space<hbm>>) dst(%arg11 : memref<125xi32, #tpu.memory_space<vmem>>)
    "tpu.region"() ({
      %run_scoped3A = tpu.sem_alloc : memref<!tpu.dma_semaphore, #tpu.memory_space<semaphore_mem>>
      %dma_start3A_84 = arith.constant 0 : i32
      %dma_start3A_85 = arith.constant 0 : i32
      %dma_start3A_86 = tpu.memref_slice %arg8[%dma_start3A_84, %dma_start3A_85] : memref<10240x128xf32, #tpu.memory_space<vmem_shared>> -> memref<10240x128xf32, #tpu.memory_space<vmem_shared>>
      tpu.enqueue_indirect_dma source(%arg13 : memref<125x128xf32, #tpu.memory_space<vmem>>) target(%dma_start3A_86 : memref<10240x128xf32, #tpu.memory_space<vmem_shared>>) offsets(%arg11 : memref<125xi32, #tpu.memory_space<vmem>>) semaphore(%run_scoped3A : memref<!tpu.dma_semaphore, #tpu.memory_space<semaphore_mem>>) {add = true}
      %dma_wait3A_87 = arith.constant 0 : i32
      %dma_wait3A_88 = arith.constant 0 : i32
      %dma_wait3A_89 = tpu.memref_slice %arg8[%dma_wait3A_87, %dma_wait3A_88] : memref<10240x128xf32, #tpu.memory_space<vmem_shared>> -> memref<10240x128xf32, #tpu.memory_space<vmem_shared>>
      tpu.wait_indirect_dma semaphore(%run_scoped3A : memref<!tpu.dma_semaphore, #tpu.memory_space<semaphore_mem>>) src(%arg13 : memref<125x128xf32, #tpu.memory_space<vmem>>) dst(%dma_wait3A_89 : memref<10240x128xf32, #tpu.memory_space<vmem_shared>>)
      tpu.yield
    }) : () -> ()
    %dma_wait3A_64 = arith.constant 0 : i32
    %dma_wait3A_65 = arith.constant 0 : i32
    %dma_wait3A_66 = tpu.memref_slice %arg2[%dma_wait3A_64, %dma_wait3A_65] : memref<10000x128xf32, #tpu.memory_space<hbm>> -> memref<10000x128xf32, #tpu.memory_space<hbm>>
    tpu.wait_indirect_dma semaphore(%arg20 : memref<!tpu.dma_semaphore, #tpu.memory_space<semaphore_mem>>) src(%dma_wait3A_66 : memref<10000x128xf32, #tpu.memory_space<hbm>>) dst(%arg14 : memref<125x128xf32, #tpu.memory_space<vmem>>)
    %dma_wait3A_67 = arith.constant 0 : i32
    %dma_wait3A_68 = arith.constant 0 : i32
    %dma_wait3A_69 = tpu.memref_slice %arg4[%add3A, %dma_wait3A_67, %dma_wait3A_68] : memref<32x80x125xi32, #tpu.memory_space<hbm>> -> memref<1x1x125xi32, #tpu.memory_space<hbm>>
    %dma_wait3A_70 = tpu.memref_squeeze %dma_wait3A_69 : memref<1x1x125xi32, #tpu.memory_space<hbm>> -> memref<125xi32, #tpu.memory_space<hbm>>
    %dma_wait3A_71 = arith.constant 0 : i32
    %dma_wait3A_72 = tpu.memref_slice %arg4[%add3A, %dma_wait3A_67, %dma_wait3A_71] : memref<32x80x125xi32, #tpu.memory_space<hbm>> -> memref<1x1x125xi32, #tpu.memory_space<hbm>>
    %dma_wait3A_73 = tpu.memref_squeeze %dma_wait3A_72 : memref<1x1x125xi32, #tpu.memory_space<hbm>> -> memref<125xi32, #tpu.memory_space<hbm>>
    tpu.wait_dma2 semaphore(%arg18 : memref<!tpu.dma_semaphore, #tpu.memory_space<semaphore_mem>>) src(%dma_wait3A_73 : memref<125xi32, #tpu.memory_space<hbm>>) dst(%arg12 : memref<125xi32, #tpu.memory_space<vmem>>)
    "tpu.region"() ({
      %run_scoped3A = tpu.sem_alloc : memref<!tpu.dma_semaphore, #tpu.memory_space<semaphore_mem>>
      %dma_start3A_84 = arith.constant 0 : i32
      %dma_start3A_85 = arith.constant 0 : i32
      %dma_start3A_86 = tpu.memref_slice %arg8[%dma_start3A_84, %dma_start3A_85] : memref<10240x128xf32, #tpu.memory_space<vmem_shared>> -> memref<10240x128xf32, #tpu.memory_space<vmem_shared>>
      tpu.enqueue_indirect_dma source(%arg14 : memref<125x128xf32, #tpu.memory_space<vmem>>) target(%dma_start3A_86 : memref<10240x128xf32, #tpu.memory_space<vmem_shared>>) offsets(%arg12 : memref<125xi32, #tpu.memory_space<vmem>>) semaphore(%run_scoped3A : memref<!tpu.dma_semaphore, #tpu.memory_space<semaphore_mem>>) {add = true}
      %dma_wait3A_87 = arith.constant 0 : i32
      %dma_wait3A_88 = arith.constant 0 : i32
      %dma_wait3A_89 = tpu.memref_slice %arg8[%dma_wait3A_87, %dma_wait3A_88] : memref<10240x128xf32, #tpu.memory_space<vmem_shared>> -> memref<10240x128xf32, #tpu.memory_space<vmem_shared>>
      tpu.wait_indirect_dma semaphore(%run_scoped3A : memref<!tpu.dma_semaphore, #tpu.memory_space<semaphore_mem>>) src(%arg14 : memref<125x128xf32, #tpu.memory_space<vmem>>) dst(%dma_wait3A_89 : memref<10240x128xf32, #tpu.memory_space<vmem_shared>>)
      tpu.yield
    }) : () -> ()
    %barrier3A_74 = arith.constant 0 : index
    tpu.barrier barrier_id(%barrier3A_74)
    %mul3A_75 = arith.constant 640 : i32
    %mul3A_76 = arith.muli %arg1, %mul3A_75 : i32
    %eq3A = arith.constant 0 : i32
    %eq3A_77 = arith.cmpi eq, %arg0, %eq3A : i32
    %convert_element_type3A = arith.extui %eq3A_77 : i1 to i32
    %cond3A = arith.constant 0 : i32
    %cond3A_78 = arith.cmpi ne, %convert_element_type3A, %cond3A : i32
    scf.if %cond3A_78 {
      "tpu.region"() ({
        %run_scoped3A = tpu.sem_alloc : memref<!tpu.dma_semaphore, #tpu.memory_space<semaphore_mem>>
        %dma_start3A_84 = arith.constant 0 : i32
        %dma_start3A_85 = tpu.memref_slice %arg6[%mul3A_76, %dma_start3A_84] : memref<10240x128xf32, #tpu.memory_space<hbm>> -> memref<640x128xf32, #tpu.memory_space<hbm>>
        %dma_start3A_86 = arith.constant 0 : i32
        %dma_start3A_87 = tpu.memref_slice %arg8[%mul3A_76, %dma_start3A_86] : memref<10240x128xf32, #tpu.memory_space<vmem_shared>> -> memref<640x128xf32, #tpu.memory_space<vmem_shared>>
        tpu.enqueue_dma source(%dma_start3A_87 : memref<640x128xf32, #tpu.memory_space<vmem_shared>>) target(%dma_start3A_85 : memref<640x128xf32, #tpu.memory_space<hbm>>) target_semaphore(%run_scoped3A : memref<!tpu.dma_semaphore, #tpu.memory_space<semaphore_mem>>)
        %dma_wait3A_88 = arith.constant 0 : i32
        %dma_wait3A_89 = tpu.memref_slice %arg6[%mul3A_76, %dma_wait3A_88] : memref<10240x128xf32, #tpu.memory_space<hbm>> -> memref<640x128xf32, #tpu.memory_space<hbm>>
        %dma_wait3A_90 = arith.constant 0 : i32
        %dma_wait3A_91 = tpu.memref_slice %arg8[%mul3A_76, %dma_wait3A_90] : memref<10240x128xf32, #tpu.memory_space<vmem_shared>> -> memref<640x128xf32, #tpu.memory_space<vmem_shared>>
        tpu.wait_dma2 semaphore(%run_scoped3A : memref<!tpu.dma_semaphore, #tpu.memory_space<semaphore_mem>>) src(%dma_wait3A_91 : memref<640x128xf32, #tpu.memory_space<vmem_shared>>) dst(%dma_wait3A_89 : memref<640x128xf32, #tpu.memory_space<hbm>>)
        tpu.yield
      }) : () -> ()
    } else {
    }
    %eq3A_79 = arith.constant 1 : i32
    %eq3A_80 = arith.cmpi eq, %arg0, %eq3A_79 : i32
    %convert_element_type3A_81 = arith.extui %eq3A_80 : i1 to i32
    %cond3A_82 = arith.constant 0 : i32
    %cond3A_83 = arith.cmpi ne, %convert_element_type3A_81, %cond3A_82 : i32
    scf.if %cond3A_83 {
      "tpu.region"() ({
        %run_scoped3A = tpu.sem_alloc : memref<!tpu.dma_semaphore, #tpu.memory_space<semaphore_mem>>
        %dma_start3A_84 = arith.constant 0 : i32
        %dma_start3A_85 = tpu.memref_slice %arg7[%mul3A_76, %dma_start3A_84] : memref<10240x128xf32, #tpu.memory_space<hbm>> -> memref<640x128xf32, #tpu.memory_space<hbm>>
        %dma_start3A_86 = arith.constant 0 : i32
        %dma_start3A_87 = tpu.memref_slice %arg8[%mul3A_76, %dma_start3A_86] : memref<10240x128xf32, #tpu.memory_space<vmem_shared>> -> memref<640x128xf32, #tpu.memory_space<vmem_shared>>
        tpu.enqueue_dma source(%dma_start3A_87 : memref<640x128xf32, #tpu.memory_space<vmem_shared>>) target(%dma_start3A_85 : memref<640x128xf32, #tpu.memory_space<hbm>>) target_semaphore(%run_scoped3A : memref<!tpu.dma_semaphore, #tpu.memory_space<semaphore_mem>>)
        %dma_wait3A_88 = arith.constant 0 : i32
        %dma_wait3A_89 = tpu.memref_slice %arg7[%mul3A_76, %dma_wait3A_88] : memref<10240x128xf32, #tpu.memory_space<hbm>> -> memref<640x128xf32, #tpu.memory_space<hbm>>
        %dma_wait3A_90 = arith.constant 0 : i32
        %dma_wait3A_91 = tpu.memref_slice %arg8[%mul3A_76, %dma_wait3A_90] : memref<10240x128xf32, #tpu.memory_space<vmem_shared>> -> memref<640x128xf32, #tpu.memory_space<vmem_shared>>
        tpu.wait_dma2 semaphore(%run_scoped3A : memref<!tpu.dma_semaphore, #tpu.memory_space<semaphore_mem>>) src(%dma_wait3A_91 : memref<640x128xf32, #tpu.memory_space<vmem_shared>>) dst(%dma_wait3A_89 : memref<640x128xf32, #tpu.memory_space<hbm>>)
        tpu.yield
      }) : () -> ()
    } else {
    }
    return
  }
}

#map = affine_map<(d0, d1) -> (0, 0)>
#map1 = affine_map<(d0, d1) -> (0, 0, 0)>
module attributes {stable_mosaic.version = 14 : i64} {
  func.func @_seg_body(%arg0: i32, %arg1: i32, %arg2: memref<10000x128xf32, #tpu.memory_space<hbm>>, %arg3: memref<32x80x125xi32, #tpu.memory_space<hbm>>, %arg4: memref<32x80x125xi32, #tpu.memory_space<hbm>>, %arg5: memref<640x128xf32, #tpu.memory_space<hbm>>, %arg6: memref<10240x128xf32, #tpu.memory_space<hbm>>, %arg7: memref<10240x128xf32, #tpu.memory_space<hbm>>, %arg8: memref<10240x128xf32, #tpu.memory_space<vmem_shared>>, %arg9: memref<125xi32, #tpu.memory_space<vmem>>, %arg10: memref<125xi32, #tpu.memory_space<vmem>>, %arg11: memref<125xi32, #tpu.memory_space<vmem>>, %arg12: memref<125xi32, #tpu.memory_space<vmem>>, %arg13: memref<125x128xf32, #tpu.memory_space<vmem>>, %arg14: memref<125x128xf32, #tpu.memory_space<vmem>>, %arg15: memref<!tpu.dma_semaphore, #tpu.memory_space<semaphore_mem>>, %arg16: memref<!tpu.dma_semaphore, #tpu.memory_space<semaphore_mem>>, %arg17: memref<!tpu.dma_semaphore, #tpu.memory_space<semaphore_mem>>, %arg18: memref<!tpu.dma_semaphore, #tpu.memory_space<semaphore_mem>>, %arg19: memref<!tpu.dma_semaphore, #tpu.memory_space<semaphore_mem>>, %arg20: memref<!tpu.dma_semaphore, #tpu.memory_space<semaphore_mem>>) attributes {dimension_semantics = [#tpu.dimension_semantics<core_parallel>, #tpu.dimension_semantics<subcore_parallel>], iteration_bounds = array<i64: 2, 16>, scalar_prefetch = 0 : i64, scratch_operands = 13 : i64, tpu.core_type = #tpu.core_type<sc_vector_subcore>, window_params = [{transform_indices = #map}, {transform_indices = #map1}, {transform_indices = #map1}, {transform_indices = #map}, {transform_indices = #map}, {transform_indices = #map}]} {
    %mul3A = arith.constant 2 : i32
    %mul3A_0 = arith.muli %arg1, %mul3A : i32
    %add3A = arith.addi %mul3A_0, %arg0 : i32
    %dma_start3A = arith.constant 0 : i32
    %dma_start3A_1 = arith.constant 0 : i32
    %dma_start3A_2 = tpu.memref_slice %arg3[%add3A, %dma_start3A, %dma_start3A_1] : memref<32x80x125xi32, #tpu.memory_space<hbm>> -> memref<1x1x125xi32, #tpu.memory_space<hbm>>
    %dma_start3A_3 = tpu.memref_squeeze %dma_start3A_2 : memref<1x1x125xi32, #tpu.memory_space<hbm>> -> memref<125xi32, #tpu.memory_space<hbm>>
    %dma_start3A_4 = arith.constant 0 : i32
    %dma_start3A_5 = tpu.memref_slice %arg3[%add3A, %dma_start3A, %dma_start3A_4] : memref<32x80x125xi32, #tpu.memory_space<hbm>> -> memref<1x1x125xi32, #tpu.memory_space<hbm>>
    %dma_start3A_6 = tpu.memref_squeeze %dma_start3A_5 : memref<1x1x125xi32, #tpu.memory_space<hbm>> -> memref<125xi32, #tpu.memory_space<hbm>>
    tpu.enqueue_dma source(%dma_start3A_6 : memref<125xi32, #tpu.memory_space<hbm>>) target(%arg9 : memref<125xi32, #tpu.memory_space<vmem>>) target_semaphore(%arg15 : memref<!tpu.dma_semaphore, #tpu.memory_space<semaphore_mem>>)
    %dma_start3A_7 = arith.constant 0 : i32
    %dma_start3A_8 = arith.constant 0 : i32
    %dma_start3A_9 = tpu.memref_slice %arg4[%add3A, %dma_start3A_7, %dma_start3A_8] : memref<32x80x125xi32, #tpu.memory_space<hbm>> -> memref<1x1x125xi32, #tpu.memory_space<hbm>>
    %dma_start3A_10 = tpu.memref_squeeze %dma_start3A_9 : memref<1x1x125xi32, #tpu.memory_space<hbm>> -> memref<125xi32, #tpu.memory_space<hbm>>
    %dma_start3A_11 = arith.constant 0 : i32
    %dma_start3A_12 = tpu.memref_slice %arg4[%add3A, %dma_start3A_7, %dma_start3A_11] : memref<32x80x125xi32, #tpu.memory_space<hbm>> -> memref<1x1x125xi32, #tpu.memory_space<hbm>>
    %dma_start3A_13 = tpu.memref_squeeze %dma_start3A_12 : memref<1x1x125xi32, #tpu.memory_space<hbm>> -> memref<125xi32, #tpu.memory_space<hbm>>
    tpu.enqueue_dma source(%dma_start3A_13 : memref<125xi32, #tpu.memory_space<hbm>>) target(%arg11 : memref<125xi32, #tpu.memory_space<vmem>>) target_semaphore(%arg17 : memref<!tpu.dma_semaphore, #tpu.memory_space<semaphore_mem>>)
    %dma_start3A_14 = arith.constant 1 : i32
    %dma_start3A_15 = arith.constant 0 : i32
    %dma_start3A_16 = tpu.memref_slice %arg3[%add3A, %dma_start3A_14, %dma_start3A_15] : memref<32x80x125xi32, #tpu.memory_space<hbm>> -> memref<1x1x125xi32, #tpu.memory_space<hbm>>
    %dma_start3A_17 = tpu.memref_squeeze %dma_start3A_16 : memref<1x1x125xi32, #tpu.memory_space<hbm>> -> memref<125xi32, #tpu.memory_space<hbm>>
    %dma_start3A_18 = arith.constant 0 : i32
    %dma_start3A_19 = tpu.memref_slice %arg3[%add3A, %dma_start3A_14, %dma_start3A_18] : memref<32x80x125xi32, #tpu.memory_space<hbm>> -> memref<1x1x125xi32, #tpu.memory_space<hbm>>
    %dma_start3A_20 = tpu.memref_squeeze %dma_start3A_19 : memref<1x1x125xi32, #tpu.memory_space<hbm>> -> memref<125xi32, #tpu.memory_space<hbm>>
    tpu.enqueue_dma source(%dma_start3A_20 : memref<125xi32, #tpu.memory_space<hbm>>) target(%arg10 : memref<125xi32, #tpu.memory_space<vmem>>) target_semaphore(%arg16 : memref<!tpu.dma_semaphore, #tpu.memory_space<semaphore_mem>>)
    %dma_start3A_21 = arith.constant 1 : i32
    %dma_start3A_22 = arith.constant 0 : i32
    %dma_start3A_23 = tpu.memref_slice %arg4[%add3A, %dma_start3A_21, %dma_start3A_22] : memref<32x80x125xi32, #tpu.memory_space<hbm>> -> memref<1x1x125xi32, #tpu.memory_space<hbm>>
    %dma_start3A_24 = tpu.memref_squeeze %dma_start3A_23 : memref<1x1x125xi32, #tpu.memory_space<hbm>> -> memref<125xi32, #tpu.memory_space<hbm>>
    %dma_start3A_25 = arith.constant 0 : i32
    %dma_start3A_26 = tpu.memref_slice %arg4[%add3A, %dma_start3A_21, %dma_start3A_25] : memref<32x80x125xi32, #tpu.memory_space<hbm>> -> memref<1x1x125xi32, #tpu.memory_space<hbm>>
    %dma_start3A_27 = tpu.memref_squeeze %dma_start3A_26 : memref<1x1x125xi32, #tpu.memory_space<hbm>> -> memref<125xi32, #tpu.memory_space<hbm>>
    tpu.enqueue_dma source(%dma_start3A_27 : memref<125xi32, #tpu.memory_space<hbm>>) target(%arg12 : memref<125xi32, #tpu.memory_space<vmem>>) target_semaphore(%arg18 : memref<!tpu.dma_semaphore, #tpu.memory_space<semaphore_mem>>)
    %dma_wait3A = arith.constant 0 : i32
    %dma_wait3A_28 = arith.constant 0 : i32
    %dma_wait3A_29 = tpu.memref_slice %arg3[%add3A, %dma_wait3A, %dma_wait3A_28] : memref<32x80x125xi32, #tpu.memory_space<hbm>> -> memref<1x1x125xi32, #tpu.memory_space<hbm>>
    %dma_wait3A_30 = tpu.memref_squeeze %dma_wait3A_29 : memref<1x1x125xi32, #tpu.memory_space<hbm>> -> memref<125xi32, #tpu.memory_space<hbm>>
    %dma_wait3A_31 = arith.constant 0 : i32
    %dma_wait3A_32 = tpu.memref_slice %arg3[%add3A, %dma_wait3A, %dma_wait3A_31] : memref<32x80x125xi32, #tpu.memory_space<hbm>> -> memref<1x1x125xi32, #tpu.memory_space<hbm>>
    %dma_wait3A_33 = tpu.memref_squeeze %dma_wait3A_32 : memref<1x1x125xi32, #tpu.memory_space<hbm>> -> memref<125xi32, #tpu.memory_space<hbm>>
    tpu.wait_dma2 semaphore(%arg15 : memref<!tpu.dma_semaphore, #tpu.memory_space<semaphore_mem>>) src(%dma_wait3A_33 : memref<125xi32, #tpu.memory_space<hbm>>) dst(%arg9 : memref<125xi32, #tpu.memory_space<vmem>>)
    %dma_start3A_34 = arith.constant 0 : i32
    %dma_start3A_35 = arith.constant 0 : i32
    %dma_start3A_36 = tpu.memref_slice %arg2[%dma_start3A_34, %dma_start3A_35] : memref<10000x128xf32, #tpu.memory_space<hbm>> -> memref<10000x128xf32, #tpu.memory_space<hbm>>
    tpu.enqueue_indirect_dma source(%dma_start3A_36 : memref<10000x128xf32, #tpu.memory_space<hbm>>) target(%arg13 : memref<125x128xf32, #tpu.memory_space<vmem>>) offsets(%arg9 : memref<125xi32, #tpu.memory_space<vmem>>) semaphore(%arg19 : memref<!tpu.dma_semaphore, #tpu.memory_space<semaphore_mem>>)
    %dma_wait3A_37 = arith.constant 0 : i32
    %dma_wait3A_38 = arith.constant 0 : i32
    %dma_wait3A_39 = tpu.memref_slice %arg3[%add3A, %dma_wait3A_37, %dma_wait3A_38] : memref<32x80x125xi32, #tpu.memory_space<hbm>> -> memref<1x1x125xi32, #tpu.memory_space<hbm>>
    %dma_wait3A_40 = tpu.memref_squeeze %dma_wait3A_39 : memref<1x1x125xi32, #tpu.memory_space<hbm>> -> memref<125xi32, #tpu.memory_space<hbm>>
    %dma_wait3A_41 = arith.constant 0 : i32
    %dma_wait3A_42 = tpu.memref_slice %arg3[%add3A, %dma_wait3A_37, %dma_wait3A_41] : memref<32x80x125xi32, #tpu.memory_space<hbm>> -> memref<1x1x125xi32, #tpu.memory_space<hbm>>
    %dma_wait3A_43 = tpu.memref_squeeze %dma_wait3A_42 : memref<1x1x125xi32, #tpu.memory_space<hbm>> -> memref<125xi32, #tpu.memory_space<hbm>>
    tpu.wait_dma2 semaphore(%arg16 : memref<!tpu.dma_semaphore, #tpu.memory_space<semaphore_mem>>) src(%dma_wait3A_43 : memref<125xi32, #tpu.memory_space<hbm>>) dst(%arg10 : memref<125xi32, #tpu.memory_space<vmem>>)
    %dma_start3A_44 = arith.constant 0 : i32
    %dma_start3A_45 = arith.constant 0 : i32
    %dma_start3A_46 = tpu.memref_slice %arg2[%dma_start3A_44, %dma_start3A_45] : memref<10000x128xf32, #tpu.memory_space<hbm>> -> memref<10000x128xf32, #tpu.memory_space<hbm>>
    tpu.enqueue_indirect_dma source(%dma_start3A_46 : memref<10000x128xf32, #tpu.memory_space<hbm>>) target(%arg14 : memref<125x128xf32, #tpu.memory_space<vmem>>) offsets(%arg10 : memref<125xi32, #tpu.memory_space<vmem>>) semaphore(%arg20 : memref<!tpu.dma_semaphore, #tpu.memory_space<semaphore_mem>>)
    %mul3A_47 = arith.constant 640 : i32
    %mul3A_48 = arith.muli %arg1, %mul3A_47 : i32
    "tpu.region"() ({
      %run_scoped3A = tpu.sem_alloc : memref<!tpu.dma_semaphore, #tpu.memory_space<semaphore_mem>>
      %dma_start3A_84 = arith.constant 0 : i32
      %dma_start3A_85 = tpu.memref_slice %arg8[%mul3A_48, %dma_start3A_84] : memref<10240x128xf32, #tpu.memory_space<vmem_shared>> -> memref<640x128xf32, #tpu.memory_space<vmem_shared>>
      tpu.enqueue_dma source(%arg5 : memref<640x128xf32, #tpu.memory_space<hbm>>) target(%dma_start3A_85 : memref<640x128xf32, #tpu.memory_space<vmem_shared>>) target_semaphore(%run_scoped3A : memref<!tpu.dma_semaphore, #tpu.memory_space<semaphore_mem>>)
      %dma_wait3A_86 = arith.constant 0 : i32
      %dma_wait3A_87 = tpu.memref_slice %arg8[%mul3A_48, %dma_wait3A_86] : memref<10240x128xf32, #tpu.memory_space<vmem_shared>> -> memref<640x128xf32, #tpu.memory_space<vmem_shared>>
      tpu.wait_dma2 semaphore(%run_scoped3A : memref<!tpu.dma_semaphore, #tpu.memory_space<semaphore_mem>>) src(%arg5 : memref<640x128xf32, #tpu.memory_space<hbm>>) dst(%dma_wait3A_87 : memref<640x128xf32, #tpu.memory_space<vmem_shared>>)
      tpu.yield
    }) : () -> ()
    %barrier3A = arith.constant 0 : index
    tpu.barrier barrier_id(%barrier3A)
    %scan3A = arith.constant 0 : i32
    %scan3A_49 = arith.constant 0 : i32
    %scan3A_50 = arith.constant 39 : i32
    %scan3A_51 = arith.addi %scan3A_49, %scan3A_50 : i32
    %scan3A_52 = arith.constant 1 : i32
    scf.for %scan3A_84 = %scan3A_49 to %scan3A_51 step %scan3A_52  : i32 {
      %mul3A_85 = arith.constant 2 : i32
      %mul3A_86 = arith.muli %mul3A_85, %scan3A_84 : i32
      %mul3A_87 = arith.constant 2 : i32
      %mul3A_88 = arith.muli %mul3A_87, %scan3A_84 : i32
      %add3A_89 = arith.constant 2 : i32
      %add3A_90 = arith.addi %mul3A_88, %add3A_89 : i32
      %dma_wait3A_91 = arith.constant 0 : i32
      %dma_wait3A_92 = arith.constant 0 : i32
      %dma_wait3A_93 = tpu.memref_slice %arg2[%dma_wait3A_91, %dma_wait3A_92] : memref<10000x128xf32, #tpu.memory_space<hbm>> -> memref<10000x128xf32, #tpu.memory_space<hbm>>
      tpu.wait_indirect_dma semaphore(%arg19 : memref<!tpu.dma_semaphore, #tpu.memory_space<semaphore_mem>>) src(%dma_wait3A_93 : memref<10000x128xf32, #tpu.memory_space<hbm>>) dst(%arg13 : memref<125x128xf32, #tpu.memory_space<vmem>>)
      %dma_start3A_94 = arith.constant 0 : i32
      %dma_start3A_95 = tpu.memref_slice %arg3[%add3A, %add3A_90, %dma_start3A_94] : memref<32x80x125xi32, #tpu.memory_space<hbm>> -> memref<1x1x125xi32, #tpu.memory_space<hbm>>
      %dma_start3A_96 = tpu.memref_squeeze %dma_start3A_95 : memref<1x1x125xi32, #tpu.memory_space<hbm>> -> memref<125xi32, #tpu.memory_space<hbm>>
      %dma_start3A_97 = arith.constant 0 : i32
      %dma_start3A_98 = tpu.memref_slice %arg3[%add3A, %add3A_90, %dma_start3A_97] : memref<32x80x125xi32, #tpu.memory_space<hbm>> -> memref<1x1x125xi32, #tpu.memory_space<hbm>>
      %dma_start3A_99 = tpu.memref_squeeze %dma_start3A_98 : memref<1x1x125xi32, #tpu.memory_space<hbm>> -> memref<125xi32, #tpu.memory_space<hbm>>
      tpu.enqueue_dma source(%dma_start3A_99 : memref<125xi32, #tpu.memory_space<hbm>>) target(%arg9 : memref<125xi32, #tpu.memory_space<vmem>>) target_semaphore(%arg15 : memref<!tpu.dma_semaphore, #tpu.memory_space<semaphore_mem>>)
      %dma_wait3A_100 = arith.constant 0 : i32
      %dma_wait3A_101 = arith.constant 0 : i32
      %dma_wait3A_102 = tpu.memref_slice %arg4[%add3A, %dma_wait3A_100, %dma_wait3A_101] : memref<32x80x125xi32, #tpu.memory_space<hbm>> -> memref<1x1x125xi32, #tpu.memory_space<hbm>>
      %dma_wait3A_103 = tpu.memref_squeeze %dma_wait3A_102 : memref<1x1x125xi32, #tpu.memory_space<hbm>> -> memref<125xi32, #tpu.memory_space<hbm>>
      %dma_wait3A_104 = arith.constant 0 : i32
      %dma_wait3A_105 = tpu.memref_slice %arg4[%add3A, %dma_wait3A_100, %dma_wait3A_104] : memref<32x80x125xi32, #tpu.memory_space<hbm>> -> memref<1x1x125xi32, #tpu.memory_space<hbm>>
      %dma_wait3A_106 = tpu.memref_squeeze %dma_wait3A_105 : memref<1x1x125xi32, #tpu.memory_space<hbm>> -> memref<125xi32, #tpu.memory_space<hbm>>
      tpu.wait_dma2 semaphore(%arg17 : memref<!tpu.dma_semaphore, #tpu.memory_space<semaphore_mem>>) src(%dma_wait3A_106 : memref<125xi32, #tpu.memory_space<hbm>>) dst(%arg11 : memref<125xi32, #tpu.memory_space<vmem>>)
      "tpu.region"() ({
        %run_scoped3A = tpu.sem_alloc : memref<!tpu.dma_semaphore, #tpu.memory_space<semaphore_mem>>
        %dma_start3A_163 = arith.constant 0 : i32
        %dma_start3A_164 = arith.constant 0 : i32
        %dma_start3A_165 = tpu.memref_slice %arg8[%dma_start3A_163, %dma_start3A_164] : memref<10240x128xf32, #tpu.memory_space<vmem_shared>> -> memref<10240x128xf32, #tpu.memory_space<vmem_shared>>
        tpu.enqueue_indirect_dma source(%arg13 : memref<125x128xf32, #tpu.memory_space<vmem>>) target(%dma_start3A_165 : memref<10240x128xf32, #tpu.memory_space<vmem_shared>>) offsets(%arg11 : memref<125xi32, #tpu.memory_space<vmem>>) semaphore(%run_scoped3A : memref<!tpu.dma_semaphore, #tpu.memory_space<semaphore_mem>>) {add = true}
        %dma_wait3A_166 = arith.constant 0 : i32
        %dma_wait3A_167 = arith.constant 0 : i32
        %dma_wait3A_168 = tpu.memref_slice %arg8[%dma_wait3A_166, %dma_wait3A_167] : memref<10240x128xf32, #tpu.memory_space<vmem_shared>> -> memref<10240x128xf32, #tpu.memory_space<vmem_shared>>
        tpu.wait_indirect_dma semaphore(%run_scoped3A : memref<!tpu.dma_semaphore, #tpu.memory_space<semaphore_mem>>) src(%arg13 : memref<125x128xf32, #tpu.memory_space<vmem>>) dst(%dma_wait3A_168 : memref<10240x128xf32, #tpu.memory_space<vmem_shared>>)
        tpu.yield
      }) : () -> ()
      %dma_start3A_107 = arith.constant 0 : i32
      %dma_start3A_108 = tpu.memref_slice %arg4[%add3A, %add3A_90, %dma_start3A_107] : memref<32x80x125xi32, #tpu.memory_space<hbm>> -> memref<1x1x125xi32, #tpu.memory_space<hbm>>
      %dma_start3A_109 = tpu.memref_squeeze %dma_start3A_108 : memref<1x1x125xi32, #tpu.memory_space<hbm>> -> memref<125xi32, #tpu.memory_space<hbm>>
      %dma_start3A_110 = arith.constant 0 : i32
      %dma_start3A_111 = tpu.memref_slice %arg4[%add3A, %add3A_90, %dma_start3A_110] : memref<32x80x125xi32, #tpu.memory_space<hbm>> -> memref<1x1x125xi32, #tpu.memory_space<hbm>>
      %dma_start3A_112 = tpu.memref_squeeze %dma_start3A_111 : memref<1x1x125xi32, #tpu.memory_space<hbm>> -> memref<125xi32, #tpu.memory_space<hbm>>
      tpu.enqueue_dma source(%dma_start3A_112 : memref<125xi32, #tpu.memory_space<hbm>>) target(%arg11 : memref<125xi32, #tpu.memory_space<vmem>>) target_semaphore(%arg17 : memref<!tpu.dma_semaphore, #tpu.memory_space<semaphore_mem>>)
      %dma_wait3A_113 = arith.constant 0 : i32
      %dma_wait3A_114 = arith.constant 0 : i32
      %dma_wait3A_115 = tpu.memref_slice %arg3[%add3A, %dma_wait3A_113, %dma_wait3A_114] : memref<32x80x125xi32, #tpu.memory_space<hbm>> -> memref<1x1x125xi32, #tpu.memory_space<hbm>>
      %dma_wait3A_116 = tpu.memref_squeeze %dma_wait3A_115 : memref<1x1x125xi32, #tpu.memory_space<hbm>> -> memref<125xi32, #tpu.memory_space<hbm>>
      %dma_wait3A_117 = arith.constant 0 : i32
      %dma_wait3A_118 = tpu.memref_slice %arg3[%add3A, %dma_wait3A_113, %dma_wait3A_117] : memref<32x80x125xi32, #tpu.memory_space<hbm>> -> memref<1x1x125xi32, #tpu.memory_space<hbm>>
      %dma_wait3A_119 = tpu.memref_squeeze %dma_wait3A_118 : memref<1x1x125xi32, #tpu.memory_space<hbm>> -> memref<125xi32, #tpu.memory_space<hbm>>
      tpu.wait_dma2 semaphore(%arg15 : memref<!tpu.dma_semaphore, #tpu.memory_space<semaphore_mem>>) src(%dma_wait3A_119 : memref<125xi32, #tpu.memory_space<hbm>>) dst(%arg9 : memref<125xi32, #tpu.memory_space<vmem>>)
      %dma_start3A_120 = arith.constant 0 : i32
      %dma_start3A_121 = arith.constant 0 : i32
      %dma_start3A_122 = tpu.memref_slice %arg2[%dma_start3A_120, %dma_start3A_121] : memref<10000x128xf32, #tpu.memory_space<hbm>> -> memref<10000x128xf32, #tpu.memory_space<hbm>>
      tpu.enqueue_indirect_dma source(%dma_start3A_122 : memref<10000x128xf32, #tpu.memory_space<hbm>>) target(%arg13 : memref<125x128xf32, #tpu.memory_space<vmem>>) offsets(%arg9 : memref<125xi32, #tpu.memory_space<vmem>>) semaphore(%arg19 : memref<!tpu.dma_semaphore, #tpu.memory_space<semaphore_mem>>)
      %mul3A_123 = arith.constant 2 : i32
      %mul3A_124 = arith.muli %mul3A_123, %scan3A_84 : i32
      %add3A_125 = arith.constant 1 : i32
      %add3A_126 = arith.addi %mul3A_124, %add3A_125 : i32
      %mul3A_127 = arith.constant 2 : i32
      %mul3A_128 = arith.muli %mul3A_127, %scan3A_84 : i32
      %add3A_129 = arith.constant 3 : i32
      %add3A_130 = arith.addi %mul3A_128, %add3A_129 : i32
      %dma_wait3A_131 = arith.constant 0 : i32
      %dma_wait3A_132 = arith.constant 0 : i32
      %dma_wait3A_133 = tpu.memref_slice %arg2[%dma_wait3A_131, %dma_wait3A_132] : memref<10000x128xf32, #tpu.memory_space<hbm>> -> memref<10000x128xf32, #tpu.memory_space<hbm>>
      tpu.wait_indirect_dma semaphore(%arg20 : memref<!tpu.dma_semaphore, #tpu.memory_space<semaphore_mem>>) src(%dma_wait3A_133 : memref<10000x128xf32, #tpu.memory_space<hbm>>) dst(%arg14 : memref<125x128xf32, #tpu.memory_space<vmem>>)
      %dma_start3A_134 = arith.constant 0 : i32
      %dma_start3A_135 = tpu.memref_slice %arg3[%add3A, %add3A_130, %dma_start3A_134] : memref<32x80x125xi32, #tpu.memory_space<hbm>> -> memref<1x1x125xi32, #tpu.memory_space<hbm>>
      %dma_start3A_136 = tpu.memref_squeeze %dma_start3A_135 : memref<1x1x125xi32, #tpu.memory_space<hbm>> -> memref<125xi32, #tpu.memory_space<hbm>>
      %dma_start3A_137 = arith.constant 0 : i32
      %dma_start3A_138 = tpu.memref_slice %arg3[%add3A, %add3A_130, %dma_start3A_137] : memref<32x80x125xi32, #tpu.memory_space<hbm>> -> memref<1x1x125xi32, #tpu.memory_space<hbm>>
      %dma_start3A_139 = tpu.memref_squeeze %dma_start3A_138 : memref<1x1x125xi32, #tpu.memory_space<hbm>> -> memref<125xi32, #tpu.memory_space<hbm>>
      tpu.enqueue_dma source(%dma_start3A_139 : memref<125xi32, #tpu.memory_space<hbm>>) target(%arg10 : memref<125xi32, #tpu.memory_space<vmem>>) target_semaphore(%arg16 : memref<!tpu.dma_semaphore, #tpu.memory_space<semaphore_mem>>)
      %dma_wait3A_140 = arith.constant 0 : i32
      %dma_wait3A_141 = arith.constant 0 : i32
      %dma_wait3A_142 = tpu.memref_slice %arg4[%add3A, %dma_wait3A_140, %dma_wait3A_141] : memref<32x80x125xi32, #tpu.memory_space<hbm>> -> memref<1x1x125xi32, #tpu.memory_space<hbm>>
      %dma_wait3A_143 = tpu.memref_squeeze %dma_wait3A_142 : memref<1x1x125xi32, #tpu.memory_space<hbm>> -> memref<125xi32, #tpu.memory_space<hbm>>
      %dma_wait3A_144 = arith.constant 0 : i32
      %dma_wait3A_145 = tpu.memref_slice %arg4[%add3A, %dma_wait3A_140, %dma_wait3A_144] : memref<32x80x125xi32, #tpu.memory_space<hbm>> -> memref<1x1x125xi32, #tpu.memory_space<hbm>>
      %dma_wait3A_146 = tpu.memref_squeeze %dma_wait3A_145 : memref<1x1x125xi32, #tpu.memory_space<hbm>> -> memref<125xi32, #tpu.memory_space<hbm>>
      tpu.wait_dma2 semaphore(%arg18 : memref<!tpu.dma_semaphore, #tpu.memory_space<semaphore_mem>>) src(%dma_wait3A_146 : memref<125xi32, #tpu.memory_space<hbm>>) dst(%arg12 : memref<125xi32, #tpu.memory_space<vmem>>)
      "tpu.region"() ({
        %run_scoped3A = tpu.sem_alloc : memref<!tpu.dma_semaphore, #tpu.memory_space<semaphore_mem>>
        %dma_start3A_163 = arith.constant 0 : i32
        %dma_start3A_164 = arith.constant 0 : i32
        %dma_start3A_165 = tpu.memref_slice %arg8[%dma_start3A_163, %dma_start3A_164] : memref<10240x128xf32, #tpu.memory_space<vmem_shared>> -> memref<10240x128xf32, #tpu.memory_space<vmem_shared>>
        tpu.enqueue_indirect_dma source(%arg14 : memref<125x128xf32, #tpu.memory_space<vmem>>) target(%dma_start3A_165 : memref<10240x128xf32, #tpu.memory_space<vmem_shared>>) offsets(%arg12 : memref<125xi32, #tpu.memory_space<vmem>>) semaphore(%run_scoped3A : memref<!tpu.dma_semaphore, #tpu.memory_space<semaphore_mem>>) {add = true}
        %dma_wait3A_166 = arith.constant 0 : i32
        %dma_wait3A_167 = arith.constant 0 : i32
        %dma_wait3A_168 = tpu.memref_slice %arg8[%dma_wait3A_166, %dma_wait3A_167] : memref<10240x128xf32, #tpu.memory_space<vmem_shared>> -> memref<10240x128xf32, #tpu.memory_space<vmem_shared>>
        tpu.wait_indirect_dma semaphore(%run_scoped3A : memref<!tpu.dma_semaphore, #tpu.memory_space<semaphore_mem>>) src(%arg14 : memref<125x128xf32, #tpu.memory_space<vmem>>) dst(%dma_wait3A_168 : memref<10240x128xf32, #tpu.memory_space<vmem_shared>>)
        tpu.yield
      }) : () -> ()
      %dma_start3A_147 = arith.constant 0 : i32
      %dma_start3A_148 = tpu.memref_slice %arg4[%add3A, %add3A_130, %dma_start3A_147] : memref<32x80x125xi32, #tpu.memory_space<hbm>> -> memref<1x1x125xi32, #tpu.memory_space<hbm>>
      %dma_start3A_149 = tpu.memref_squeeze %dma_start3A_148 : memref<1x1x125xi32, #tpu.memory_space<hbm>> -> memref<125xi32, #tpu.memory_space<hbm>>
      %dma_start3A_150 = arith.constant 0 : i32
      %dma_start3A_151 = tpu.memref_slice %arg4[%add3A, %add3A_130, %dma_start3A_150] : memref<32x80x125xi32, #tpu.memory_space<hbm>> -> memref<1x1x125xi32, #tpu.memory_space<hbm>>
      %dma_start3A_152 = tpu.memref_squeeze %dma_start3A_151 : memref<1x1x125xi32, #tpu.memory_space<hbm>> -> memref<125xi32, #tpu.memory_space<hbm>>
      tpu.enqueue_dma source(%dma_start3A_152 : memref<125xi32, #tpu.memory_space<hbm>>) target(%arg12 : memref<125xi32, #tpu.memory_space<vmem>>) target_semaphore(%arg18 : memref<!tpu.dma_semaphore, #tpu.memory_space<semaphore_mem>>)
      %dma_wait3A_153 = arith.constant 0 : i32
      %dma_wait3A_154 = arith.constant 0 : i32
      %dma_wait3A_155 = tpu.memref_slice %arg3[%add3A, %dma_wait3A_153, %dma_wait3A_154] : memref<32x80x125xi32, #tpu.memory_space<hbm>> -> memref<1x1x125xi32, #tpu.memory_space<hbm>>
      %dma_wait3A_156 = tpu.memref_squeeze %dma_wait3A_155 : memref<1x1x125xi32, #tpu.memory_space<hbm>> -> memref<125xi32, #tpu.memory_space<hbm>>
      %dma_wait3A_157 = arith.constant 0 : i32
      %dma_wait3A_158 = tpu.memref_slice %arg3[%add3A, %dma_wait3A_153, %dma_wait3A_157] : memref<32x80x125xi32, #tpu.memory_space<hbm>> -> memref<1x1x125xi32, #tpu.memory_space<hbm>>
      %dma_wait3A_159 = tpu.memref_squeeze %dma_wait3A_158 : memref<1x1x125xi32, #tpu.memory_space<hbm>> -> memref<125xi32, #tpu.memory_space<hbm>>
      tpu.wait_dma2 semaphore(%arg16 : memref<!tpu.dma_semaphore, #tpu.memory_space<semaphore_mem>>) src(%dma_wait3A_159 : memref<125xi32, #tpu.memory_space<hbm>>) dst(%arg10 : memref<125xi32, #tpu.memory_space<vmem>>)
      %dma_start3A_160 = arith.constant 0 : i32
      %dma_start3A_161 = arith.constant 0 : i32
      %dma_start3A_162 = tpu.memref_slice %arg2[%dma_start3A_160, %dma_start3A_161] : memref<10000x128xf32, #tpu.memory_space<hbm>> -> memref<10000x128xf32, #tpu.memory_space<hbm>>
      tpu.enqueue_indirect_dma source(%dma_start3A_162 : memref<10000x128xf32, #tpu.memory_space<hbm>>) target(%arg14 : memref<125x128xf32, #tpu.memory_space<vmem>>) offsets(%arg10 : memref<125xi32, #tpu.memory_space<vmem>>) semaphore(%arg20 : memref<!tpu.dma_semaphore, #tpu.memory_space<semaphore_mem>>)
    }
    %scan3A_53 = arith.constant 39 : i32
    %dma_wait3A_54 = arith.constant 0 : i32
    %dma_wait3A_55 = arith.constant 0 : i32
    %dma_wait3A_56 = tpu.memref_slice %arg2[%dma_wait3A_54, %dma_wait3A_55] : memref<10000x128xf32, #tpu.memory_space<hbm>> -> memref<10000x128xf32, #tpu.memory_space<hbm>>
    tpu.wait_indirect_dma semaphore(%arg19 : memref<!tpu.dma_semaphore, #tpu.memory_space<semaphore_mem>>) src(%dma_wait3A_56 : memref<10000x128xf32, #tpu.memory_space<hbm>>) dst(%arg13 : memref<125x128xf32, #tpu.memory_space<vmem>>)
    %dma_wait3A_57 = arith.constant 0 : i32
    %dma_wait3A_58 = arith.constant 0 : i32
    %dma_wait3A_59 = tpu.memref_slice %arg4[%add3A, %dma_wait3A_57, %dma_wait3A_58] : memref<32x80x125xi32, #tpu.memory_space<hbm>> -> memref<1x1x125xi32, #tpu.memory_space<hbm>>
    %dma_wait3A_60 = tpu.memref_squeeze %dma_wait3A_59 : memref<1x1x125xi32, #tpu.memory_space<hbm>> -> memref<125xi32, #tpu.memory_space<hbm>>
    %dma_wait3A_61 = arith.constant 0 : i32
    %dma_wait3A_62 = tpu.memref_slice %arg4[%add3A, %dma_wait3A_57, %dma_wait3A_61] : memref<32x80x125xi32, #tpu.memory_space<hbm>> -> memref<1x1x125xi32, #tpu.memory_space<hbm>>
    %dma_wait3A_63 = tpu.memref_squeeze %dma_wait3A_62 : memref<1x1x125xi32, #tpu.memory_space<hbm>> -> memref<125xi32, #tpu.memory_space<hbm>>
    tpu.wait_dma2 semaphore(%arg17 : memref<!tpu.dma_semaphore, #tpu.memory_space<semaphore_mem>>) src(%dma_wait3A_63 : memref<125xi32, #tpu.memory_space<hbm>>) dst(%arg11 : memref<125xi32, #tpu.memory_space<vmem>>)
    "tpu.region"() ({
      %run_scoped3A = tpu.sem_alloc : memref<!tpu.dma_semaphore, #tpu.memory_space<semaphore_mem>>
      %dma_start3A_84 = arith.constant 0 : i32
      %dma_start3A_85 = arith.constant 0 : i32
      %dma_start3A_86 = tpu.memref_slice %arg8[%dma_start3A_84, %dma_start3A_85] : memref<10240x128xf32, #tpu.memory_space<vmem_shared>> -> memref<10240x128xf32, #tpu.memory_space<vmem_shared>>
      tpu.enqueue_indirect_dma source(%arg13 : memref<125x128xf32, #tpu.memory_space<vmem>>) target(%dma_start3A_86 : memref<10240x128xf32, #tpu.memory_space<vmem_shared>>) offsets(%arg11 : memref<125xi32, #tpu.memory_space<vmem>>) semaphore(%run_scoped3A : memref<!tpu.dma_semaphore, #tpu.memory_space<semaphore_mem>>) {add = true}
      %dma_wait3A_87 = arith.constant 0 : i32
      %dma_wait3A_88 = arith.constant 0 : i32
      %dma_wait3A_89 = tpu.memref_slice %arg8[%dma_wait3A_87, %dma_wait3A_88] : memref<10240x128xf32, #tpu.memory_space<vmem_shared>> -> memref<10240x128xf32, #tpu.memory_space<vmem_shared>>
      tpu.wait_indirect_dma semaphore(%run_scoped3A : memref<!tpu.dma_semaphore, #tpu.memory_space<semaphore_mem>>) src(%arg13 : memref<125x128xf32, #tpu.memory_space<vmem>>) dst(%dma_wait3A_89 : memref<10240x128xf32, #tpu.memory_space<vmem_shared>>)
      tpu.yield
    }) : () -> ()
    %dma_wait3A_64 = arith.constant 0 : i32
    %dma_wait3A_65 = arith.constant 0 : i32
    %dma_wait3A_66 = tpu.memref_slice %arg2[%dma_wait3A_64, %dma_wait3A_65] : memref<10000x128xf32, #tpu.memory_space<hbm>> -> memref<10000x128xf32, #tpu.memory_space<hbm>>
    tpu.wait_indirect_dma semaphore(%arg20 : memref<!tpu.dma_semaphore, #tpu.memory_space<semaphore_mem>>) src(%dma_wait3A_66 : memref<10000x128xf32, #tpu.memory_space<hbm>>) dst(%arg14 : memref<125x128xf32, #tpu.memory_space<vmem>>)
    %dma_wait3A_67 = arith.constant 0 : i32
    %dma_wait3A_68 = arith.constant 0 : i32
    %dma_wait3A_69 = tpu.memref_slice %arg4[%add3A, %dma_wait3A_67, %dma_wait3A_68] : memref<32x80x125xi32, #tpu.memory_space<hbm>> -> memref<1x1x125xi32, #tpu.memory_space<hbm>>
    %dma_wait3A_70 = tpu.memref_squeeze %dma_wait3A_69 : memref<1x1x125xi32, #tpu.memory_space<hbm>> -> memref<125xi32, #tpu.memory_space<hbm>>
    %dma_wait3A_71 = arith.constant 0 : i32
    %dma_wait3A_72 = tpu.memref_slice %arg4[%add3A, %dma_wait3A_67, %dma_wait3A_71] : memref<32x80x125xi32, #tpu.memory_space<hbm>> -> memref<1x1x125xi32, #tpu.memory_space<hbm>>
    %dma_wait3A_73 = tpu.memref_squeeze %dma_wait3A_72 : memref<1x1x125xi32, #tpu.memory_space<hbm>> -> memref<125xi32, #tpu.memory_space<hbm>>
    tpu.wait_dma2 semaphore(%arg18 : memref<!tpu.dma_semaphore, #tpu.memory_space<semaphore_mem>>) src(%dma_wait3A_73 : memref<125xi32, #tpu.memory_space<hbm>>) dst(%arg12 : memref<125xi32, #tpu.memory_space<vmem>>)
    "tpu.region"() ({
      %run_scoped3A = tpu.sem_alloc : memref<!tpu.dma_semaphore, #tpu.memory_space<semaphore_mem>>
      %dma_start3A_84 = arith.constant 0 : i32
      %dma_start3A_85 = arith.constant 0 : i32
      %dma_start3A_86 = tpu.memref_slice %arg8[%dma_start3A_84, %dma_start3A_85] : memref<10240x128xf32, #tpu.memory_space<vmem_shared>> -> memref<10240x128xf32, #tpu.memory_space<vmem_shared>>
      tpu.enqueue_indirect_dma source(%arg14 : memref<125x128xf32, #tpu.memory_space<vmem>>) target(%dma_start3A_86 : memref<10240x128xf32, #tpu.memory_space<vmem_shared>>) offsets(%arg12 : memref<125xi32, #tpu.memory_space<vmem>>) semaphore(%run_scoped3A : memref<!tpu.dma_semaphore, #tpu.memory_space<semaphore_mem>>) {add = true}
      %dma_wait3A_87 = arith.constant 0 : i32
      %dma_wait3A_88 = arith.constant 0 : i32
      %dma_wait3A_89 = tpu.memref_slice %arg8[%dma_wait3A_87, %dma_wait3A_88] : memref<10240x128xf32, #tpu.memory_space<vmem_shared>> -> memref<10240x128xf32, #tpu.memory_space<vmem_shared>>
      tpu.wait_indirect_dma semaphore(%run_scoped3A : memref<!tpu.dma_semaphore, #tpu.memory_space<semaphore_mem>>) src(%arg14 : memref<125x128xf32, #tpu.memory_space<vmem>>) dst(%dma_wait3A_89 : memref<10240x128xf32, #tpu.memory_space<vmem_shared>>)
      tpu.yield
    }) : () -> ()
    %barrier3A_74 = arith.constant 0 : index
    tpu.barrier barrier_id(%barrier3A_74)
    %mul3A_75 = arith.constant 640 : i32
    %mul3A_76 = arith.muli %arg1, %mul3A_75 : i32
    %eq3A = arith.constant 0 : i32
    %eq3A_77 = arith.cmpi eq, %arg0, %eq3A : i32
    %convert_element_type3A = arith.extui %eq3A_77 : i1 to i32
    %cond3A = arith.constant 0 : i32
    %cond3A_78 = arith.cmpi ne, %convert_element_type3A, %cond3A : i32
    scf.if %cond3A_78 {
      "tpu.region"() ({
        %run_scoped3A = tpu.sem_alloc : memref<!tpu.dma_semaphore, #tpu.memory_space<semaphore_mem>>
        %dma_start3A_84 = arith.constant 0 : i32
        %dma_start3A_85 = tpu.memref_slice %arg6[%mul3A_76, %dma_start3A_84] : memref<10240x128xf32, #tpu.memory_space<hbm>> -> memref<640x128xf32, #tpu.memory_space<hbm>>
        %dma_start3A_86 = arith.constant 0 : i32
        %dma_start3A_87 = tpu.memref_slice %arg8[%mul3A_76, %dma_start3A_86] : memref<10240x128xf32, #tpu.memory_space<vmem_shared>> -> memref<640x128xf32, #tpu.memory_space<vmem_shared>>
        tpu.enqueue_dma source(%dma_start3A_87 : memref<640x128xf32, #tpu.memory_space<vmem_shared>>) target(%dma_start3A_85 : memref<640x128xf32, #tpu.memory_space<hbm>>) target_semaphore(%run_scoped3A : memref<!tpu.dma_semaphore, #tpu.memory_space<semaphore_mem>>)
        %dma_wait3A_88 = arith.constant 0 : i32
        %dma_wait3A_89 = tpu.memref_slice %arg6[%mul3A_76, %dma_wait3A_88] : memref<10240x128xf32, #tpu.memory_space<hbm>> -> memref<640x128xf32, #tpu.memory_space<hbm>>
        %dma_wait3A_90 = arith.constant 0 : i32
        %dma_wait3A_91 = tpu.memref_slice %arg8[%mul3A_76, %dma_wait3A_90] : memref<10240x128xf32, #tpu.memory_space<vmem_shared>> -> memref<640x128xf32, #tpu.memory_space<vmem_shared>>
        tpu.wait_dma2 semaphore(%run_scoped3A : memref<!tpu.dma_semaphore, #tpu.memory_space<semaphore_mem>>) src(%dma_wait3A_91 : memref<640x128xf32, #tpu.memory_space<vmem_shared>>) dst(%dma_wait3A_89 : memref<640x128xf32, #tpu.memory_space<hbm>>)
        tpu.yield
      }) : () -> ()
    } else {
    }
    %eq3A_79 = arith.constant 1 : i32
    %eq3A_80 = arith.cmpi eq, %arg0, %eq3A_79 : i32
    %convert_element_type3A_81 = arith.extui %eq3A_80 : i1 to i32
    %cond3A_82 = arith.constant 0 : i32
    %cond3A_83 = arith.cmpi ne, %convert_element_type3A_81, %cond3A_82 : i32
    scf.if %cond3A_83 {
      "tpu.region"() ({
        %run_scoped3A = tpu.sem_alloc : memref<!tpu.dma_semaphore, #tpu.memory_space<semaphore_mem>>
        %dma_start3A_84 = arith.constant 0 : i32
        %dma_start3A_85 = tpu.memref_slice %arg7[%mul3A_76, %dma_start3A_84] : memref<10240x128xf32, #tpu.memory_space<hbm>> -> memref<640x128xf32, #tpu.memory_space<hbm>>
        %dma_start3A_86 = arith.constant 0 : i32
        %dma_start3A_87 = tpu.memref_slice %arg8[%mul3A_76, %dma_start3A_86] : memref<10240x128xf32, #tpu.memory_space<vmem_shared>> -> memref<640x128xf32, #tpu.memory_space<vmem_shared>>
        tpu.enqueue_dma source(%dma_start3A_87 : memref<640x128xf32, #tpu.memory_space<vmem_shared>>) target(%dma_start3A_85 : memref<640x128xf32, #tpu.memory_space<hbm>>) target_semaphore(%run_scoped3A : memref<!tpu.dma_semaphore, #tpu.memory_space<semaphore_mem>>)
        %dma_wait3A_88 = arith.constant 0 : i32
        %dma_wait3A_89 = tpu.memref_slice %arg7[%mul3A_76, %dma_wait3A_88] : memref<10240x128xf32, #tpu.memory_space<hbm>> -> memref<640x128xf32, #tpu.memory_space<hbm>>
        %dma_wait3A_90 = arith.constant 0 : i32
        %dma_wait3A_91 = tpu.memref_slice %arg8[%mul3A_76, %dma_wait3A_90] : memref<10240x128xf32, #tpu.memory_space<vmem_shared>> -> memref<640x128xf32, #tpu.memory_space<vmem_shared>>
        tpu.wait_dma2 semaphore(%run_scoped3A : memref<!tpu.dma_semaphore, #tpu.memory_space<semaphore_mem>>) src(%dma_wait3A_91 : memref<640x128xf32, #tpu.memory_space<vmem_shared>>) dst(%dma_wait3A_89 : memref<640x128xf32, #tpu.memory_space<hbm>>)
        tpu.yield
      }) : () -> ()
    } else {
    }
    return
  }
}

module attributes {stable_mosaic.version = 14 : i64} {
  func.func @_inv_body(%arg0: i32, %arg1: memref<2000x128xf32, #tpu.memory_space<vmem>>, %arg2: memref<2000x128xf32, #tpu.memory_space<vmem>>, %arg3: memref<2000x16xf32, #tpu.memory_space<vmem>>) attributes {dimension_semantics = [#tpu.dimension_semantics<arbitrary>], iteration_bounds = array<i64: 5>, scalar_prefetch = 0 : i64, scratch_operands = 0 : i64, tpu.core_type = #tpu.core_type<tc>, window_params = [{transform_indices = @transform_0, window_bounds = array<i64: 2000, 128>}, {transform_indices = @transform_1, window_bounds = array<i64: 2000, 128>}, {transform_indices = @transform_2, window_bounds = array<i64: 2000, 16>}]} {
    %get3A = arith.constant 0 : index
    %get3A_0 = arith.constant 0 : index
    %get3A_1 = vector.load %arg1[%get3A, %get3A_0] : memref<2000x128xf32, #tpu.memory_space<vmem>>, vector<2000x16xf32>
    %get3A_2 = arith.constant 0 : index
    %get3A_3 = arith.constant 0 : index
    %get3A_4 = vector.load %arg2[%get3A_2, %get3A_3] : memref<2000x128xf32, #tpu.memory_space<vmem>>, vector<2000x16xf32>
    %add3A = arith.addf %get3A_1, %get3A_4 : vector<2000x16xf32>
    %max3A = arith.constant 1.000000e+00 : f32
    %max3A_5 = vector.broadcast %max3A : f32 to vector<2000x16xf32>
    %max3A_6 = arith.maximumf %add3A, %max3A_5 : vector<2000x16xf32>
    %div3A = arith.constant 1.000000e+00 : f32
    %div3A_7 = vector.broadcast %div3A : f32 to vector<2000x16xf32>
    %div3A_8 = arith.divf %div3A_7, %max3A_6 : vector<2000x16xf32>
    %swap3A = arith.constant 0 : index
    %swap3A_9 = arith.constant 0 : index
    %swap3A_10 = vector.load %arg3[%swap3A, %swap3A_9] : memref<2000x16xf32, #tpu.memory_space<vmem>>, vector<2000x16xf32>
    tpu.vector_store %arg3[%swap3A, %swap3A_9], %div3A_8 {strides = array<i32>} : memref<2000x16xf32, #tpu.memory_space<vmem>>, vector<2000x16xf32>,
    return
  }
  func.func @transform_0(%arg0: i32) -> (i32, i32) {
    %c0_i32 = arith.constant 0 : i32
    %c0_i32_0 = arith.constant 0 : i32
    return %arg0, %c0_i32 : i32, i32
  }
  func.func @transform_1(%arg0: i32) -> (i32, i32) {
    %c0_i32 = arith.constant 0 : i32
    %c0_i32_0 = arith.constant 0 : i32
    return %arg0, %c0_i32 : i32, i32
  }
  func.func @transform_2(%arg0: i32) -> (i32, i32) {
    %c0_i32 = arith.constant 0 : i32
    %c0_i32_0 = arith.constant 0 : i32
    return %arg0, %c0_i32 : i32, i32
  }
}

module attributes {stable_mosaic.version = 14 : i64} {
  func.func @_dense_body(%arg0: i32, %arg1: memref<2000x128xf32, #tpu.memory_space<vmem>>, %arg2: memref<2000x128xf32, #tpu.memory_space<vmem>>, %arg3: memref<2000x128xf32, #tpu.memory_space<vmem>>, %arg4: memref<2000x16xf32, #tpu.memory_space<vmem>>, %arg5: memref<128x128xf32, #tpu.memory_space<vmem>>, %arg6: memref<1x128xf32, #tpu.memory_space<vmem>>, %arg7: memref<128x128xf32, #tpu.memory_space<vmem>>, %arg8: memref<2000x128xf32, #tpu.memory_space<vmem>>) attributes {dimension_semantics = [#tpu.dimension_semantics<arbitrary>], iteration_bounds = array<i64: 5>, scalar_prefetch = 0 : i64, scratch_operands = 0 : i64, tpu.core_type = #tpu.core_type<tc>, window_params = [{transform_indices = @transform_0, window_bounds = array<i64: 2000, 128>}, {transform_indices = @transform_1, window_bounds = array<i64: 2000, 128>}, {transform_indices = @transform_2, window_bounds = array<i64: 2000, 128>}, {transform_indices = @transform_3, window_bounds = array<i64: 2000, 16>}, {pipeline_mode = #tpu.pipeline_mode<synchronous>, transform_indices = @transform_4, window_bounds = array<i64: 128, 128>}, {pipeline_mode = #tpu.pipeline_mode<synchronous>, transform_indices = @transform_5, window_bounds = array<i64: 1, 128>}, {pipeline_mode = #tpu.pipeline_mode<synchronous>, transform_indices = @transform_6, window_bounds = array<i64: 128, 128>}, {transform_indices = @transform_7, window_bounds = array<i64: 2000, 128>}]} {
    %get3A = arith.constant 0 : index
    %get3A_0 = arith.constant 0 : index
    %get3A_1 = vector.load %arg1[%get3A, %get3A_0] : memref<2000x128xf32, #tpu.memory_space<vmem>>, vector<2000x128xf32>
    %get3A_2 = arith.constant 0 : index
    %get3A_3 = arith.constant 0 : index
    %get3A_4 = vector.load %arg2[%get3A_2, %get3A_3] : memref<2000x128xf32, #tpu.memory_space<vmem>>, vector<2000x128xf32>
    %add3A = arith.addf %get3A_1, %get3A_4 : vector<2000x128xf32>
    %get3A_5 = arith.constant 0 : index
    %get3A_6 = arith.constant 0 : index
    %get3A_7 = vector.load %arg4[%get3A_5, %get3A_6] : memref<2000x16xf32, #tpu.memory_space<vmem>>, vector<2000x1xf32>
    %mul3A = vector.broadcast %get3A_7 : vector<2000x1xf32> to vector<2000x128xf32>
    %mul3A_8 = arith.mulf %add3A, %mul3A : vector<2000x128xf32>
    %get3A_9 = arith.constant 0 : index
    %get3A_10 = arith.constant 0 : index
    %get3A_11 = vector.load %arg5[%get3A_9, %get3A_10] : memref<128x128xf32, #tpu.memory_space<vmem>>, vector<128x128xf32>
    %dot_general3A = arith.constant dense<0.000000e+00> : vector<2000x128xf32>
    %dot_general3A_12 = tpu.matmul %mul3A_8, %get3A_11, %dot_general3A {dimension_numbers = #tpu.dot_dimension_numbers<[1], [0], [0], [1], [0, 0, 1, 1], [], []>, transpose_lhs_hint = false} : vector<2000x128xf32>, vector<128x128xf32>, vector<2000x128xf32> -> vector<2000x128xf32>
    %get3A_13 = arith.constant 0 : index
    %get3A_14 = arith.constant 0 : index
    %get3A_15 = vector.load %arg3[%get3A_13, %get3A_14] : memref<2000x128xf32, #tpu.memory_space<vmem>>, vector<2000x128xf32>
    %get3A_16 = arith.constant 0 : index
    %get3A_17 = arith.constant 0 : index
    %get3A_18 = vector.load %arg7[%get3A_16, %get3A_17] : memref<128x128xf32, #tpu.memory_space<vmem>>, vector<128x128xf32>
    %dot_general3A_19 = arith.constant dense<0.000000e+00> : vector<2000x128xf32>
    %dot_general3A_20 = tpu.matmul %get3A_15, %get3A_18, %dot_general3A_19 {dimension_numbers = #tpu.dot_dimension_numbers<[1], [0], [0], [1], [0, 0, 1, 1], [], []>, transpose_lhs_hint = false} : vector<2000x128xf32>, vector<128x128xf32>, vector<2000x128xf32> -> vector<2000x128xf32>
    %add3A_21 = arith.addf %dot_general3A_12, %dot_general3A_20 : vector<2000x128xf32>
    %get3A_22 = arith.constant 0 : index
    %get3A_23 = arith.constant 0 : index
    %get3A_24 = vector.load %arg6[%get3A_22, %get3A_23] : memref<1x128xf32, #tpu.memory_space<vmem>>, vector<1x128xf32>
    %add3A_25 = vector.broadcast %get3A_24 : vector<1x128xf32> to vector<2000x128xf32>
    %add3A_26 = arith.addf %add3A_21, %add3A_25 : vector<2000x128xf32>
    %max3A = arith.constant 0.000000e+00 : f32
    %max3A_27 = vector.broadcast %max3A : f32 to vector<2000x128xf32>
    %max3A_28 = arith.maximumf %add3A_26, %max3A_27 : vector<2000x128xf32>
    %swap3A = arith.constant 0 : index
    %swap3A_29 = arith.constant 0 : index
    %swap3A_30 = vector.load %arg8[%swap3A, %swap3A_29] : memref<2000x128xf32, #tpu.memory_space<vmem>>, vector<2000x128xf32>
    tpu.vector_store %arg8[%swap3A, %swap3A_29], %max3A_28 {strides = array<i32>} : memref<2000x128xf32, #tpu.memory_space<vmem>>, vector<2000x128xf32>,
    return
  }
  func.func @transform_0(%arg0: i32) -> (i32, i32) {
    %c0_i32 = arith.constant 0 : i32
    %c0_i32_0 = arith.constant 0 : i32
    return %arg0, %c0_i32 : i32, i32
  }
  func.func @transform_1(%arg0: i32) -> (i32, i32) {
    %c0_i32 = arith.constant 0 : i32
    %c0_i32_0 = arith.constant 0 : i32
    return %arg0, %c0_i32 : i32, i32
  }
  func.func @transform_2(%arg0: i32) -> (i32, i32) {
    %c0_i32 = arith.constant 0 : i32
    %c0_i32_0 = arith.constant 0 : i32
    return %arg0, %c0_i32 : i32, i32
  }
  func.func @transform_3(%arg0: i32) -> (i32, i32) {
    %c0_i32 = arith.constant 0 : i32
    %c0_i32_0 = arith.constant 0 : i32
    return %arg0, %c0_i32 : i32, i32
  }
  func.func @transform_4(%arg0: i32) -> (i32, i32) {
    %c0_i32 = arith.constant 0 : i32
    %c0_i32_0 = arith.constant 0 : i32
    %c0_i32_1 = arith.constant 0 : i32
    return %c0_i32, %c0_i32_0 : i32, i32
  }
  func.func @transform_5(%arg0: i32) -> (i32, i32) {
    %c0_i32 = arith.constant 0 : i32
    %c0_i32_0 = arith.constant 0 : i32
    %c0_i32_1 = arith.constant 0 : i32
    return %c0_i32, %c0_i32_0 : i32, i32
  }
  func.func @transform_6(%arg0: i32) -> (i32, i32) {
    %c0_i32 = arith.constant 0 : i32
    %c0_i32_0 = arith.constant 0 : i32
    %c0_i32_1 = arith.constant 0 : i32
    return %c0_i32, %c0_i32_0 : i32, i32
  }
  func.func @transform_7(%arg0: i32) -> (i32, i32) {
    %c0_i32 = arith.constant 0 : i32
    %c0_i32_0 = arith.constant 0 : i32
    return %arg0, %c0_i32 : i32, i32
  }
}

module attributes {stable_mosaic.version = 14 : i64} {
  func.func @_dense_body(%arg0: i32, %arg1: memref<2000x128xf32, #tpu.memory_space<vmem>>, %arg2: memref<2000x128xf32, #tpu.memory_space<vmem>>, %arg3: memref<2000x128xf32, #tpu.memory_space<vmem>>, %arg4: memref<2000x16xf32, #tpu.memory_space<vmem>>, %arg5: memref<128x128xf32, #tpu.memory_space<vmem>>, %arg6: memref<1x128xf32, #tpu.memory_space<vmem>>, %arg7: memref<128x128xf32, #tpu.memory_space<vmem>>, %arg8: memref<2000x128xf32, #tpu.memory_space<vmem>>) attributes {dimension_semantics = [#tpu.dimension_semantics<arbitrary>], iteration_bounds = array<i64: 5>, scalar_prefetch = 0 : i64, scratch_operands = 0 : i64, tpu.core_type = #tpu.core_type<tc>, window_params = [{transform_indices = @transform_0, window_bounds = array<i64: 2000, 128>}, {transform_indices = @transform_1, window_bounds = array<i64: 2000, 128>}, {transform_indices = @transform_2, window_bounds = array<i64: 2000, 128>}, {transform_indices = @transform_3, window_bounds = array<i64: 2000, 16>}, {pipeline_mode = #tpu.pipeline_mode<synchronous>, transform_indices = @transform_4, window_bounds = array<i64: 128, 128>}, {pipeline_mode = #tpu.pipeline_mode<synchronous>, transform_indices = @transform_5, window_bounds = array<i64: 1, 128>}, {pipeline_mode = #tpu.pipeline_mode<synchronous>, transform_indices = @transform_6, window_bounds = array<i64: 128, 128>}, {transform_indices = @transform_7, window_bounds = array<i64: 2000, 128>}]} {
    %get3A = arith.constant 0 : index
    %get3A_0 = arith.constant 0 : index
    %get3A_1 = vector.load %arg1[%get3A, %get3A_0] : memref<2000x128xf32, #tpu.memory_space<vmem>>, vector<2000x128xf32>
    %get3A_2 = arith.constant 0 : index
    %get3A_3 = arith.constant 0 : index
    %get3A_4 = vector.load %arg2[%get3A_2, %get3A_3] : memref<2000x128xf32, #tpu.memory_space<vmem>>, vector<2000x128xf32>
    %add3A = arith.addf %get3A_1, %get3A_4 : vector<2000x128xf32>
    %get3A_5 = arith.constant 0 : index
    %get3A_6 = arith.constant 0 : index
    %get3A_7 = vector.load %arg4[%get3A_5, %get3A_6] : memref<2000x16xf32, #tpu.memory_space<vmem>>, vector<2000x1xf32>
    %mul3A = vector.broadcast %get3A_7 : vector<2000x1xf32> to vector<2000x128xf32>
    %mul3A_8 = arith.mulf %add3A, %mul3A : vector<2000x128xf32>
    %get3A_9 = arith.constant 0 : index
    %get3A_10 = arith.constant 0 : index
    %get3A_11 = vector.load %arg5[%get3A_9, %get3A_10] : memref<128x128xf32, #tpu.memory_space<vmem>>, vector<128x128xf32>
    %dot_general3A = arith.constant dense<0.000000e+00> : vector<2000x128xf32>
    %dot_general3A_12 = tpu.matmul %mul3A_8, %get3A_11, %dot_general3A {dimension_numbers = #tpu.dot_dimension_numbers<[1], [0], [0], [1], [0, 0, 1, 1], [], []>, transpose_lhs_hint = false} : vector<2000x128xf32>, vector<128x128xf32>, vector<2000x128xf32> -> vector<2000x128xf32>
    %get3A_13 = arith.constant 0 : index
    %get3A_14 = arith.constant 0 : index
    %get3A_15 = vector.load %arg3[%get3A_13, %get3A_14] : memref<2000x128xf32, #tpu.memory_space<vmem>>, vector<2000x128xf32>
    %get3A_16 = arith.constant 0 : index
    %get3A_17 = arith.constant 0 : index
    %get3A_18 = vector.load %arg7[%get3A_16, %get3A_17] : memref<128x128xf32, #tpu.memory_space<vmem>>, vector<128x128xf32>
    %dot_general3A_19 = arith.constant dense<0.000000e+00> : vector<2000x128xf32>
    %dot_general3A_20 = tpu.matmul %get3A_15, %get3A_18, %dot_general3A_19 {dimension_numbers = #tpu.dot_dimension_numbers<[1], [0], [0], [1], [0, 0, 1, 1], [], []>, transpose_lhs_hint = false} : vector<2000x128xf32>, vector<128x128xf32>, vector<2000x128xf32> -> vector<2000x128xf32>
    %add3A_21 = arith.addf %dot_general3A_12, %dot_general3A_20 : vector<2000x128xf32>
    %get3A_22 = arith.constant 0 : index
    %get3A_23 = arith.constant 0 : index
    %get3A_24 = vector.load %arg6[%get3A_22, %get3A_23] : memref<1x128xf32, #tpu.memory_space<vmem>>, vector<1x128xf32>
    %add3A_25 = vector.broadcast %get3A_24 : vector<1x128xf32> to vector<2000x128xf32>
    %add3A_26 = arith.addf %add3A_21, %add3A_25 : vector<2000x128xf32>
    %swap3A = arith.constant 0 : index
    %swap3A_27 = arith.constant 0 : index
    %swap3A_28 = vector.load %arg8[%swap3A, %swap3A_27] : memref<2000x128xf32, #tpu.memory_space<vmem>>, vector<2000x128xf32>
    tpu.vector_store %arg8[%swap3A, %swap3A_27], %add3A_26 {strides = array<i32>} : memref<2000x128xf32, #tpu.memory_space<vmem>>, vector<2000x128xf32>,
    return
  }
  func.func @transform_0(%arg0: i32) -> (i32, i32) {
    %c0_i32 = arith.constant 0 : i32
    %c0_i32_0 = arith.constant 0 : i32
    return %arg0, %c0_i32 : i32, i32
  }
  func.func @transform_1(%arg0: i32) -> (i32, i32) {
    %c0_i32 = arith.constant 0 : i32
    %c0_i32_0 = arith.constant 0 : i32
    return %arg0, %c0_i32 : i32, i32
  }
  func.func @transform_2(%arg0: i32) -> (i32, i32) {
    %c0_i32 = arith.constant 0 : i32
    %c0_i32_0 = arith.constant 0 : i32
    return %arg0, %c0_i32 : i32, i32
  }
  func.func @transform_3(%arg0: i32) -> (i32, i32) {
    %c0_i32 = arith.constant 0 : i32
    %c0_i32_0 = arith.constant 0 : i32
    return %arg0, %c0_i32 : i32, i32
  }
  func.func @transform_4(%arg0: i32) -> (i32, i32) {
    %c0_i32 = arith.constant 0 : i32
    %c0_i32_0 = arith.constant 0 : i32
    %c0_i32_1 = arith.constant 0 : i32
    return %c0_i32, %c0_i32_0 : i32, i32
  }
  func.func @transform_5(%arg0: i32) -> (i32, i32) {
    %c0_i32 = arith.constant 0 : i32
    %c0_i32_0 = arith.constant 0 : i32
    %c0_i32_1 = arith.constant 0 : i32
    return %c0_i32, %c0_i32_0 : i32, i32
  }
  func.func @transform_6(%arg0: i32) -> (i32, i32) {
    %c0_i32 = arith.constant 0 : i32
    %c0_i32_0 = arith.constant 0 : i32
    %c0_i32_1 = arith.constant 0 : i32
    return %c0_i32, %c0_i32_0 : i32, i32
  }
  func.func @transform_7(%arg0: i32) -> (i32, i32) {
    %c0_i32 = arith.constant 0 : i32
    %c0_i32_0 = arith.constant 0 : i32
    return %arg0, %c0_i32 : i32, i32
  }
}

module attributes {stable_mosaic.version = 14 : i64} {
  func.func @_head_body(%arg0: i32, %arg1: memref<2000x128xf32, #tpu.memory_space<vmem>>, %arg2: memref<1x1x2000xi32, #tpu.memory_space<vmem>>, %arg3: memref<128x10xf32, #tpu.memory_space<vmem>>, %arg4: memref<8x10xf32, #tpu.memory_space<vmem>>, %arg5: memref<8x10xf32, #tpu.memory_space<vmem>>, %arg6: memref<8x128xf32, #tpu.memory_space<vmem>>, %arg7: memref<8x128xf32, #tpu.memory_space<vmem>>) attributes {dimension_semantics = [#tpu.dimension_semantics<arbitrary>], iteration_bounds = array<i64: 5>, scalar_prefetch = 0 : i64, scratch_operands = 2 : i64, tpu.core_type = #tpu.core_type<tc>, window_params = [{transform_indices = @transform_0, window_bounds = array<i64: 2000, 128>}, {transform_indices = @transform_1, window_bounds = array<i64: 1, 1, 2000>}, {pipeline_mode = #tpu.pipeline_mode<synchronous>, transform_indices = @transform_2, window_bounds = array<i64: 128, 10>}, {pipeline_mode = #tpu.pipeline_mode<synchronous>, transform_indices = @transform_3, window_bounds = array<i64: 8, 10>}, {pipeline_mode = #tpu.pipeline_mode<synchronous>, transform_indices = @transform_4, window_bounds = array<i64: 8, 10>}]} {
    %eq3A = arith.constant 0 : i32
    %eq3A_0 = arith.cmpi eq, %arg0, %eq3A : i32
    %convert_element_type3A = arith.extui %eq3A_0 : i1 to i32
    %cond3A = arith.constant 0 : i32
    %cond3A_1 = arith.cmpi ne, %convert_element_type3A, %cond3A : i32
    scf.if %cond3A_1 {
      %broadcast_in_dim3A_32 = arith.constant 0.000000e+00 : f32
      %broadcast_in_dim3A_33 = vector.broadcast %broadcast_in_dim3A_32 : f32 to vector<8x128xf32>
      %swap3A_34 = arith.constant 0 : index
      %swap3A_35 = arith.constant 0 : index
      %swap3A_36 = vector.load %arg6[%swap3A_34, %swap3A_35] : memref<8x128xf32, #tpu.memory_space<vmem>>, vector<8x128xf32>
      tpu.vector_store %arg6[%swap3A_34, %swap3A_35], %broadcast_in_dim3A_33 {strides = array<i32>} : memref<8x128xf32, #tpu.memory_space<vmem>>, vector<8x128xf32>,
      %broadcast_in_dim3A_37 = arith.constant 0.000000e+00 : f32
      %broadcast_in_dim3A_38 = vector.broadcast %broadcast_in_dim3A_37 : f32 to vector<8x128xf32>
      %swap3A_39 = arith.constant 0 : index
      %swap3A_40 = arith.constant 0 : index
      %swap3A_41 = vector.load %arg7[%swap3A_39, %swap3A_40] : memref<8x128xf32, #tpu.memory_space<vmem>>, vector<8x128xf32>
      tpu.vector_store %arg7[%swap3A_39, %swap3A_40], %broadcast_in_dim3A_38 {strides = array<i32>} : memref<8x128xf32, #tpu.memory_space<vmem>>, vector<8x128xf32>,
    } else {
    }
    %get3A = arith.constant 0 : index
    %get3A_2 = arith.constant 0 : index
    %get3A_3 = arith.constant 0 : index
    %get3A_4 = vector.load %arg2[%get3A, %get3A_2, %get3A_3] : memref<1x1x2000xi32, #tpu.memory_space<vmem>>, vector<1x1x2000xi32>
    %reshape3A = vector.shape_cast %get3A_4 : vector<1x1x2000xi32> to vector<1x2000xi32>
    %iota3A = tpu.iota {dimensions = array<i32: 0>} : vector<8x2000xi32>
    %eq3A_5 = vector.broadcast %reshape3A : vector<1x2000xi32> to vector<8x2000xi32>
    %eq3A_6 = arith.cmpi eq, %eq3A_5, %iota3A : vector<8x2000xi32>
    %convert_element_type3A_7 = arith.extui %eq3A_6 : vector<8x2000xi1> to vector<8x2000xi32>
    %convert_element_type3A_8 = arith.sitofp %convert_element_type3A_7 : vector<8x2000xi32> to vector<8x2000xf32>
    %get3A_9 = arith.constant 0 : index
    %get3A_10 = arith.constant 0 : index
    %get3A_11 = vector.load %arg6[%get3A_9, %get3A_10] : memref<8x128xf32, #tpu.memory_space<vmem>>, vector<8x128xf32>
    %get3A_12 = arith.constant 0 : index
    %get3A_13 = arith.constant 0 : index
    %get3A_14 = vector.load %arg1[%get3A_12, %get3A_13] : memref<2000x128xf32, #tpu.memory_space<vmem>>, vector<2000x128xf32>
    %dot_general3A = arith.constant dense<0.000000e+00> : vector<8x128xf32>
    %dot_general3A_15 = tpu.matmul %convert_element_type3A_8, %get3A_14, %dot_general3A {dimension_numbers = #tpu.dot_dimension_numbers<[1], [0], [0], [1], [0, 0, 1, 1], [], []>, transpose_lhs_hint = false} : vector<8x2000xf32>, vector<2000x128xf32>, vector<8x128xf32> -> vector<8x128xf32>
    %add3A = arith.addf %get3A_11, %dot_general3A_15 : vector<8x128xf32>
    %swap3A = arith.constant 0 : index
    %swap3A_16 = arith.constant 0 : index
    %swap3A_17 = vector.load %arg6[%swap3A, %swap3A_16] : memref<8x128xf32, #tpu.memory_space<vmem>>, vector<8x128xf32>
    tpu.vector_store %arg6[%swap3A, %swap3A_16], %add3A {strides = array<i32>} : memref<8x128xf32, #tpu.memory_space<vmem>>, vector<8x128xf32>,
    %get3A_18 = arith.constant 0 : index
    %get3A_19 = arith.constant 0 : index
    %get3A_20 = vector.load %arg7[%get3A_18, %get3A_19] : memref<8x128xf32, #tpu.memory_space<vmem>>, vector<8x128xf32>
    %reduce_sum3A = arith.constant dense<0.000000e+00> : vector<8xf32>
    %reduce_sum3A_21 = vector.multi_reduction <add>, %convert_element_type3A_8, %reduce_sum3A [1] : vector<8x2000xf32> to vector<8xf32>
    %broadcast_in_dim3A = vector.shape_cast %reduce_sum3A_21 : vector<8xf32> to vector<8x1xf32>
    %add3A_22 = vector.broadcast %broadcast_in_dim3A : vector<8x1xf32> to vector<8x128xf32>
    %add3A_23 = arith.addf %get3A_20, %add3A_22 : vector<8x128xf32>
    %swap3A_24 = arith.constant 0 : index
    %swap3A_25 = arith.constant 0 : index
    %swap3A_26 = vector.load %arg7[%swap3A_24, %swap3A_25] : memref<8x128xf32, #tpu.memory_space<vmem>>, vector<8x128xf32>
    tpu.vector_store %arg7[%swap3A_24, %swap3A_25], %add3A_23 {strides = array<i32>} : memref<8x128xf32, #tpu.memory_space<vmem>>, vector<8x128xf32>,
    %eq3A_27 = arith.constant 4 : i32
    %eq3A_28 = arith.cmpi eq, %arg0, %eq3A_27 : i32
    %convert_element_type3A_29 = arith.extui %eq3A_28 : i1 to i32
    %cond3A_30 = arith.constant 0 : i32
    %cond3A_31 = arith.cmpi ne, %convert_element_type3A_29, %cond3A_30 : i32
    scf.if %cond3A_31 {
      %get3A_32 = arith.constant 0 : index
      %get3A_33 = arith.constant 0 : index
      %get3A_34 = vector.load %arg6[%get3A_32, %get3A_33] : memref<8x128xf32, #tpu.memory_space<vmem>>, vector<8x128xf32>
      %get3A_35 = arith.constant 0 : index
      %get3A_36 = arith.constant 0 : index
      %get3A_37 = vector.load %arg7[%get3A_35, %get3A_36] : memref<8x128xf32, #tpu.memory_space<vmem>>, vector<8x128xf32>
      %max3A = arith.constant 1.000000e+00 : f32
      %max3A_38 = vector.broadcast %max3A : f32 to vector<8x128xf32>
      %max3A_39 = arith.maximumf %get3A_37, %max3A_38 : vector<8x128xf32>
      %div3A = arith.divf %get3A_34, %max3A_39 : vector<8x128xf32>
      %get3A_40 = arith.constant 0 : index
      %get3A_41 = arith.constant 0 : index
      %get3A_42 = vector.load %arg3[%get3A_40, %get3A_41] : memref<128x10xf32, #tpu.memory_space<vmem>>, vector<128x10xf32>
      %dot_general3A_43 = arith.constant dense<0.000000e+00> : vector<8x10xf32>
      %dot_general3A_44 = tpu.matmul %div3A, %get3A_42, %dot_general3A_43 {dimension_numbers = #tpu.dot_dimension_numbers<[1], [0], [0], [1], [0, 0, 1, 1], [], []>, transpose_lhs_hint = false} : vector<8x128xf32>, vector<128x10xf32>, vector<8x10xf32> -> vector<8x10xf32>
      %get3A_45 = arith.constant 0 : index
      %get3A_46 = arith.constant 0 : index
      %get3A_47 = vector.load %arg4[%get3A_45, %get3A_46] : memref<8x10xf32, #tpu.memory_space<vmem>>, vector<8x10xf32>
      %add3A_48 = arith.addf %dot_general3A_44, %get3A_47 : vector<8x10xf32>
      %swap3A_49 = arith.constant 0 : index
      %swap3A_50 = arith.constant 0 : index
      %swap3A_51 = vector.load %arg5[%swap3A_49, %swap3A_50] : memref<8x10xf32, #tpu.memory_space<vmem>>, vector<8x10xf32>
      tpu.vector_store %arg5[%swap3A_49, %swap3A_50], %add3A_48 {strides = array<i32>} : memref<8x10xf32, #tpu.memory_space<vmem>>, vector<8x10xf32>,
    } else {
    }
    return
  }
  func.func @transform_0(%arg0: i32) -> (i32, i32) {
    %c0_i32 = arith.constant 0 : i32
    %c0_i32_0 = arith.constant 0 : i32
    return %arg0, %c0_i32 : i32, i32
  }
  func.func @transform_1(%arg0: i32) -> (i32, i32, i32) {
    %c0_i32 = arith.constant 0 : i32
    %c0_i32_0 = arith.constant 0 : i32
    %c0_i32_1 = arith.constant 0 : i32
    return %arg0, %c0_i32, %c0_i32_0 : i32, i32, i32
  }
  func.func @transform_2(%arg0: i32) -> (i32, i32) {
    %c0_i32 = arith.constant 0 : i32
    %c0_i32_0 = arith.constant 0 : i32
    %c0_i32_1 = arith.constant 0 : i32
    return %c0_i32, %c0_i32_0 : i32, i32
  }
  func.func @transform_3(%arg0: i32) -> (i32, i32) {
    %c0_i32 = arith.constant 0 : i32
    %c0_i32_0 = arith.constant 0 : i32
    %c0_i32_1 = arith.constant 0 : i32
    return %c0_i32, %c0_i32_0 : i32, i32
  }
  func.func @transform_4(%arg0: i32) -> (i32, i32) {
    %c0_i32 = arith.constant 0 : i32
    %c0_i32_0 = arith.constant 0 : i32
    %c0_i32_1 = arith.constant 0 : i32
    return %c0_i32, %c0_i32_0 : i32, i32
  }
}

</mosaic_0001>

<sc_bundles>
// kernel: kernel.13.cloned.1.call-start
scs
__scs_entry_jumppad:
0x0: {  	(pc) =	sbr.rel $0x88, $3  }
0x1: {  	(tag) =	ssettag $0x0;
	lr =	simm.s32 $0x1  }
0x2: {  	[smem:$0x3F90] =	sst lr;
	_ =	strace $0xD0000000  }
0x3: {  	_ = 	snop  }
0x4: {  	_ = 	snop  }
0x5: {  	_ = 	snop  }
0x6: {  	_ = 	snop  }
0x7: {  	_ = 	snop  }
__scs_overlays_trampoline_lowered:
0x8: {  	[smem:$0x3F9F] =	sst s0  }
0x9: {  	[smem:$0x3FA0] =	sst s1  }
0xa: {  	[smem:$0x3FA1] =	sst s2  }
0xb: {  	[smem:$0x3FA2] =	sst s3  }
0xc: {  	[smem:$0x3FA3] =	sst s4  }
0xd: {  	[smem:$0x3FA4] =	sst s5  }
0xe: {  	[smem:$0x3FA5] =	sst s6  }
0xf: {  	[smem:$0x3FA6] =	sst s7  }
0x10: {  	[smem:$0x3FA7] =	sst s8  }
0x11: {  	[smem:$0x3FA8] =	sst s9;
	s0 =	simm.s32 @!p0 $0x0  }
0x12: {  	s1 =	sld [smem:$0x3F8E];
	s0 =	simm.s32 @p0 $0x1  }
0x13: {  	[smem:$0x3FA9] =	sst s0;
	s0 =	simm.s32 @!p1 $0x0  }
0x14: {  	s2 =	sld [smem:$0x3F8D];
	s0 =	simm.s32 @p1 $0x1  }
0x15: {  	[smem:$0x3FAA] =	sst s0;
	s0 =	simm.s32 @!p2 $0x0  }
0x16: {  	s3 =	sld [smem:$0x3FDB];
	s0 =	simm.s32 @p2 $0x1  }
0x17: {  	s4 =	simm.s32 $0x1BF5;
	[smem:$0x3FAC] =	sst s0  }
0x18: {  	s0 =	sld [smem:$0x3F8F];
	_ =	swait.ge [sflag:s4], $0x0  }
0x19: {  	s7 =	sld [smem:$0x3F90]  }
0x1a: {  	s8 =	sadd.s32 $0xFFFFE003, lr  }
0x1b: {  	s9 =	sadd.s32 $0xFFFFFEF7, lr;
	s5 =	simm.s32 $0xFFFFFFFF;
	p2 =	slt.u32 s8, $0xFFFFF086  }
0x1c: {  	p1 =	slt.u32 s9, $0xF7A;
	s5 =	simm.s32 @!p2 $0x0  }
0x1d: {  	s5 =	simm.s32 @p1 $0x1;
	p0 =	seq.s32 s7, s2  }
0x1e: {  	s7 =	smul.u32 @!p0 $0xF7A, s2;
	p2 =	seq.s32 @!p0 s5, $0x0  }
0x1f: {  	s9 =	smul.u32 $0xF7A, s1;
	s8 =	simm.s32 @!p0 $0x1BF5;
	p2 =	por !p2, p0  }
0x20: {  	[sflag:s8] =	ssyncset.s32 @!p0 $0xFFFFF086;
	s6 =	sadd.s32 @!p0 s3, s7;
	s7 =	simm.s32 @!p0 $0x108  }
0x21: {  	s3 =	sadd.s32 s3, s9;
	s6 =	sadd.s32 @!p0 $0x88, s6;
	s7 =	simm.s32 @p2 $0x1082  }
0x22: {  	[simem:s7], [sflag:s8] =	dma.local @!p0 [hbm:s6], $0xF7A  }
0x23: {  	s9 =	sor.u32 $0xD0000000, s2;
	s6 =	simm.s32 $0x108;
	_ =	swait.ge @!p0 [sflag:s8], $0x0  }
0x24: {  	s3 =	sadd.s32 $0x88, s3;
	s6 =	simm.s32 @!p1 $0x1082;
	[sflag:s4] =	ssyncset.s32 $0xFFFFF086  }
0x25: {  	[simem:s6], [sflag:s4] =	dma.local [hbm:s3], $0xF7A  }
0x26: {  	[smem:$0x3F90] =	sst s1;
	(tag) =	ssettag s2;
	_ =	strace s9  }
0x27: {  	s1 =	sld [smem:$0x3FA0]  }
0x28: {  	s2 =	sld [smem:$0x3FA1]  }
0x29: {  	s4 =	sld [smem:$0x3FA3]  }
0x2a: {  	p0 =	seq.s32 s5, $0x0;
	s5 =	sld [smem:$0x3FA4]  }
0x2b: {  	s6 =	sld [smem:$0x3FA5]  }
0x2c: {  	s7 =	sld [smem:$0x3FA6]  }
0x2d: {  	s3 =	simm.s32 $0x108;
	s8 =	sld [smem:$0x3FA7]  }
0x2e: {  	s3 =	simm.s32 @!p0 $0x1082;
	s9 =	sld [smem:$0x3FA8]  }
0x2f: {  	lr =	sadd.s32 s0, s3;
	s0 =	sld [smem:$0x3F9F]  }
0x30: {  	s3 =	sld [smem:$0x3FA2]  }
0x31: {  	[smem:$0x3FAB] =	sst s10  }
0x32: {  	s10 =	sld [smem:$0x3FA9];
	_ =	sdelay $0x3  }
0x33: {  	p0 =	seq.s32 s10, $0x1;
	s10 =	sld [smem:$0x3FAB];
	_ =	sdelay $0x3  }
0x34: {  	[smem:$0x3FAB] =	sst s10  }
0x35: {  	s10 =	sld [smem:$0x3FAA];
	_ =	sdelay $0x3  }
0x36: {  	p1 =	seq.s32 s10, $0x1;
	s10 =	sld [smem:$0x3FAB];
	_ =	sdelay $0x3  }
0x37: {  	[smem:$0x3FAB] =	sst s10  }
0x38: {  	s10 =	sld [smem:$0x3FAC]  }
0x39: {  	_ = 	snop;
	(pc) =	sbr.ind lr, $3  }
0x3a: {  	_ = 	snop  }
0x3b: {  	_ = 	snop  }
0x3c: {  	p2 =	seq.s32 s10, $0x1;
	s10 =	sld [smem:$0x3FAB]  }
0x3d: {  	_ =	shalt  }
0x3e: {  	_ =	shalt  }
0x3f: {  	_ =	shalt  }
0x40: {  	_ =	shalt  }
0x41: {  	_ =	shalt  }
0x42: {  	_ =	shalt  }
0x43: {  	_ =	shalt  }
0x44: {  	_ =	shalt  }
0x45: {  	_ =	shalt  }
0x46: {  	_ =	shalt  }
0x47: {  	_ =	shalt  }
0x48: {  	_ =	shalt  }
0x49: {  	_ =	shalt  }
0x4a: {  	_ =	shalt  }
0x4b: {  	_ =	shalt  }
0x4c: {  	_ =	shalt  }
0x4d: {  	_ =	shalt  }
0x4e: {  	_ =	shalt  }
0x4f: {  	_ =	shalt  }
0x50: {  	_ =	shalt  }
0x51: {  	_ =	shalt  }
0x52: {  	_ =	shalt  }
0x53: {  	_ =	shalt  }
0x54: {  	_ =	shalt  }
0x55: {  	_ =	shalt  }
0x56: {  	_ =	shalt  }
0x57: {  	_ =	shalt  }
0x58: {  	_ =	shalt  }
0x59: {  	_ =	shalt  }
0x5a: {  	_ =	shalt  }
0x5b: {  	_ =	shalt  }
0x5c: {  	_ =	shalt  }
0x5d: {  	_ =	shalt  }
0x5e: {  	_ =	shalt  }
0x5f: {  	_ =	shalt  }
0x60: {  	_ =	shalt  }
0x61: {  	_ =	shalt  }
0x62: {  	_ =	shalt  }
0x63: {  	_ =	shalt  }
0x64: {  	_ =	shalt  }
0x65: {  	_ =	shalt  }
0x66: {  	_ =	shalt  }
0x67: {  	_ =	shalt  }
0x68: {  	_ =	shalt  }
0x69: {  	_ =	shalt  }
0x6a: {  	_ =	shalt  }
0x6b: {  	_ =	shalt  }
0x6c: {  	_ =	shalt  }
0x6d: {  	_ =	shalt  }
0x6e: {  	_ =	shalt  }
0x6f: {  	_ =	shalt  }
0x70: {  	_ =	shalt  }
0x71: {  	_ =	shalt  }
0x72: {  	_ =	shalt  }
0x73: {  	_ =	shalt  }
0x74: {  	_ =	shalt  }
0x75: {  	_ =	shalt  }
0x76: {  	_ =	shalt  }
0x77: {  	_ =	shalt  }
0x78: {  	_ =	shalt  }
0x79: {  	_ =	shalt  }
0x7a: {  	_ =	shalt  }
0x7b: {  	_ =	shalt  }
0x7c: {  	_ =	shalt  }
0x7d: {  	_ =	shalt  }
0x7e: {  	_ =	shalt  }
0x7f: {  	_ =	shalt  }
0x80: {  	_ =	shalt  }
0x81: {  	_ =	shalt  }
0x82: {  	_ =	shalt  }
0x83: {  	_ =	shalt  }
0x84: {  	_ =	shalt  }
0x85: {  	_ =	shalt  }
0x86: {  	_ =	shalt  }
0x87: {  	_ =	shalt  }
.Lfunc_end0:
.L_simem_size_0:
called_computation_lowered:
.L_overlay_start_0:
0x88: {  	s2 =	sld [smem:$0x3FD9]  }
0x89: {  	s3 =	sld [smem:$0x3FFE];
	_ =	sdelay $0x1  }
0x8a: {  	s1 =	srdreg.scid  }
0x8b: {  	s0 =	sand.u32 $0x1, s1  }
0x8c: {  	s16 =	sshll.u32 s0, $0xA;
	s2 =	sadd.s32 s3, s2  }
0x8d: {  	s2 =	sadd.s32 s2, s16  }
0x8e: {  	[smem:$0x3FB7] =	sst s2  }
0x8f: {  	_ = 	snop  }
0x90: {  	(tm) =	ssettm $0x1  }
0x91: {  	s17 =	sld [smem:$0x3FFB];
	_ =	sdelay $0x3  }
0x92: {  	_ =	strace s17  }
0x93: {  	s2 =	sld [smem:$0x3FFC];
	_ =	sdelay $0x3  }
0x94: {  	_ =	strace s2  }
0x95: {  	s2 =	sld [smem:$0x3FFD];
	_ =	sdelay $0x3  }
0x96: {  	_ =	strace s2  }
0x97: {  	_ =	strace $0x8FFFFFFF  }
0x98: {  	s18 =	sld [smem:$0x3FDB];
	_ =	sdelay $0x1  }
0x99: {  	s19 =	simm.s32 $_scs_section_size  }
0x9a: {  	s4 =	simm.s32 $_size__tile_overlayer_lowered;
	s5 =	simm.s32 $_tile_overlayer_lowered  }
0x9b: {  	s22 =	simm.s32 $0x1BFF;
	s21 =	sshll.u32 s5, $0x1;
	s2 =	sadd.s32 s19, s18  }
0x9c: {  	s6 =	simm.s32 $0x0;
	s20 =	sshll.u32 s4, $0x1;
	s4 =	sadd.s32 s21, s2  }
0x9d: {  	[timem:s6], [sflag:s22] =	dma.local [hbm:s4], s20  }
0x9e: {  	_ =	swait.ge [sflag:s22], s20  }
0x9f: {  	s3 =	ssub.s32 $0x0, s20;
	[sflag:s22] =	ssyncset.done $0x0  }
0xa0: {  	[sflag:s22] =	ssyncadd.s32 s3;
	_ =	sdelay $0x1  }
0xa1: {  	s23 =	simm.s32 $0x1B8B  }
0xa2: {  	_ =	swait.ge [sflag:s23], $0x1  }
0xa3: {  	[sflag:s23] =	ssyncset.done $0x0  }
0xa4: {  	s25 =	simm.s32 $0x1B8E;
	s24 =	sld [smem:$0x3FFE];
	[sflag:s23] =	ssyncadd.s32 $0xFFFFFFFF  }
0xa5: {  	s26 =	simm.s32 $execute0_lowered;
	[smem:$0x3FD2] =	sst s25  }
0xa6: {  	s4 =	sshll.u32 s26, $0x1;
	_ =	strace $0x80000046;
	[dreg:$0x1] =	wrdreg $0xFFFFFFFF  }
0xa7: {  	s28 =	simm.s32 $_size_execute0_lowered;
	s2 =	sadd.s32 s2, s4;
	[dreg:$0x0] =	wrdreg $0x0  }
0xa8: {  	s4 =	sshll.u32 s28, $0x1;
	[dreg:$0x2] =	wrdreg s2  }
0xa9: {  	[dreg:$0x3] =	wrdreg s4  }
0xaa: {  	[dreg:$0x4] =	wrdreg $0xC0  }
0xab: {  	_ =	task [dreg:s6], $0x5FFFF  }
0xac: {  	[dreg:$0x1] =	wrdreg $0xFFFFFFFF  }
0xad: {  	[dreg:$0x0] =	wrdreg $0x60  }
0xae: {  	[dreg:$0x2] =	wrdreg s24  }
0xaf: {  	[dreg:$0x3] =	wrdreg $0x0  }
0xb0: {  	[dreg:$0x4] =	wrdreg $0x9  }
0xb1: {  	_ =	task.clear_ibuf [dreg:s6], $0x5FFFF;
	_ =	strace $0x90000046  }
0xb2: {  	s29 =	simm.s32 $0x9;
	_ =	strace $0x80000048  }
0xb3: {  	_ =	swait.ge [sflag:s29], $0x1  }
0xb4: {  	[sflag:s29] =	ssyncadd.s32 $0xFFFFFFFF  }
0xb5: {  	_ =	strace $0x90000048  }
0xb6: {  	_ =	sfence  }
0xb7: {  	s30 =	sld [smem:$0x0];
	_ =	sdelay $0x2  }
0xb8: {  	s31 =	sshll.u32 s1, $0xD;
	s1 =	sshrl.u32 s1, $0x2  }
0xb9: {  	s3 =	sand.u32 $0x4000, s31;
	s1 =	sadd.s32 s1, s30  }
0xba: {  	s0 =	sor.u32 s3, s0;
	s1 =	sshll.u32 s1, $0x11  }
0xbb: {  	s0 =	sor.u32 s1, s0  }
0xbc: {  	s0 =	sadd.s32 $0x8F2B, s0  }
0xbd: {  	[sflag:s0] =	ssyncadd.remote.s32 $0x1  }
0xbe: {  	_ =	sfence.sel $0xFFFF  }
0xbf: {  	[dreg:$0x0] =	wrdreg $0xFFFFFFFF;
	(pc) =	sbr.abs _section_cstart, $3  }
0xc0: {  	[dreg:$0x1] =	wrdreg $0xFFFFFFFF  }
0xc1: {  	_ =	task.clear_ibuf [dreg:s6], $0x2FFFF;
	_ =	strace $0x9FFFFFFF  }
0xc2: {  	(tm) =	ssettm $0x7FFFFFFF  }
0xc3: {  	_ =	shalt  }
tec
execute0_lowered:
.L_overlay_start_1:
0x0: {  	(tag) =	ssettag $0x1  }
0x1: {  	s10 =	rddreg [dreg:$0x0]  }
0x2: {  	s2 =	rddreg [dreg:$0x1]  }
0x3: {  	s0 =	rddreg [dreg:$0x2]  }
0x4: {  	s4 =	srdreg.scid;
	s1 =	stileid.u32;
	s3 =	simm.s32 $0x0  }
0x5: {  	s17 =	simm.s32 $0x14100;
	s18 =	simm.s32 $0x1;
	s19 =	simm.s32 $0x7D  }
0x6: {  	s20 =	simm.s32 $0x2;
	s21 =	simm.s32 $0x0;
	s11 =	sand.u32 $0x1, s4  }
0x7: {  	s29 =	sshll.u32 s1, $0x1;
	[smem:$0x7FF] =	sst s3;
	s5 =	sadd.s32 $0x6800, s10  }
0x8: {  	s6 =	sadd.s32 $0x10800, s10;
	s7 =	sadd.s32 $0x13000, s10;
	s30 =	smul.u32 $0x50000, s1  }
0x9: {  	s14 =	smul.u32 $0x2800, s1;
	s31 =	sshll.u32 s1, $0x6;
	s4 =	sor.u32 s11, s29  }
0xa: {  	s8 =	ssub.s32 $0x2, s11;
	p0 =	seq.s32 s11, $0x1;
	s11 =	simm.s32 $0x3B800  }
0xb: {  	s4 =	smul.u32 $0x2800, s4;
	s9 =	sshrl.u32 s8, $0x1;
	s11 =	simm.s32 @!p0 $0x13800  }
0xc: {  	_ =	strace $0x80000047;
	s13 =	ssub.s32 s8, s9;
	s16 =	sadd.s32 s11, s10  }
0xd: {  	s10 =	sor.u32 $0x1C03, s31;
	s12 =	sshrl.u32 s4, $0x3;
	s11 =	smax.u32 s13, $0x1  }
0xe: {  	s13 =	simm.s32 $0x14000;
	s8 =	sadd.s32 s5, s12;
	s12 =	sshrl.u32 s30, $0x2  }
0xf: {  	s9 =	sadd.s32 $0x10, s8;
	s15 =	sadd.s32 s12, s2;
	s12 =	sadd.s32 s16, s14  }
0x10: {  	s14 =	simm.s32 $0x14080;
	s16 =	simm.s32 $0x3;
	s15 =	sshrl.u32 s15, $0x3  }
.LBB2_1:
0x11: {  	[tilespmem:s13], [sflag:$0x1] =	stream.linear.gather [hbm4b:s8+s3], $0x80, $0x38;
	[tilespmem:$0x18100] =	vst v63  }
0x12: {  	_ = 	snop  }
0x13: {  	[tilespmem:s14], [sflag:$0x2] =	stream.linear.gather [hbm4b:s9+s3], $0x80, $0x38;
	[tilespmem:$0x18100] =	vst v63  }
0x14: {  	[spmem:s15], [sflag:s10] =	dma.local [hbm:s6], $0x2800  }
0x15: {  	_ =	swait.ge [sflag:s16], $0x2800  }
0x16: {  	[sflag:s16] =	ssyncset.done $0x0  }
0x17: {  	[sflag:s16] =	ssyncadd.s32 $0xFFFFD800  }
0x18: {  	[tilespmem:s17], [sflag:$0x3] =	stream.linear.gather [hbm4b:s7+s3], $0x3E80, $0x38;
	[tilespmem:$0x18100] =	vst v63  }
0x19: {  	_ =	swait.ge [sflag:s16], $0x3E80  }
0x1a: {  	[sflag:s16] =	ssyncset.done $0x0  }
0x1b: {  	[sflag:s16] =	ssyncadd.s32 $0xFFFFC180  }
0x1c: {  	[bflag:$0x0] =	sbarrier.arrive $0xFFFF  }
0x1d: {  	s22 =	simm.s32 $0x100;
	_ =	swait.ge [sflag:s18], $0x80  }
0x1e: {  	s23 =	sand.u32 $0x7C00, s22;
	[sflag:s18] =	ssyncset.done $0x0  }
0x1f: {  	s22 =	sand.u32 $0x300, s22;
	s23 =	sadd.s32 s4, s23;
	[sflag:s18] =	ssyncadd.s32 $0xFFFFFF80  }
0x20: {  	[spmem:s2] =	stream.indirect.scatter.add.f32 [tilespmem:s17], [sflag:$0x3], $0x80, s13, s19, $0xb8;
	[tilespmem:$0x18100] =	vst v63  }
0x21: {  	s22 =	sor.u32 s22, s23;
	_ =	swait.ge [sflag:s16], $0x3E80  }
0x22: {  	s22 =	sshrl.u32 s22, $0x3;
	[sflag:s16] =	ssyncset.done $0x0  }
0x23: {  	s22 =	sadd.s32 s5, s22;
	[sflag:s16] =	ssyncadd.s32 $0xFFFFC180  }
0x24: {  	[tilespmem:s13], [sflag:$0x1] =	stream.linear.gather [hbm4b:s22+s3], $0x80, $0x38;
	[tilespmem:$0x18100] =	vst v63  }
0x25: {  	s30 =	simm.s32 $0x180;
	_ =	swait.ge [sflag:s20], $0x80  }
0x26: {  	s31 =	sand.u32 $0x7C00, s30;
	[sflag:s20] =	ssyncset.done $0x0  }
0x27: {  	s23 =	sadd.s32 s4, s31;
	s22 =	sand.u32 $0x380, s30;
	[sflag:s20] =	ssyncadd.s32 $0xFFFFFF80  }
0x28: {  	[spmem:s2] =	stream.indirect.scatter.add.f32 [tilespmem:s17], [sflag:$0x3], $0x80, s14, s19, $0xb8;
	[tilespmem:$0x18100] =	vst v63  }
0x29: {  	s23 =	sor.u32 s22, s23;
	_ =	swait.ge [sflag:s16], $0x3E80  }
0x2a: {  	s22 =	simm.s32 $0x280;
	s23 =	sshrl.u32 s23, $0x3;
	[sflag:s16] =	ssyncset.done $0x0  }
.LBB2_2:
0x2b: {  	p0 =	sne.s32 s22, $0x2780  }
0x2c: {  	[sflag:s16] =	ssyncadd.s32 $0xFFFFC180;
	s23 =	sadd.s32 s5, s23;
	s24 =	smov.u32 s22  }
0x2d: {  	[tilespmem:s14], [sflag:$0x2] =	stream.linear.gather [hbm4b:s23+s3], $0x80, $0x38;
	[tilespmem:$0x18100] =	vst v63  }
0x2e: {  	s22 =	sadd.s32 $0x100, s22;
	s23 =	sadd.s32 $0xFFFFFF80, s24;
	_ =	swait.ge [sflag:s18], $0x80  }
0x2f: {  	s25 =	sand.u32 $0x7C00, s23;
	s23 =	sand.u32 $0x300, s23;
	[sflag:s18] =	ssyncset.done $0x0  }
0x30: {  	s25 =	sadd.s32 s4, s25;
	[sflag:s18] =	ssyncadd.s32 $0xFFFFFF80  }
0x31: {  	[spmem:s2] =	stream.indirect.scatter.add.f32 [tilespmem:s17], [sflag:$0x3], $0x80, s13, s19, $0xb8;
	[tilespmem:$0x18100] =	vst v63  }
0x32: {  	s23 =	sor.u32 s23, s25;
	_ =	swait.ge [sflag:s16], $0x3E80  }
0x33: {  	s23 =	sshrl.u32 s23, $0x3;
	[sflag:s16] =	ssyncset.done $0x0  }
0x34: {  	s23 =	sadd.s32 s5, s23;
	[sflag:s16] =	ssyncadd.s32 $0xFFFFC180  }
0x35: {  	[tilespmem:s13], [sflag:$0x1] =	stream.linear.gather [hbm4b:s23+s3], $0x80, $0x38;
	[tilespmem:$0x18100] =	vst v63  }
0x36: {  	_ =	swait.ge [sflag:s20], $0x80  }
.Ltmp0:
0x37: {  	s23 =	sand.u32 $0x7C00, s24;
	[sflag:s20] =	ssyncset.done $0x0;
	(pc) =	sbr.rel @p0 .LBB2_2-.Ltmp0, $4  }
0x38: {  	s24 =	sand.u32 $0x380, s24;
	s23 =	sadd.s32 s4, s23;
	[sflag:s20] =	ssyncadd.s32 $0xFFFFFF80  }
0x39: {  	[spmem:s2] =	stream.indirect.scatter.add.f32 [tilespmem:s17], [sflag:$0x3], $0x80, s14, s19, $0xb8;
	[tilespmem:$0x18100] =	vst v63  }
0x3a: {  	s23 =	sor.u32 s24, s23;
	_ =	swait.ge [sflag:s16], $0x3E80  }
0x3b: {  	s23 =	sshrl.u32 s23, $0x3;
	[sflag:s16] =	ssyncset.done $0x0  }
0x3c: {  	[sflag:s16] =	ssyncadd.s32 $0xFFFFC180;
	s22 =	sadd.s32 s5, s23  }
0x3d: {  	[tilespmem:s14], [sflag:$0x2] =	stream.linear.gather [hbm4b:s22+s3], $0x80, $0x38;
	[tilespmem:$0x18100] =	vst v63  }
0x3e: {  	_ =	swait.ge [sflag:s18], $0x80  }
0x3f: {  	[sflag:s18] =	ssyncset.done $0x0  }
0x40: {  	[sflag:s18] =	ssyncadd.s32 $0xFFFFFF80  }
0x41: {  	[spmem:s2] =	stream.indirect.scatter.add.f32 [tilespmem:s17], [sflag:$0x3], $0x80, s13, s19, $0xb8;
	[tilespmem:$0x18100] =	vst v63  }
0x42: {  	_ =	swait.ge [sflag:s16], $0x3E80  }
0x43: {  	[sflag:s16] =	ssyncset.done $0x0  }
0x44: {  	[sflag:s16] =	ssyncadd.s32 $0xFFFFC180  }
0x45: {  	_ =	swait.ge [sflag:s20], $0x80  }
0x46: {  	[sflag:s20] =	ssyncset.done $0x0  }
0x47: {  	[sflag:s20] =	ssyncadd.s32 $0xFFFFFF80  }
0x48: {  	[spmem:s2] =	stream.indirect.scatter.add.f32 [tilespmem:s17], [sflag:$0x3], $0x80, s14, s19, $0xb8;
	[tilespmem:$0x18100] =	vst v63  }
0x49: {  	_ =	swait.ge [sflag:s16], $0x3E80  }
0x4a: {  	s21 =	sadd.s32 $0x1, s21;
	[sflag:s16] =	ssyncset.done $0x0  }
0x4b: {  	p0 =	sne.s32 s21, s11;
	[sflag:s16] =	ssyncadd.s32 $0xFFFFC180  }
.Ltmp1:
0x4c: {  	[bflag:$0x0] =	sbarrier.arrive $0xFFFF;
	(pc) =	sbr.rel @p0 .LBB2_1-.Ltmp1, $4  }
0x4d: {  	[hbm:s12], [sflag:s10] =	dma.local [spmem:s15], $0x2800  }
0x4e: {  	_ =	swait.ge [sflag:s16], $0x2800  }
0x4f: {  	[sflag:s16] =	ssyncset.done $0x0  }
0x50: {  	[sflag:s16] =	ssyncadd.s32 $0xFFFFD800  }
0x51: {  	_ =	sfence.sel $0x180000  }
0x52: {  	[bflag:$0x0] =	sbarrier.arrive $0xFFFF  }
0x53: {  	p0 =	sne.s32 s1, $0x0;
	_ =	strace $0x90000047  }
0x54: {  	s0 =	sadd.s32 @!p0 $0x100000, s0;
	[bflag:$0x2] =	sbarrier.arrive $0xFFFF  }
0x55: {  	[sflag:s0] =	ssyncadd.tile.s32 @!p0 $0x1;
	_ =	shalt  }
.Lfunc_end2:
_tile_overlayer_lowered:
.L_overlay_start_2:
0x56: {  	(tag) =	ssettag $0x2  }
0x57: {  	s0 =	rddreg [dreg:$0x0];
	s2 =	stileid.u32  }
0x58: {  	s1 =	rddreg [dreg:$0x1];
	p0 =	sne.s32 s2, $0x0  }
0x59: {  	s3 =	rddreg [dreg:$0x2];
	[bflag:$0x3] =	sbarrier.arrive $0xFFFF;
	s2 =	simm.s32 @!p0 $0x1C03  }
0x5a: {  	[timem:s3], [sflag:s2] =	dma.local @!p0 [hbm:s0], s1  }
0x5b: {  	s0 =	simm.s32 @!p0 $0x3  }
0x5c: {  	_ =	swait.ge @!p0 [sflag:s0], s1  }
0x5d: {  	s1 =	ssub.s32 @!p0 $0x0, s1;
	[sflag:s0] =	ssyncset.done @!p0 $0x0  }
0x5e: {  	[sflag:s0] =	ssyncadd.s32 @!p0 s1  }
0x5f: {  	[bflag:$0x3] =	sbarrier.arrive $0xFFFF  }
0x60: {  	_ =	shalt  }

// kernel: kernel.16.cloned.1.call-start
scs
__scs_entry_jumppad:
0x0: {  	(pc) =	sbr.rel $0x88, $3  }
0x1: {  	(tag) =	ssettag $0x0;
	lr =	simm.s32 $0x1  }
0x2: {  	[smem:$0x3F90] =	sst lr;
	_ =	strace $0xD0000000  }
0x3: {  	_ = 	snop  }
0x4: {  	_ = 	snop  }
0x5: {  	_ = 	snop  }
0x6: {  	_ = 	snop  }
0x7: {  	_ = 	snop  }
__scs_overlays_trampoline_lowered:
0x8: {  	[smem:$0x3F9F] =	sst s0  }
0x9: {  	[smem:$0x3FA0] =	sst s1  }
0xa: {  	[smem:$0x3FA1] =	sst s2  }
0xb: {  	[smem:$0x3FA2] =	sst s3  }
0xc: {  	[smem:$0x3FA3] =	sst s4  }
0xd: {  	[smem:$0x3FA4] =	sst s5  }
0xe: {  	[smem:$0x3FA5] =	sst s6  }
0xf: {  	[smem:$0x3FA6] =	sst s7  }
0x10: {  	[smem:$0x3FA7] =	sst s8  }
0x11: {  	[smem:$0x3FA8] =	sst s9;
	s0 =	simm.s32 @!p0 $0x0  }
0x12: {  	s1 =	sld [smem:$0x3F8E];
	s0 =	simm.s32 @p0 $0x1  }
0x13: {  	[smem:$0x3FA9] =	sst s0;
	s0 =	simm.s32 @!p1 $0x0  }
0x14: {  	s2 =	sld [smem:$0x3F8D];
	s0 =	simm.s32 @p1 $0x1  }
0x15: {  	[smem:$0x3FAA] =	sst s0;
	s0 =	simm.s32 @!p2 $0x0  }
0x16: {  	s3 =	sld [smem:$0x3FDB];
	s0 =	simm.s32 @p2 $0x1  }
0x17: {  	s4 =	simm.s32 $0x1BF5;
	[smem:$0x3FAC] =	sst s0  }
0x18: {  	s0 =	sld [smem:$0x3F8F];
	_ =	swait.ge [sflag:s4], $0x0  }
0x19: {  	s7 =	sld [smem:$0x3F90]  }
0x1a: {  	s8 =	sadd.s32 $0xFFFFE003, lr  }
0x1b: {  	s9 =	sadd.s32 $0xFFFFFEF7, lr;
	s5 =	simm.s32 $0xFFFFFFFF;
	p2 =	slt.u32 s8, $0xFFFFF086  }
0x1c: {  	p1 =	slt.u32 s9, $0xF7A;
	s5 =	simm.s32 @!p2 $0x0  }
0x1d: {  	s5 =	simm.s32 @p1 $0x1;
	p0 =	seq.s32 s7, s2  }
0x1e: {  	s7 =	smul.u32 @!p0 $0xF7A, s2;
	p2 =	seq.s32 @!p0 s5, $0x0  }
0x1f: {  	s9 =	smul.u32 $0xF7A, s1;
	s8 =	simm.s32 @!p0 $0x1BF5;
	p2 =	por !p2, p0  }
0x20: {  	[sflag:s8] =	ssyncset.s32 @!p0 $0xFFFFF086;
	s6 =	sadd.s32 @!p0 s3, s7;
	s7 =	simm.s32 @!p0 $0x108  }
0x21: {  	s3 =	sadd.s32 s3, s9;
	s6 =	sadd.s32 @!p0 $0x88, s6;
	s7 =	simm.s32 @p2 $0x1082  }
0x22: {  	[simem:s7], [sflag:s8] =	dma.local @!p0 [hbm:s6], $0xF7A  }
0x23: {  	s9 =	sor.u32 $0xD0000000, s2;
	s6 =	simm.s32 $0x108;
	_ =	swait.ge @!p0 [sflag:s8], $0x0  }
0x24: {  	s3 =	sadd.s32 $0x88, s3;
	s6 =	simm.s32 @!p1 $0x1082;
	[sflag:s4] =	ssyncset.s32 $0xFFFFF086  }
0x25: {  	[simem:s6], [sflag:s4] =	dma.local [hbm:s3], $0xF7A  }
0x26: {  	[smem:$0x3F90] =	sst s1;
	(tag) =	ssettag s2;
	_ =	strace s9  }
0x27: {  	s1 =	sld [smem:$0x3FA0]  }
0x28: {  	s2 =	sld [smem:$0x3FA1]  }
0x29: {  	s4 =	sld [smem:$0x3FA3]  }
0x2a: {  	p0 =	seq.s32 s5, $0x0;
	s5 =	sld [smem:$0x3FA4]  }
0x2b: {  	s6 =	sld [smem:$0x3FA5]  }
0x2c: {  	s7 =	sld [smem:$0x3FA6]  }
0x2d: {  	s3 =	simm.s32 $0x108;
	s8 =	sld [smem:$0x3FA7]  }
0x2e: {  	s3 =	simm.s32 @!p0 $0x1082;
	s9 =	sld [smem:$0x3FA8]  }
0x2f: {  	lr =	sadd.s32 s0, s3;
	s0 =	sld [smem:$0x3F9F]  }
0x30: {  	s3 =	sld [smem:$0x3FA2]  }
0x31: {  	[smem:$0x3FAB] =	sst s10  }
0x32: {  	s10 =	sld [smem:$0x3FA9];
	_ =	sdelay $0x3  }
0x33: {  	p0 =	seq.s32 s10, $0x1;
	s10 =	sld [smem:$0x3FAB];
	_ =	sdelay $0x3  }
0x34: {  	[smem:$0x3FAB] =	sst s10  }
0x35: {  	s10 =	sld [smem:$0x3FAA];
	_ =	sdelay $0x3  }
0x36: {  	p1 =	seq.s32 s10, $0x1;
	s10 =	sld [smem:$0x3FAB];
	_ =	sdelay $0x3  }
0x37: {  	[smem:$0x3FAB] =	sst s10  }
0x38: {  	s10 =	sld [smem:$0x3FAC]  }
0x39: {  	_ = 	snop;
	(pc) =	sbr.ind lr, $3  }
0x3a: {  	_ = 	snop  }
0x3b: {  	_ = 	snop  }
0x3c: {  	p2 =	seq.s32 s10, $0x1;
	s10 =	sld [smem:$0x3FAB]  }
0x3d: {  	_ =	shalt  }
0x3e: {  	_ =	shalt  }
0x3f: {  	_ =	shalt  }
0x40: {  	_ =	shalt  }
0x41: {  	_ =	shalt  }
0x42: {  	_ =	shalt  }
0x43: {  	_ =	shalt  }
0x44: {  	_ =	shalt  }
0x45: {  	_ =	shalt  }
0x46: {  	_ =	shalt  }
0x47: {  	_ =	shalt  }
0x48: {  	_ =	shalt  }
0x49: {  	_ =	shalt  }
0x4a: {  	_ =	shalt  }
0x4b: {  	_ =	shalt  }
0x4c: {  	_ =	shalt  }
0x4d: {  	_ =	shalt  }
0x4e: {  	_ =	shalt  }
0x4f: {  	_ =	shalt  }
0x50: {  	_ =	shalt  }
0x51: {  	_ =	shalt  }
0x52: {  	_ =	shalt  }
0x53: {  	_ =	shalt  }
0x54: {  	_ =	shalt  }
0x55: {  	_ =	shalt  }
0x56: {  	_ =	shalt  }
0x57: {  	_ =	shalt  }
0x58: {  	_ =	shalt  }
0x59: {  	_ =	shalt  }
0x5a: {  	_ =	shalt  }
0x5b: {  	_ =	shalt  }
0x5c: {  	_ =	shalt  }
0x5d: {  	_ =	shalt  }
0x5e: {  	_ =	shalt  }
0x5f: {  	_ =	shalt  }
0x60: {  	_ =	shalt  }
0x61: {  	_ =	shalt  }
0x62: {  	_ =	shalt  }
0x63: {  	_ =	shalt  }
0x64: {  	_ =	shalt  }
0x65: {  	_ =	shalt  }
0x66: {  	_ =	shalt  }
0x67: {  	_ =	shalt  }
0x68: {  	_ =	shalt  }
0x69: {  	_ =	shalt  }
0x6a: {  	_ =	shalt  }
0x6b: {  	_ =	shalt  }
0x6c: {  	_ =	shalt  }
0x6d: {  	_ =	shalt  }
0x6e: {  	_ =	shalt  }
0x6f: {  	_ =	shalt  }
0x70: {  	_ =	shalt  }
0x71: {  	_ =	shalt  }
0x72: {  	_ =	shalt  }
0x73: {  	_ =	shalt  }
0x74: {  	_ =	shalt  }
0x75: {  	_ =	shalt  }
0x76: {  	_ =	shalt  }
0x77: {  	_ =	shalt  }
0x78: {  	_ =	shalt  }
0x79: {  	_ =	shalt  }
0x7a: {  	_ =	shalt  }
0x7b: {  	_ =	shalt  }
0x7c: {  	_ =	shalt  }
0x7d: {  	_ =	shalt  }
0x7e: {  	_ =	shalt  }
0x7f: {  	_ =	shalt  }
0x80: {  	_ =	shalt  }
0x81: {  	_ =	shalt  }
0x82: {  	_ =	shalt  }
0x83: {  	_ =	shalt  }
0x84: {  	_ =	shalt  }
0x85: {  	_ =	shalt  }
0x86: {  	_ =	shalt  }
0x87: {  	_ =	shalt  }
.Lfunc_end0:
.L_simem_size_0:
called_computation.1_lowered:
.L_overlay_start_0:
0x88: {  	s2 =	sld [smem:$0x3FD9]  }
0x89: {  	s3 =	sld [smem:$0x3FFE];
	_ =	sdelay $0x1  }
0x8a: {  	s1 =	srdreg.scid  }
0x8b: {  	s0 =	sand.u32 $0x1, s1  }
0x8c: {  	s17 =	sshll.u32 s0, $0xA;
	s2 =	sadd.s32 s3, s2  }
0x8d: {  	s2 =	sadd.s32 s2, s17  }
0x8e: {  	[smem:$0x3FB7] =	sst s2  }
0x8f: {  	_ = 	snop  }
0x90: {  	s18 =	sld [smem:$0x3FC9];
	(tm) =	ssettm $0x1  }
0x91: {  	s19 =	sld [smem:$0x3FFB];
	_ =	sdelay $0x3  }
0x92: {  	_ =	strace s19  }
0x93: {  	s2 =	sld [smem:$0x3FFC];
	_ =	sdelay $0x3  }
0x94: {  	_ =	strace s2  }
0x95: {  	s2 =	sld [smem:$0x3FFD];
	_ =	sdelay $0x3  }
0x96: {  	_ =	strace s2  }
0x97: {  	_ =	strace $0x8FFFFFFF  }
0x98: {  	s20 =	sld [smem:$0x3FDB];
	_ =	sdelay $0x1  }
0x99: {  	s4 =	simm.s32 $_scs_section_size  }
0x9a: {  	s5 =	simm.s32 $_size__tile_overlayer_lowered;
	s6 =	simm.s32 $_tile_overlayer_lowered  }
0x9b: {  	s7 =	simm.s32 $0x1BFF;
	s21 =	sshll.u32 s6, $0x1;
	s4 =	sadd.s32 s4, s20  }
0x9c: {  	s22 =	simm.s32 $0x0;
	s5 =	sshll.u32 s5, $0x1;
	s6 =	sadd.s32 s21, s4  }
0x9d: {  	[timem:s22], [sflag:s7] =	dma.local [hbm:s6], s5  }
0x9e: {  	_ =	swait.ge [sflag:s7], s5  }
0x9f: {  	s5 =	ssub.s32 $0x0, s5;
	[sflag:s7] =	ssyncset.done $0x0  }
0xa0: {  	[sflag:s7] =	ssyncadd.s32 s5;
	_ =	sdelay $0x1  }
0xa1: {  	s23 =	simm.s32 $0x1B8B  }
0xa2: {  	_ =	swait.ge [sflag:s23], $0x1  }
0xa3: {  	[sflag:s23] =	ssyncset.done $0x0  }
0xa4: {  	[sflag:s23] =	ssyncadd.s32 $0xFFFFFFFF  }
0xa5: {  	s5 =	sld [smem:$0x0]  }
0xa6: {  	s6 =	sand.u32 $0xFFFFFFFE, s1  }
0xa7: {  	p0 =	sne.s32 s1, s6  }
0xa8: {  	s6 =	sshll.u32 @p0 s6, $0xE  }
0xa9: {  	s6 =	sadd.s32 @p0 $0x11B8D, s6;
	s7 =	sshll.u32 @p0 s5, $0x11  }
0xaa: {  	s6 =	sor.u32 @p0 s7, s6  }
0xab: {  	[sflag:s6] =	ssyncadd.remote.s32 @p0 $0x1;
	_ =	sdelay $0x1  }
0xac: {  	s6 =	simm.s32 @p0 $0x1B8D  }
0xad: {  	_ =	swait.eq @p0 [sflag:s6], $0x1  }
0xae: {  	[sflag:s6] =	ssyncadd.s32 @p0 $0xFFFFFFFF  }
0xaf: {  	s7 =	sshll.u32 @!p0 s1, $0xE  }
0xb0: {  	s7 =	sor.u32 @!p0 $0x4000, s7;
	s6 =	simm.s32 @!p0 $0x1B8D  }
0xb1: {  	s5 =	sshll.u32 @!p0 s5, $0x11;
	s7 =	sadd.s32 @!p0 $0x11B8D, s7;
	_ =	swait.eq @!p0 [sflag:s6], $0x1  }
0xb2: {  	s5 =	sor.u32 @!p0 s5, s7;
	[sflag:s6] =	ssyncadd.s32 @!p0 $0xFFFFFFFF  }
0xb3: {  	s25 =	simm.s32 $0x1B8E;
	s24 =	sld [smem:$0x3FFE];
	[sflag:s5] =	ssyncadd.remote.s32 @!p0 $0x1  }
0xb4: {  	s26 =	simm.s32 $execute0_lowered;
	[smem:$0x3FD2] =	sst s25  }
0xb5: {  	s6 =	sshll.u32 s26, $0x1;
	_ =	strace $0x80000049;
	[dreg:$0x1] =	wrdreg $0xFFFFFFFF  }
0xb6: {  	s28 =	simm.s32 $_size_execute0_lowered;
	s4 =	sadd.s32 s4, s6;
	[dreg:$0x0] =	wrdreg $0x0  }
0xb7: {  	s6 =	sshll.u32 s28, $0x1;
	[dreg:$0x2] =	wrdreg s4  }
0xb8: {  	[dreg:$0x3] =	wrdreg s6  }
0xb9: {  	[dreg:$0x4] =	wrdreg $0xC0  }
0xba: {  	_ =	task [dreg:s22], $0x5FFFF  }
0xbb: {  	[dreg:$0x1] =	wrdreg $0xFFFFFFFF  }
0xbc: {  	[dreg:$0x0] =	wrdreg $0x60  }
0xbd: {  	[dreg:$0x2] =	wrdreg s18  }
0xbe: {  	[dreg:$0x3] =	wrdreg s24  }
0xbf: {  	[dreg:$0x4] =	wrdreg $0x0  }
0xc0: {  	[dreg:$0x5] =	wrdreg $0xA  }
0xc1: {  	_ =	task.clear_ibuf [dreg:s22], $0x6FFFF;
	_ =	strace $0x90000049  }
0xc2: {  	s29 =	simm.s32 $0xA;
	_ =	strace $0x8000004B  }
0xc3: {  	_ =	swait.ge [sflag:s29], $0x1  }
0xc4: {  	[sflag:s29] =	ssyncadd.s32 $0xFFFFFFFF  }
0xc5: {  	_ =	strace $0x9000004B  }
0xc6: {  	_ =	sfence  }
0xc7: {  	s30 =	sld [smem:$0x0];
	_ =	sdelay $0x2  }
0xc8: {  	s31 =	sshll.u32 s1, $0xD;
	s1 =	sshrl.u32 s1, $0x2  }
0xc9: {  	s4 =	sand.u32 $0x4000, s31;
	s1 =	sadd.s32 s1, s30  }
0xca: {  	s0 =	sor.u32 s4, s0;
	s1 =	sshll.u32 s1, $0x11  }
0xcb: {  	s0 =	sor.u32 s1, s0  }
0xcc: {  	s0 =	sadd.s32 $0x8F2B, s0  }
0xcd: {  	[sflag:s0] =	ssyncadd.remote.s32 $0x1  }
0xce: {  	_ =	sfence.sel $0xFFFF  }
0xcf: {  	[dreg:$0x0] =	wrdreg $0xFFFFFFFF;
	(pc) =	sbr.abs _section_cstart, $3  }
0xd0: {  	[dreg:$0x1] =	wrdreg $0xFFFFFFFF  }
0xd1: {  	_ =	task.clear_ibuf [dreg:s22], $0x2FFFF;
	_ =	strace $0x9FFFFFFF  }
0xd2: {  	(tm) =	ssettm $0x7FFFFFFF  }
0xd3: {  	_ =	shalt  }
tec
execute0_lowered:
.L_overlay_start_1:
0x0: {  	(tag) =	ssettag $0x1  }
0x1: {  	s1 =	rddreg [dreg:$0x0]  }
0x2: {  	s0 =	rddreg [dreg:$0x1]  }
0x3: {  	s3 =	rddreg [dreg:$0x2];
	s2 =	srdreg.scid  }
0x4: {  	s11 =	stileid.u32;
	s4 =	simm.s32 $0x0;
	s16 =	simm.s32 $0x14000  }
0x5: {  	s17 =	simm.s32 $0x14100;
	s18 =	simm.s32 $0x14080;
	s19 =	simm.s32 $0x14180  }
0x6: {  	s20 =	simm.s32 $0x1;
	s28 =	simm.s32 $0x3;
	s29 =	simm.s32 $0x6  }
0x7: {  	s30 =	simm.s32 $0x4;
	s31 =	simm.s32 $0x0;
	s2 =	sand.u32 $0x1, s2  }
0x8: {  	s5 =	sshll.u32 s11, $0x1;
	[smem:$0x7FF] =	sst s4;
	s6 =	sadd.s32 $0x63800, s0  }
0x9: {  	s7 =	sadd.s32 $0x6800, s0;
	s10 =	sadd.s32 $0x10800, s0;
	s24 =	smul.u32 $0x50000, s11  }
0xa: {  	s11 =	smul.u32 $0x2800, s11;
	s5 =	sor.u32 s2, s5;
	_ =	strace $0x8000004A  }
0xb: {  	s8 =	ssub.s32 $0x2, s2;
	[dreg:$0x4] =	wrdreg s10;
	p0 =	seq.s32 s2, $0x1  }
0xc: {  	s2 =	simm.s32 $0x95800;
	s5 =	smul.u32 $0x2800, s5;
	s9 =	sshrl.u32 s8, $0x1  }
0xd: {  	s2 =	simm.s32 @!p0 $0x6D800;
	s25 =	sshrl.u32 s24, $0x2;
	s24 =	simm.s32 $0x18200  }
0xe: {  	s8 =	ssub.s32 s8, s9;
	s0 =	sadd.s32 s2, s0;
	s26 =	sadd.s32 s25, s3  }
0xf: {  	s25 =	simm.s32 $0x7;
	s21 =	sshrl.u32 s5, $0x3;
	[dreg:$0x9] =	wrdreg s26  }
0x10: {  	s14 =	smax.u32 s8, $0x1;
	s15 =	sadd.s32 s0, s11;
	s22 =	sadd.s32 s6, s21  }
0x11: {  	s23 =	sadd.s32 s7, s21;
	s9 =	sor.u32 $0x10, s21;
	[dreg:$0x5] =	wrdreg s22  }
0x12: {  	s26 =	simm.s32 $0x5;
	[dreg:$0x6] =	wrdreg s23;
	s12 =	sadd.s32 s6, s9  }
0x13: {  	s21 =	simm.s32 $0x7D;
	s9 =	sadd.s32 s7, s9;
	[dreg:$0x7] =	wrdreg s12  }
0x14: {  	s22 =	simm.s32 $0x14200;
	s23 =	simm.s32 $0x2;
	[dreg:$0x8] =	wrdreg s9  }
.LBB2_1:
0x15: {  	s0 =	rddreg [dreg:$0x5]  }
0x16: {  	[tilespmem:s16], [sflag:$0x1] =	stream.linear.gather [hbm4b:s0+s4], $0x80, $0x38;
	[tilespmem:$0x1C200] =	vst v63  }
0x17: {  	s13 =	rddreg [dreg:$0x6]  }
0x18: {  	[tilespmem:s17], [sflag:$0x3] =	stream.linear.gather [hbm4b:s13+s4], $0x80, $0x38;
	[tilespmem:$0x1C200] =	vst v63  }
0x19: {  	s2 =	rddreg [dreg:$0x7]  }
0x1a: {  	[tilespmem:s18], [sflag:$0x2] =	stream.linear.gather [hbm4b:s2+s4], $0x80, $0x38;
	[tilespmem:$0x1C200] =	vst v63  }
0x1b: {  	s8 =	rddreg [dreg:$0x8]  }
0x1c: {  	[tilespmem:s19], [sflag:$0x4] =	stream.linear.gather [hbm4b:s8+s4], $0x80, $0x38;
	[tilespmem:$0x1C200] =	vst v63  }
0x1d: {  	_ =	swait.ge [sflag:s20], $0x80  }
0x1e: {  	[sflag:s20] =	ssyncset.done $0x0  }
0x1f: {  	s9 =	stileid.u32;
	[sflag:s20] =	ssyncadd.s32 $0xFFFFFF80  }
0x20: {  	[tilespmem:s22], [sflag:$0x5] =	stream.indirect.gather [hbm4b:s1+s21], $0x80, s16, s21, $0xb8;
	[tilespmem:$0x1C200] =	vst v63  }
0x21: {  	s0 =	sshll.u32 s9, $0x6;
	_ =	swait.ge [sflag:s23], $0x80  }
0x22: {  	s0 =	sor.u32 $0x1C07, s0;
	[sflag:s23] =	ssyncset.done $0x0;
	s2 =	rddreg [dreg:$0x9]  }
0x23: {  	s8 =	rddreg [dreg:$0x4];
	[sflag:s23] =	ssyncadd.s32 $0xFFFFFF80;
	s2 =	sshrl.u32 s2, $0x3  }
0x24: {  	[tilespmem:s24], [sflag:$0x6] =	stream.indirect.gather [hbm4b:s1+s21], $0x80, s18, s21, $0xb8;
	[tilespmem:$0x1C200] =	vst v63  }
0x25: {  	[spmem:s2], [sflag:s0] =	dma.local [hbm:s8], $0x2800  }
0x26: {  	_ =	swait.ge [sflag:s25], $0x2800  }
0x27: {  	s10 =	simm.s32 $0x100;
	[sflag:s25] =	ssyncset.done $0x0  }
0x28: {  	s9 =	sand.u32 $0x7C00, s10;
	[sflag:s25] =	ssyncadd.s32 $0xFFFFD800  }
0x29: {  	s9 =	sadd.s32 s5, s9;
	s8 =	sand.u32 $0x300, s10;
	[bflag:$0x0] =	sbarrier.arrive $0xFFFF  }
0x2a: {  	s8 =	sor.u32 s8, s9;
	_ =	swait.ge [sflag:s26], $0x3E80  }
0x2b: {  	s8 =	sshrl.u32 s8, $0x3;
	[sflag:s26] =	ssyncset.done $0x0  }
0x2c: {  	s11 =	sadd.s32 s6, s8;
	[sflag:s26] =	ssyncadd.s32 $0xFFFFC180  }
0x2d: {  	[tilespmem:s16], [sflag:$0x1] =	stream.linear.gather [hbm4b:s11+s4], $0x80, $0x38;
	[tilespmem:$0x1C200] =	vst v63  }
0x2e: {  	_ =	swait.ge [sflag:s28], $0x80  }
0x2f: {  	[sflag:s28] =	ssyncset.done $0x0  }
0x30: {  	[sflag:s28] =	ssyncadd.s32 $0xFFFFFF80  }
0x31: {  	[spmem:s3] =	stream.indirect.scatter.add.f32 [tilespmem:s22], [sflag:$0x7], $0x80, s17, s21, $0xb8;
	[tilespmem:$0x1C200] =	vst v63  }
0x32: {  	_ =	swait.ge [sflag:s25], $0x3E80  }
0x33: {  	[sflag:s25] =	ssyncset.done $0x0  }
0x34: {  	s8 =	sadd.s32 s7, s8;
	[sflag:s25] =	ssyncadd.s32 $0xFFFFC180  }
0x35: {  	[tilespmem:s17], [sflag:$0x3] =	stream.linear.gather [hbm4b:s8+s4], $0x80, $0x38;
	[tilespmem:$0x1C200] =	vst v63  }
0x36: {  	s12 =	simm.s32 $0x180;
	_ =	swait.ge [sflag:s20], $0x80  }
0x37: {  	s13 =	sand.u32 $0x7C00, s12;
	[sflag:s20] =	ssyncset.done $0x0  }
0x38: {  	s9 =	sadd.s32 s5, s13;
	s8 =	sand.u32 $0x380, s12;
	[sflag:s20] =	ssyncadd.s32 $0xFFFFFF80  }
0x39: {  	[tilespmem:s22], [sflag:$0x5] =	stream.indirect.gather [hbm4b:s1+s21], $0x80, s16, s21, $0xb8;
	[tilespmem:$0x1C200] =	vst v63  }
0x3a: {  	s8 =	sor.u32 s8, s9;
	_ =	swait.ge [sflag:s29], $0x3E80  }
0x3b: {  	s11 =	sshrl.u32 s8, $0x3;
	[sflag:s29] =	ssyncset.done $0x0  }
0x3c: {  	s8 =	sadd.s32 s6, s11;
	[sflag:s29] =	ssyncadd.s32 $0xFFFFC180  }
0x3d: {  	[tilespmem:s18], [sflag:$0x2] =	stream.linear.gather [hbm4b:s8+s4], $0x80, $0x38;
	[tilespmem:$0x1C200] =	vst v63  }
0x3e: {  	_ =	swait.ge [sflag:s30], $0x80  }
0x3f: {  	[sflag:s30] =	ssyncset.done $0x0  }
0x40: {  	[sflag:s30] =	ssyncadd.s32 $0xFFFFFF80  }
0x41: {  	[spmem:s3] =	stream.indirect.scatter.add.f32 [tilespmem:s24], [sflag:$0x7], $0x80, s19, s21, $0xb8;
	[tilespmem:$0x1C200] =	vst v63  }
0x42: {  	s10 =	simm.s32 $0x200;
	_ =	swait.ge [sflag:s25], $0x3E80  }
0x43: {  	s12 =	sand.u32 $0x7C00, s10;
	s9 =	simm.s32 $0x380;
	[sflag:s25] =	ssyncset.done $0x0  }
0x44: {  	s13 =	sadd.s32 s7, s11;
	s8 =	simm.s32 $0x280;
	[sflag:s25] =	ssyncadd.s32 $0xFFFFC180  }
.LBB2_2:
0x45: {  	[tilespmem:s19], [sflag:$0x4] =	stream.linear.gather [hbm4b:s13+s4], $0x80, $0x38;
	[tilespmem:$0x1C200] =	vst v63  }
0x46: {  	s13 =	smov.u32 s9  }
0x47: {  	s12 =	sadd.s32 s5, s12;
	s10 =	sand.u32 $0x300, s10;
	_ =	swait.ge [sflag:s23], $0x80  }
0x48: {  	s11 =	sadd.s32 $0x100, s9;
	s10 =	sor.u32 s10, s12;
	[sflag:s23] =	ssyncset.done $0x0  }
0x49: {  	p0 =	sne.s32 s9, $0x2780;
	s9 =	sshrl.u32 s10, $0x3;
	[sflag:s23] =	ssyncadd.s32 $0xFFFFFF80  }
0x4a: {  	[tilespmem:s24], [sflag:$0x6] =	stream.indirect.gather [hbm4b:s1+s21], $0x80, s18, s21, $0xb8;
	[tilespmem:$0x1C200] =	vst v63  }
0x4b: {  	_ =	swait.ge [sflag:s26], $0x3E80  }
0x4c: {  	[sflag:s26] =	ssyncset.done $0x0  }
0x4d: {  	s10 =	sadd.s32 s6, s9;
	[sflag:s26] =	ssyncadd.s32 $0xFFFFC180  }
0x4e: {  	[tilespmem:s16], [sflag:$0x1] =	stream.linear.gather [hbm4b:s10+s4], $0x80, $0x38;
	[tilespmem:$0x1C200] =	vst v63  }
0x4f: {  	_ =	swait.ge [sflag:s28], $0x80  }
0x50: {  	[sflag:s28] =	ssyncset.done $0x0  }
0x51: {  	[sflag:s28] =	ssyncadd.s32 $0xFFFFFF80  }
0x52: {  	[spmem:s3] =	stream.indirect.scatter.add.f32 [tilespmem:s22], [sflag:$0x7], $0x80, s17, s21, $0xb8;
	[tilespmem:$0x1C200] =	vst v63  }
0x53: {  	_ =	swait.ge [sflag:s25], $0x3E80  }
0x54: {  	[sflag:s25] =	ssyncset.done $0x0  }
0x55: {  	s9 =	sadd.s32 s7, s9;
	[sflag:s25] =	ssyncadd.s32 $0xFFFFC180  }
0x56: {  	[tilespmem:s17], [sflag:$0x3] =	stream.linear.gather [hbm4b:s9+s4], $0x80, $0x38;
	[tilespmem:$0x1C200] =	vst v63  }
0x57: {  	_ =	swait.ge [sflag:s20], $0x80  }
0x58: {  	[sflag:s20] =	ssyncset.done $0x0  }
0x59: {  	s9 =	sand.u32 $0x7C00, s8;
	[sflag:s20] =	ssyncadd.s32 $0xFFFFFF80  }
0x5a: {  	[tilespmem:s22], [sflag:$0x5] =	stream.indirect.gather [hbm4b:s1+s21], $0x80, s16, s21, $0xb8;
	[tilespmem:$0x1C200] =	vst v63  }
0x5b: {  	s8 =	sand.u32 $0x380, s8;
	s9 =	sadd.s32 s5, s9;
	_ =	swait.ge [sflag:s29], $0x3E80  }
0x5c: {  	s9 =	sor.u32 s8, s9;
	s8 =	smov.u32 s13;
	[sflag:s29] =	ssyncset.done $0x0  }
0x5d: {  	s9 =	sshrl.u32 s9, $0x3;
	[sflag:s29] =	ssyncadd.s32 $0xFFFFC180  }
0x5e: {  	s10 =	sadd.s32 s6, s9  }
0x5f: {  	[tilespmem:s18], [sflag:$0x2] =	stream.linear.gather [hbm4b:s10+s4], $0x80, $0x38;
	[tilespmem:$0x1C200] =	vst v63  }
0x60: {  	_ =	swait.ge [sflag:s30], $0x80  }
0x61: {  	[sflag:s30] =	ssyncset.done $0x0  }
.Ltmp0:
0x62: {  	[sflag:s30] =	ssyncadd.s32 $0xFFFFFF80;
	(pc) =	sbr.rel @p0 .LBB2_2-.Ltmp0, $4  }
0x63: {  	[spmem:s3] =	stream.indirect.scatter.add.f32 [tilespmem:s24], [sflag:$0x7], $0x80, s19, s21, $0xb8;
	[tilespmem:$0x1C200] =	vst v63  }
0x64: {  	_ =	swait.ge [sflag:s25], $0x3E80  }
0x65: {  	s13 =	sadd.s32 s7, s9;
	s10 =	sadd.s32 $0xFFFFFF80, s8;
	[sflag:s25] =	ssyncset.done $0x0  }
0x66: {  	s9 =	smov.u32 s11;
	s12 =	sand.u32 $0x7C00, s10;
	[sflag:s25] =	ssyncadd.s32 $0xFFFFC180  }
0x67: {  	[tilespmem:s19], [sflag:$0x4] =	stream.linear.gather [hbm4b:s13+s4], $0x80, $0x38;
	[tilespmem:$0x1C200] =	vst v63  }
0x68: {  	_ =	swait.ge [sflag:s23], $0x80  }
0x69: {  	[sflag:s23] =	ssyncset.done $0x0  }
0x6a: {  	s9 =	sadd.s32 s5, s12;
	s10 =	sand.u32 $0x300, s10;
	[sflag:s23] =	ssyncadd.s32 $0xFFFFFF80  }
0x6b: {  	[tilespmem:s24], [sflag:$0x6] =	stream.indirect.gather [hbm4b:s1+s21], $0x80, s18, s21, $0xb8;
	[tilespmem:$0x1C200] =	vst v63  }
0x6c: {  	s9 =	sor.u32 s10, s9;
	_ =	swait.ge [sflag:s26], $0x3E80  }
0x6d: {  	s9 =	sshrl.u32 s9, $0x3;
	[sflag:s26] =	ssyncset.done $0x0  }
0x6e: {  	s13 =	sadd.s32 s6, s9;
	[sflag:s26] =	ssyncadd.s32 $0xFFFFC180  }
0x6f: {  	[tilespmem:s16], [sflag:$0x1] =	stream.linear.gather [hbm4b:s13+s4], $0x80, $0x38;
	[tilespmem:$0x1C200] =	vst v63  }
0x70: {  	_ =	swait.ge [sflag:s28], $0x80  }
0x71: {  	[sflag:s28] =	ssyncset.done $0x0  }
0x72: {  	[sflag:s28] =	ssyncadd.s32 $0xFFFFFF80  }
0x73: {  	[spmem:s3] =	stream.indirect.scatter.add.f32 [tilespmem:s22], [sflag:$0x7], $0x80, s17, s21, $0xb8;
	[tilespmem:$0x1C200] =	vst v63  }
0x74: {  	_ =	swait.ge [sflag:s25], $0x3E80  }
0x75: {  	[sflag:s25] =	ssyncset.done $0x0  }
0x76: {  	s9 =	sadd.s32 s7, s9;
	[sflag:s25] =	ssyncadd.s32 $0xFFFFC180  }
0x77: {  	[tilespmem:s17], [sflag:$0x3] =	stream.linear.gather [hbm4b:s9+s4], $0x80, $0x38;
	[tilespmem:$0x1C200] =	vst v63  }
0x78: {  	_ =	swait.ge [sflag:s20], $0x80  }
0x79: {  	s11 =	sand.u32 $0x7C00, s8;
	[sflag:s20] =	ssyncset.done $0x0  }
0x7a: {  	s12 =	sand.u32 $0x380, s8;
	s9 =	sadd.s32 s5, s11;
	[sflag:s20] =	ssyncadd.s32 $0xFFFFFF80  }
0x7b: {  	[tilespmem:s22], [sflag:$0x5] =	stream.indirect.gather [hbm4b:s1+s21], $0x80, s16, s21, $0xb8;
	[tilespmem:$0x1C200] =	vst v63  }
0x7c: {  	s8 =	sor.u32 s12, s9;
	_ =	swait.ge [sflag:s29], $0x3E80  }
0x7d: {  	s8 =	sshrl.u32 s8, $0x3;
	[sflag:s29] =	ssyncset.done $0x0  }
0x7e: {  	s13 =	sadd.s32 s6, s8;
	[sflag:s29] =	ssyncadd.s32 $0xFFFFC180  }
0x7f: {  	[tilespmem:s18], [sflag:$0x2] =	stream.linear.gather [hbm4b:s13+s4], $0x80, $0x38;
	[tilespmem:$0x1C200] =	vst v63  }
0x80: {  	_ =	swait.ge [sflag:s30], $0x80  }
0x81: {  	[sflag:s30] =	ssyncset.done $0x0  }
0x82: {  	[sflag:s30] =	ssyncadd.s32 $0xFFFFFF80  }
0x83: {  	[spmem:s3] =	stream.indirect.scatter.add.f32 [tilespmem:s24], [sflag:$0x7], $0x80, s19, s21, $0xb8;
	[tilespmem:$0x1C200] =	vst v63  }
0x84: {  	_ =	swait.ge [sflag:s25], $0x3E80  }
0x85: {  	[sflag:s25] =	ssyncset.done $0x0  }
0x86: {  	s8 =	sadd.s32 s7, s8;
	[sflag:s25] =	ssyncadd.s32 $0xFFFFC180  }
0x87: {  	[tilespmem:s19], [sflag:$0x4] =	stream.linear.gather [hbm4b:s8+s4], $0x80, $0x38;
	[tilespmem:$0x1C200] =	vst v63  }
0x88: {  	_ =	swait.ge [sflag:s23], $0x80  }
0x89: {  	[sflag:s23] =	ssyncset.done $0x0  }
0x8a: {  	[sflag:s23] =	ssyncadd.s32 $0xFFFFFF80  }
0x8b: {  	[tilespmem:s24], [sflag:$0x6] =	stream.indirect.gather [hbm4b:s1+s21], $0x80, s18, s21, $0xb8;
	[tilespmem:$0x1C200] =	vst v63  }
0x8c: {  	_ =	swait.ge [sflag:s26], $0x3E80  }
0x8d: {  	[sflag:s26] =	ssyncset.done $0x0  }
0x8e: {  	[sflag:s26] =	ssyncadd.s32 $0xFFFFC180  }
0x8f: {  	_ =	swait.ge [sflag:s28], $0x80  }
0x90: {  	[sflag:s28] =	ssyncset.done $0x0  }
0x91: {  	[sflag:s28] =	ssyncadd.s32 $0xFFFFFF80  }
0x92: {  	[spmem:s3] =	stream.indirect.scatter.add.f32 [tilespmem:s22], [sflag:$0x7], $0x80, s17, s21, $0xb8;
	[tilespmem:$0x1C200] =	vst v63  }
0x93: {  	_ =	swait.ge [sflag:s25], $0x3E80  }
0x94: {  	[sflag:s25] =	ssyncset.done $0x0  }
0x95: {  	[sflag:s25] =	ssyncadd.s32 $0xFFFFC180  }
0x96: {  	_ =	swait.ge [sflag:s29], $0x3E80  }
0x97: {  	[sflag:s29] =	ssyncset.done $0x0  }
0x98: {  	[sflag:s29] =	ssyncadd.s32 $0xFFFFC180  }
0x99: {  	_ =	swait.ge [sflag:s30], $0x80  }
0x9a: {  	[sflag:s30] =	ssyncset.done $0x0  }
0x9b: {  	[sflag:s30] =	ssyncadd.s32 $0xFFFFFF80  }
0x9c: {  	[spmem:s3] =	stream.indirect.scatter.add.f32 [tilespmem:s24], [sflag:$0x7], $0x80, s19, s21, $0xb8;
	[tilespmem:$0x1C200] =	vst v63  }
0x9d: {  	_ =	swait.ge [sflag:s25], $0x3E80  }
0x9e: {  	s31 =	sadd.s32 $0x1, s31;
	[sflag:s25] =	ssyncset.done $0x0  }
0x9f: {  	p0 =	sne.s32 s31, s14;
	[sflag:s25] =	ssyncadd.s32 $0xFFFFC180  }
.Ltmp1:
0xa0: {  	[bflag:$0x0] =	sbarrier.arrive $0xFFFF;
	(pc) =	sbr.rel @p0 .LBB2_1-.Ltmp1, $4  }
0xa1: {  	[hbm:s15], [sflag:s0] =	dma.local [spmem:s2], $0x2800  }
0xa2: {  	_ =	swait.ge [sflag:s25], $0x2800  }
0xa3: {  	[sflag:s25] =	ssyncset.done $0x0  }
0xa4: {  	[sflag:s25] =	ssyncadd.s32 $0xFFFFD800  }
0xa5: {  	_ =	sfence.sel $0x180000  }
0xa6: {  	[bflag:$0x0] =	sbarrier.arrive $0xFFFF  }
0xa7: {  	_ =	strace $0x9000004A  }
0xa8: {  	s0 =	stileid.u32;
	[bflag:$0x2] =	sbarrier.arrive $0xFFFF  }
0xa9: {  	p0 =	sne.s32 s0, $0x0;
	s0 =	rddreg [dreg:$0x3]  }
0xaa: {  	s0 =	sadd.s32 @!p0 $0x100000, s0  }
0xab: {  	[sflag:s0] =	ssyncadd.tile.s32 @!p0 $0x1;
	_ =	shalt  }
.Lfunc_end2:
_tile_overlayer_lowered:
.L_overlay_start_2:
0xac: {  	(tag) =	ssettag $0x2  }
0xad: {  	s0 =	rddreg [dreg:$0x0];
	s2 =	stileid.u32  }
0xae: {  	s1 =	rddreg [dreg:$0x1];
	p0 =	sne.s32 s2, $0x0  }
0xaf: {  	s3 =	rddreg [dreg:$0x2];
	[bflag:$0x3] =	sbarrier.arrive $0xFFFF;
	s2 =	simm.s32 @!p0 $0x1C07  }
0xb0: {  	[timem:s3], [sflag:s2] =	dma.local @!p0 [hbm:s0], s1  }
0xb1: {  	s0 =	simm.s32 @!p0 $0x7  }
0xb2: {  	_ =	swait.ge @!p0 [sflag:s0], s1  }
0xb3: {  	s1 =	ssub.s32 @!p0 $0x0, s1;
	[sflag:s0] =	ssyncset.done @!p0 $0x0  }
0xb4: {  	[sflag:s0] =	ssyncadd.s32 @!p0 s1  }
0xb5: {  	[bflag:$0x3] =	sbarrier.arrive $0xFFFF  }
0xb6: {  	_ =	shalt  }

// kernel: kernel.19.cloned.1.call-start
scs
__scs_entry_jumppad:
0x0: {  	(pc) =	sbr.rel $0x88, $3  }
0x1: {  	(tag) =	ssettag $0x0;
	lr =	simm.s32 $0x1  }
0x2: {  	[smem:$0x3F90] =	sst lr;
	_ =	strace $0xD0000000  }
0x3: {  	_ = 	snop  }
0x4: {  	_ = 	snop  }
0x5: {  	_ = 	snop  }
0x6: {  	_ = 	snop  }
0x7: {  	_ = 	snop  }
__scs_overlays_trampoline_lowered:
0x8: {  	[smem:$0x3F9F] =	sst s0  }
0x9: {  	[smem:$0x3FA0] =	sst s1  }
0xa: {  	[smem:$0x3FA1] =	sst s2  }
0xb: {  	[smem:$0x3FA2] =	sst s3  }
0xc: {  	[smem:$0x3FA3] =	sst s4  }
0xd: {  	[smem:$0x3FA4] =	sst s5  }
0xe: {  	[smem:$0x3FA5] =	sst s6  }
0xf: {  	[smem:$0x3FA6] =	sst s7  }
0x10: {  	[smem:$0x3FA7] =	sst s8  }
0x11: {  	[smem:$0x3FA8] =	sst s9;
	s0 =	simm.s32 @!p0 $0x0  }
0x12: {  	s1 =	sld [smem:$0x3F8E];
	s0 =	simm.s32 @p0 $0x1  }
0x13: {  	[smem:$0x3FA9] =	sst s0;
	s0 =	simm.s32 @!p1 $0x0  }
0x14: {  	s2 =	sld [smem:$0x3F8D];
	s0 =	simm.s32 @p1 $0x1  }
0x15: {  	[smem:$0x3FAA] =	sst s0;
	s0 =	simm.s32 @!p2 $0x0  }
0x16: {  	s3 =	sld [smem:$0x3FDB];
	s0 =	simm.s32 @p2 $0x1  }
0x17: {  	s4 =	simm.s32 $0x1BF5;
	[smem:$0x3FAC] =	sst s0  }
0x18: {  	s0 =	sld [smem:$0x3F8F];
	_ =	swait.ge [sflag:s4], $0x0  }
0x19: {  	s7 =	sld [smem:$0x3F90]  }
0x1a: {  	s8 =	sadd.s32 $0xFFFFE003, lr  }
0x1b: {  	s9 =	sadd.s32 $0xFFFFFEF7, lr;
	s5 =	simm.s32 $0xFFFFFFFF;
	p2 =	slt.u32 s8, $0xFFFFF086  }
0x1c: {  	p1 =	slt.u32 s9, $0xF7A;
	s5 =	simm.s32 @!p2 $0x0  }
0x1d: {  	s5 =	simm.s32 @p1 $0x1;
	p0 =	seq.s32 s7, s2  }
0x1e: {  	s7 =	smul.u32 @!p0 $0xF7A, s2;
	p2 =	seq.s32 @!p0 s5, $0x0  }
0x1f: {  	s9 =	smul.u32 $0xF7A, s1;
	s8 =	simm.s32 @!p0 $0x1BF5;
	p2 =	por !p2, p0  }
0x20: {  	[sflag:s8] =	ssyncset.s32 @!p0 $0xFFFFF086;
	s6 =	sadd.s32 @!p0 s3, s7;
	s7 =	simm.s32 @!p0 $0x108  }
0x21: {  	s3 =	sadd.s32 s3, s9;
	s6 =	sadd.s32 @!p0 $0x88, s6;
	s7 =	simm.s32 @p2 $0x1082  }
0x22: {  	[simem:s7], [sflag:s8] =	dma.local @!p0 [hbm:s6], $0xF7A  }
0x23: {  	s9 =	sor.u32 $0xD0000000, s2;
	s6 =	simm.s32 $0x108;
	_ =	swait.ge @!p0 [sflag:s8], $0x0  }
0x24: {  	s3 =	sadd.s32 $0x88, s3;
	s6 =	simm.s32 @!p1 $0x1082;
	[sflag:s4] =	ssyncset.s32 $0xFFFFF086  }
0x25: {  	[simem:s6], [sflag:s4] =	dma.local [hbm:s3], $0xF7A  }
0x26: {  	[smem:$0x3F90] =	sst s1;
	(tag) =	ssettag s2;
	_ =	strace s9  }
0x27: {  	s1 =	sld [smem:$0x3FA0]  }
0x28: {  	s2 =	sld [smem:$0x3FA1]  }
0x29: {  	s4 =	sld [smem:$0x3FA3]  }
0x2a: {  	p0 =	seq.s32 s5, $0x0;
	s5 =	sld [smem:$0x3FA4]  }
0x2b: {  	s6 =	sld [smem:$0x3FA5]  }
0x2c: {  	s7 =	sld [smem:$0x3FA6]  }
0x2d: {  	s3 =	simm.s32 $0x108;
	s8 =	sld [smem:$0x3FA7]  }
0x2e: {  	s3 =	simm.s32 @!p0 $0x1082;
	s9 =	sld [smem:$0x3FA8]  }
0x2f: {  	lr =	sadd.s32 s0, s3;
	s0 =	sld [smem:$0x3F9F]  }
0x30: {  	s3 =	sld [smem:$0x3FA2]  }
0x31: {  	[smem:$0x3FAB] =	sst s10  }
0x32: {  	s10 =	sld [smem:$0x3FA9];
	_ =	sdelay $0x3  }
0x33: {  	p0 =	seq.s32 s10, $0x1;
	s10 =	sld [smem:$0x3FAB];
	_ =	sdelay $0x3  }
0x34: {  	[smem:$0x3FAB] =	sst s10  }
0x35: {  	s10 =	sld [smem:$0x3FAA];
	_ =	sdelay $0x3  }
0x36: {  	p1 =	seq.s32 s10, $0x1;
	s10 =	sld [smem:$0x3FAB];
	_ =	sdelay $0x3  }
0x37: {  	[smem:$0x3FAB] =	sst s10  }
0x38: {  	s10 =	sld [smem:$0x3FAC]  }
0x39: {  	_ = 	snop;
	(pc) =	sbr.ind lr, $3  }
0x3a: {  	_ = 	snop  }
0x3b: {  	_ = 	snop  }
0x3c: {  	p2 =	seq.s32 s10, $0x1;
	s10 =	sld [smem:$0x3FAB]  }
0x3d: {  	_ =	shalt  }
0x3e: {  	_ =	shalt  }
0x3f: {  	_ =	shalt  }
0x40: {  	_ =	shalt  }
0x41: {  	_ =	shalt  }
0x42: {  	_ =	shalt  }
0x43: {  	_ =	shalt  }
0x44: {  	_ =	shalt  }
0x45: {  	_ =	shalt  }
0x46: {  	_ =	shalt  }
0x47: {  	_ =	shalt  }
0x48: {  	_ =	shalt  }
0x49: {  	_ =	shalt  }
0x4a: {  	_ =	shalt  }
0x4b: {  	_ =	shalt  }
0x4c: {  	_ =	shalt  }
0x4d: {  	_ =	shalt  }
0x4e: {  	_ =	shalt  }
0x4f: {  	_ =	shalt  }
0x50: {  	_ =	shalt  }
0x51: {  	_ =	shalt  }
0x52: {  	_ =	shalt  }
0x53: {  	_ =	shalt  }
0x54: {  	_ =	shalt  }
0x55: {  	_ =	shalt  }
0x56: {  	_ =	shalt  }
0x57: {  	_ =	shalt  }
0x58: {  	_ =	shalt  }
0x59: {  	_ =	shalt  }
0x5a: {  	_ =	shalt  }
0x5b: {  	_ =	shalt  }
0x5c: {  	_ =	shalt  }
0x5d: {  	_ =	shalt  }
0x5e: {  	_ =	shalt  }
0x5f: {  	_ =	shalt  }
0x60: {  	_ =	shalt  }
0x61: {  	_ =	shalt  }
0x62: {  	_ =	shalt  }
0x63: {  	_ =	shalt  }
0x64: {  	_ =	shalt  }
0x65: {  	_ =	shalt  }
0x66: {  	_ =	shalt  }
0x67: {  	_ =	shalt  }
0x68: {  	_ =	shalt  }
0x69: {  	_ =	shalt  }
0x6a: {  	_ =	shalt  }
0x6b: {  	_ =	shalt  }
0x6c: {  	_ =	shalt  }
0x6d: {  	_ =	shalt  }
0x6e: {  	_ =	shalt  }
0x6f: {  	_ =	shalt  }
0x70: {  	_ =	shalt  }
0x71: {  	_ =	shalt  }
0x72: {  	_ =	shalt  }
0x73: {  	_ =	shalt  }
0x74: {  	_ =	shalt  }
0x75: {  	_ =	shalt  }
0x76: {  	_ =	shalt  }
0x77: {  	_ =	shalt  }
0x78: {  	_ =	shalt  }
0x79: {  	_ =	shalt  }
0x7a: {  	_ =	shalt  }
0x7b: {  	_ =	shalt  }
0x7c: {  	_ =	shalt  }
0x7d: {  	_ =	shalt  }
0x7e: {  	_ =	shalt  }
0x7f: {  	_ =	shalt  }
0x80: {  	_ =	shalt  }
0x81: {  	_ =	shalt  }
0x82: {  	_ =	shalt  }
0x83: {  	_ =	shalt  }
0x84: {  	_ =	shalt  }
0x85: {  	_ =	shalt  }
0x86: {  	_ =	shalt  }
0x87: {  	_ =	shalt  }
.Lfunc_end0:
.L_simem_size_0:
called_computation.2_lowered:
.L_overlay_start_0:
0x88: {  	s2 =	sld [smem:$0x3FD9]  }
0x89: {  	s3 =	sld [smem:$0x3FFE];
	_ =	sdelay $0x1  }
0x8a: {  	s1 =	srdreg.scid  }
0x8b: {  	s0 =	sand.u32 $0x1, s1  }
0x8c: {  	s16 =	sshll.u32 s0, $0xA;
	s2 =	sadd.s32 s3, s2  }
0x8d: {  	s2 =	sadd.s32 s2, s16  }
0x8e: {  	[smem:$0x3FB7] =	sst s2  }
0x8f: {  	_ = 	snop  }
0x90: {  	(tm) =	ssettm $0x1  }
0x91: {  	s17 =	sld [smem:$0x3FFB];
	_ =	sdelay $0x3  }
0x92: {  	_ =	strace s17  }
0x93: {  	s2 =	sld [smem:$0x3FFC];
	_ =	sdelay $0x3  }
0x94: {  	_ =	strace s2  }
0x95: {  	s2 =	sld [smem:$0x3FFD];
	_ =	sdelay $0x3  }
0x96: {  	_ =	strace s2  }
0x97: {  	_ =	strace $0x8FFFFFFF  }
0x98: {  	s18 =	sld [smem:$0x3FDB];
	_ =	sdelay $0x1  }
0x99: {  	s19 =	simm.s32 $_scs_section_size  }
0x9a: {  	s4 =	simm.s32 $_size__tile_overlayer_lowered;
	s5 =	simm.s32 $_tile_overlayer_lowered  }
0x9b: {  	s22 =	simm.s32 $0x1BFF;
	s21 =	sshll.u32 s5, $0x1;
	s2 =	sadd.s32 s19, s18  }
0x9c: {  	s6 =	simm.s32 $0x0;
	s20 =	sshll.u32 s4, $0x1;
	s4 =	sadd.s32 s21, s2  }
0x9d: {  	[timem:s6], [sflag:s22] =	dma.local [hbm:s4], s20  }
0x9e: {  	_ =	swait.ge [sflag:s22], s20  }
0x9f: {  	s3 =	ssub.s32 $0x0, s20;
	[sflag:s22] =	ssyncset.done $0x0  }
0xa0: {  	[sflag:s22] =	ssyncadd.s32 s3;
	_ =	sdelay $0x1  }
0xa1: {  	s23 =	simm.s32 $0x1B8B  }
0xa2: {  	_ =	swait.ge [sflag:s23], $0x1  }
0xa3: {  	[sflag:s23] =	ssyncset.done $0x0  }
0xa4: {  	s25 =	simm.s32 $0x1B8E;
	s24 =	sld [smem:$0x3FFE];
	[sflag:s23] =	ssyncadd.s32 $0xFFFFFFFF  }
0xa5: {  	s26 =	simm.s32 $execute0_lowered;
	[smem:$0x3FD2] =	sst s25  }
0xa6: {  	s4 =	sshll.u32 s26, $0x1;
	_ =	strace $0x8000004C;
	[dreg:$0x1] =	wrdreg $0xFFFFFFFF  }
0xa7: {  	s28 =	simm.s32 $_size_execute0_lowered;
	s2 =	sadd.s32 s2, s4;
	[dreg:$0x0] =	wrdreg $0x0  }
0xa8: {  	s4 =	sshll.u32 s28, $0x1;
	[dreg:$0x2] =	wrdreg s2  }
0xa9: {  	[dreg:$0x3] =	wrdreg s4  }
0xaa: {  	[dreg:$0x4] =	wrdreg $0xC0  }
0xab: {  	_ =	task [dreg:s6], $0x5FFFF  }
0xac: {  	[dreg:$0x1] =	wrdreg $0xFFFFFFFF  }
0xad: {  	[dreg:$0x0] =	wrdreg $0x60  }
0xae: {  	[dreg:$0x2] =	wrdreg s24  }
0xaf: {  	[dreg:$0x3] =	wrdreg $0x0  }
0xb0: {  	[dreg:$0x4] =	wrdreg $0x9  }
0xb1: {  	_ =	task.clear_ibuf [dreg:s6], $0x5FFFF;
	_ =	strace $0x9000004C  }
0xb2: {  	s29 =	simm.s32 $0x9;
	_ =	strace $0x8000004E  }
0xb3: {  	_ =	swait.ge [sflag:s29], $0x1  }
0xb4: {  	[sflag:s29] =	ssyncadd.s32 $0xFFFFFFFF  }
0xb5: {  	_ =	strace $0x9000004E  }
0xb6: {  	_ =	sfence  }
0xb7: {  	s30 =	sld [smem:$0x0];
	_ =	sdelay $0x2  }
0xb8: {  	s31 =	sshll.u32 s1, $0xD;
	s1 =	sshrl.u32 s1, $0x2  }
0xb9: {  	s3 =	sand.u32 $0x4000, s31;
	s1 =	sadd.s32 s1, s30  }
0xba: {  	s0 =	sor.u32 s3, s0;
	s1 =	sshll.u32 s1, $0x11  }
0xbb: {  	s0 =	sor.u32 s1, s0  }
0xbc: {  	s0 =	sadd.s32 $0x8F2B, s0  }
0xbd: {  	[sflag:s0] =	ssyncadd.remote.s32 $0x1  }
0xbe: {  	_ =	sfence.sel $0xFFFF  }
0xbf: {  	[dreg:$0x0] =	wrdreg $0xFFFFFFFF;
	(pc) =	sbr.abs _section_cstart, $3  }
0xc0: {  	[dreg:$0x1] =	wrdreg $0xFFFFFFFF  }
0xc1: {  	_ =	task.clear_ibuf [dreg:s6], $0x2FFFF;
	_ =	strace $0x9FFFFFFF  }
0xc2: {  	(tm) =	ssettm $0x7FFFFFFF  }
0xc3: {  	_ =	shalt  }
tec
execute0_lowered:
.L_overlay_start_1:
0x0: {  	(tag) =	ssettag $0x1  }
0x1: {  	s0 =	rddreg [dreg:$0x0]  }
0x2: {  	s2 =	rddreg [dreg:$0x1];
	s3 =	simm.s32 $0x0;
	s1 =	srdreg.scid  }
0x3: {  	s11 =	stileid.u32;
	s16 =	simm.s32 $0x14000;
	s17 =	simm.s32 $0x14100  }
0x4: {  	s18 =	simm.s32 $0x14080;
	s19 =	simm.s32 $0x14180;
	s20 =	simm.s32 $0x1  }
0x5: {  	s28 =	simm.s32 $0x3;
	s29 =	simm.s32 $0x6;
	s30 =	simm.s32 $0x4  }
0x6: {  	s31 =	simm.s32 $0x0;
	[smem:$0x7FF] =	sst s3;
	s1 =	sand.u32 $0x1, s1  }
0x7: {  	s4 =	sshll.u32 s11, $0x1;
	s6 =	sadd.s32 $0x63800, s0;
	s24 =	smul.u32 $0x50000, s11  }
0x8: {  	s7 =	sadd.s32 $0x6800, s0;
	s10 =	sadd.s32 $0x10800, s0;
	s11 =	smul.u32 $0x2800, s11  }
0x9: {  	_ =	strace $0x8000004D;
	s5 =	sor.u32 s1, s4;
	s4 =	sadd.s32 $0x3B000, s0  }
0xa: {  	s8 =	ssub.s32 $0x2, s1;
	[dreg:$0x3] =	wrdreg s10;
	p0 =	seq.s32 s1, $0x1  }
0xb: {  	s1 =	simm.s32 $0x95800;
	s5 =	smul.u32 $0x2800, s5;
	s9 =	sshrl.u32 s8, $0x1  }
0xc: {  	s1 =	simm.s32 @!p0 $0x6D800;
	s25 =	sshrl.u32 s24, $0x2;
	s24 =	simm.s32 $0x18200  }
0xd: {  	s8 =	ssub.s32 s8, s9;
	s0 =	sadd.s32 s1, s0;
	s26 =	sadd.s32 s25, s2  }
0xe: {  	s25 =	simm.s32 $0x7;
	s21 =	sshrl.u32 s5, $0x3;
	[dreg:$0x8] =	wrdreg s26  }
0xf: {  	s14 =	smax.u32 s8, $0x1;
	s15 =	sadd.s32 s0, s11;
	s22 =	sadd.s32 s6, s21  }
0x10: {  	s23 =	sadd.s32 s7, s21;
	s9 =	sor.u32 $0x10, s21;
	[dreg:$0x4] =	wrdreg s22  }
0x11: {  	s26 =	simm.s32 $0x5;
	[dreg:$0x5] =	wrdreg s23;
	s12 =	sadd.s32 s6, s9  }
0x12: {  	s21 =	simm.s32 $0x7D;
	s9 =	sadd.s32 s7, s9;
	[dreg:$0x6] =	wrdreg s12  }
0x13: {  	s22 =	simm.s32 $0x14200;
	s23 =	simm.s32 $0x2;
	[dreg:$0x7] =	wrdreg s9  }
.LBB2_1:
0x14: {  	s0 =	rddreg [dreg:$0x4]  }
0x15: {  	[tilespmem:s16], [sflag:$0x1] =	stream.linear.gather [hbm4b:s0+s3], $0x80, $0x38;
	[tilespmem:$0x1C200] =	vst v63  }
0x16: {  	s13 =	rddreg [dreg:$0x5]  }
0x17: {  	[tilespmem:s17], [sflag:$0x3] =	stream.linear.gather [hbm4b:s13+s3], $0x80, $0x38;
	[tilespmem:$0x1C200] =	vst v63  }
0x18: {  	s1 =	rddreg [dreg:$0x6]  }
0x19: {  	[tilespmem:s18], [sflag:$0x2] =	stream.linear.gather [hbm4b:s1+s3], $0x80, $0x38;
	[tilespmem:$0x1C200] =	vst v63  }
0x1a: {  	s8 =	rddreg [dreg:$0x7]  }
0x1b: {  	[tilespmem:s19], [sflag:$0x4] =	stream.linear.gather [hbm4b:s8+s3], $0x80, $0x38;
	[tilespmem:$0x1C200] =	vst v63  }
0x1c: {  	_ =	swait.ge [sflag:s20], $0x80  }
0x1d: {  	[sflag:s20] =	ssyncset.done $0x0  }
0x1e: {  	s9 =	stileid.u32;
	[sflag:s20] =	ssyncadd.s32 $0xFFFFFF80  }
0x1f: {  	[tilespmem:s22], [sflag:$0x5] =	stream.indirect.gather [hbm4b:s4+s21], $0x80, s16, s21, $0xb8;
	[tilespmem:$0x1C200] =	vst v63  }
0x20: {  	s0 =	sshll.u32 s9, $0x6;
	_ =	swait.ge [sflag:s23], $0x80  }
0x21: {  	s0 =	sor.u32 $0x1C07, s0;
	[sflag:s23] =	ssyncset.done $0x0;
	s1 =	rddreg [dreg:$0x8]  }
0x22: {  	s8 =	rddreg [dreg:$0x3];
	[sflag:s23] =	ssyncadd.s32 $0xFFFFFF80;
	s1 =	sshrl.u32 s1, $0x3  }
0x23: {  	[tilespmem:s24], [sflag:$0x6] =	stream.indirect.gather [hbm4b:s4+s21], $0x80, s18, s21, $0xb8;
	[tilespmem:$0x1C200] =	vst v63  }
0x24: {  	[spmem:s1], [sflag:s0] =	dma.local [hbm:s8], $0x2800  }
0x25: {  	_ =	swait.ge [sflag:s25], $0x2800  }
0x26: {  	s10 =	simm.s32 $0x100;
	[sflag:s25] =	ssyncset.done $0x0  }
0x27: {  	s9 =	sand.u32 $0x7C00, s10;
	[sflag:s25] =	ssyncadd.s32 $0xFFFFD800  }
0x28: {  	s9 =	sadd.s32 s5, s9;
	s8 =	sand.u32 $0x300, s10;
	[bflag:$0x0] =	sbarrier.arrive $0xFFFF  }
0x29: {  	s8 =	sor.u32 s8, s9;
	_ =	swait.ge [sflag:s26], $0x3E80  }
0x2a: {  	s8 =	sshrl.u32 s8, $0x3;
	[sflag:s26] =	ssyncset.done $0x0  }
0x2b: {  	s11 =	sadd.s32 s6, s8;
	[sflag:s26] =	ssyncadd.s32 $0xFFFFC180  }
0x2c: {  	[tilespmem:s16], [sflag:$0x1] =	stream.linear.gather [hbm4b:s11+s3], $0x80, $0x38;
	[tilespmem:$0x1C200] =	vst v63  }
0x2d: {  	_ =	swait.ge [sflag:s28], $0x80  }
0x2e: {  	[sflag:s28] =	ssyncset.done $0x0  }
0x2f: {  	[sflag:s28] =	ssyncadd.s32 $0xFFFFFF80  }
0x30: {  	[spmem:s2] =	stream.indirect.scatter.add.f32 [tilespmem:s22], [sflag:$0x7], $0x80, s17, s21, $0xb8;
	[tilespmem:$0x1C200] =	vst v63  }
0x31: {  	_ =	swait.ge [sflag:s25], $0x3E80  }
0x32: {  	[sflag:s25] =	ssyncset.done $0x0  }
0x33: {  	s8 =	sadd.s32 s7, s8;
	[sflag:s25] =	ssyncadd.s32 $0xFFFFC180  }
0x34: {  	[tilespmem:s17], [sflag:$0x3] =	stream.linear.gather [hbm4b:s8+s3], $0x80, $0x38;
	[tilespmem:$0x1C200] =	vst v63  }
0x35: {  	s12 =	simm.s32 $0x180;
	_ =	swait.ge [sflag:s20], $0x80  }
0x36: {  	s13 =	sand.u32 $0x7C00, s12;
	[sflag:s20] =	ssyncset.done $0x0  }
0x37: {  	s9 =	sadd.s32 s5, s13;
	s8 =	sand.u32 $0x380, s12;
	[sflag:s20] =	ssyncadd.s32 $0xFFFFFF80  }
0x38: {  	[tilespmem:s22], [sflag:$0x5] =	stream.indirect.gather [hbm4b:s4+s21], $0x80, s16, s21, $0xb8;
	[tilespmem:$0x1C200] =	vst v63  }
0x39: {  	s8 =	sor.u32 s8, s9;
	_ =	swait.ge [sflag:s29], $0x3E80  }
0x3a: {  	s11 =	sshrl.u32 s8, $0x3;
	[sflag:s29] =	ssyncset.done $0x0  }
0x3b: {  	s8 =	sadd.s32 s6, s11;
	[sflag:s29] =	ssyncadd.s32 $0xFFFFC180  }
0x3c: {  	[tilespmem:s18], [sflag:$0x2] =	stream.linear.gather [hbm4b:s8+s3], $0x80, $0x38;
	[tilespmem:$0x1C200] =	vst v63  }
0x3d: {  	_ =	swait.ge [sflag:s30], $0x80  }
0x3e: {  	[sflag:s30] =	ssyncset.done $0x0  }
0x3f: {  	[sflag:s30] =	ssyncadd.s32 $0xFFFFFF80  }
0x40: {  	[spmem:s2] =	stream.indirect.scatter.add.f32 [tilespmem:s24], [sflag:$0x7], $0x80, s19, s21, $0xb8;
	[tilespmem:$0x1C200] =	vst v63  }
0x41: {  	s10 =	simm.s32 $0x200;
	_ =	swait.ge [sflag:s25], $0x3E80  }
0x42: {  	s12 =	sand.u32 $0x7C00, s10;
	s9 =	simm.s32 $0x380;
	[sflag:s25] =	ssyncset.done $0x0  }
0x43: {  	s13 =	sadd.s32 s7, s11;
	s8 =	simm.s32 $0x280;
	[sflag:s25] =	ssyncadd.s32 $0xFFFFC180  }
.LBB2_2:
0x44: {  	[tilespmem:s19], [sflag:$0x4] =	stream.linear.gather [hbm4b:s13+s3], $0x80, $0x38;
	[tilespmem:$0x1C200] =	vst v63  }
0x45: {  	s13 =	smov.u32 s9  }
0x46: {  	s12 =	sadd.s32 s5, s12;
	s10 =	sand.u32 $0x300, s10;
	_ =	swait.ge [sflag:s23], $0x80  }
0x47: {  	s11 =	sadd.s32 $0x100, s9;
	s10 =	sor.u32 s10, s12;
	[sflag:s23] =	ssyncset.done $0x0  }
0x48: {  	p0 =	sne.s32 s9, $0x2780;
	s9 =	sshrl.u32 s10, $0x3;
	[sflag:s23] =	ssyncadd.s32 $0xFFFFFF80  }
0x49: {  	[tilespmem:s24], [sflag:$0x6] =	stream.indirect.gather [hbm4b:s4+s21], $0x80, s18, s21, $0xb8;
	[tilespmem:$0x1C200] =	vst v63  }
0x4a: {  	_ =	swait.ge [sflag:s26], $0x3E80  }
0x4b: {  	[sflag:s26] =	ssyncset.done $0x0  }
0x4c: {  	s10 =	sadd.s32 s6, s9;
	[sflag:s26] =	ssyncadd.s32 $0xFFFFC180  }
0x4d: {  	[tilespmem:s16], [sflag:$0x1] =	stream.linear.gather [hbm4b:s10+s3], $0x80, $0x38;
	[tilespmem:$0x1C200] =	vst v63  }
0x4e: {  	_ =	swait.ge [sflag:s28], $0x80  }
0x4f: {  	[sflag:s28] =	ssyncset.done $0x0  }
0x50: {  	[sflag:s28] =	ssyncadd.s32 $0xFFFFFF80  }
0x51: {  	[spmem:s2] =	stream.indirect.scatter.add.f32 [tilespmem:s22], [sflag:$0x7], $0x80, s17, s21, $0xb8;
	[tilespmem:$0x1C200] =	vst v63  }
0x52: {  	_ =	swait.ge [sflag:s25], $0x3E80  }
0x53: {  	[sflag:s25] =	ssyncset.done $0x0  }
0x54: {  	s9 =	sadd.s32 s7, s9;
	[sflag:s25] =	ssyncadd.s32 $0xFFFFC180  }
0x55: {  	[tilespmem:s17], [sflag:$0x3] =	stream.linear.gather [hbm4b:s9+s3], $0x80, $0x38;
	[tilespmem:$0x1C200] =	vst v63  }
0x56: {  	_ =	swait.ge [sflag:s20], $0x80  }
0x57: {  	[sflag:s20] =	ssyncset.done $0x0  }
0x58: {  	s9 =	sand.u32 $0x7C00, s8;
	[sflag:s20] =	ssyncadd.s32 $0xFFFFFF80  }
0x59: {  	[tilespmem:s22], [sflag:$0x5] =	stream.indirect.gather [hbm4b:s4+s21], $0x80, s16, s21, $0xb8;
	[tilespmem:$0x1C200] =	vst v63  }
0x5a: {  	s8 =	sand.u32 $0x380, s8;
	s9 =	sadd.s32 s5, s9;
	_ =	swait.ge [sflag:s29], $0x3E80  }
0x5b: {  	s9 =	sor.u32 s8, s9;
	s8 =	smov.u32 s13;
	[sflag:s29] =	ssyncset.done $0x0  }
0x5c: {  	s9 =	sshrl.u32 s9, $0x3;
	[sflag:s29] =	ssyncadd.s32 $0xFFFFC180  }
0x5d: {  	s10 =	sadd.s32 s6, s9  }
0x5e: {  	[tilespmem:s18], [sflag:$0x2] =	stream.linear.gather [hbm4b:s10+s3], $0x80, $0x38;
	[tilespmem:$0x1C200] =	vst v63  }
0x5f: {  	_ =	swait.ge [sflag:s30], $0x80  }
0x60: {  	[sflag:s30] =	ssyncset.done $0x0  }
.Ltmp0:
0x61: {  	[sflag:s30] =	ssyncadd.s32 $0xFFFFFF80;
	(pc) =	sbr.rel @p0 .LBB2_2-.Ltmp0, $4  }
0x62: {  	[spmem:s2] =	stream.indirect.scatter.add.f32 [tilespmem:s24], [sflag:$0x7], $0x80, s19, s21, $0xb8;
	[tilespmem:$0x1C200] =	vst v63  }
0x63: {  	_ =	swait.ge [sflag:s25], $0x3E80  }
0x64: {  	s13 =	sadd.s32 s7, s9;
	s10 =	sadd.s32 $0xFFFFFF80, s8;
	[sflag:s25] =	ssyncset.done $0x0  }
0x65: {  	s9 =	smov.u32 s11;
	s12 =	sand.u32 $0x7C00, s10;
	[sflag:s25] =	ssyncadd.s32 $0xFFFFC180  }
0x66: {  	[tilespmem:s19], [sflag:$0x4] =	stream.linear.gather [hbm4b:s13+s3], $0x80, $0x38;
	[tilespmem:$0x1C200] =	vst v63  }
0x67: {  	_ =	swait.ge [sflag:s23], $0x80  }
0x68: {  	[sflag:s23] =	ssyncset.done $0x0  }
0x69: {  	s9 =	sadd.s32 s5, s12;
	s10 =	sand.u32 $0x300, s10;
	[sflag:s23] =	ssyncadd.s32 $0xFFFFFF80  }
0x6a: {  	[tilespmem:s24], [sflag:$0x6] =	stream.indirect.gather [hbm4b:s4+s21], $0x80, s18, s21, $0xb8;
	[tilespmem:$0x1C200] =	vst v63  }
0x6b: {  	s9 =	sor.u32 s10, s9;
	_ =	swait.ge [sflag:s26], $0x3E80  }
0x6c: {  	s9 =	sshrl.u32 s9, $0x3;
	[sflag:s26] =	ssyncset.done $0x0  }
0x6d: {  	s13 =	sadd.s32 s6, s9;
	[sflag:s26] =	ssyncadd.s32 $0xFFFFC180  }
0x6e: {  	[tilespmem:s16], [sflag:$0x1] =	stream.linear.gather [hbm4b:s13+s3], $0x80, $0x38;
	[tilespmem:$0x1C200] =	vst v63  }
0x6f: {  	_ =	swait.ge [sflag:s28], $0x80  }
0x70: {  	[sflag:s28] =	ssyncset.done $0x0  }
0x71: {  	[sflag:s28] =	ssyncadd.s32 $0xFFFFFF80  }
0x72: {  	[spmem:s2] =	stream.indirect.scatter.add.f32 [tilespmem:s22], [sflag:$0x7], $0x80, s17, s21, $0xb8;
	[tilespmem:$0x1C200] =	vst v63  }
0x73: {  	_ =	swait.ge [sflag:s25], $0x3E80  }
0x74: {  	[sflag:s25] =	ssyncset.done $0x0  }
0x75: {  	s9 =	sadd.s32 s7, s9;
	[sflag:s25] =	ssyncadd.s32 $0xFFFFC180  }
0x76: {  	[tilespmem:s17], [sflag:$0x3] =	stream.linear.gather [hbm4b:s9+s3], $0x80, $0x38;
	[tilespmem:$0x1C200] =	vst v63  }
0x77: {  	_ =	swait.ge [sflag:s20], $0x80  }
0x78: {  	s11 =	sand.u32 $0x7C00, s8;
	[sflag:s20] =	ssyncset.done $0x0  }
0x79: {  	s12 =	sand.u32 $0x380, s8;
	s9 =	sadd.s32 s5, s11;
	[sflag:s20] =	ssyncadd.s32 $0xFFFFFF80  }
0x7a: {  	[tilespmem:s22], [sflag:$0x5] =	stream.indirect.gather [hbm4b:s4+s21], $0x80, s16, s21, $0xb8;
	[tilespmem:$0x1C200] =	vst v63  }
0x7b: {  	s8 =	sor.u32 s12, s9;
	_ =	swait.ge [sflag:s29], $0x3E80  }
0x7c: {  	s8 =	sshrl.u32 s8, $0x3;
	[sflag:s29] =	ssyncset.done $0x0  }
0x7d: {  	s13 =	sadd.s32 s6, s8;
	[sflag:s29] =	ssyncadd.s32 $0xFFFFC180  }
0x7e: {  	[tilespmem:s18], [sflag:$0x2] =	stream.linear.gather [hbm4b:s13+s3], $0x80, $0x38;
	[tilespmem:$0x1C200] =	vst v63  }
0x7f: {  	_ =	swait.ge [sflag:s30], $0x80  }
0x80: {  	[sflag:s30] =	ssyncset.done $0x0  }
0x81: {  	[sflag:s30] =	ssyncadd.s32 $0xFFFFFF80  }
0x82: {  	[spmem:s2] =	stream.indirect.scatter.add.f32 [tilespmem:s24], [sflag:$0x7], $0x80, s19, s21, $0xb8;
	[tilespmem:$0x1C200] =	vst v63  }
0x83: {  	_ =	swait.ge [sflag:s25], $0x3E80  }
0x84: {  	[sflag:s25] =	ssyncset.done $0x0  }
0x85: {  	s8 =	sadd.s32 s7, s8;
	[sflag:s25] =	ssyncadd.s32 $0xFFFFC180  }
0x86: {  	[tilespmem:s19], [sflag:$0x4] =	stream.linear.gather [hbm4b:s8+s3], $0x80, $0x38;
	[tilespmem:$0x1C200] =	vst v63  }
0x87: {  	_ =	swait.ge [sflag:s23], $0x80  }
0x88: {  	[sflag:s23] =	ssyncset.done $0x0  }
0x89: {  	[sflag:s23] =	ssyncadd.s32 $0xFFFFFF80  }
0x8a: {  	[tilespmem:s24], [sflag:$0x6] =	stream.indirect.gather [hbm4b:s4+s21], $0x80, s18, s21, $0xb8;
	[tilespmem:$0x1C200] =	vst v63  }
0x8b: {  	_ =	swait.ge [sflag:s26], $0x3E80  }
0x8c: {  	[sflag:s26] =	ssyncset.done $0x0  }
0x8d: {  	[sflag:s26] =	ssyncadd.s32 $0xFFFFC180  }
0x8e: {  	_ =	swait.ge [sflag:s28], $0x80  }
0x8f: {  	[sflag:s28] =	ssyncset.done $0x0  }
0x90: {  	[sflag:s28] =	ssyncadd.s32 $0xFFFFFF80  }
0x91: {  	[spmem:s2] =	stream.indirect.scatter.add.f32 [tilespmem:s22], [sflag:$0x7], $0x80, s17, s21, $0xb8;
	[tilespmem:$0x1C200] =	vst v63  }
0x92: {  	_ =	swait.ge [sflag:s25], $0x3E80  }
0x93: {  	[sflag:s25] =	ssyncset.done $0x0  }
0x94: {  	[sflag:s25] =	ssyncadd.s32 $0xFFFFC180  }
0x95: {  	_ =	swait.ge [sflag:s29], $0x3E80  }
0x96: {  	[sflag:s29] =	ssyncset.done $0x0  }
0x97: {  	[sflag:s29] =	ssyncadd.s32 $0xFFFFC180  }
0x98: {  	_ =	swait.ge [sflag:s30], $0x80  }
0x99: {  	[sflag:s30] =	ssyncset.done $0x0  }
0x9a: {  	[sflag:s30] =	ssyncadd.s32 $0xFFFFFF80  }
0x9b: {  	[spmem:s2] =	stream.indirect.scatter.add.f32 [tilespmem:s24], [sflag:$0x7], $0x80, s19, s21, $0xb8;
	[tilespmem:$0x1C200] =	vst v63  }
0x9c: {  	_ =	swait.ge [sflag:s25], $0x3E80  }
0x9d: {  	s31 =	sadd.s32 $0x1, s31;
	[sflag:s25] =	ssyncset.done $0x0  }
0x9e: {  	p0 =	sne.s32 s31, s14;
	[sflag:s25] =	ssyncadd.s32 $0xFFFFC180  }
.Ltmp1:
0x9f: {  	[bflag:$0x0] =	sbarrier.arrive $0xFFFF;
	(pc) =	sbr.rel @p0 .LBB2_1-.Ltmp1, $4  }
0xa0: {  	[hbm:s15], [sflag:s0] =	dma.local [spmem:s1], $0x2800  }
0xa1: {  	_ =	swait.ge [sflag:s25], $0x2800  }
0xa2: {  	[sflag:s25] =	ssyncset.done $0x0  }
0xa3: {  	[sflag:s25] =	ssyncadd.s32 $0xFFFFD800  }
0xa4: {  	_ =	sfence.sel $0x180000  }
0xa5: {  	[bflag:$0x0] =	sbarrier.arrive $0xFFFF  }
0xa6: {  	_ =	strace $0x9000004D  }
0xa7: {  	s0 =	stileid.u32;
	[bflag:$0x2] =	sbarrier.arrive $0xFFFF  }
0xa8: {  	p0 =	sne.s32 s0, $0x0;
	s0 =	rddreg [dreg:$0x2]  }
0xa9: {  	s0 =	sadd.s32 @!p0 $0x100000, s0  }
0xaa: {  	[sflag:s0] =	ssyncadd.tile.s32 @!p0 $0x1;
	_ =	shalt  }
.Lfunc_end2:
_tile_overlayer_lowered:
.L_overlay_start_2:
0xab: {  	(tag) =	ssettag $0x2  }
0xac: {  	s0 =	rddreg [dreg:$0x0];
	s2 =	stileid.u32  }
0xad: {  	s1 =	rddreg [dreg:$0x1];
	p0 =	sne.s32 s2, $0x0  }
0xae: {  	s3 =	rddreg [dreg:$0x2];
	[bflag:$0x3] =	sbarrier.arrive $0xFFFF;
	s2 =	simm.s32 @!p0 $0x1C07  }
0xaf: {  	[timem:s3], [sflag:s2] =	dma.local @!p0 [hbm:s0], s1  }
0xb0: {  	s0 =	simm.s32 @!p0 $0x7  }
0xb1: {  	_ =	swait.ge @!p0 [sflag:s0], s1  }
0xb2: {  	s1 =	ssub.s32 @!p0 $0x0, s1;
	[sflag:s0] =	ssyncset.done @!p0 $0x0  }
0xb3: {  	[sflag:s0] =	ssyncadd.s32 @!p0 s1  }
0xb4: {  	[bflag:$0x3] =	sbarrier.arrive $0xFFFF  }
0xb5: {  	_ =	shalt  }

// kernel: kernel.22.cloned.1.call-start
scs
__scs_entry_jumppad:
0x0: {  	(pc) =	sbr.rel $0x88, $3  }
0x1: {  	(tag) =	ssettag $0x0;
	lr =	simm.s32 $0x1  }
0x2: {  	[smem:$0x3F90] =	sst lr;
	_ =	strace $0xD0000000  }
0x3: {  	_ = 	snop  }
0x4: {  	_ = 	snop  }
0x5: {  	_ = 	snop  }
0x6: {  	_ = 	snop  }
0x7: {  	_ = 	snop  }
__scs_overlays_trampoline_lowered:
0x8: {  	[smem:$0x3F9F] =	sst s0  }
0x9: {  	[smem:$0x3FA0] =	sst s1  }
0xa: {  	[smem:$0x3FA1] =	sst s2  }
0xb: {  	[smem:$0x3FA2] =	sst s3  }
0xc: {  	[smem:$0x3FA3] =	sst s4  }
0xd: {  	[smem:$0x3FA4] =	sst s5  }
0xe: {  	[smem:$0x3FA5] =	sst s6  }
0xf: {  	[smem:$0x3FA6] =	sst s7  }
0x10: {  	[smem:$0x3FA7] =	sst s8  }
0x11: {  	[smem:$0x3FA8] =	sst s9;
	s0 =	simm.s32 @!p0 $0x0  }
0x12: {  	s1 =	sld [smem:$0x3F8E];
	s0 =	simm.s32 @p0 $0x1  }
0x13: {  	[smem:$0x3FA9] =	sst s0;
	s0 =	simm.s32 @!p1 $0x0  }
0x14: {  	s2 =	sld [smem:$0x3F8D];
	s0 =	simm.s32 @p1 $0x1  }
0x15: {  	[smem:$0x3FAA] =	sst s0;
	s0 =	simm.s32 @!p2 $0x0  }
0x16: {  	s3 =	sld [smem:$0x3FDB];
	s0 =	simm.s32 @p2 $0x1  }
0x17: {  	s4 =	simm.s32 $0x1BF5;
	[smem:$0x3FAC] =	sst s0  }
0x18: {  	s0 =	sld [smem:$0x3F8F];
	_ =	swait.ge [sflag:s4], $0x0  }
0x19: {  	s7 =	sld [smem:$0x3F90]  }
0x1a: {  	s8 =	sadd.s32 $0xFFFFE003, lr  }
0x1b: {  	s9 =	sadd.s32 $0xFFFFFEF7, lr;
	s5 =	simm.s32 $0xFFFFFFFF;
	p2 =	slt.u32 s8, $0xFFFFF086  }
0x1c: {  	p1 =	slt.u32 s9, $0xF7A;
	s5 =	simm.s32 @!p2 $0x0  }
0x1d: {  	s5 =	simm.s32 @p1 $0x1;
	p0 =	seq.s32 s7, s2  }
0x1e: {  	s7 =	smul.u32 @!p0 $0xF7A, s2;
	p2 =	seq.s32 @!p0 s5, $0x0  }
0x1f: {  	s9 =	smul.u32 $0xF7A, s1;
	s8 =	simm.s32 @!p0 $0x1BF5;
	p2 =	por !p2, p0  }
0x20: {  	[sflag:s8] =	ssyncset.s32 @!p0 $0xFFFFF086;
	s6 =	sadd.s32 @!p0 s3, s7;
	s7 =	simm.s32 @!p0 $0x108  }
0x21: {  	s3 =	sadd.s32 s3, s9;
	s6 =	sadd.s32 @!p0 $0x88, s6;
	s7 =	simm.s32 @p2 $0x1082  }
0x22: {  	[simem:s7], [sflag:s8] =	dma.local @!p0 [hbm:s6], $0xF7A  }
0x23: {  	s9 =	sor.u32 $0xD0000000, s2;
	s6 =	simm.s32 $0x108;
	_ =	swait.ge @!p0 [sflag:s8], $0x0  }
0x24: {  	s3 =	sadd.s32 $0x88, s3;
	s6 =	simm.s32 @!p1 $0x1082;
	[sflag:s4] =	ssyncset.s32 $0xFFFFF086  }
0x25: {  	[simem:s6], [sflag:s4] =	dma.local [hbm:s3], $0xF7A  }
0x26: {  	[smem:$0x3F90] =	sst s1;
	(tag) =	ssettag s2;
	_ =	strace s9  }
0x27: {  	s1 =	sld [smem:$0x3FA0]  }
0x28: {  	s2 =	sld [smem:$0x3FA1]  }
0x29: {  	s4 =	sld [smem:$0x3FA3]  }
0x2a: {  	p0 =	seq.s32 s5, $0x0;
	s5 =	sld [smem:$0x3FA4]  }
0x2b: {  	s6 =	sld [smem:$0x3FA5]  }
0x2c: {  	s7 =	sld [smem:$0x3FA6]  }
0x2d: {  	s3 =	simm.s32 $0x108;
	s8 =	sld [smem:$0x3FA7]  }
0x2e: {  	s3 =	simm.s32 @!p0 $0x1082;
	s9 =	sld [smem:$0x3FA8]  }
0x2f: {  	lr =	sadd.s32 s0, s3;
	s0 =	sld [smem:$0x3F9F]  }
0x30: {  	s3 =	sld [smem:$0x3FA2]  }
0x31: {  	[smem:$0x3FAB] =	sst s10  }
0x32: {  	s10 =	sld [smem:$0x3FA9];
	_ =	sdelay $0x3  }
0x33: {  	p0 =	seq.s32 s10, $0x1;
	s10 =	sld [smem:$0x3FAB];
	_ =	sdelay $0x3  }
0x34: {  	[smem:$0x3FAB] =	sst s10  }
0x35: {  	s10 =	sld [smem:$0x3FAA];
	_ =	sdelay $0x3  }
0x36: {  	p1 =	seq.s32 s10, $0x1;
	s10 =	sld [smem:$0x3FAB];
	_ =	sdelay $0x3  }
0x37: {  	[smem:$0x3FAB] =	sst s10  }
0x38: {  	s10 =	sld [smem:$0x3FAC]  }
0x39: {  	_ = 	snop;
	(pc) =	sbr.ind lr, $3  }
0x3a: {  	_ = 	snop  }
0x3b: {  	_ = 	snop  }
0x3c: {  	p2 =	seq.s32 s10, $0x1;
	s10 =	sld [smem:$0x3FAB]  }
0x3d: {  	_ =	shalt  }
0x3e: {  	_ =	shalt  }
0x3f: {  	_ =	shalt  }
0x40: {  	_ =	shalt  }
0x41: {  	_ =	shalt  }
0x42: {  	_ =	shalt  }
0x43: {  	_ =	shalt  }
0x44: {  	_ =	shalt  }
0x45: {  	_ =	shalt  }
0x46: {  	_ =	shalt  }
0x47: {  	_ =	shalt  }
0x48: {  	_ =	shalt  }
0x49: {  	_ =	shalt  }
0x4a: {  	_ =	shalt  }
0x4b: {  	_ =	shalt  }
0x4c: {  	_ =	shalt  }
0x4d: {  	_ =	shalt  }
0x4e: {  	_ =	shalt  }
0x4f: {  	_ =	shalt  }
0x50: {  	_ =	shalt  }
0x51: {  	_ =	shalt  }
0x52: {  	_ =	shalt  }
0x53: {  	_ =	shalt  }
0x54: {  	_ =	shalt  }
0x55: {  	_ =	shalt  }
0x56: {  	_ =	shalt  }
0x57: {  	_ =	shalt  }
0x58: {  	_ =	shalt  }
0x59: {  	_ =	shalt  }
0x5a: {  	_ =	shalt  }
0x5b: {  	_ =	shalt  }
0x5c: {  	_ =	shalt  }
0x5d: {  	_ =	shalt  }
0x5e: {  	_ =	shalt  }
0x5f: {  	_ =	shalt  }
0x60: {  	_ =	shalt  }
0x61: {  	_ =	shalt  }
0x62: {  	_ =	shalt  }
0x63: {  	_ =	shalt  }
0x64: {  	_ =	shalt  }
0x65: {  	_ =	shalt  }
0x66: {  	_ =	shalt  }
0x67: {  	_ =	shalt  }
0x68: {  	_ =	shalt  }
0x69: {  	_ =	shalt  }
0x6a: {  	_ =	shalt  }
0x6b: {  	_ =	shalt  }
0x6c: {  	_ =	shalt  }
0x6d: {  	_ =	shalt  }
0x6e: {  	_ =	shalt  }
0x6f: {  	_ =	shalt  }
0x70: {  	_ =	shalt  }
0x71: {  	_ =	shalt  }
0x72: {  	_ =	shalt  }
0x73: {  	_ =	shalt  }
0x74: {  	_ =	shalt  }
0x75: {  	_ =	shalt  }
0x76: {  	_ =	shalt  }
0x77: {  	_ =	shalt  }
0x78: {  	_ =	shalt  }
0x79: {  	_ =	shalt  }
0x7a: {  	_ =	shalt  }
0x7b: {  	_ =	shalt  }
0x7c: {  	_ =	shalt  }
0x7d: {  	_ =	shalt  }
0x7e: {  	_ =	shalt  }
0x7f: {  	_ =	shalt  }
0x80: {  	_ =	shalt  }
0x81: {  	_ =	shalt  }
0x82: {  	_ =	shalt  }
0x83: {  	_ =	shalt  }
0x84: {  	_ =	shalt  }
0x85: {  	_ =	shalt  }
0x86: {  	_ =	shalt  }
0x87: {  	_ =	shalt  }
.Lfunc_end0:
.L_simem_size_0:
called_computation.3_lowered:
.L_overlay_start_0:
0x88: {  	s2 =	sld [smem:$0x3FD9]  }
0x89: {  	s3 =	sld [smem:$0x3FFE];
	_ =	sdelay $0x1  }
0x8a: {  	s1 =	srdreg.scid  }
0x8b: {  	s0 =	sand.u32 $0x1, s1  }
0x8c: {  	s16 =	sshll.u32 s0, $0xA;
	s2 =	sadd.s32 s3, s2  }
0x8d: {  	s2 =	sadd.s32 s2, s16  }
0x8e: {  	[smem:$0x3FB7] =	sst s2  }
0x8f: {  	_ = 	snop  }
0x90: {  	(tm) =	ssettm $0x1  }
0x91: {  	s17 =	sld [smem:$0x3FFB];
	_ =	sdelay $0x3  }
0x92: {  	_ =	strace s17  }
0x93: {  	s2 =	sld [smem:$0x3FFC];
	_ =	sdelay $0x3  }
0x94: {  	_ =	strace s2  }
0x95: {  	s2 =	sld [smem:$0x3FFD];
	_ =	sdelay $0x3  }
0x96: {  	_ =	strace s2  }
0x97: {  	_ =	strace $0x8FFFFFFF  }
0x98: {  	s18 =	sld [smem:$0x3FDB];
	_ =	sdelay $0x1  }
0x99: {  	s19 =	simm.s32 $_scs_section_size  }
0x9a: {  	s4 =	simm.s32 $_size__tile_overlayer_lowered;
	s5 =	simm.s32 $_tile_overlayer_lowered  }
0x9b: {  	s22 =	simm.s32 $0x1BFF;
	s21 =	sshll.u32 s5, $0x1;
	s2 =	sadd.s32 s19, s18  }
0x9c: {  	s6 =	simm.s32 $0x0;
	s20 =	sshll.u32 s4, $0x1;
	s4 =	sadd.s32 s21, s2  }
0x9d: {  	[timem:s6], [sflag:s22] =	dma.local [hbm:s4], s20  }
0x9e: {  	_ =	swait.ge [sflag:s22], s20  }
0x9f: {  	s3 =	ssub.s32 $0x0, s20;
	[sflag:s22] =	ssyncset.done $0x0  }
0xa0: {  	[sflag:s22] =	ssyncadd.s32 s3;
	_ =	sdelay $0x1  }
0xa1: {  	s23 =	simm.s32 $0x1B8B  }
0xa2: {  	_ =	swait.ge [sflag:s23], $0x1  }
0xa3: {  	[sflag:s23] =	ssyncset.done $0x0  }
0xa4: {  	s25 =	simm.s32 $0x1B8E;
	s24 =	sld [smem:$0x3FFE];
	[sflag:s23] =	ssyncadd.s32 $0xFFFFFFFF  }
0xa5: {  	s26 =	simm.s32 $execute0_lowered;
	[smem:$0x3FD2] =	sst s25  }
0xa6: {  	s4 =	sshll.u32 s26, $0x1;
	_ =	strace $0x8000004F;
	[dreg:$0x1] =	wrdreg $0xFFFFFFFF  }
0xa7: {  	s28 =	simm.s32 $_size_execute0_lowered;
	s2 =	sadd.s32 s2, s4;
	[dreg:$0x0] =	wrdreg $0x0  }
0xa8: {  	s4 =	sshll.u32 s28, $0x1;
	[dreg:$0x2] =	wrdreg s2  }
0xa9: {  	[dreg:$0x3] =	wrdreg s4  }
0xaa: {  	[dreg:$0x4] =	wrdreg $0xC0  }
0xab: {  	_ =	task [dreg:s6], $0x5FFFF  }
0xac: {  	[dreg:$0x1] =	wrdreg $0xFFFFFFFF  }
0xad: {  	[dreg:$0x0] =	wrdreg $0x60  }
0xae: {  	[dreg:$0x2] =	wrdreg s24  }
0xaf: {  	[dreg:$0x3] =	wrdreg $0x0  }
0xb0: {  	[dreg:$0x4] =	wrdreg $0x9  }
0xb1: {  	_ =	task.clear_ibuf [dreg:s6], $0x5FFFF;
	_ =	strace $0x9000004F  }
0xb2: {  	s29 =	simm.s32 $0x9;
	_ =	strace $0x80000051  }
0xb3: {  	_ =	swait.ge [sflag:s29], $0x1  }
0xb4: {  	[sflag:s29] =	ssyncadd.s32 $0xFFFFFFFF  }
0xb5: {  	_ =	strace $0x90000051  }
0xb6: {  	_ =	sfence  }
0xb7: {  	s30 =	sld [smem:$0x0];
	_ =	sdelay $0x2  }
0xb8: {  	s31 =	sshll.u32 s1, $0xD;
	s1 =	sshrl.u32 s1, $0x2  }
0xb9: {  	s3 =	sand.u32 $0x4000, s31;
	s1 =	sadd.s32 s1, s30  }
0xba: {  	s0 =	sor.u32 s3, s0;
	s1 =	sshll.u32 s1, $0x11  }
0xbb: {  	s0 =	sor.u32 s1, s0  }
0xbc: {  	s0 =	sadd.s32 $0x8F2B, s0  }
0xbd: {  	[sflag:s0] =	ssyncadd.remote.s32 $0x1  }
0xbe: {  	_ =	sfence.sel $0xFFFF  }
0xbf: {  	[dreg:$0x0] =	wrdreg $0xFFFFFFFF;
	(pc) =	sbr.abs _section_cstart, $3  }
0xc0: {  	[dreg:$0x1] =	wrdreg $0xFFFFFFFF  }
0xc1: {  	_ =	task.clear_ibuf [dreg:s6], $0x2FFFF;
	_ =	strace $0x9FFFFFFF  }
0xc2: {  	(tm) =	ssettm $0x7FFFFFFF  }
0xc3: {  	_ =	shalt  }
tec
execute0_lowered:
.L_overlay_start_1:
0x0: {  	(tag) =	ssettag $0x1  }
0x1: {  	s0 =	rddreg [dreg:$0x0]  }
0x2: {  	s2 =	rddreg [dreg:$0x1];
	s3 =	simm.s32 $0x0;
	s1 =	srdreg.scid  }
0x3: {  	s11 =	stileid.u32;
	s16 =	simm.s32 $0x14000;
	s17 =	simm.s32 $0x14100  }
0x4: {  	s18 =	simm.s32 $0x14080;
	s19 =	simm.s32 $0x14180;
	s20 =	simm.s32 $0x1  }
0x5: {  	s28 =	simm.s32 $0x3;
	s29 =	simm.s32 $0x6;
	s30 =	simm.s32 $0x4  }
0x6: {  	s31 =	simm.s32 $0x0;
	[smem:$0x7FF] =	sst s3;
	s1 =	sand.u32 $0x1, s1  }
0x7: {  	s4 =	sshll.u32 s11, $0x1;
	s6 =	sadd.s32 $0x63800, s0;
	s24 =	smul.u32 $0x50000, s11  }
0x8: {  	s7 =	sadd.s32 $0x6800, s0;
	s10 =	sadd.s32 $0x10800, s0;
	s11 =	smul.u32 $0x2800, s11  }
0x9: {  	_ =	strace $0x80000050;
	s5 =	sor.u32 s1, s4;
	s4 =	sadd.s32 $0x3B000, s0  }
0xa: {  	s8 =	ssub.s32 $0x2, s1;
	[dreg:$0x3] =	wrdreg s10;
	p0 =	seq.s32 s1, $0x1  }
0xb: {  	s1 =	simm.s32 $0x95800;
	s5 =	smul.u32 $0x2800, s5;
	s9 =	sshrl.u32 s8, $0x1  }
0xc: {  	s1 =	simm.s32 @!p0 $0x6D800;
	s25 =	sshrl.u32 s24, $0x2;
	s24 =	simm.s32 $0x18200  }
0xd: {  	s8 =	ssub.s32 s8, s9;
	s0 =	sadd.s32 s1, s0;
	s26 =	sadd.s32 s25, s2  }
0xe: {  	s25 =	simm.s32 $0x7;
	s21 =	sshrl.u32 s5, $0x3;
	[dreg:$0x8] =	wrdreg s26  }
0xf: {  	s14 =	smax.u32 s8, $0x1;
	s15 =	sadd.s32 s0, s11;
	s22 =	sadd.s32 s6, s21  }
0x10: {  	s23 =	sadd.s32 s7, s21;
	s9 =	sor.u32 $0x10, s21;
	[dreg:$0x4] =	wrdreg s22  }
0x11: {  	s26 =	simm.s32 $0x5;
	[dreg:$0x5] =	wrdreg s23;
	s12 =	sadd.s32 s6, s9  }
0x12: {  	s21 =	simm.s32 $0x7D;
	s9 =	sadd.s32 s7, s9;
	[dreg:$0x6] =	wrdreg s12  }
0x13: {  	s22 =	simm.s32 $0x14200;
	s23 =	simm.s32 $0x2;
	[dreg:$0x7] =	wrdreg s9  }
.LBB2_1:
0x14: {  	s0 =	rddreg [dreg:$0x4]  }
0x15: {  	[tilespmem:s16], [sflag:$0x1] =	stream.linear.gather [hbm4b:s0+s3], $0x80, $0x38;
	[tilespmem:$0x1C200] =	vst v63  }
0x16: {  	s13 =	rddreg [dreg:$0x5]  }
0x17: {  	[tilespmem:s17], [sflag:$0x3] =	stream.linear.gather [hbm4b:s13+s3], $0x80, $0x38;
	[tilespmem:$0x1C200] =	vst v63  }
0x18: {  	s1 =	rddreg [dreg:$0x6]  }
0x19: {  	[tilespmem:s18], [sflag:$0x2] =	stream.linear.gather [hbm4b:s1+s3], $0x80, $0x38;
	[tilespmem:$0x1C200] =	vst v63  }
0x1a: {  	s8 =	rddreg [dreg:$0x7]  }
0x1b: {  	[tilespmem:s19], [sflag:$0x4] =	stream.linear.gather [hbm4b:s8+s3], $0x80, $0x38;
	[tilespmem:$0x1C200] =	vst v63  }
0x1c: {  	_ =	swait.ge [sflag:s20], $0x80  }
0x1d: {  	[sflag:s20] =	ssyncset.done $0x0  }
0x1e: {  	s9 =	stileid.u32;
	[sflag:s20] =	ssyncadd.s32 $0xFFFFFF80  }
0x1f: {  	[tilespmem:s22], [sflag:$0x5] =	stream.indirect.gather [hbm4b:s4+s21], $0x80, s16, s21, $0xb8;
	[tilespmem:$0x1C200] =	vst v63  }
0x20: {  	s0 =	sshll.u32 s9, $0x6;
	_ =	swait.ge [sflag:s23], $0x80  }
0x21: {  	s0 =	sor.u32 $0x1C07, s0;
	[sflag:s23] =	ssyncset.done $0x0;
	s1 =	rddreg [dreg:$0x8]  }
0x22: {  	s8 =	rddreg [dreg:$0x3];
	[sflag:s23] =	ssyncadd.s32 $0xFFFFFF80;
	s1 =	sshrl.u32 s1, $0x3  }
0x23: {  	[tilespmem:s24], [sflag:$0x6] =	stream.indirect.gather [hbm4b:s4+s21], $0x80, s18, s21, $0xb8;
	[tilespmem:$0x1C200] =	vst v63  }
0x24: {  	[spmem:s1], [sflag:s0] =	dma.local [hbm:s8], $0x2800  }
0x25: {  	_ =	swait.ge [sflag:s25], $0x2800  }
0x26: {  	s10 =	simm.s32 $0x100;
	[sflag:s25] =	ssyncset.done $0x0  }
0x27: {  	s9 =	sand.u32 $0x7C00, s10;
	[sflag:s25] =	ssyncadd.s32 $0xFFFFD800  }
0x28: {  	s9 =	sadd.s32 s5, s9;
	s8 =	sand.u32 $0x300, s10;
	[bflag:$0x0] =	sbarrier.arrive $0xFFFF  }
0x29: {  	s8 =	sor.u32 s8, s9;
	_ =	swait.ge [sflag:s26], $0x3E80  }
0x2a: {  	s8 =	sshrl.u32 s8, $0x3;
	[sflag:s26] =	ssyncset.done $0x0  }
0x2b: {  	s11 =	sadd.s32 s6, s8;
	[sflag:s26] =	ssyncadd.s32 $0xFFFFC180  }
0x2c: {  	[tilespmem:s16], [sflag:$0x1] =	stream.linear.gather [hbm4b:s11+s3], $0x80, $0x38;
	[tilespmem:$0x1C200] =	vst v63  }
0x2d: {  	_ =	swait.ge [sflag:s28], $0x80  }
0x2e: {  	[sflag:s28] =	ssyncset.done $0x0  }
0x2f: {  	[sflag:s28] =	ssyncadd.s32 $0xFFFFFF80  }
0x30: {  	[spmem:s2] =	stream.indirect.scatter.add.f32 [tilespmem:s22], [sflag:$0x7], $0x80, s17, s21, $0xb8;
	[tilespmem:$0x1C200] =	vst v63  }
0x31: {  	_ =	swait.ge [sflag:s25], $0x3E80  }
0x32: {  	[sflag:s25] =	ssyncset.done $0x0  }
0x33: {  	s8 =	sadd.s32 s7, s8;
	[sflag:s25] =	ssyncadd.s32 $0xFFFFC180  }
0x34: {  	[tilespmem:s17], [sflag:$0x3] =	stream.linear.gather [hbm4b:s8+s3], $0x80, $0x38;
	[tilespmem:$0x1C200] =	vst v63  }
0x35: {  	s12 =	simm.s32 $0x180;
	_ =	swait.ge [sflag:s20], $0x80  }
0x36: {  	s13 =	sand.u32 $0x7C00, s12;
	[sflag:s20] =	ssyncset.done $0x0  }
0x37: {  	s9 =	sadd.s32 s5, s13;
	s8 =	sand.u32 $0x380, s12;
	[sflag:s20] =	ssyncadd.s32 $0xFFFFFF80  }
0x38: {  	[tilespmem:s22], [sflag:$0x5] =	stream.indirect.gather [hbm4b:s4+s21], $0x80, s16, s21, $0xb8;
	[tilespmem:$0x1C200] =	vst v63  }
0x39: {  	s8 =	sor.u32 s8, s9;
	_ =	swait.ge [sflag:s29], $0x3E80  }
0x3a: {  	s11 =	sshrl.u32 s8, $0x3;
	[sflag:s29] =	ssyncset.done $0x0  }
0x3b: {  	s8 =	sadd.s32 s6, s11;
	[sflag:s29] =	ssyncadd.s32 $0xFFFFC180  }
0x3c: {  	[tilespmem:s18], [sflag:$0x2] =	stream.linear.gather [hbm4b:s8+s3], $0x80, $0x38;
	[tilespmem:$0x1C200] =	vst v63  }
0x3d: {  	_ =	swait.ge [sflag:s30], $0x80  }
0x3e: {  	[sflag:s30] =	ssyncset.done $0x0  }
0x3f: {  	[sflag:s30] =	ssyncadd.s32 $0xFFFFFF80  }
0x40: {  	[spmem:s2] =	stream.indirect.scatter.add.f32 [tilespmem:s24], [sflag:$0x7], $0x80, s19, s21, $0xb8;
	[tilespmem:$0x1C200] =	vst v63  }
0x41: {  	s10 =	simm.s32 $0x200;
	_ =	swait.ge [sflag:s25], $0x3E80  }
0x42: {  	s12 =	sand.u32 $0x7C00, s10;
	s9 =	simm.s32 $0x380;
	[sflag:s25] =	ssyncset.done $0x0  }
0x43: {  	s13 =	sadd.s32 s7, s11;
	s8 =	simm.s32 $0x280;
	[sflag:s25] =	ssyncadd.s32 $0xFFFFC180  }
.LBB2_2:
0x44: {  	[tilespmem:s19], [sflag:$0x4] =	stream.linear.gather [hbm4b:s13+s3], $0x80, $0x38;
	[tilespmem:$0x1C200] =	vst v63  }
0x45: {  	s13 =	smov.u32 s9  }
0x46: {  	s12 =	sadd.s32 s5, s12;
	s10 =	sand.u32 $0x300, s10;
	_ =	swait.ge [sflag:s23], $0x80  }
0x47: {  	s11 =	sadd.s32 $0x100, s9;
	s10 =	sor.u32 s10, s12;
	[sflag:s23] =	ssyncset.done $0x0  }
0x48: {  	p0 =	sne.s32 s9, $0x2780;
	s9 =	sshrl.u32 s10, $0x3;
	[sflag:s23] =	ssyncadd.s32 $0xFFFFFF80  }
0x49: {  	[tilespmem:s24], [sflag:$0x6] =	stream.indirect.gather [hbm4b:s4+s21], $0x80, s18, s21, $0xb8;
	[tilespmem:$0x1C200] =	vst v63  }
0x4a: {  	_ =	swait.ge [sflag:s26], $0x3E80  }
0x4b: {  	[sflag:s26] =	ssyncset.done $0x0  }
0x4c: {  	s10 =	sadd.s32 s6, s9;
	[sflag:s26] =	ssyncadd.s32 $0xFFFFC180  }
0x4d: {  	[tilespmem:s16], [sflag:$0x1] =	stream.linear.gather [hbm4b:s10+s3], $0x80, $0x38;
	[tilespmem:$0x1C200] =	vst v63  }
0x4e: {  	_ =	swait.ge [sflag:s28], $0x80  }
0x4f: {  	[sflag:s28] =	ssyncset.done $0x0  }
0x50: {  	[sflag:s28] =	ssyncadd.s32 $0xFFFFFF80  }
0x51: {  	[spmem:s2] =	stream.indirect.scatter.add.f32 [tilespmem:s22], [sflag:$0x7], $0x80, s17, s21, $0xb8;
	[tilespmem:$0x1C200] =	vst v63  }
0x52: {  	_ =	swait.ge [sflag:s25], $0x3E80  }
0x53: {  	[sflag:s25] =	ssyncset.done $0x0  }
0x54: {  	s9 =	sadd.s32 s7, s9;
	[sflag:s25] =	ssyncadd.s32 $0xFFFFC180  }
0x55: {  	[tilespmem:s17], [sflag:$0x3] =	stream.linear.gather [hbm4b:s9+s3], $0x80, $0x38;
	[tilespmem:$0x1C200] =	vst v63  }
0x56: {  	_ =	swait.ge [sflag:s20], $0x80  }
0x57: {  	[sflag:s20] =	ssyncset.done $0x0  }
0x58: {  	s9 =	sand.u32 $0x7C00, s8;
	[sflag:s20] =	ssyncadd.s32 $0xFFFFFF80  }
0x59: {  	[tilespmem:s22], [sflag:$0x5] =	stream.indirect.gather [hbm4b:s4+s21], $0x80, s16, s21, $0xb8;
	[tilespmem:$0x1C200] =	vst v63  }
0x5a: {  	s8 =	sand.u32 $0x380, s8;
	s9 =	sadd.s32 s5, s9;
	_ =	swait.ge [sflag:s29], $0x3E80  }
0x5b: {  	s9 =	sor.u32 s8, s9;
	s8 =	smov.u32 s13;
	[sflag:s29] =	ssyncset.done $0x0  }
0x5c: {  	s9 =	sshrl.u32 s9, $0x3;
	[sflag:s29] =	ssyncadd.s32 $0xFFFFC180  }
0x5d: {  	s10 =	sadd.s32 s6, s9  }
0x5e: {  	[tilespmem:s18], [sflag:$0x2] =	stream.linear.gather [hbm4b:s10+s3], $0x80, $0x38;
	[tilespmem:$0x1C200] =	vst v63  }
0x5f: {  	_ =	swait.ge [sflag:s30], $0x80  }
0x60: {  	[sflag:s30] =	ssyncset.done $0x0  }
.Ltmp0:
0x61: {  	[sflag:s30] =	ssyncadd.s32 $0xFFFFFF80;
	(pc) =	sbr.rel @p0 .LBB2_2-.Ltmp0, $4  }
0x62: {  	[spmem:s2] =	stream.indirect.scatter.add.f32 [tilespmem:s24], [sflag:$0x7], $0x80, s19, s21, $0xb8;
	[tilespmem:$0x1C200] =	vst v63  }
0x63: {  	_ =	swait.ge [sflag:s25], $0x3E80  }
0x64: {  	s13 =	sadd.s32 s7, s9;
	s10 =	sadd.s32 $0xFFFFFF80, s8;
	[sflag:s25] =	ssyncset.done $0x0  }
0x65: {  	s9 =	smov.u32 s11;
	s12 =	sand.u32 $0x7C00, s10;
	[sflag:s25] =	ssyncadd.s32 $0xFFFFC180  }
0x66: {  	[tilespmem:s19], [sflag:$0x4] =	stream.linear.gather [hbm4b:s13+s3], $0x80, $0x38;
	[tilespmem:$0x1C200] =	vst v63  }
0x67: {  	_ =	swait.ge [sflag:s23], $0x80  }
0x68: {  	[sflag:s23] =	ssyncset.done $0x0  }
0x69: {  	s9 =	sadd.s32 s5, s12;
	s10 =	sand.u32 $0x300, s10;
	[sflag:s23] =	ssyncadd.s32 $0xFFFFFF80  }
0x6a: {  	[tilespmem:s24], [sflag:$0x6] =	stream.indirect.gather [hbm4b:s4+s21], $0x80, s18, s21, $0xb8;
	[tilespmem:$0x1C200] =	vst v63  }
0x6b: {  	s9 =	sor.u32 s10, s9;
	_ =	swait.ge [sflag:s26], $0x3E80  }
0x6c: {  	s9 =	sshrl.u32 s9, $0x3;
	[sflag:s26] =	ssyncset.done $0x0  }
0x6d: {  	s13 =	sadd.s32 s6, s9;
	[sflag:s26] =	ssyncadd.s32 $0xFFFFC180  }
0x6e: {  	[tilespmem:s16], [sflag:$0x1] =	stream.linear.gather [hbm4b:s13+s3], $0x80, $0x38;
	[tilespmem:$0x1C200] =	vst v63  }
0x6f: {  	_ =	swait.ge [sflag:s28], $0x80  }
0x70: {  	[sflag:s28] =	ssyncset.done $0x0  }
0x71: {  	[sflag:s28] =	ssyncadd.s32 $0xFFFFFF80  }
0x72: {  	[spmem:s2] =	stream.indirect.scatter.add.f32 [tilespmem:s22], [sflag:$0x7], $0x80, s17, s21, $0xb8;
	[tilespmem:$0x1C200] =	vst v63  }
0x73: {  	_ =	swait.ge [sflag:s25], $0x3E80  }
0x74: {  	[sflag:s25] =	ssyncset.done $0x0  }
0x75: {  	s9 =	sadd.s32 s7, s9;
	[sflag:s25] =	ssyncadd.s32 $0xFFFFC180  }
0x76: {  	[tilespmem:s17], [sflag:$0x3] =	stream.linear.gather [hbm4b:s9+s3], $0x80, $0x38;
	[tilespmem:$0x1C200] =	vst v63  }
0x77: {  	_ =	swait.ge [sflag:s20], $0x80  }
0x78: {  	s11 =	sand.u32 $0x7C00, s8;
	[sflag:s20] =	ssyncset.done $0x0  }
0x79: {  	s12 =	sand.u32 $0x380, s8;
	s9 =	sadd.s32 s5, s11;
	[sflag:s20] =	ssyncadd.s32 $0xFFFFFF80  }
0x7a: {  	[tilespmem:s22], [sflag:$0x5] =	stream.indirect.gather [hbm4b:s4+s21], $0x80, s16, s21, $0xb8;
	[tilespmem:$0x1C200] =	vst v63  }
0x7b: {  	s8 =	sor.u32 s12, s9;
	_ =	swait.ge [sflag:s29], $0x3E80  }
0x7c: {  	s8 =	sshrl.u32 s8, $0x3;
	[sflag:s29] =	ssyncset.done $0x0  }
0x7d: {  	s13 =	sadd.s32 s6, s8;
	[sflag:s29] =	ssyncadd.s32 $0xFFFFC180  }
0x7e: {  	[tilespmem:s18], [sflag:$0x2] =	stream.linear.gather [hbm4b:s13+s3], $0x80, $0x38;
	[tilespmem:$0x1C200] =	vst v63  }
0x7f: {  	_ =	swait.ge [sflag:s30], $0x80  }
0x80: {  	[sflag:s30] =	ssyncset.done $0x0  }
0x81: {  	[sflag:s30] =	ssyncadd.s32 $0xFFFFFF80  }
0x82: {  	[spmem:s2] =	stream.indirect.scatter.add.f32 [tilespmem:s24], [sflag:$0x7], $0x80, s19, s21, $0xb8;
	[tilespmem:$0x1C200] =	vst v63  }
0x83: {  	_ =	swait.ge [sflag:s25], $0x3E80  }
0x84: {  	[sflag:s25] =	ssyncset.done $0x0  }
0x85: {  	s8 =	sadd.s32 s7, s8;
	[sflag:s25] =	ssyncadd.s32 $0xFFFFC180  }
0x86: {  	[tilespmem:s19], [sflag:$0x4] =	stream.linear.gather [hbm4b:s8+s3], $0x80, $0x38;
	[tilespmem:$0x1C200] =	vst v63  }
0x87: {  	_ =	swait.ge [sflag:s23], $0x80  }
0x88: {  	[sflag:s23] =	ssyncset.done $0x0  }
0x89: {  	[sflag:s23] =	ssyncadd.s32 $0xFFFFFF80  }
0x8a: {  	[tilespmem:s24], [sflag:$0x6] =	stream.indirect.gather [hbm4b:s4+s21], $0x80, s18, s21, $0xb8;
	[tilespmem:$0x1C200] =	vst v63  }
0x8b: {  	_ =	swait.ge [sflag:s26], $0x3E80  }
0x8c: {  	[sflag:s26] =	ssyncset.done $0x0  }
0x8d: {  	[sflag:s26] =	ssyncadd.s32 $0xFFFFC180  }
0x8e: {  	_ =	swait.ge [sflag:s28], $0x80  }
0x8f: {  	[sflag:s28] =	ssyncset.done $0x0  }
0x90: {  	[sflag:s28] =	ssyncadd.s32 $0xFFFFFF80  }
0x91: {  	[spmem:s2] =	stream.indirect.scatter.add.f32 [tilespmem:s22], [sflag:$0x7], $0x80, s17, s21, $0xb8;
	[tilespmem:$0x1C200] =	vst v63  }
0x92: {  	_ =	swait.ge [sflag:s25], $0x3E80  }
0x93: {  	[sflag:s25] =	ssyncset.done $0x0  }
0x94: {  	[sflag:s25] =	ssyncadd.s32 $0xFFFFC180  }
0x95: {  	_ =	swait.ge [sflag:s29], $0x3E80  }
0x96: {  	[sflag:s29] =	ssyncset.done $0x0  }
0x97: {  	[sflag:s29] =	ssyncadd.s32 $0xFFFFC180  }
0x98: {  	_ =	swait.ge [sflag:s30], $0x80  }
0x99: {  	[sflag:s30] =	ssyncset.done $0x0  }
0x9a: {  	[sflag:s30] =	ssyncadd.s32 $0xFFFFFF80  }
0x9b: {  	[spmem:s2] =	stream.indirect.scatter.add.f32 [tilespmem:s24], [sflag:$0x7], $0x80, s19, s21, $0xb8;
	[tilespmem:$0x1C200] =	vst v63  }
0x9c: {  	_ =	swait.ge [sflag:s25], $0x3E80  }
0x9d: {  	s31 =	sadd.s32 $0x1, s31;
	[sflag:s25] =	ssyncset.done $0x0  }
0x9e: {  	p0 =	sne.s32 s31, s14;
	[sflag:s25] =	ssyncadd.s32 $0xFFFFC180  }
.Ltmp1:
0x9f: {  	[bflag:$0x0] =	sbarrier.arrive $0xFFFF;
	(pc) =	sbr.rel @p0 .LBB2_1-.Ltmp1, $4  }
0xa0: {  	[hbm:s15], [sflag:s0] =	dma.local [spmem:s1], $0x2800  }
0xa1: {  	_ =	swait.ge [sflag:s25], $0x2800  }
0xa2: {  	[sflag:s25] =	ssyncset.done $0x0  }
0xa3: {  	[sflag:s25] =	ssyncadd.s32 $0xFFFFD800  }
0xa4: {  	_ =	sfence.sel $0x180000  }
0xa5: {  	[bflag:$0x0] =	sbarrier.arrive $0xFFFF  }
0xa6: {  	_ =	strace $0x90000050  }
0xa7: {  	s0 =	stileid.u32;
	[bflag:$0x2] =	sbarrier.arrive $0xFFFF  }
0xa8: {  	p0 =	sne.s32 s0, $0x0;
	s0 =	rddreg [dreg:$0x2]  }
0xa9: {  	s0 =	sadd.s32 @!p0 $0x100000, s0  }
0xaa: {  	[sflag:s0] =	ssyncadd.tile.s32 @!p0 $0x1;
	_ =	shalt  }
.Lfunc_end2:
_tile_overlayer_lowered:
.L_overlay_start_2:
0xab: {  	(tag) =	ssettag $0x2  }
0xac: {  	s0 =	rddreg [dreg:$0x0];
	s2 =	stileid.u32  }
0xad: {  	s1 =	rddreg [dreg:$0x1];
	p0 =	sne.s32 s2, $0x0  }
0xae: {  	s3 =	rddreg [dreg:$0x2];
	[bflag:$0x3] =	sbarrier.arrive $0xFFFF;
	s2 =	simm.s32 @!p0 $0x1C07  }
0xaf: {  	[timem:s3], [sflag:s2] =	dma.local @!p0 [hbm:s0], s1  }
0xb0: {  	s0 =	simm.s32 @!p0 $0x7  }
0xb1: {  	_ =	swait.ge @!p0 [sflag:s0], s1  }
0xb2: {  	s1 =	ssub.s32 @!p0 $0x0, s1;
	[sflag:s0] =	ssyncset.done @!p0 $0x0  }
0xb3: {  	[sflag:s0] =	ssyncadd.s32 @!p0 s1  }
0xb4: {  	[bflag:$0x3] =	sbarrier.arrive $0xFFFF  }
0xb5: {  	_ =	shalt  }

// kernel: kernel.25.cloned.1.call-start
scs
__scs_entry_jumppad:
0x0: {  	(pc) =	sbr.rel $0x88, $3  }
0x1: {  	(tag) =	ssettag $0x0;
	lr =	simm.s32 $0x1  }
0x2: {  	[smem:$0x3F90] =	sst lr;
	_ =	strace $0xD0000000  }
0x3: {  	_ = 	snop  }
0x4: {  	_ = 	snop  }
0x5: {  	_ = 	snop  }
0x6: {  	_ = 	snop  }
0x7: {  	_ = 	snop  }
__scs_overlays_trampoline_lowered:
0x8: {  	[smem:$0x3F9F] =	sst s0  }
0x9: {  	[smem:$0x3FA0] =	sst s1  }
0xa: {  	[smem:$0x3FA1] =	sst s2  }
0xb: {  	[smem:$0x3FA2] =	sst s3  }
0xc: {  	[smem:$0x3FA3] =	sst s4  }
0xd: {  	[smem:$0x3FA4] =	sst s5  }
0xe: {  	[smem:$0x3FA5] =	sst s6  }
0xf: {  	[smem:$0x3FA6] =	sst s7  }
0x10: {  	[smem:$0x3FA7] =	sst s8  }
0x11: {  	[smem:$0x3FA8] =	sst s9;
	s0 =	simm.s32 @!p0 $0x0  }
0x12: {  	s1 =	sld [smem:$0x3F8E];
	s0 =	simm.s32 @p0 $0x1  }
0x13: {  	[smem:$0x3FA9] =	sst s0;
	s0 =	simm.s32 @!p1 $0x0  }
0x14: {  	s2 =	sld [smem:$0x3F8D];
	s0 =	simm.s32 @p1 $0x1  }
0x15: {  	[smem:$0x3FAA] =	sst s0;
	s0 =	simm.s32 @!p2 $0x0  }
0x16: {  	s3 =	sld [smem:$0x3FDB];
	s0 =	simm.s32 @p2 $0x1  }
0x17: {  	s4 =	simm.s32 $0x1BF5;
	[smem:$0x3FAC] =	sst s0  }
0x18: {  	s0 =	sld [smem:$0x3F8F];
	_ =	swait.ge [sflag:s4], $0x0  }
0x19: {  	s7 =	sld [smem:$0x3F90]  }
0x1a: {  	s8 =	sadd.s32 $0xFFFFE003, lr  }
0x1b: {  	s9 =	sadd.s32 $0xFFFFFEF7, lr;
	s5 =	simm.s32 $0xFFFFFFFF;
	p2 =	slt.u32 s8, $0xFFFFF086  }
0x1c: {  	p1 =	slt.u32 s9, $0xF7A;
	s5 =	simm.s32 @!p2 $0x0  }
0x1d: {  	s5 =	simm.s32 @p1 $0x1;
	p0 =	seq.s32 s7, s2  }
0x1e: {  	s7 =	smul.u32 @!p0 $0xF7A, s2;
	p2 =	seq.s32 @!p0 s5, $0x0  }
0x1f: {  	s9 =	smul.u32 $0xF7A, s1;
	s8 =	simm.s32 @!p0 $0x1BF5;
	p2 =	por !p2, p0  }
0x20: {  	[sflag:s8] =	ssyncset.s32 @!p0 $0xFFFFF086;
	s6 =	sadd.s32 @!p0 s3, s7;
	s7 =	simm.s32 @!p0 $0x108  }
0x21: {  	s3 =	sadd.s32 s3, s9;
	s6 =	sadd.s32 @!p0 $0x88, s6;
	s7 =	simm.s32 @p2 $0x1082  }
0x22: {  	[simem:s7], [sflag:s8] =	dma.local @!p0 [hbm:s6], $0xF7A  }
0x23: {  	s9 =	sor.u32 $0xD0000000, s2;
	s6 =	simm.s32 $0x108;
	_ =	swait.ge @!p0 [sflag:s8], $0x0  }
0x24: {  	s3 =	sadd.s32 $0x88, s3;
	s6 =	simm.s32 @!p1 $0x1082;
	[sflag:s4] =	ssyncset.s32 $0xFFFFF086  }
0x25: {  	[simem:s6], [sflag:s4] =	dma.local [hbm:s3], $0xF7A  }
0x26: {  	[smem:$0x3F90] =	sst s1;
	(tag) =	ssettag s2;
	_ =	strace s9  }
0x27: {  	s1 =	sld [smem:$0x3FA0]  }
0x28: {  	s2 =	sld [smem:$0x3FA1]  }
0x29: {  	s4 =	sld [smem:$0x3FA3]  }
0x2a: {  	p0 =	seq.s32 s5, $0x0;
	s5 =	sld [smem:$0x3FA4]  }
0x2b: {  	s6 =	sld [smem:$0x3FA5]  }
0x2c: {  	s7 =	sld [smem:$0x3FA6]  }
0x2d: {  	s3 =	simm.s32 $0x108;
	s8 =	sld [smem:$0x3FA7]  }
0x2e: {  	s3 =	simm.s32 @!p0 $0x1082;
	s9 =	sld [smem:$0x3FA8]  }
0x2f: {  	lr =	sadd.s32 s0, s3;
	s0 =	sld [smem:$0x3F9F]  }
0x30: {  	s3 =	sld [smem:$0x3FA2]  }
0x31: {  	[smem:$0x3FAB] =	sst s10  }
0x32: {  	s10 =	sld [smem:$0x3FA9];
	_ =	sdelay $0x3  }
0x33: {  	p0 =	seq.s32 s10, $0x1;
	s10 =	sld [smem:$0x3FAB];
	_ =	sdelay $0x3  }
0x34: {  	[smem:$0x3FAB] =	sst s10  }
0x35: {  	s10 =	sld [smem:$0x3FAA];
	_ =	sdelay $0x3  }
0x36: {  	p1 =	seq.s32 s10, $0x1;
	s10 =	sld [smem:$0x3FAB];
	_ =	sdelay $0x3  }
0x37: {  	[smem:$0x3FAB] =	sst s10  }
0x38: {  	s10 =	sld [smem:$0x3FAC]  }
0x39: {  	_ = 	snop;
	(pc) =	sbr.ind lr, $3  }
0x3a: {  	_ = 	snop  }
0x3b: {  	_ = 	snop  }
0x3c: {  	p2 =	seq.s32 s10, $0x1;
	s10 =	sld [smem:$0x3FAB]  }
0x3d: {  	_ =	shalt  }
0x3e: {  	_ =	shalt  }
0x3f: {  	_ =	shalt  }
0x40: {  	_ =	shalt  }
0x41: {  	_ =	shalt  }
0x42: {  	_ =	shalt  }
0x43: {  	_ =	shalt  }
0x44: {  	_ =	shalt  }
0x45: {  	_ =	shalt  }
0x46: {  	_ =	shalt  }
0x47: {  	_ =	shalt  }
0x48: {  	_ =	shalt  }
0x49: {  	_ =	shalt  }
0x4a: {  	_ =	shalt  }
0x4b: {  	_ =	shalt  }
0x4c: {  	_ =	shalt  }
0x4d: {  	_ =	shalt  }
0x4e: {  	_ =	shalt  }
0x4f: {  	_ =	shalt  }
0x50: {  	_ =	shalt  }
0x51: {  	_ =	shalt  }
0x52: {  	_ =	shalt  }
0x53: {  	_ =	shalt  }
0x54: {  	_ =	shalt  }
0x55: {  	_ =	shalt  }
0x56: {  	_ =	shalt  }
0x57: {  	_ =	shalt  }
0x58: {  	_ =	shalt  }
0x59: {  	_ =	shalt  }
0x5a: {  	_ =	shalt  }
0x5b: {  	_ =	shalt  }
0x5c: {  	_ =	shalt  }
0x5d: {  	_ =	shalt  }
0x5e: {  	_ =	shalt  }
0x5f: {  	_ =	shalt  }
0x60: {  	_ =	shalt  }
0x61: {  	_ =	shalt  }
0x62: {  	_ =	shalt  }
0x63: {  	_ =	shalt  }
0x64: {  	_ =	shalt  }
0x65: {  	_ =	shalt  }
0x66: {  	_ =	shalt  }
0x67: {  	_ =	shalt  }
0x68: {  	_ =	shalt  }
0x69: {  	_ =	shalt  }
0x6a: {  	_ =	shalt  }
0x6b: {  	_ =	shalt  }
0x6c: {  	_ =	shalt  }
0x6d: {  	_ =	shalt  }
0x6e: {  	_ =	shalt  }
0x6f: {  	_ =	shalt  }
0x70: {  	_ =	shalt  }
0x71: {  	_ =	shalt  }
0x72: {  	_ =	shalt  }
0x73: {  	_ =	shalt  }
0x74: {  	_ =	shalt  }
0x75: {  	_ =	shalt  }
0x76: {  	_ =	shalt  }
0x77: {  	_ =	shalt  }
0x78: {  	_ =	shalt  }
0x79: {  	_ =	shalt  }
0x7a: {  	_ =	shalt  }
0x7b: {  	_ =	shalt  }
0x7c: {  	_ =	shalt  }
0x7d: {  	_ =	shalt  }
0x7e: {  	_ =	shalt  }
0x7f: {  	_ =	shalt  }
0x80: {  	_ =	shalt  }
0x81: {  	_ =	shalt  }
0x82: {  	_ =	shalt  }
0x83: {  	_ =	shalt  }
0x84: {  	_ =	shalt  }
0x85: {  	_ =	shalt  }
0x86: {  	_ =	shalt  }
0x87: {  	_ =	shalt  }
.Lfunc_end0:
.L_simem_size_0:
called_computation.4_lowered:
.L_overlay_start_0:
0x88: {  	s2 =	sld [smem:$0x3FD9]  }
0x89: {  	s3 =	sld [smem:$0x3FFE];
	_ =	sdelay $0x1  }
0x8a: {  	s1 =	srdreg.scid  }
0x8b: {  	s0 =	sand.u32 $0x1, s1  }
0x8c: {  	s16 =	sshll.u32 s0, $0xA;
	s2 =	sadd.s32 s3, s2  }
0x8d: {  	s2 =	sadd.s32 s2, s16  }
0x8e: {  	[smem:$0x3FB7] =	sst s2  }
0x8f: {  	_ = 	snop  }
0x90: {  	(tm) =	ssettm $0x1  }
0x91: {  	s17 =	sld [smem:$0x3FFB];
	_ =	sdelay $0x3  }
0x92: {  	_ =	strace s17  }
0x93: {  	s2 =	sld [smem:$0x3FFC];
	_ =	sdelay $0x3  }
0x94: {  	_ =	strace s2  }
0x95: {  	s2 =	sld [smem:$0x3FFD];
	_ =	sdelay $0x3  }
0x96: {  	_ =	strace s2  }
0x97: {  	_ =	strace $0x8FFFFFFF  }
0x98: {  	s18 =	sld [smem:$0x3FDB];
	_ =	sdelay $0x1  }
0x99: {  	s19 =	simm.s32 $_scs_section_size  }
0x9a: {  	s4 =	simm.s32 $_size__tile_overlayer_lowered;
	s5 =	simm.s32 $_tile_overlayer_lowered  }
0x9b: {  	s22 =	simm.s32 $0x1BFF;
	s21 =	sshll.u32 s5, $0x1;
	s2 =	sadd.s32 s19, s18  }
0x9c: {  	s6 =	simm.s32 $0x0;
	s20 =	sshll.u32 s4, $0x1;
	s4 =	sadd.s32 s21, s2  }
0x9d: {  	[timem:s6], [sflag:s22] =	dma.local [hbm:s4], s20  }
0x9e: {  	_ =	swait.ge [sflag:s22], s20  }
0x9f: {  	s3 =	ssub.s32 $0x0, s20;
	[sflag:s22] =	ssyncset.done $0x0  }
0xa0: {  	[sflag:s22] =	ssyncadd.s32 s3;
	_ =	sdelay $0x1  }
0xa1: {  	s23 =	simm.s32 $0x1B8B  }
0xa2: {  	_ =	swait.ge [sflag:s23], $0x1  }
0xa3: {  	[sflag:s23] =	ssyncset.done $0x0  }
0xa4: {  	s25 =	simm.s32 $0x1B8E;
	s24 =	sld [smem:$0x3FFE];
	[sflag:s23] =	ssyncadd.s32 $0xFFFFFFFF  }
0xa5: {  	s26 =	simm.s32 $execute0_lowered;
	[smem:$0x3FD2] =	sst s25  }
0xa6: {  	s4 =	sshll.u32 s26, $0x1;
	_ =	strace $0x80000052;
	[dreg:$0x1] =	wrdreg $0xFFFFFFFF  }
0xa7: {  	s28 =	simm.s32 $_size_execute0_lowered;
	s2 =	sadd.s32 s2, s4;
	[dreg:$0x0] =	wrdreg $0x0  }
0xa8: {  	s4 =	sshll.u32 s28, $0x1;
	[dreg:$0x2] =	wrdreg s2  }
0xa9: {  	[dreg:$0x3] =	wrdreg s4  }
0xaa: {  	[dreg:$0x4] =	wrdreg $0xC0  }
0xab: {  	_ =	task [dreg:s6], $0x5FFFF  }
0xac: {  	[dreg:$0x1] =	wrdreg $0xFFFFFFFF  }
0xad: {  	[dreg:$0x0] =	wrdreg $0x60  }
0xae: {  	[dreg:$0x2] =	wrdreg s24  }
0xaf: {  	[dreg:$0x3] =	wrdreg $0x0  }
0xb0: {  	[dreg:$0x4] =	wrdreg $0x9  }
0xb1: {  	_ =	task.clear_ibuf [dreg:s6], $0x5FFFF;
	_ =	strace $0x90000052  }
0xb2: {  	s29 =	simm.s32 $0x9;
	_ =	strace $0x80000054  }
0xb3: {  	_ =	swait.ge [sflag:s29], $0x1  }
0xb4: {  	[sflag:s29] =	ssyncadd.s32 $0xFFFFFFFF  }
0xb5: {  	_ =	strace $0x90000054  }
0xb6: {  	_ =	sfence  }
0xb7: {  	s30 =	sld [smem:$0x0];
	_ =	sdelay $0x2  }
0xb8: {  	s31 =	sshll.u32 s1, $0xD;
	s1 =	sshrl.u32 s1, $0x2  }
0xb9: {  	s3 =	sand.u32 $0x4000, s31;
	s1 =	sadd.s32 s1, s30  }
0xba: {  	s0 =	sor.u32 s3, s0;
	s1 =	sshll.u32 s1, $0x11  }
0xbb: {  	s0 =	sor.u32 s1, s0  }
0xbc: {  	s0 =	sadd.s32 $0x8F2B, s0  }
0xbd: {  	[sflag:s0] =	ssyncadd.remote.s32 $0x1  }
0xbe: {  	_ =	sfence.sel $0xFFFF  }
0xbf: {  	[dreg:$0x0] =	wrdreg $0xFFFFFFFF;
	(pc) =	sbr.abs _section_cstart, $3  }
0xc0: {  	[dreg:$0x1] =	wrdreg $0xFFFFFFFF  }
0xc1: {  	_ =	task.clear_ibuf [dreg:s6], $0x2FFFF;
	_ =	strace $0x9FFFFFFF  }
0xc2: {  	(tm) =	ssettm $0x7FFFFFFF  }
0xc3: {  	_ =	shalt  }
tec
execute0_lowered:
.L_overlay_start_1:
0x0: {  	(tag) =	ssettag $0x1  }
0x1: {  	s0 =	rddreg [dreg:$0x0]  }
0x2: {  	s2 =	rddreg [dreg:$0x1];
	s3 =	simm.s32 $0x0;
	s1 =	srdreg.scid  }
0x3: {  	s11 =	stileid.u32;
	s16 =	simm.s32 $0x14000;
	s17 =	simm.s32 $0x14100  }
0x4: {  	s18 =	simm.s32 $0x14080;
	s19 =	simm.s32 $0x14180;
	s20 =	simm.s32 $0x1  }
0x5: {  	s28 =	simm.s32 $0x3;
	s29 =	simm.s32 $0x6;
	s30 =	simm.s32 $0x4  }
0x6: {  	s31 =	simm.s32 $0x0;
	[smem:$0x7FF] =	sst s3;
	s1 =	sand.u32 $0x1, s1  }
0x7: {  	s4 =	sshll.u32 s11, $0x1;
	s6 =	sadd.s32 $0x63800, s0;
	s24 =	smul.u32 $0x50000, s11  }
0x8: {  	s7 =	sadd.s32 $0x6800, s0;
	s10 =	sadd.s32 $0x10800, s0;
	s11 =	smul.u32 $0x2800, s11  }
0x9: {  	_ =	strace $0x80000053;
	s5 =	sor.u32 s1, s4;
	s4 =	sadd.s32 $0x3B000, s0  }
0xa: {  	s8 =	ssub.s32 $0x2, s1;
	[dreg:$0x3] =	wrdreg s10;
	p0 =	seq.s32 s1, $0x1  }
0xb: {  	s1 =	simm.s32 $0x95800;
	s5 =	smul.u32 $0x2800, s5;
	s9 =	sshrl.u32 s8, $0x1  }
0xc: {  	s1 =	simm.s32 @!p0 $0x6D800;
	s25 =	sshrl.u32 s24, $0x2;
	s24 =	simm.s32 $0x18200  }
0xd: {  	s8 =	ssub.s32 s8, s9;
	s0 =	sadd.s32 s1, s0;
	s26 =	sadd.s32 s25, s2  }
0xe: {  	s25 =	simm.s32 $0x7;
	s21 =	sshrl.u32 s5, $0x3;
	[dreg:$0x8] =	wrdreg s26  }
0xf: {  	s14 =	smax.u32 s8, $0x1;
	s15 =	sadd.s32 s0, s11;
	s22 =	sadd.s32 s6, s21  }
0x10: {  	s23 =	sadd.s32 s7, s21;
	s9 =	sor.u32 $0x10, s21;
	[dreg:$0x4] =	wrdreg s22  }
0x11: {  	s26 =	simm.s32 $0x5;
	[dreg:$0x5] =	wrdreg s23;
	s12 =	sadd.s32 s6, s9  }
0x12: {  	s21 =	simm.s32 $0x7D;
	s9 =	sadd.s32 s7, s9;
	[dreg:$0x6] =	wrdreg s12  }
0x13: {  	s22 =	simm.s32 $0x14200;
	s23 =	simm.s32 $0x2;
	[dreg:$0x7] =	wrdreg s9  }
.LBB2_1:
0x14: {  	s0 =	rddreg [dreg:$0x4]  }
0x15: {  	[tilespmem:s16], [sflag:$0x1] =	stream.linear.gather [hbm4b:s0+s3], $0x80, $0x38;
	[tilespmem:$0x1C200] =	vst v63  }
0x16: {  	s13 =	rddreg [dreg:$0x5]  }
0x17: {  	[tilespmem:s17], [sflag:$0x3] =	stream.linear.gather [hbm4b:s13+s3], $0x80, $0x38;
	[tilespmem:$0x1C200] =	vst v63  }
0x18: {  	s1 =	rddreg [dreg:$0x6]  }
0x19: {  	[tilespmem:s18], [sflag:$0x2] =	stream.linear.gather [hbm4b:s1+s3], $0x80, $0x38;
	[tilespmem:$0x1C200] =	vst v63  }
0x1a: {  	s8 =	rddreg [dreg:$0x7]  }
0x1b: {  	[tilespmem:s19], [sflag:$0x4] =	stream.linear.gather [hbm4b:s8+s3], $0x80, $0x38;
	[tilespmem:$0x1C200] =	vst v63  }
0x1c: {  	_ =	swait.ge [sflag:s20], $0x80  }
0x1d: {  	[sflag:s20] =	ssyncset.done $0x0  }
0x1e: {  	s9 =	stileid.u32;
	[sflag:s20] =	ssyncadd.s32 $0xFFFFFF80  }
0x1f: {  	[tilespmem:s22], [sflag:$0x5] =	stream.indirect.gather [hbm4b:s4+s21], $0x80, s16, s21, $0xb8;
	[tilespmem:$0x1C200] =	vst v63  }
0x20: {  	s0 =	sshll.u32 s9, $0x6;
	_ =	swait.ge [sflag:s23], $0x80  }
0x21: {  	s0 =	sor.u32 $0x1C07, s0;
	[sflag:s23] =	ssyncset.done $0x0;
	s1 =	rddreg [dreg:$0x8]  }
0x22: {  	s8 =	rddreg [dreg:$0x3];
	[sflag:s23] =	ssyncadd.s32 $0xFFFFFF80;
	s1 =	sshrl.u32 s1, $0x3  }
0x23: {  	[tilespmem:s24], [sflag:$0x6] =	stream.indirect.gather [hbm4b:s4+s21], $0x80, s18, s21, $0xb8;
	[tilespmem:$0x1C200] =	vst v63  }
0x24: {  	[spmem:s1], [sflag:s0] =	dma.local [hbm:s8], $0x2800  }
0x25: {  	_ =	swait.ge [sflag:s25], $0x2800  }
0x26: {  	s10 =	simm.s32 $0x100;
	[sflag:s25] =	ssyncset.done $0x0  }
0x27: {  	s9 =	sand.u32 $0x7C00, s10;
	[sflag:s25] =	ssyncadd.s32 $0xFFFFD800  }
0x28: {  	s9 =	sadd.s32 s5, s9;
	s8 =	sand.u32 $0x300, s10;
	[bflag:$0x0] =	sbarrier.arrive $0xFFFF  }
0x29: {  	s8 =	sor.u32 s8, s9;
	_ =	swait.ge [sflag:s26], $0x3E80  }
0x2a: {  	s8 =	sshrl.u32 s8, $0x3;
	[sflag:s26] =	ssyncset.done $0x0  }
0x2b: {  	s11 =	sadd.s32 s6, s8;
	[sflag:s26] =	ssyncadd.s32 $0xFFFFC180  }
0x2c: {  	[tilespmem:s16], [sflag:$0x1] =	stream.linear.gather [hbm4b:s11+s3], $0x80, $0x38;
	[tilespmem:$0x1C200] =	vst v63  }
0x2d: {  	_ =	swait.ge [sflag:s28], $0x80  }
0x2e: {  	[sflag:s28] =	ssyncset.done $0x0  }
0x2f: {  	[sflag:s28] =	ssyncadd.s32 $0xFFFFFF80  }
0x30: {  	[spmem:s2] =	stream.indirect.scatter.add.f32 [tilespmem:s22], [sflag:$0x7], $0x80, s17, s21, $0xb8;
	[tilespmem:$0x1C200] =	vst v63  }
0x31: {  	_ =	swait.ge [sflag:s25], $0x3E80  }
0x32: {  	[sflag:s25] =	ssyncset.done $0x0  }
0x33: {  	s8 =	sadd.s32 s7, s8;
	[sflag:s25] =	ssyncadd.s32 $0xFFFFC180  }
0x34: {  	[tilespmem:s17], [sflag:$0x3] =	stream.linear.gather [hbm4b:s8+s3], $0x80, $0x38;
	[tilespmem:$0x1C200] =	vst v63  }
0x35: {  	s12 =	simm.s32 $0x180;
	_ =	swait.ge [sflag:s20], $0x80  }
0x36: {  	s13 =	sand.u32 $0x7C00, s12;
	[sflag:s20] =	ssyncset.done $0x0  }
0x37: {  	s9 =	sadd.s32 s5, s13;
	s8 =	sand.u32 $0x380, s12;
	[sflag:s20] =	ssyncadd.s32 $0xFFFFFF80  }
0x38: {  	[tilespmem:s22], [sflag:$0x5] =	stream.indirect.gather [hbm4b:s4+s21], $0x80, s16, s21, $0xb8;
	[tilespmem:$0x1C200] =	vst v63  }
0x39: {  	s8 =	sor.u32 s8, s9;
	_ =	swait.ge [sflag:s29], $0x3E80  }
0x3a: {  	s11 =	sshrl.u32 s8, $0x3;
	[sflag:s29] =	ssyncset.done $0x0  }
0x3b: {  	s8 =	sadd.s32 s6, s11;
	[sflag:s29] =	ssyncadd.s32 $0xFFFFC180  }
0x3c: {  	[tilespmem:s18], [sflag:$0x2] =	stream.linear.gather [hbm4b:s8+s3], $0x80, $0x38;
	[tilespmem:$0x1C200] =	vst v63  }
0x3d: {  	_ =	swait.ge [sflag:s30], $0x80  }
0x3e: {  	[sflag:s30] =	ssyncset.done $0x0  }
0x3f: {  	[sflag:s30] =	ssyncadd.s32 $0xFFFFFF80  }
0x40: {  	[spmem:s2] =	stream.indirect.scatter.add.f32 [tilespmem:s24], [sflag:$0x7], $0x80, s19, s21, $0xb8;
	[tilespmem:$0x1C200] =	vst v63  }
0x41: {  	s10 =	simm.s32 $0x200;
	_ =	swait.ge [sflag:s25], $0x3E80  }
0x42: {  	s12 =	sand.u32 $0x7C00, s10;
	s9 =	simm.s32 $0x380;
	[sflag:s25] =	ssyncset.done $0x0  }
0x43: {  	s13 =	sadd.s32 s7, s11;
	s8 =	simm.s32 $0x280;
	[sflag:s25] =	ssyncadd.s32 $0xFFFFC180  }
.LBB2_2:
0x44: {  	[tilespmem:s19], [sflag:$0x4] =	stream.linear.gather [hbm4b:s13+s3], $0x80, $0x38;
	[tilespmem:$0x1C200] =	vst v63  }
0x45: {  	s13 =	smov.u32 s9  }
0x46: {  	s12 =	sadd.s32 s5, s12;
	s10 =	sand.u32 $0x300, s10;
	_ =	swait.ge [sflag:s23], $0x80  }
0x47: {  	s11 =	sadd.s32 $0x100, s9;
	s10 =	sor.u32 s10, s12;
	[sflag:s23] =	ssyncset.done $0x0  }
0x48: {  	p0 =	sne.s32 s9, $0x2780;
	s9 =	sshrl.u32 s10, $0x3;
	[sflag:s23] =	ssyncadd.s32 $0xFFFFFF80  }
0x49: {  	[tilespmem:s24], [sflag:$0x6] =	stream.indirect.gather [hbm4b:s4+s21], $0x80, s18, s21, $0xb8;
	[tilespmem:$0x1C200] =	vst v63  }
0x4a: {  	_ =	swait.ge [sflag:s26], $0x3E80  }
0x4b: {  	[sflag:s26] =	ssyncset.done $0x0  }
0x4c: {  	s10 =	sadd.s32 s6, s9;
	[sflag:s26] =	ssyncadd.s32 $0xFFFFC180  }
0x4d: {  	[tilespmem:s16], [sflag:$0x1] =	stream.linear.gather [hbm4b:s10+s3], $0x80, $0x38;
	[tilespmem:$0x1C200] =	vst v63  }
0x4e: {  	_ =	swait.ge [sflag:s28], $0x80  }
0x4f: {  	[sflag:s28] =	ssyncset.done $0x0  }
0x50: {  	[sflag:s28] =	ssyncadd.s32 $0xFFFFFF80  }
0x51: {  	[spmem:s2] =	stream.indirect.scatter.add.f32 [tilespmem:s22], [sflag:$0x7], $0x80, s17, s21, $0xb8;
	[tilespmem:$0x1C200] =	vst v63  }
0x52: {  	_ =	swait.ge [sflag:s25], $0x3E80  }
0x53: {  	[sflag:s25] =	ssyncset.done $0x0  }
0x54: {  	s9 =	sadd.s32 s7, s9;
	[sflag:s25] =	ssyncadd.s32 $0xFFFFC180  }
0x55: {  	[tilespmem:s17], [sflag:$0x3] =	stream.linear.gather [hbm4b:s9+s3], $0x80, $0x38;
	[tilespmem:$0x1C200] =	vst v63  }
0x56: {  	_ =	swait.ge [sflag:s20], $0x80  }
0x57: {  	[sflag:s20] =	ssyncset.done $0x0  }
0x58: {  	s9 =	sand.u32 $0x7C00, s8;
	[sflag:s20] =	ssyncadd.s32 $0xFFFFFF80  }
0x59: {  	[tilespmem:s22], [sflag:$0x5] =	stream.indirect.gather [hbm4b:s4+s21], $0x80, s16, s21, $0xb8;
	[tilespmem:$0x1C200] =	vst v63  }
0x5a: {  	s8 =	sand.u32 $0x380, s8;
	s9 =	sadd.s32 s5, s9;
	_ =	swait.ge [sflag:s29], $0x3E80  }
0x5b: {  	s9 =	sor.u32 s8, s9;
	s8 =	smov.u32 s13;
	[sflag:s29] =	ssyncset.done $0x0  }
0x5c: {  	s9 =	sshrl.u32 s9, $0x3;
	[sflag:s29] =	ssyncadd.s32 $0xFFFFC180  }
0x5d: {  	s10 =	sadd.s32 s6, s9  }
0x5e: {  	[tilespmem:s18], [sflag:$0x2] =	stream.linear.gather [hbm4b:s10+s3], $0x80, $0x38;
	[tilespmem:$0x1C200] =	vst v63  }
0x5f: {  	_ =	swait.ge [sflag:s30], $0x80  }
0x60: {  	[sflag:s30] =	ssyncset.done $0x0  }
.Ltmp0:
0x61: {  	[sflag:s30] =	ssyncadd.s32 $0xFFFFFF80;
	(pc) =	sbr.rel @p0 .LBB2_2-.Ltmp0, $4  }
0x62: {  	[spmem:s2] =	stream.indirect.scatter.add.f32 [tilespmem:s24], [sflag:$0x7], $0x80, s19, s21, $0xb8;
	[tilespmem:$0x1C200] =	vst v63  }
0x63: {  	_ =	swait.ge [sflag:s25], $0x3E80  }
0x64: {  	s13 =	sadd.s32 s7, s9;
	s10 =	sadd.s32 $0xFFFFFF80, s8;
	[sflag:s25] =	ssyncset.done $0x0  }
0x65: {  	s9 =	smov.u32 s11;
	s12 =	sand.u32 $0x7C00, s10;
	[sflag:s25] =	ssyncadd.s32 $0xFFFFC180  }
0x66: {  	[tilespmem:s19], [sflag:$0x4] =	stream.linear.gather [hbm4b:s13+s3], $0x80, $0x38;
	[tilespmem:$0x1C200] =	vst v63  }
0x67: {  	_ =	swait.ge [sflag:s23], $0x80  }
0x68: {  	[sflag:s23] =	ssyncset.done $0x0  }
0x69: {  	s9 =	sadd.s32 s5, s12;
	s10 =	sand.u32 $0x300, s10;
	[sflag:s23] =	ssyncadd.s32 $0xFFFFFF80  }
0x6a: {  	[tilespmem:s24], [sflag:$0x6] =	stream.indirect.gather [hbm4b:s4+s21], $0x80, s18, s21, $0xb8;
	[tilespmem:$0x1C200] =	vst v63  }
0x6b: {  	s9 =	sor.u32 s10, s9;
	_ =	swait.ge [sflag:s26], $0x3E80  }
0x6c: {  	s9 =	sshrl.u32 s9, $0x3;
	[sflag:s26] =	ssyncset.done $0x0  }
0x6d: {  	s13 =	sadd.s32 s6, s9;
	[sflag:s26] =	ssyncadd.s32 $0xFFFFC180  }
0x6e: {  	[tilespmem:s16], [sflag:$0x1] =	stream.linear.gather [hbm4b:s13+s3], $0x80, $0x38;
	[tilespmem:$0x1C200] =	vst v63  }
0x6f: {  	_ =	swait.ge [sflag:s28], $0x80  }
0x70: {  	[sflag:s28] =	ssyncset.done $0x0  }
0x71: {  	[sflag:s28] =	ssyncadd.s32 $0xFFFFFF80  }
0x72: {  	[spmem:s2] =	stream.indirect.scatter.add.f32 [tilespmem:s22], [sflag:$0x7], $0x80, s17, s21, $0xb8;
	[tilespmem:$0x1C200] =	vst v63  }
0x73: {  	_ =	swait.ge [sflag:s25], $0x3E80  }
0x74: {  	[sflag:s25] =	ssyncset.done $0x0  }
0x75: {  	s9 =	sadd.s32 s7, s9;
	[sflag:s25] =	ssyncadd.s32 $0xFFFFC180  }
0x76: {  	[tilespmem:s17], [sflag:$0x3] =	stream.linear.gather [hbm4b:s9+s3], $0x80, $0x38;
	[tilespmem:$0x1C200] =	vst v63  }
0x77: {  	_ =	swait.ge [sflag:s20], $0x80  }
0x78: {  	s11 =	sand.u32 $0x7C00, s8;
	[sflag:s20] =	ssyncset.done $0x0  }
0x79: {  	s12 =	sand.u32 $0x380, s8;
	s9 =	sadd.s32 s5, s11;
	[sflag:s20] =	ssyncadd.s32 $0xFFFFFF80  }
0x7a: {  	[tilespmem:s22], [sflag:$0x5] =	stream.indirect.gather [hbm4b:s4+s21], $0x80, s16, s21, $0xb8;
	[tilespmem:$0x1C200] =	vst v63  }
0x7b: {  	s8 =	sor.u32 s12, s9;
	_ =	swait.ge [sflag:s29], $0x3E80  }
0x7c: {  	s8 =	sshrl.u32 s8, $0x3;
	[sflag:s29] =	ssyncset.done $0x0  }
0x7d: {  	s13 =	sadd.s32 s6, s8;
	[sflag:s29] =	ssyncadd.s32 $0xFFFFC180  }
0x7e: {  	[tilespmem:s18], [sflag:$0x2] =	stream.linear.gather [hbm4b:s13+s3], $0x80, $0x38;
	[tilespmem:$0x1C200] =	vst v63  }
0x7f: {  	_ =	swait.ge [sflag:s30], $0x80  }
0x80: {  	[sflag:s30] =	ssyncset.done $0x0  }
0x81: {  	[sflag:s30] =	ssyncadd.s32 $0xFFFFFF80  }
0x82: {  	[spmem:s2] =	stream.indirect.scatter.add.f32 [tilespmem:s24], [sflag:$0x7], $0x80, s19, s21, $0xb8;
	[tilespmem:$0x1C200] =	vst v63  }
0x83: {  	_ =	swait.ge [sflag:s25], $0x3E80  }
0x84: {  	[sflag:s25] =	ssyncset.done $0x0  }
0x85: {  	s8 =	sadd.s32 s7, s8;
	[sflag:s25] =	ssyncadd.s32 $0xFFFFC180  }
0x86: {  	[tilespmem:s19], [sflag:$0x4] =	stream.linear.gather [hbm4b:s8+s3], $0x80, $0x38;
	[tilespmem:$0x1C200] =	vst v63  }
0x87: {  	_ =	swait.ge [sflag:s23], $0x80  }
0x88: {  	[sflag:s23] =	ssyncset.done $0x0  }
0x89: {  	[sflag:s23] =	ssyncadd.s32 $0xFFFFFF80  }
0x8a: {  	[tilespmem:s24], [sflag:$0x6] =	stream.indirect.gather [hbm4b:s4+s21], $0x80, s18, s21, $0xb8;
	[tilespmem:$0x1C200] =	vst v63  }
0x8b: {  	_ =	swait.ge [sflag:s26], $0x3E80  }
0x8c: {  	[sflag:s26] =	ssyncset.done $0x0  }
0x8d: {  	[sflag:s26] =	ssyncadd.s32 $0xFFFFC180  }
0x8e: {  	_ =	swait.ge [sflag:s28], $0x80  }
0x8f: {  	[sflag:s28] =	ssyncset.done $0x0  }
0x90: {  	[sflag:s28] =	ssyncadd.s32 $0xFFFFFF80  }
0x91: {  	[spmem:s2] =	stream.indirect.scatter.add.f32 [tilespmem:s22], [sflag:$0x7], $0x80, s17, s21, $0xb8;
	[tilespmem:$0x1C200] =	vst v63  }
0x92: {  	_ =	swait.ge [sflag:s25], $0x3E80  }
0x93: {  	[sflag:s25] =	ssyncset.done $0x0  }
0x94: {  	[sflag:s25] =	ssyncadd.s32 $0xFFFFC180  }
0x95: {  	_ =	swait.ge [sflag:s29], $0x3E80  }
0x96: {  	[sflag:s29] =	ssyncset.done $0x0  }
0x97: {  	[sflag:s29] =	ssyncadd.s32 $0xFFFFC180  }
0x98: {  	_ =	swait.ge [sflag:s30], $0x80  }
0x99: {  	[sflag:s30] =	ssyncset.done $0x0  }
0x9a: {  	[sflag:s30] =	ssyncadd.s32 $0xFFFFFF80  }
0x9b: {  	[spmem:s2] =	stream.indirect.scatter.add.f32 [tilespmem:s24], [sflag:$0x7], $0x80, s19, s21, $0xb8;
	[tilespmem:$0x1C200] =	vst v63  }
0x9c: {  	_ =	swait.ge [sflag:s25], $0x3E80  }
0x9d: {  	s31 =	sadd.s32 $0x1, s31;
	[sflag:s25] =	ssyncset.done $0x0  }
0x9e: {  	p0 =	sne.s32 s31, s14;
	[sflag:s25] =	ssyncadd.s32 $0xFFFFC180  }
.Ltmp1:
0x9f: {  	[bflag:$0x0] =	sbarrier.arrive $0xFFFF;
	(pc) =	sbr.rel @p0 .LBB2_1-.Ltmp1, $4  }
0xa0: {  	[hbm:s15], [sflag:s0] =	dma.local [spmem:s1], $0x2800  }
0xa1: {  	_ =	swait.ge [sflag:s25], $0x2800  }
0xa2: {  	[sflag:s25] =	ssyncset.done $0x0  }
0xa3: {  	[sflag:s25] =	ssyncadd.s32 $0xFFFFD800  }
0xa4: {  	_ =	sfence.sel $0x180000  }
0xa5: {  	[bflag:$0x0] =	sbarrier.arrive $0xFFFF  }
0xa6: {  	_ =	strace $0x90000053  }
0xa7: {  	s0 =	stileid.u32;
	[bflag:$0x2] =	sbarrier.arrive $0xFFFF  }
0xa8: {  	p0 =	sne.s32 s0, $0x0;
	s0 =	rddreg [dreg:$0x2]  }
0xa9: {  	s0 =	sadd.s32 @!p0 $0x100000, s0  }
0xaa: {  	[sflag:s0] =	ssyncadd.tile.s32 @!p0 $0x1;
	_ =	shalt  }
.Lfunc_end2:
_tile_overlayer_lowered:
.L_overlay_start_2:
0xab: {  	(tag) =	ssettag $0x2  }
0xac: {  	s0 =	rddreg [dreg:$0x0];
	s2 =	stileid.u32  }
0xad: {  	s1 =	rddreg [dreg:$0x1];
	p0 =	sne.s32 s2, $0x0  }
0xae: {  	s3 =	rddreg [dreg:$0x2];
	[bflag:$0x3] =	sbarrier.arrive $0xFFFF;
	s2 =	simm.s32 @!p0 $0x1C07  }
0xaf: {  	[timem:s3], [sflag:s2] =	dma.local @!p0 [hbm:s0], s1  }
0xb0: {  	s0 =	simm.s32 @!p0 $0x7  }
0xb1: {  	_ =	swait.ge @!p0 [sflag:s0], s1  }
0xb2: {  	s1 =	ssub.s32 @!p0 $0x0, s1;
	[sflag:s0] =	ssyncset.done @!p0 $0x0  }
0xb3: {  	[sflag:s0] =	ssyncadd.s32 @!p0 s1  }
0xb4: {  	[bflag:$0x3] =	sbarrier.arrive $0xFFFF  }
0xb5: {  	_ =	shalt  }

</sc_bundles>
